<compile_context>
chip_gen: v7x
topology: tpu7x:2x2x1
jax: 0.10.2.dev20260603
libtpu: 0.0.44.dev20260713+nightly
codegen_flags: <defaults>
</compile_context>

<pallas_src>
import functools

import jax
import jax.numpy as jnp
from jax import lax
from jax.experimental import pallas as pl
from jax.experimental.pallas import tpu as pltpu
from jax.experimental.pallas import tpu_sc as plsc

_CHUNK = 1024
_SUB = 128
_H = 16


def _tc_project(z_ref, wc_ref, b1_ref, a_ref, b_ref):
    r = jnp.dot(z_ref[...], wc_ref[...], preferred_element_type=jnp.float32)
    a_ref[...] = r[:, :_H] + b1_ref[...]
    b_ref[...] = r[:, _H:]


def _sc_score(nw, cpw, full_c, tail, n_nodes, a_hbm, b_hbm, src_hbm, dst_hbm,
              w2_hbm, b2_hbm, out_hbm, idx_s, idx_d, rows_s, out_c,
              w2_m, b2_v, a_sh, b_sh, sem):
    sid = lax.axis_index("s")
    wid = sid * 2 + lax.axis_index("c")
    seg = n_nodes // 16
    pltpu.async_copy(a_hbm.at[pl.ds(sid * seg, seg)],
                     a_sh.at[pl.ds(sid * seg, seg)], sem)
    pltpu.async_copy(b_hbm.at[pl.ds(sid * seg, seg)],
                     b_sh.at[pl.ds(sid * seg, seg)], sem)
    pltpu.async_copy(w2_hbm, w2_m, sem)
    pltpu.async_copy(b2_hbm, b2_v, sem)
    pltpu.make_async_copy(a_hbm.at[pl.ds(0, seg)],
                          a_sh.at[pl.ds(0, seg)], sem).wait()
    pltpu.make_async_copy(a_hbm.at[pl.ds(0, seg)],
                          b_sh.at[pl.ds(0, seg)], sem).wait()
    pltpu.make_async_copy(w2_hbm, w2_m, sem).wait()
    pltpu.make_async_copy(b2_hbm, b2_v, sem).wait()
    plsc.subcore_barrier()
    b2r = b2_v[...]
    w2bc = [w2_m[k] for k in range(_H)]
    iota16 = lax.iota(jnp.int32, 16)
    nsub = _CHUNK // _SUB
    t_subs = tail // _SUB
    t_groups = tail // 16

    def copy_idx(ci, parity):
        c = wid * cpw + ci
        ioff = parity * nsub

        @pl.when(c < full_c)
        def _():
            pltpu.sync_copy(src_hbm.at[pl.ds(c * nsub, nsub)],
                            idx_s.at[pl.ds(ioff, nsub)])
            pltpu.sync_copy(dst_hbm.at[pl.ds(c * nsub, nsub)],
                            idx_d.at[pl.ds(ioff, nsub)])

        if t_subs:
            @pl.when(c == full_c)
            def _():
                pltpu.sync_copy(src_hbm.at[pl.ds(c * nsub, t_subs)],
                                idx_s.at[pl.ds(ioff, t_subs)])
                pltpu.sync_copy(dst_hbm.at[pl.ds(c * nsub, t_subs)],
                                idx_d.at[pl.ds(ioff, t_subs)])

    def fire_a(ci, parity):
        c = wid * cpw + ci
        roff = parity * _CHUNK
        ioff = parity * nsub

        @pl.when(c < full_c)
        def _():
            for j in range(nsub):
                pltpu.async_copy(a_sh.at[idx_s.at[ioff + j]],
                                 rows_s.at[pl.ds(roff + j * _SUB, _SUB)], sem)

        if t_subs:
            @pl.when(c == full_c)
            def _():
                for j in range(t_subs):
                    pltpu.async_copy(a_sh.at[idx_s.at[ioff + j]],
                                     rows_s.at[pl.ds(roff + j * _SUB, _SUB)],
                                     sem)

    def fire_b(ci, parity):
        c = wid * cpw + ci
        roff = parity * _CHUNK
        ioff = parity * nsub

        @pl.when(c < full_c)
        def _():
            for j in range(nsub):
                pltpu.async_copy(b_sh.at[idx_d.at[ioff + j]],
                                 rows_s.at[pl.ds(roff + j * _SUB, _SUB)], sem,
                                 add=True)

        if t_subs:
            @pl.when(c == full_c)
            def _():
                for j in range(t_subs):
                    pltpu.async_copy(b_sh.at[idx_d.at[ioff + j]],
                                     rows_s.at[pl.ds(roff + j * _SUB, _SUB)],
                                     sem, add=True)

    def wait_rows(ci, parity):
        c = wid * cpw + ci
        roff = parity * _CHUNK

        @pl.when(c < full_c)
        def _():
            for j in range(nsub):
                pltpu.make_async_copy(a_hbm.at[pl.ds(0, _SUB)],
                                      rows_s.at[pl.ds(roff + j * _SUB, _SUB)],
                                      sem).wait()

        if t_subs:
            @pl.when(c == full_c)
            def _():
                for j in range(t_subs):
                    pltpu.make_async_copy(a_hbm.at[pl.ds(0, _SUB)],
                                          rows_s.at[pl.ds(roff + j * _SUB,
                                                          _SUB)], sem).wait()

    def compute(ci, parity):
        c = wid * cpw + ci
        roff = parity * _CHUNK

        def group_body(g, carry2):
            erow = roff + g * 16 + iota16
            accs = [b2r, jnp.zeros((16,), jnp.float32),
                    jnp.zeros((16,), jnp.float32), jnp.zeros((16,), jnp.float32)]
            for k in range(_H):
                ck = jnp.full((16,), k, jnp.int32)
                vs = plsc.load_gather(rows_s, [erow, ck])
                accs[k % 4] = accs[k % 4] + jnp.maximum(vs, 0.0) * w2bc[k]
            out_c[pl.ds(g * 16, 16)] = (accs[0] + accs[1]) + (accs[2] + accs[3])
            return carry2

        @pl.when(c < full_c)
        def _():
            lax.fori_loop(0, _CHUNK // 16, group_body, 0)
            pltpu.sync_copy(out_c, out_hbm.at[pl.ds(c * _CHUNK, _CHUNK)])

        if tail:
            @pl.when(c == full_c)
            def _():
                lax.fori_loop(0, t_groups, group_body, 0)
                pltpu.sync_copy(out_c.at[pl.ds(0, tail)],
                                out_hbm.at[pl.ds(c * _CHUNK, tail)])

    copy_idx(0, 0)
    fire_a(0, 0)
    if cpw >= 2:
        copy_idx(1, 1)
        fire_a(1, 1)
    wait_rows(0, 0)
    fire_b(0, 0)

    def chunk_body(ci, carry):
        p0 = lax.rem(ci, 3)
        p1 = lax.rem(ci + 1, 3)
        p2 = lax.rem(ci + 2, 3)
        copy_idx(ci + 2, p2)
        fire_a(ci + 2, p2)
        wait_rows(ci + 1, p1)
        fire_b(ci + 1, p1)
        wait_rows(ci, p0)
        compute(ci, p0)
        return carry

    if cpw >= 3:
        lax.fori_loop(0, cpw - 2, chunk_body, 0)
    if cpw >= 2:
        wait_rows(cpw - 1, (cpw - 1) % 3)
        fire_b(cpw - 1, (cpw - 1) % 3)
        wait_rows(cpw - 2, (cpw - 2) % 3)
        compute(cpw - 2, (cpw - 2) % 3)
    wait_rows(cpw - 1, (cpw - 1) % 3)
    compute(cpw - 1, (cpw - 1) % 3)


def kernel(z, edge_index, W1, b1, W2, b2):
    n_nodes, d = z.shape
    e = edge_index.shape[1]

    wc = jnp.concatenate([W1[:, :d].T, W1[:, d:].T], axis=1)
    a_t, b_t = pl.pallas_call(
        _tc_project,
        out_shape=[
            jax.ShapeDtypeStruct((n_nodes, _H), jnp.float32),
            jax.ShapeDtypeStruct((n_nodes, _H), jnp.float32),
        ],
    )(z, wc, b1.reshape(1, _H))

    info = plsc.get_sparse_core_info()
    nc, ns = info.num_cores, info.num_subcores
    nw = nc * ns

    e_sub = -(-e // _SUB) * _SUB
    pad = e_sub - e
    cpw = -(-e_sub // (nw * _CHUNK))
    full_c = e_sub // _CHUNK
    tail = e_sub - full_c * _CHUNK

    si = edge_index[0].astype(jnp.int32)
    di = edge_index[1].astype(jnp.int32)
    if pad:
        zeros = jnp.zeros((pad,), jnp.int32)
        si = jnp.concatenate([si, zeros])
        di = jnp.concatenate([di, zeros])
    si = si.reshape(e_sub // _SUB, _SUB)
    di = di.reshape(e_sub // _SUB, _SUB)

    w2m = jnp.broadcast_to(W2.reshape(_H, 1), (_H, 16)).astype(jnp.float32)
    b2v = jnp.full((_H,), b2[0], jnp.float32)

    mesh = plsc.VectorSubcoreMesh(core_axis_name="c", subcore_axis_name="s")
    score = pl.kernel(
        functools.partial(_sc_score, nw, cpw, full_c, tail, n_nodes),
        out_type=jax.ShapeDtypeStruct((e_sub,), jnp.float32),
        mesh=mesh,
        compiler_params=pltpu.CompilerParams(
            needs_layout_passes=False, use_tc_tiling_on_sc=False),
        scratch_types=[
            pltpu.VMEM((3 * _CHUNK // _SUB, _SUB), jnp.int32),
            pltpu.VMEM((3 * _CHUNK // _SUB, _SUB), jnp.int32),
            pltpu.VMEM((3 * _CHUNK, _H), jnp.float32),
            pltpu.VMEM((_CHUNK,), jnp.float32),
            pltpu.VMEM((_H, 16), jnp.float32),
            pltpu.VMEM((_H,), jnp.float32),
            pltpu.VMEM_SHARED((n_nodes, _H), jnp.float32),
            pltpu.VMEM_SHARED((n_nodes, _H), jnp.float32),
            pltpu.SemaphoreType.DMA,
        ],
    )
    out = score(a_t, b_t, si, di, w2m, b2v)
    if pad:
        out = out[:e]
    return out

# --- scband reference (transcript-rebuilt; emitter-appended) ---
"""Pipeline reference for scband-edge-mlpdecoder-89111981457476 (READ-ONLY COPY).

The authoritative reference and input builder live on the scoring server;
editing this copy changes nothing except your own understanding.
"""

import jax, jax.numpy as jnp
import numpy as np


def setup_inputs(seed: int = 0) -> dict:
    key = jax.random.key(seed)
    k1, k2, k3, k4, k5, k6 = jax.random.split(key, 6)
    node_dim = 128
    n_nodes = 10000
    n_edges = 320000
    z = jax.random.normal(k1, (n_nodes, node_dim), dtype=jnp.float32)
    edge_index = jax.random.randint(k2, (2, n_edges), 0, n_nodes, dtype=jnp.int64)
    # nn.Linear(node_dim*2, 16) then nn.Linear(16, 1)
    lim1 = 1.0 / np.sqrt(node_dim * 2)
    W1 = jax.random.uniform(k3, (16, node_dim * 2), minval=-lim1, maxval=lim1, dtype=jnp.float32)
    b1 = jax.random.uniform(k4, (16,), minval=-lim1, maxval=lim1, dtype=jnp.float32)
    lim2 = 1.0 / np.sqrt(16)
    W2 = jax.random.uniform(k5, (1, 16), minval=-lim2, maxval=lim2, dtype=jnp.float32)
    b2 = jax.random.uniform(k6, (1,), minval=-lim2, maxval=lim2, dtype=jnp.float32)
    return {"z": z, "edge_index": edge_index, "W1": W1, "b1": b1, "W2": W2, "b2": b2}


def reference(z, edge_index, W1, b1, W2, b2):
    src = edge_index[0]
    dst = edge_index[1]
    pair = jnp.concatenate([jnp.take(z, src, axis=0), jnp.take(z, dst, axis=0)], axis=1)
    h = pair @ W1.T + b1
    h = jax.nn.relu(h)
    logits = (h @ W2.T + b2).squeeze(-1)
    return logits

if __name__ == "__main__":
    import jax
    _d = setup_inputs()
    print(jax.jit(kernel)(*tuple(_d.values())))

</pallas_src>

<mosaic_0001>
#map = affine_map<(d0, d1) -> (0, 0)>
#map1 = affine_map<(d0, d1) -> (0)>
module attributes {stable_mosaic.version = 14 : i64} {
  func.func @_sc_score(%arg0: i32, %arg1: i32, %arg2: memref<10000x16xf32, #tpu.memory_space<hbm>>, %arg3: memref<10000x16xf32, #tpu.memory_space<hbm>>, %arg4: memref<2500x128xi32, #tpu.memory_space<hbm>>, %arg5: memref<2500x128xi32, #tpu.memory_space<hbm>>, %arg6: memref<16x16xf32, #tpu.memory_space<hbm>>, %arg7: memref<16xf32, #tpu.memory_space<hbm>>, %arg8: memref<320000xf32, #tpu.memory_space<hbm>>, %arg9: memref<24x128xi32, #tpu.memory_space<vmem>>, %arg10: memref<24x128xi32, #tpu.memory_space<vmem>>, %arg11: memref<3072x16xf32, #tpu.memory_space<vmem>>, %arg12: memref<1024xf32, #tpu.memory_space<vmem>>, %arg13: memref<16x16xf32, #tpu.memory_space<vmem>>, %arg14: memref<16xf32, #tpu.memory_space<vmem>>, %arg15: memref<10000x16xf32, #tpu.memory_space<vmem_shared>>, %arg16: memref<10000x16xf32, #tpu.memory_space<vmem_shared>>, %arg17: memref<!tpu.dma_semaphore, #tpu.memory_space<semaphore_mem>>) attributes {dimension_semantics = [#tpu.dimension_semantics<core_parallel>, #tpu.dimension_semantics<subcore_parallel>], iteration_bounds = array<i64: 2, 16>, scalar_prefetch = 0 : i64, scratch_operands = 9 : i64, tpu.core_type = #tpu.core_type<sc_vector_subcore>, window_params = [{transform_indices = #map}, {transform_indices = #map}, {transform_indices = #map}, {transform_indices = #map}, {transform_indices = #map}, {transform_indices = #map1}, {transform_indices = #map1}]} {
    %mul3A = arith.constant 2 : i32
    %mul3A_0 = arith.muli %arg1, %mul3A : i32
    %add3A = arith.addi %mul3A_0, %arg0 : i32
    %mul3A_1 = arith.constant 625 : i32
    %mul3A_2 = arith.muli %arg1, %mul3A_1 : i32
    %mul3A_3 = arith.constant 625 : i32
    %mul3A_4 = arith.muli %arg1, %mul3A_3 : i32
    %dma_start3A = arith.constant 0 : i32
    %dma_start3A_5 = tpu.memref_slice %arg15[%mul3A_4, %dma_start3A] : memref<10000x16xf32, #tpu.memory_space<vmem_shared>> -> memref<625x16xf32, #tpu.memory_space<vmem_shared>>
    %dma_start3A_6 = arith.constant 0 : i32
    %dma_start3A_7 = tpu.memref_slice %arg2[%mul3A_2, %dma_start3A_6] : memref<10000x16xf32, #tpu.memory_space<hbm>> -> memref<625x16xf32, #tpu.memory_space<hbm>>
    tpu.enqueue_dma source(%dma_start3A_7 : memref<625x16xf32, #tpu.memory_space<hbm>>) target(%dma_start3A_5 : memref<625x16xf32, #tpu.memory_space<vmem_shared>>) target_semaphore(%arg17 : memref<!tpu.dma_semaphore, #tpu.memory_space<semaphore_mem>>)
    %mul3A_8 = arith.constant 625 : i32
    %mul3A_9 = arith.muli %arg1, %mul3A_8 : i32
    %mul3A_10 = arith.constant 625 : i32
    %mul3A_11 = arith.muli %arg1, %mul3A_10 : i32
    %dma_start3A_12 = arith.constant 0 : i32
    %dma_start3A_13 = tpu.memref_slice %arg16[%mul3A_11, %dma_start3A_12] : memref<10000x16xf32, #tpu.memory_space<vmem_shared>> -> memref<625x16xf32, #tpu.memory_space<vmem_shared>>
    %dma_start3A_14 = arith.constant 0 : i32
    %dma_start3A_15 = tpu.memref_slice %arg3[%mul3A_9, %dma_start3A_14] : memref<10000x16xf32, #tpu.memory_space<hbm>> -> memref<625x16xf32, #tpu.memory_space<hbm>>
    tpu.enqueue_dma source(%dma_start3A_15 : memref<625x16xf32, #tpu.memory_space<hbm>>) target(%dma_start3A_13 : memref<625x16xf32, #tpu.memory_space<vmem_shared>>) target_semaphore(%arg17 : memref<!tpu.dma_semaphore, #tpu.memory_space<semaphore_mem>>)
    tpu.enqueue_dma source(%arg6 : memref<16x16xf32, #tpu.memory_space<hbm>>) target(%arg13 : memref<16x16xf32, #tpu.memory_space<vmem>>) target_semaphore(%arg17 : memref<!tpu.dma_semaphore, #tpu.memory_space<semaphore_mem>>)
    tpu.enqueue_dma source(%arg7 : memref<16xf32, #tpu.memory_space<hbm>>) target(%arg14 : memref<16xf32, #tpu.memory_space<vmem>>) target_semaphore(%arg17 : memref<!tpu.dma_semaphore, #tpu.memory_space<semaphore_mem>>)
    %dma_wait3A = arith.constant 0 : i32
    %dma_wait3A_16 = arith.constant 0 : i32
    %dma_wait3A_17 = tpu.memref_slice %arg15[%dma_wait3A, %dma_wait3A_16] : memref<10000x16xf32, #tpu.memory_space<vmem_shared>> -> memref<625x16xf32, #tpu.memory_space<vmem_shared>>
    %dma_wait3A_18 = arith.constant 0 : i32
    %dma_wait3A_19 = arith.constant 0 : i32
    %dma_wait3A_20 = tpu.memref_slice %arg2[%dma_wait3A_18, %dma_wait3A_19] : memref<10000x16xf32, #tpu.memory_space<hbm>> -> memref<625x16xf32, #tpu.memory_space<hbm>>
    tpu.wait_dma2 semaphore(%arg17 : memref<!tpu.dma_semaphore, #tpu.memory_space<semaphore_mem>>) src(%dma_wait3A_20 : memref<625x16xf32, #tpu.memory_space<hbm>>) dst(%dma_wait3A_17 : memref<625x16xf32, #tpu.memory_space<vmem_shared>>)
    %dma_wait3A_21 = arith.constant 0 : i32
    %dma_wait3A_22 = arith.constant 0 : i32
    %dma_wait3A_23 = tpu.memref_slice %arg16[%dma_wait3A_21, %dma_wait3A_22] : memref<10000x16xf32, #tpu.memory_space<vmem_shared>> -> memref<625x16xf32, #tpu.memory_space<vmem_shared>>
    %dma_wait3A_24 = arith.constant 0 : i32
    %dma_wait3A_25 = arith.constant 0 : i32
    %dma_wait3A_26 = tpu.memref_slice %arg2[%dma_wait3A_24, %dma_wait3A_25] : memref<10000x16xf32, #tpu.memory_space<hbm>> -> memref<625x16xf32, #tpu.memory_space<hbm>>
    tpu.wait_dma2 semaphore(%arg17 : memref<!tpu.dma_semaphore, #tpu.memory_space<semaphore_mem>>) src(%dma_wait3A_26 : memref<625x16xf32, #tpu.memory_space<hbm>>) dst(%dma_wait3A_23 : memref<625x16xf32, #tpu.memory_space<vmem_shared>>)
    tpu.wait_dma2 semaphore(%arg17 : memref<!tpu.dma_semaphore, #tpu.memory_space<semaphore_mem>>) src(%arg6 : memref<16x16xf32, #tpu.memory_space<hbm>>) dst(%arg13 : memref<16x16xf32, #tpu.memory_space<vmem>>)
    tpu.wait_dma2 semaphore(%arg17 : memref<!tpu.dma_semaphore, #tpu.memory_space<semaphore_mem>>) src(%arg7 : memref<16xf32, #tpu.memory_space<hbm>>) dst(%arg14 : memref<16xf32, #tpu.memory_space<vmem>>)
    %barrier3A = arith.constant 0 : index
    tpu.barrier barrier_id(%barrier3A)
    %get3A = arith.constant 0 : index
    %get3A_27 = tpu.vector_load %arg14[%get3A] {strides = array<i32>} : memref<16xf32, #tpu.memory_space<vmem>>, vector<16xf32>,
    %get3A_28 = arith.constant 0 : i32
    %get3A_29 = arith.index_cast %get3A_28 : i32 to index
    %get3A_30 = arith.constant 0 : index
    %get3A_31 = tpu.vector_load %arg13[%get3A_29, %get3A_30] {strides = array<i32>} : memref<16x16xf32, #tpu.memory_space<vmem>>, vector<16xf32>,
    %get3A_32 = arith.constant 1 : i32
    %get3A_33 = arith.index_cast %get3A_32 : i32 to index
    %get3A_34 = arith.constant 0 : index
    %get3A_35 = tpu.vector_load %arg13[%get3A_33, %get3A_34] {strides = array<i32>} : memref<16x16xf32, #tpu.memory_space<vmem>>, vector<16xf32>,
    %get3A_36 = arith.constant 2 : i32
    %get3A_37 = arith.index_cast %get3A_36 : i32 to index
    %get3A_38 = arith.constant 0 : index
    %get3A_39 = tpu.vector_load %arg13[%get3A_37, %get3A_38] {strides = array<i32>} : memref<16x16xf32, #tpu.memory_space<vmem>>, vector<16xf32>,
    %get3A_40 = arith.constant 3 : i32
    %get3A_41 = arith.index_cast %get3A_40 : i32 to index
    %get3A_42 = arith.constant 0 : index
    %get3A_43 = tpu.vector_load %arg13[%get3A_41, %get3A_42] {strides = array<i32>} : memref<16x16xf32, #tpu.memory_space<vmem>>, vector<16xf32>,
    %get3A_44 = arith.constant 4 : i32
    %get3A_45 = arith.index_cast %get3A_44 : i32 to index
    %get3A_46 = arith.constant 0 : index
    %get3A_47 = tpu.vector_load %arg13[%get3A_45, %get3A_46] {strides = array<i32>} : memref<16x16xf32, #tpu.memory_space<vmem>>, vector<16xf32>,
    %get3A_48 = arith.constant 5 : i32
    %get3A_49 = arith.index_cast %get3A_48 : i32 to index
    %get3A_50 = arith.constant 0 : index
    %get3A_51 = tpu.vector_load %arg13[%get3A_49, %get3A_50] {strides = array<i32>} : memref<16x16xf32, #tpu.memory_space<vmem>>, vector<16xf32>,
    %get3A_52 = arith.constant 6 : i32
    %get3A_53 = arith.index_cast %get3A_52 : i32 to index
    %get3A_54 = arith.constant 0 : index
    %get3A_55 = tpu.vector_load %arg13[%get3A_53, %get3A_54] {strides = array<i32>} : memref<16x16xf32, #tpu.memory_space<vmem>>, vector<16xf32>,
    %get3A_56 = arith.constant 7 : i32
    %get3A_57 = arith.index_cast %get3A_56 : i32 to index
    %get3A_58 = arith.constant 0 : index
    %get3A_59 = tpu.vector_load %arg13[%get3A_57, %get3A_58] {strides = array<i32>} : memref<16x16xf32, #tpu.memory_space<vmem>>, vector<16xf32>,
    %get3A_60 = arith.constant 8 : i32
    %get3A_61 = arith.index_cast %get3A_60 : i32 to index
    %get3A_62 = arith.constant 0 : index
    %get3A_63 = tpu.vector_load %arg13[%get3A_61, %get3A_62] {strides = array<i32>} : memref<16x16xf32, #tpu.memory_space<vmem>>, vector<16xf32>,
    %get3A_64 = arith.constant 9 : i32
    %get3A_65 = arith.index_cast %get3A_64 : i32 to index
    %get3A_66 = arith.constant 0 : index
    %get3A_67 = tpu.vector_load %arg13[%get3A_65, %get3A_66] {strides = array<i32>} : memref<16x16xf32, #tpu.memory_space<vmem>>, vector<16xf32>,
    %get3A_68 = arith.constant 10 : i32
    %get3A_69 = arith.index_cast %get3A_68 : i32 to index
    %get3A_70 = arith.constant 0 : index
    %get3A_71 = tpu.vector_load %arg13[%get3A_69, %get3A_70] {strides = array<i32>} : memref<16x16xf32, #tpu.memory_space<vmem>>, vector<16xf32>,
    %get3A_72 = arith.constant 11 : i32
    %get3A_73 = arith.index_cast %get3A_72 : i32 to index
    %get3A_74 = arith.constant 0 : index
    %get3A_75 = tpu.vector_load %arg13[%get3A_73, %get3A_74] {strides = array<i32>} : memref<16x16xf32, #tpu.memory_space<vmem>>, vector<16xf32>,
    %get3A_76 = arith.constant 12 : i32
    %get3A_77 = arith.index_cast %get3A_76 : i32 to index
    %get3A_78 = arith.constant 0 : index
    %get3A_79 = tpu.vector_load %arg13[%get3A_77, %get3A_78] {strides = array<i32>} : memref<16x16xf32, #tpu.memory_space<vmem>>, vector<16xf32>,
    %get3A_80 = arith.constant 13 : i32
    %get3A_81 = arith.index_cast %get3A_80 : i32 to index
    %get3A_82 = arith.constant 0 : index
    %get3A_83 = tpu.vector_load %arg13[%get3A_81, %get3A_82] {strides = array<i32>} : memref<16x16xf32, #tpu.memory_space<vmem>>, vector<16xf32>,
    %get3A_84 = arith.constant 14 : i32
    %get3A_85 = arith.index_cast %get3A_84 : i32 to index
    %get3A_86 = arith.constant 0 : index
    %get3A_87 = tpu.vector_load %arg13[%get3A_85, %get3A_86] {strides = array<i32>} : memref<16x16xf32, #tpu.memory_space<vmem>>, vector<16xf32>,
    %get3A_88 = arith.constant 15 : i32
    %get3A_89 = arith.index_cast %get3A_88 : i32 to index
    %get3A_90 = arith.constant 0 : index
    %get3A_91 = tpu.vector_load %arg13[%get3A_89, %get3A_90] {strides = array<i32>} : memref<16x16xf32, #tpu.memory_space<vmem>>, vector<16xf32>,
    %iota3A = tpu.iota {dimensions = array<i32: 0>} : vector<16xi32>
    %mul3A_92 = arith.constant 10 : i32
    %mul3A_93 = arith.muli %add3A, %mul3A_92 : i32
    %add3A_94 = arith.constant 0 : i32
    %add3A_95 = arith.addi %mul3A_93, %add3A_94 : i32
    %lt3A = arith.constant 312 : i32
    %lt3A_96 = arith.cmpi slt, %add3A_95, %lt3A : i32
    %convert_element_type3A = arith.extui %lt3A_96 : i1 to i32
    %cond3A = arith.constant 0 : i32
    %cond3A_97 = arith.cmpi ne, %convert_element_type3A, %cond3A : i32
    scf.if %cond3A_97 {
      %mul3A_261 = arith.constant 8 : i32
      %mul3A_262 = arith.muli %add3A_95, %mul3A_261 : i32
      "tpu.region"() ({
        %run_scoped3A = tpu.sem_alloc : memref<!tpu.dma_semaphore, #tpu.memory_space<semaphore_mem>>
        %dma_start3A_265 = arith.constant 0 : i32
        %dma_start3A_266 = arith.constant 0 : i32
        %dma_start3A_267 = tpu.memref_slice %arg9[%dma_start3A_265, %dma_start3A_266] : memref<24x128xi32, #tpu.memory_space<vmem>> -> memref<8x128xi32, #tpu.memory_space<vmem>>
        %dma_start3A_268 = arith.constant 0 : i32
        %dma_start3A_269 = tpu.memref_slice %arg4[%mul3A_262, %dma_start3A_268] : memref<2500x128xi32, #tpu.memory_space<hbm>> -> memref<8x128xi32, #tpu.memory_space<hbm>>
        %dma_start3A_270 = arith.constant 0 : i32
        %dma_start3A_271 = arith.constant 0 : i32
        %dma_start3A_272 = tpu.memref_slice %arg9[%dma_start3A_270, %dma_start3A_271] : memref<24x128xi32, #tpu.memory_space<vmem>> -> memref<8x128xi32, #tpu.memory_space<vmem>>
        %dma_start3A_273 = arith.constant 0 : i32
        %dma_start3A_274 = tpu.memref_slice %arg4[%mul3A_262, %dma_start3A_273] : memref<2500x128xi32, #tpu.memory_space<hbm>> -> memref<8x128xi32, #tpu.memory_space<hbm>>
        tpu.enqueue_dma source(%dma_start3A_274 : memref<8x128xi32, #tpu.memory_space<hbm>>) target(%dma_start3A_272 : memref<8x128xi32, #tpu.memory_space<vmem>>) target_semaphore(%run_scoped3A : memref<!tpu.dma_semaphore, #tpu.memory_space<semaphore_mem>>)
        %dma_wait3A_275 = arith.constant 0 : i32
        %dma_wait3A_276 = arith.constant 0 : i32
        %dma_wait3A_277 = tpu.memref_slice %arg9[%dma_wait3A_275, %dma_wait3A_276] : memref<24x128xi32, #tpu.memory_space<vmem>> -> memref<8x128xi32, #tpu.memory_space<vmem>>
        %dma_wait3A_278 = arith.constant 0 : i32
        %dma_wait3A_279 = tpu.memref_slice %arg4[%mul3A_262, %dma_wait3A_278] : memref<2500x128xi32, #tpu.memory_space<hbm>> -> memref<8x128xi32, #tpu.memory_space<hbm>>
        %dma_wait3A_280 = arith.constant 0 : i32
        %dma_wait3A_281 = arith.constant 0 : i32
        %dma_wait3A_282 = tpu.memref_slice %arg9[%dma_wait3A_280, %dma_wait3A_281] : memref<24x128xi32, #tpu.memory_space<vmem>> -> memref<8x128xi32, #tpu.memory_space<vmem>>
        %dma_wait3A_283 = arith.constant 0 : i32
        %dma_wait3A_284 = tpu.memref_slice %arg4[%mul3A_262, %dma_wait3A_283] : memref<2500x128xi32, #tpu.memory_space<hbm>> -> memref<8x128xi32, #tpu.memory_space<hbm>>
        tpu.wait_dma2 semaphore(%run_scoped3A : memref<!tpu.dma_semaphore, #tpu.memory_space<semaphore_mem>>) src(%dma_wait3A_284 : memref<8x128xi32, #tpu.memory_space<hbm>>) dst(%dma_wait3A_282 : memref<8x128xi32, #tpu.memory_space<vmem>>)
        tpu.yield
      }) : () -> ()
      %mul3A_263 = arith.constant 8 : i32
      %mul3A_264 = arith.muli %add3A_95, %mul3A_263 : i32
      "tpu.region"() ({
        %run_scoped3A = tpu.sem_alloc : memref<!tpu.dma_semaphore, #tpu.memory_space<semaphore_mem>>
        %dma_start3A_265 = arith.constant 0 : i32
        %dma_start3A_266 = arith.constant 0 : i32
        %dma_start3A_267 = tpu.memref_slice %arg10[%dma_start3A_265, %dma_start3A_266] : memref<24x128xi32, #tpu.memory_space<vmem>> -> memref<8x128xi32, #tpu.memory_space<vmem>>
        %dma_start3A_268 = arith.constant 0 : i32
        %dma_start3A_269 = tpu.memref_slice %arg5[%mul3A_264, %dma_start3A_268] : memref<2500x128xi32, #tpu.memory_space<hbm>> -> memref<8x128xi32, #tpu.memory_space<hbm>>
        %dma_start3A_270 = arith.constant 0 : i32
        %dma_start3A_271 = arith.constant 0 : i32
        %dma_start3A_272 = tpu.memref_slice %arg10[%dma_start3A_270, %dma_start3A_271] : memref<24x128xi32, #tpu.memory_space<vmem>> -> memref<8x128xi32, #tpu.memory_space<vmem>>
        %dma_start3A_273 = arith.constant 0 : i32
        %dma_start3A_274 = tpu.memref_slice %arg5[%mul3A_264, %dma_start3A_273] : memref<2500x128xi32, #tpu.memory_space<hbm>> -> memref<8x128xi32, #tpu.memory_space<hbm>>
        tpu.enqueue_dma source(%dma_start3A_274 : memref<8x128xi32, #tpu.memory_space<hbm>>) target(%dma_start3A_272 : memref<8x128xi32, #tpu.memory_space<vmem>>) target_semaphore(%run_scoped3A : memref<!tpu.dma_semaphore, #tpu.memory_space<semaphore_mem>>)
        %dma_wait3A_275 = arith.constant 0 : i32
        %dma_wait3A_276 = arith.constant 0 : i32
        %dma_wait3A_277 = tpu.memref_slice %arg10[%dma_wait3A_275, %dma_wait3A_276] : memref<24x128xi32, #tpu.memory_space<vmem>> -> memref<8x128xi32, #tpu.memory_space<vmem>>
        %dma_wait3A_278 = arith.constant 0 : i32
        %dma_wait3A_279 = tpu.memref_slice %arg5[%mul3A_264, %dma_wait3A_278] : memref<2500x128xi32, #tpu.memory_space<hbm>> -> memref<8x128xi32, #tpu.memory_space<hbm>>
        %dma_wait3A_280 = arith.constant 0 : i32
        %dma_wait3A_281 = arith.constant 0 : i32
        %dma_wait3A_282 = tpu.memref_slice %arg10[%dma_wait3A_280, %dma_wait3A_281] : memref<24x128xi32, #tpu.memory_space<vmem>> -> memref<8x128xi32, #tpu.memory_space<vmem>>
        %dma_wait3A_283 = arith.constant 0 : i32
        %dma_wait3A_284 = tpu.memref_slice %arg5[%mul3A_264, %dma_wait3A_283] : memref<2500x128xi32, #tpu.memory_space<hbm>> -> memref<8x128xi32, #tpu.memory_space<hbm>>
        tpu.wait_dma2 semaphore(%run_scoped3A : memref<!tpu.dma_semaphore, #tpu.memory_space<semaphore_mem>>) src(%dma_wait3A_284 : memref<8x128xi32, #tpu.memory_space<hbm>>) dst(%dma_wait3A_282 : memref<8x128xi32, #tpu.memory_space<vmem>>)
        tpu.yield
      }) : () -> ()
    } else {
    }
    %eq3A = arith.constant 312 : i32
    %eq3A_98 = arith.cmpi eq, %add3A_95, %eq3A : i32
    %convert_element_type3A_99 = arith.extui %eq3A_98 : i1 to i32
    %cond3A_100 = arith.constant 0 : i32
    %cond3A_101 = arith.cmpi ne, %convert_element_type3A_99, %cond3A_100 : i32
    scf.if %cond3A_101 {
      %mul3A_261 = arith.constant 8 : i32
      %mul3A_262 = arith.muli %add3A_95, %mul3A_261 : i32
      "tpu.region"() ({
        %run_scoped3A = tpu.sem_alloc : memref<!tpu.dma_semaphore, #tpu.memory_space<semaphore_mem>>
        %dma_start3A_265 = arith.constant 0 : i32
        %dma_start3A_266 = arith.constant 0 : i32
        %dma_start3A_267 = tpu.memref_slice %arg9[%dma_start3A_265, %dma_start3A_266] : memref<24x128xi32, #tpu.memory_space<vmem>> -> memref<4x128xi32, #tpu.memory_space<vmem>>
        %dma_start3A_268 = arith.constant 0 : i32
        %dma_start3A_269 = tpu.memref_slice %arg4[%mul3A_262, %dma_start3A_268] : memref<2500x128xi32, #tpu.memory_space<hbm>> -> memref<4x128xi32, #tpu.memory_space<hbm>>
        %dma_start3A_270 = arith.constant 0 : i32
        %dma_start3A_271 = arith.constant 0 : i32
        %dma_start3A_272 = tpu.memref_slice %arg9[%dma_start3A_270, %dma_start3A_271] : memref<24x128xi32, #tpu.memory_space<vmem>> -> memref<4x128xi32, #tpu.memory_space<vmem>>
        %dma_start3A_273 = arith.constant 0 : i32
        %dma_start3A_274 = tpu.memref_slice %arg4[%mul3A_262, %dma_start3A_273] : memref<2500x128xi32, #tpu.memory_space<hbm>> -> memref<4x128xi32, #tpu.memory_space<hbm>>
        tpu.enqueue_dma source(%dma_start3A_274 : memref<4x128xi32, #tpu.memory_space<hbm>>) target(%dma_start3A_272 : memref<4x128xi32, #tpu.memory_space<vmem>>) target_semaphore(%run_scoped3A : memref<!tpu.dma_semaphore, #tpu.memory_space<semaphore_mem>>)
        %dma_wait3A_275 = arith.constant 0 : i32
        %dma_wait3A_276 = arith.constant 0 : i32
        %dma_wait3A_277 = tpu.memref_slice %arg9[%dma_wait3A_275, %dma_wait3A_276] : memref<24x128xi32, #tpu.memory_space<vmem>> -> memref<4x128xi32, #tpu.memory_space<vmem>>
        %dma_wait3A_278 = arith.constant 0 : i32
        %dma_wait3A_279 = tpu.memref_slice %arg4[%mul3A_262, %dma_wait3A_278] : memref<2500x128xi32, #tpu.memory_space<hbm>> -> memref<4x128xi32, #tpu.memory_space<hbm>>
        %dma_wait3A_280 = arith.constant 0 : i32
        %dma_wait3A_281 = arith.constant 0 : i32
        %dma_wait3A_282 = tpu.memref_slice %arg9[%dma_wait3A_280, %dma_wait3A_281] : memref<24x128xi32, #tpu.memory_space<vmem>> -> memref<4x128xi32, #tpu.memory_space<vmem>>
        %dma_wait3A_283 = arith.constant 0 : i32
        %dma_wait3A_284 = tpu.memref_slice %arg4[%mul3A_262, %dma_wait3A_283] : memref<2500x128xi32, #tpu.memory_space<hbm>> -> memref<4x128xi32, #tpu.memory_space<hbm>>
        tpu.wait_dma2 semaphore(%run_scoped3A : memref<!tpu.dma_semaphore, #tpu.memory_space<semaphore_mem>>) src(%dma_wait3A_284 : memref<4x128xi32, #tpu.memory_space<hbm>>) dst(%dma_wait3A_282 : memref<4x128xi32, #tpu.memory_space<vmem>>)
        tpu.yield
      }) : () -> ()
      %mul3A_263 = arith.constant 8 : i32
      %mul3A_264 = arith.muli %add3A_95, %mul3A_263 : i32
      "tpu.region"() ({
        %run_scoped3A = tpu.sem_alloc : memref<!tpu.dma_semaphore, #tpu.memory_space<semaphore_mem>>
        %dma_start3A_265 = arith.constant 0 : i32
        %dma_start3A_266 = arith.constant 0 : i32
        %dma_start3A_267 = tpu.memref_slice %arg10[%dma_start3A_265, %dma_start3A_266] : memref<24x128xi32, #tpu.memory_space<vmem>> -> memref<4x128xi32, #tpu.memory_space<vmem>>
        %dma_start3A_268 = arith.constant 0 : i32
        %dma_start3A_269 = tpu.memref_slice %arg5[%mul3A_264, %dma_start3A_268] : memref<2500x128xi32, #tpu.memory_space<hbm>> -> memref<4x128xi32, #tpu.memory_space<hbm>>
        %dma_start3A_270 = arith.constant 0 : i32
        %dma_start3A_271 = arith.constant 0 : i32
        %dma_start3A_272 = tpu.memref_slice %arg10[%dma_start3A_270, %dma_start3A_271] : memref<24x128xi32, #tpu.memory_space<vmem>> -> memref<4x128xi32, #tpu.memory_space<vmem>>
        %dma_start3A_273 = arith.constant 0 : i32
        %dma_start3A_274 = tpu.memref_slice %arg5[%mul3A_264, %dma_start3A_273] : memref<2500x128xi32, #tpu.memory_space<hbm>> -> memref<4x128xi32, #tpu.memory_space<hbm>>
        tpu.enqueue_dma source(%dma_start3A_274 : memref<4x128xi32, #tpu.memory_space<hbm>>) target(%dma_start3A_272 : memref<4x128xi32, #tpu.memory_space<vmem>>) target_semaphore(%run_scoped3A : memref<!tpu.dma_semaphore, #tpu.memory_space<semaphore_mem>>)
        %dma_wait3A_275 = arith.constant 0 : i32
        %dma_wait3A_276 = arith.constant 0 : i32
        %dma_wait3A_277 = tpu.memref_slice %arg10[%dma_wait3A_275, %dma_wait3A_276] : memref<24x128xi32, #tpu.memory_space<vmem>> -> memref<4x128xi32, #tpu.memory_space<vmem>>
        %dma_wait3A_278 = arith.constant 0 : i32
        %dma_wait3A_279 = tpu.memref_slice %arg5[%mul3A_264, %dma_wait3A_278] : memref<2500x128xi32, #tpu.memory_space<hbm>> -> memref<4x128xi32, #tpu.memory_space<hbm>>
        %dma_wait3A_280 = arith.constant 0 : i32
        %dma_wait3A_281 = arith.constant 0 : i32
        %dma_wait3A_282 = tpu.memref_slice %arg10[%dma_wait3A_280, %dma_wait3A_281] : memref<24x128xi32, #tpu.memory_space<vmem>> -> memref<4x128xi32, #tpu.memory_space<vmem>>
        %dma_wait3A_283 = arith.constant 0 : i32
        %dma_wait3A_284 = tpu.memref_slice %arg5[%mul3A_264, %dma_wait3A_283] : memref<2500x128xi32, #tpu.memory_space<hbm>> -> memref<4x128xi32, #tpu.memory_space<hbm>>
        tpu.wait_dma2 semaphore(%run_scoped3A : memref<!tpu.dma_semaphore, #tpu.memory_space<semaphore_mem>>) src(%dma_wait3A_284 : memref<4x128xi32, #tpu.memory_space<hbm>>) dst(%dma_wait3A_282 : memref<4x128xi32, #tpu.memory_space<vmem>>)
        tpu.yield
      }) : () -> ()
    } else {
    }
    %mul3A_102 = arith.constant 10 : i32
    %mul3A_103 = arith.muli %add3A, %mul3A_102 : i32
    %add3A_104 = arith.constant 0 : i32
    %add3A_105 = arith.addi %mul3A_103, %add3A_104 : i32
    %lt3A_106 = arith.constant 312 : i32
    %lt3A_107 = arith.cmpi slt, %add3A_105, %lt3A_106 : i32
    %convert_element_type3A_108 = arith.extui %lt3A_107 : i1 to i32
    %cond3A_109 = arith.constant 0 : i32
    %cond3A_110 = arith.cmpi ne, %convert_element_type3A_108, %cond3A_109 : i32
    scf.if %cond3A_110 {
      %dma_start3A_261 = arith.constant 0 : i32
      %dma_start3A_262 = arith.constant 0 : i32
      %dma_start3A_263 = arith.constant 0 : i32
      %dma_start3A_264 = tpu.memref_slice %arg11[%dma_start3A_262, %dma_start3A_263] : memref<3072x16xf32, #tpu.memory_space<vmem>> -> memref<128x16xf32, #tpu.memory_space<vmem>>
      %dma_start3A_265 = arith.constant 0 : i32
      %dma_start3A_266 = tpu.memref_slice %arg9[%dma_start3A_261, %dma_start3A_265] : memref<24x128xi32, #tpu.memory_space<vmem>> -> memref<1x128xi32, #tpu.memory_space<vmem>>
      %dma_start3A_267 = tpu.memref_squeeze %dma_start3A_266 : memref<1x128xi32, #tpu.memory_space<vmem>> -> memref<128xi32, #tpu.memory_space<vmem>>
      %dma_start3A_268 = arith.constant 0 : i32
      %dma_start3A_269 = arith.constant 0 : i32
      %dma_start3A_270 = tpu.memref_slice %arg15[%dma_start3A_268, %dma_start3A_269] : memref<10000x16xf32, #tpu.memory_space<vmem_shared>> -> memref<10000x16xf32, #tpu.memory_space<vmem_shared>>
      tpu.enqueue_indirect_dma source(%dma_start3A_270 : memref<10000x16xf32, #tpu.memory_space<vmem_shared>>) target(%dma_start3A_264 : memref<128x16xf32, #tpu.memory_space<vmem>>) offsets(%dma_start3A_267 : memref<128xi32, #tpu.memory_space<vmem>>) semaphore(%arg17 : memref<!tpu.dma_semaphore, #tpu.memory_space<semaphore_mem>>)
      %dma_start3A_271 = arith.constant 1 : i32
      %dma_start3A_272 = arith.constant 128 : i32
      %dma_start3A_273 = arith.constant 0 : i32
      %dma_start3A_274 = tpu.memref_slice %arg11[%dma_start3A_272, %dma_start3A_273] : memref<3072x16xf32, #tpu.memory_space<vmem>> -> memref<128x16xf32, #tpu.memory_space<vmem>>
      %dma_start3A_275 = arith.constant 0 : i32
      %dma_start3A_276 = tpu.memref_slice %arg9[%dma_start3A_271, %dma_start3A_275] : memref<24x128xi32, #tpu.memory_space<vmem>> -> memref<1x128xi32, #tpu.memory_space<vmem>>
      %dma_start3A_277 = tpu.memref_squeeze %dma_start3A_276 : memref<1x128xi32, #tpu.memory_space<vmem>> -> memref<128xi32, #tpu.memory_space<vmem>>
      %dma_start3A_278 = arith.constant 0 : i32
      %dma_start3A_279 = arith.constant 0 : i32
      %dma_start3A_280 = tpu.memref_slice %arg15[%dma_start3A_278, %dma_start3A_279] : memref<10000x16xf32, #tpu.memory_space<vmem_shared>> -> memref<10000x16xf32, #tpu.memory_space<vmem_shared>>
      tpu.enqueue_indirect_dma source(%dma_start3A_280 : memref<10000x16xf32, #tpu.memory_space<vmem_shared>>) target(%dma_start3A_274 : memref<128x16xf32, #tpu.memory_space<vmem>>) offsets(%dma_start3A_277 : memref<128xi32, #tpu.memory_space<vmem>>) semaphore(%arg17 : memref<!tpu.dma_semaphore, #tpu.memory_space<semaphore_mem>>)
      %dma_start3A_281 = arith.constant 2 : i32
      %dma_start3A_282 = arith.constant 256 : i32
      %dma_start3A_283 = arith.constant 0 : i32
      %dma_start3A_284 = tpu.memref_slice %arg11[%dma_start3A_282, %dma_start3A_283] : memref<3072x16xf32, #tpu.memory_space<vmem>> -> memref<128x16xf32, #tpu.memory_space<vmem>>
      %dma_start3A_285 = arith.constant 0 : i32
      %dma_start3A_286 = tpu.memref_slice %arg9[%dma_start3A_281, %dma_start3A_285] : memref<24x128xi32, #tpu.memory_space<vmem>> -> memref<1x128xi32, #tpu.memory_space<vmem>>
      %dma_start3A_287 = tpu.memref_squeeze %dma_start3A_286 : memref<1x128xi32, #tpu.memory_space<vmem>> -> memref<128xi32, #tpu.memory_space<vmem>>
      %dma_start3A_288 = arith.constant 0 : i32
      %dma_start3A_289 = arith.constant 0 : i32
      %dma_start3A_290 = tpu.memref_slice %arg15[%dma_start3A_288, %dma_start3A_289] : memref<10000x16xf32, #tpu.memory_space<vmem_shared>> -> memref<10000x16xf32, #tpu.memory_space<vmem_shared>>
      tpu.enqueue_indirect_dma source(%dma_start3A_290 : memref<10000x16xf32, #tpu.memory_space<vmem_shared>>) target(%dma_start3A_284 : memref<128x16xf32, #tpu.memory_space<vmem>>) offsets(%dma_start3A_287 : memref<128xi32, #tpu.memory_space<vmem>>) semaphore(%arg17 : memref<!tpu.dma_semaphore, #tpu.memory_space<semaphore_mem>>)
      %dma_start3A_291 = arith.constant 3 : i32
      %dma_start3A_292 = arith.constant 384 : i32
      %dma_start3A_293 = arith.constant 0 : i32
      %dma_start3A_294 = tpu.memref_slice %arg11[%dma_start3A_292, %dma_start3A_293] : memref<3072x16xf32, #tpu.memory_space<vmem>> -> memref<128x16xf32, #tpu.memory_space<vmem>>
      %dma_start3A_295 = arith.constant 0 : i32
      %dma_start3A_296 = tpu.memref_slice %arg9[%dma_start3A_291, %dma_start3A_295] : memref<24x128xi32, #tpu.memory_space<vmem>> -> memref<1x128xi32, #tpu.memory_space<vmem>>
      %dma_start3A_297 = tpu.memref_squeeze %dma_start3A_296 : memref<1x128xi32, #tpu.memory_space<vmem>> -> memref<128xi32, #tpu.memory_space<vmem>>
      %dma_start3A_298 = arith.constant 0 : i32
      %dma_start3A_299 = arith.constant 0 : i32
      %dma_start3A_300 = tpu.memref_slice %arg15[%dma_start3A_298, %dma_start3A_299] : memref<10000x16xf32, #tpu.memory_space<vmem_shared>> -> memref<10000x16xf32, #tpu.memory_space<vmem_shared>>
      tpu.enqueue_indirect_dma source(%dma_start3A_300 : memref<10000x16xf32, #tpu.memory_space<vmem_shared>>) target(%dma_start3A_294 : memref<128x16xf32, #tpu.memory_space<vmem>>) offsets(%dma_start3A_297 : memref<128xi32, #tpu.memory_space<vmem>>) semaphore(%arg17 : memref<!tpu.dma_semaphore, #tpu.memory_space<semaphore_mem>>)
      %dma_start3A_301 = arith.constant 4 : i32
      %dma_start3A_302 = arith.constant 512 : i32
      %dma_start3A_303 = arith.constant 0 : i32
      %dma_start3A_304 = tpu.memref_slice %arg11[%dma_start3A_302, %dma_start3A_303] : memref<3072x16xf32, #tpu.memory_space<vmem>> -> memref<128x16xf32, #tpu.memory_space<vmem>>
      %dma_start3A_305 = arith.constant 0 : i32
      %dma_start3A_306 = tpu.memref_slice %arg9[%dma_start3A_301, %dma_start3A_305] : memref<24x128xi32, #tpu.memory_space<vmem>> -> memref<1x128xi32, #tpu.memory_space<vmem>>
      %dma_start3A_307 = tpu.memref_squeeze %dma_start3A_306 : memref<1x128xi32, #tpu.memory_space<vmem>> -> memref<128xi32, #tpu.memory_space<vmem>>
      %dma_start3A_308 = arith.constant 0 : i32
      %dma_start3A_309 = arith.constant 0 : i32
      %dma_start3A_310 = tpu.memref_slice %arg15[%dma_start3A_308, %dma_start3A_309] : memref<10000x16xf32, #tpu.memory_space<vmem_shared>> -> memref<10000x16xf32, #tpu.memory_space<vmem_shared>>
      tpu.enqueue_indirect_dma source(%dma_start3A_310 : memref<10000x16xf32, #tpu.memory_space<vmem_shared>>) target(%dma_start3A_304 : memref<128x16xf32, #tpu.memory_space<vmem>>) offsets(%dma_start3A_307 : memref<128xi32, #tpu.memory_space<vmem>>) semaphore(%arg17 : memref<!tpu.dma_semaphore, #tpu.memory_space<semaphore_mem>>)
      %dma_start3A_311 = arith.constant 5 : i32
      %dma_start3A_312 = arith.constant 640 : i32
      %dma_start3A_313 = arith.constant 0 : i32
      %dma_start3A_314 = tpu.memref_slice %arg11[%dma_start3A_312, %dma_start3A_313] : memref<3072x16xf32, #tpu.memory_space<vmem>> -> memref<128x16xf32, #tpu.memory_space<vmem>>
      %dma_start3A_315 = arith.constant 0 : i32
      %dma_start3A_316 = tpu.memref_slice %arg9[%dma_start3A_311, %dma_start3A_315] : memref<24x128xi32, #tpu.memory_space<vmem>> -> memref<1x128xi32, #tpu.memory_space<vmem>>
      %dma_start3A_317 = tpu.memref_squeeze %dma_start3A_316 : memref<1x128xi32, #tpu.memory_space<vmem>> -> memref<128xi32, #tpu.memory_space<vmem>>
      %dma_start3A_318 = arith.constant 0 : i32
      %dma_start3A_319 = arith.constant 0 : i32
      %dma_start3A_320 = tpu.memref_slice %arg15[%dma_start3A_318, %dma_start3A_319] : memref<10000x16xf32, #tpu.memory_space<vmem_shared>> -> memref<10000x16xf32, #tpu.memory_space<vmem_shared>>
      tpu.enqueue_indirect_dma source(%dma_start3A_320 : memref<10000x16xf32, #tpu.memory_space<vmem_shared>>) target(%dma_start3A_314 : memref<128x16xf32, #tpu.memory_space<vmem>>) offsets(%dma_start3A_317 : memref<128xi32, #tpu.memory_space<vmem>>) semaphore(%arg17 : memref<!tpu.dma_semaphore, #tpu.memory_space<semaphore_mem>>)
      %dma_start3A_321 = arith.constant 6 : i32
      %dma_start3A_322 = arith.constant 768 : i32
      %dma_start3A_323 = arith.constant 0 : i32
      %dma_start3A_324 = tpu.memref_slice %arg11[%dma_start3A_322, %dma_start3A_323] : memref<3072x16xf32, #tpu.memory_space<vmem>> -> memref<128x16xf32, #tpu.memory_space<vmem>>
      %dma_start3A_325 = arith.constant 0 : i32
      %dma_start3A_326 = tpu.memref_slice %arg9[%dma_start3A_321, %dma_start3A_325] : memref<24x128xi32, #tpu.memory_space<vmem>> -> memref<1x128xi32, #tpu.memory_space<vmem>>
      %dma_start3A_327 = tpu.memref_squeeze %dma_start3A_326 : memref<1x128xi32, #tpu.memory_space<vmem>> -> memref<128xi32, #tpu.memory_space<vmem>>
      %dma_start3A_328 = arith.constant 0 : i32
      %dma_start3A_329 = arith.constant 0 : i32
      %dma_start3A_330 = tpu.memref_slice %arg15[%dma_start3A_328, %dma_start3A_329] : memref<10000x16xf32, #tpu.memory_space<vmem_shared>> -> memref<10000x16xf32, #tpu.memory_space<vmem_shared>>
      tpu.enqueue_indirect_dma source(%dma_start3A_330 : memref<10000x16xf32, #tpu.memory_space<vmem_shared>>) target(%dma_start3A_324 : memref<128x16xf32, #tpu.memory_space<vmem>>) offsets(%dma_start3A_327 : memref<128xi32, #tpu.memory_space<vmem>>) semaphore(%arg17 : memref<!tpu.dma_semaphore, #tpu.memory_space<semaphore_mem>>)
      %dma_start3A_331 = arith.constant 7 : i32
      %dma_start3A_332 = arith.constant 896 : i32
      %dma_start3A_333 = arith.constant 0 : i32
      %dma_start3A_334 = tpu.memref_slice %arg11[%dma_start3A_332, %dma_start3A_333] : memref<3072x16xf32, #tpu.memory_space<vmem>> -> memref<128x16xf32, #tpu.memory_space<vmem>>
      %dma_start3A_335 = arith.constant 0 : i32
      %dma_start3A_336 = tpu.memref_slice %arg9[%dma_start3A_331, %dma_start3A_335] : memref<24x128xi32, #tpu.memory_space<vmem>> -> memref<1x128xi32, #tpu.memory_space<vmem>>
      %dma_start3A_337 = tpu.memref_squeeze %dma_start3A_336 : memref<1x128xi32, #tpu.memory_space<vmem>> -> memref<128xi32, #tpu.memory_space<vmem>>
      %dma_start3A_338 = arith.constant 0 : i32
      %dma_start3A_339 = arith.constant 0 : i32
      %dma_start3A_340 = tpu.memref_slice %arg15[%dma_start3A_338, %dma_start3A_339] : memref<10000x16xf32, #tpu.memory_space<vmem_shared>> -> memref<10000x16xf32, #tpu.memory_space<vmem_shared>>
      tpu.enqueue_indirect_dma source(%dma_start3A_340 : memref<10000x16xf32, #tpu.memory_space<vmem_shared>>) target(%dma_start3A_334 : memref<128x16xf32, #tpu.memory_space<vmem>>) offsets(%dma_start3A_337 : memref<128xi32, #tpu.memory_space<vmem>>) semaphore(%arg17 : memref<!tpu.dma_semaphore, #tpu.memory_space<semaphore_mem>>)
    } else {
    }
    %eq3A_111 = arith.constant 312 : i32
    %eq3A_112 = arith.cmpi eq, %add3A_105, %eq3A_111 : i32
    %convert_element_type3A_113 = arith.extui %eq3A_112 : i1 to i32
    %cond3A_114 = arith.constant 0 : i32
    %cond3A_115 = arith.cmpi ne, %convert_element_type3A_113, %cond3A_114 : i32
    scf.if %cond3A_115 {
      %dma_start3A_261 = arith.constant 0 : i32
      %dma_start3A_262 = arith.constant 0 : i32
      %dma_start3A_263 = arith.constant 0 : i32
      %dma_start3A_264 = tpu.memref_slice %arg11[%dma_start3A_262, %dma_start3A_263] : memref<3072x16xf32, #tpu.memory_space<vmem>> -> memref<128x16xf32, #tpu.memory_space<vmem>>
      %dma_start3A_265 = arith.constant 0 : i32
      %dma_start3A_266 = tpu.memref_slice %arg9[%dma_start3A_261, %dma_start3A_265] : memref<24x128xi32, #tpu.memory_space<vmem>> -> memref<1x128xi32, #tpu.memory_space<vmem>>
      %dma_start3A_267 = tpu.memref_squeeze %dma_start3A_266 : memref<1x128xi32, #tpu.memory_space<vmem>> -> memref<128xi32, #tpu.memory_space<vmem>>
      %dma_start3A_268 = arith.constant 0 : i32
      %dma_start3A_269 = arith.constant 0 : i32
      %dma_start3A_270 = tpu.memref_slice %arg15[%dma_start3A_268, %dma_start3A_269] : memref<10000x16xf32, #tpu.memory_space<vmem_shared>> -> memref<10000x16xf32, #tpu.memory_space<vmem_shared>>
      tpu.enqueue_indirect_dma source(%dma_start3A_270 : memref<10000x16xf32, #tpu.memory_space<vmem_shared>>) target(%dma_start3A_264 : memref<128x16xf32, #tpu.memory_space<vmem>>) offsets(%dma_start3A_267 : memref<128xi32, #tpu.memory_space<vmem>>) semaphore(%arg17 : memref<!tpu.dma_semaphore, #tpu.memory_space<semaphore_mem>>)
      %dma_start3A_271 = arith.constant 1 : i32
      %dma_start3A_272 = arith.constant 128 : i32
      %dma_start3A_273 = arith.constant 0 : i32
      %dma_start3A_274 = tpu.memref_slice %arg11[%dma_start3A_272, %dma_start3A_273] : memref<3072x16xf32, #tpu.memory_space<vmem>> -> memref<128x16xf32, #tpu.memory_space<vmem>>
      %dma_start3A_275 = arith.constant 0 : i32
      %dma_start3A_276 = tpu.memref_slice %arg9[%dma_start3A_271, %dma_start3A_275] : memref<24x128xi32, #tpu.memory_space<vmem>> -> memref<1x128xi32, #tpu.memory_space<vmem>>
      %dma_start3A_277 = tpu.memref_squeeze %dma_start3A_276 : memref<1x128xi32, #tpu.memory_space<vmem>> -> memref<128xi32, #tpu.memory_space<vmem>>
      %dma_start3A_278 = arith.constant 0 : i32
      %dma_start3A_279 = arith.constant 0 : i32
      %dma_start3A_280 = tpu.memref_slice %arg15[%dma_start3A_278, %dma_start3A_279] : memref<10000x16xf32, #tpu.memory_space<vmem_shared>> -> memref<10000x16xf32, #tpu.memory_space<vmem_shared>>
      tpu.enqueue_indirect_dma source(%dma_start3A_280 : memref<10000x16xf32, #tpu.memory_space<vmem_shared>>) target(%dma_start3A_274 : memref<128x16xf32, #tpu.memory_space<vmem>>) offsets(%dma_start3A_277 : memref<128xi32, #tpu.memory_space<vmem>>) semaphore(%arg17 : memref<!tpu.dma_semaphore, #tpu.memory_space<semaphore_mem>>)
      %dma_start3A_281 = arith.constant 2 : i32
      %dma_start3A_282 = arith.constant 256 : i32
      %dma_start3A_283 = arith.constant 0 : i32
      %dma_start3A_284 = tpu.memref_slice %arg11[%dma_start3A_282, %dma_start3A_283] : memref<3072x16xf32, #tpu.memory_space<vmem>> -> memref<128x16xf32, #tpu.memory_space<vmem>>
      %dma_start3A_285 = arith.constant 0 : i32
      %dma_start3A_286 = tpu.memref_slice %arg9[%dma_start3A_281, %dma_start3A_285] : memref<24x128xi32, #tpu.memory_space<vmem>> -> memref<1x128xi32, #tpu.memory_space<vmem>>
      %dma_start3A_287 = tpu.memref_squeeze %dma_start3A_286 : memref<1x128xi32, #tpu.memory_space<vmem>> -> memref<128xi32, #tpu.memory_space<vmem>>
      %dma_start3A_288 = arith.constant 0 : i32
      %dma_start3A_289 = arith.constant 0 : i32
      %dma_start3A_290 = tpu.memref_slice %arg15[%dma_start3A_288, %dma_start3A_289] : memref<10000x16xf32, #tpu.memory_space<vmem_shared>> -> memref<10000x16xf32, #tpu.memory_space<vmem_shared>>
      tpu.enqueue_indirect_dma source(%dma_start3A_290 : memref<10000x16xf32, #tpu.memory_space<vmem_shared>>) target(%dma_start3A_284 : memref<128x16xf32, #tpu.memory_space<vmem>>) offsets(%dma_start3A_287 : memref<128xi32, #tpu.memory_space<vmem>>) semaphore(%arg17 : memref<!tpu.dma_semaphore, #tpu.memory_space<semaphore_mem>>)
      %dma_start3A_291 = arith.constant 3 : i32
      %dma_start3A_292 = arith.constant 384 : i32
      %dma_start3A_293 = arith.constant 0 : i32
      %dma_start3A_294 = tpu.memref_slice %arg11[%dma_start3A_292, %dma_start3A_293] : memref<3072x16xf32, #tpu.memory_space<vmem>> -> memref<128x16xf32, #tpu.memory_space<vmem>>
      %dma_start3A_295 = arith.constant 0 : i32
      %dma_start3A_296 = tpu.memref_slice %arg9[%dma_start3A_291, %dma_start3A_295] : memref<24x128xi32, #tpu.memory_space<vmem>> -> memref<1x128xi32, #tpu.memory_space<vmem>>
      %dma_start3A_297 = tpu.memref_squeeze %dma_start3A_296 : memref<1x128xi32, #tpu.memory_space<vmem>> -> memref<128xi32, #tpu.memory_space<vmem>>
      %dma_start3A_298 = arith.constant 0 : i32
      %dma_start3A_299 = arith.constant 0 : i32
      %dma_start3A_300 = tpu.memref_slice %arg15[%dma_start3A_298, %dma_start3A_299] : memref<10000x16xf32, #tpu.memory_space<vmem_shared>> -> memref<10000x16xf32, #tpu.memory_space<vmem_shared>>
      tpu.enqueue_indirect_dma source(%dma_start3A_300 : memref<10000x16xf32, #tpu.memory_space<vmem_shared>>) target(%dma_start3A_294 : memref<128x16xf32, #tpu.memory_space<vmem>>) offsets(%dma_start3A_297 : memref<128xi32, #tpu.memory_space<vmem>>) semaphore(%arg17 : memref<!tpu.dma_semaphore, #tpu.memory_space<semaphore_mem>>)
    } else {
    }
    %mul3A_116 = arith.constant 10 : i32
    %mul3A_117 = arith.muli %add3A, %mul3A_116 : i32
    %add3A_118 = arith.constant 1 : i32
    %add3A_119 = arith.addi %mul3A_117, %add3A_118 : i32
    %lt3A_120 = arith.constant 312 : i32
    %lt3A_121 = arith.cmpi slt, %add3A_119, %lt3A_120 : i32
    %convert_element_type3A_122 = arith.extui %lt3A_121 : i1 to i32
    %cond3A_123 = arith.constant 0 : i32
    %cond3A_124 = arith.cmpi ne, %convert_element_type3A_122, %cond3A_123 : i32
    scf.if %cond3A_124 {
      %mul3A_261 = arith.constant 8 : i32
      %mul3A_262 = arith.muli %add3A_119, %mul3A_261 : i32
      "tpu.region"() ({
        %run_scoped3A = tpu.sem_alloc : memref<!tpu.dma_semaphore, #tpu.memory_space<semaphore_mem>>
        %dma_start3A_265 = arith.constant 8 : i32
        %dma_start3A_266 = arith.constant 0 : i32
        %dma_start3A_267 = tpu.memref_slice %arg9[%dma_start3A_265, %dma_start3A_266] : memref<24x128xi32, #tpu.memory_space<vmem>> -> memref<8x128xi32, #tpu.memory_space<vmem>>
        %dma_start3A_268 = arith.constant 0 : i32
        %dma_start3A_269 = tpu.memref_slice %arg4[%mul3A_262, %dma_start3A_268] : memref<2500x128xi32, #tpu.memory_space<hbm>> -> memref<8x128xi32, #tpu.memory_space<hbm>>
        %dma_start3A_270 = arith.constant 8 : i32
        %dma_start3A_271 = arith.constant 0 : i32
        %dma_start3A_272 = tpu.memref_slice %arg9[%dma_start3A_270, %dma_start3A_271] : memref<24x128xi32, #tpu.memory_space<vmem>> -> memref<8x128xi32, #tpu.memory_space<vmem>>
        %dma_start3A_273 = arith.constant 0 : i32
        %dma_start3A_274 = tpu.memref_slice %arg4[%mul3A_262, %dma_start3A_273] : memref<2500x128xi32, #tpu.memory_space<hbm>> -> memref<8x128xi32, #tpu.memory_space<hbm>>
        tpu.enqueue_dma source(%dma_start3A_274 : memref<8x128xi32, #tpu.memory_space<hbm>>) target(%dma_start3A_272 : memref<8x128xi32, #tpu.memory_space<vmem>>) target_semaphore(%run_scoped3A : memref<!tpu.dma_semaphore, #tpu.memory_space<semaphore_mem>>)
        %dma_wait3A_275 = arith.constant 8 : i32
        %dma_wait3A_276 = arith.constant 0 : i32
        %dma_wait3A_277 = tpu.memref_slice %arg9[%dma_wait3A_275, %dma_wait3A_276] : memref<24x128xi32, #tpu.memory_space<vmem>> -> memref<8x128xi32, #tpu.memory_space<vmem>>
        %dma_wait3A_278 = arith.constant 0 : i32
        %dma_wait3A_279 = tpu.memref_slice %arg4[%mul3A_262, %dma_wait3A_278] : memref<2500x128xi32, #tpu.memory_space<hbm>> -> memref<8x128xi32, #tpu.memory_space<hbm>>
        %dma_wait3A_280 = arith.constant 8 : i32
        %dma_wait3A_281 = arith.constant 0 : i32
        %dma_wait3A_282 = tpu.memref_slice %arg9[%dma_wait3A_280, %dma_wait3A_281] : memref<24x128xi32, #tpu.memory_space<vmem>> -> memref<8x128xi32, #tpu.memory_space<vmem>>
        %dma_wait3A_283 = arith.constant 0 : i32
        %dma_wait3A_284 = tpu.memref_slice %arg4[%mul3A_262, %dma_wait3A_283] : memref<2500x128xi32, #tpu.memory_space<hbm>> -> memref<8x128xi32, #tpu.memory_space<hbm>>
        tpu.wait_dma2 semaphore(%run_scoped3A : memref<!tpu.dma_semaphore, #tpu.memory_space<semaphore_mem>>) src(%dma_wait3A_284 : memref<8x128xi32, #tpu.memory_space<hbm>>) dst(%dma_wait3A_282 : memref<8x128xi32, #tpu.memory_space<vmem>>)
        tpu.yield
      }) : () -> ()
      %mul3A_263 = arith.constant 8 : i32
      %mul3A_264 = arith.muli %add3A_119, %mul3A_263 : i32
      "tpu.region"() ({
        %run_scoped3A = tpu.sem_alloc : memref<!tpu.dma_semaphore, #tpu.memory_space<semaphore_mem>>
        %dma_start3A_265 = arith.constant 8 : i32
        %dma_start3A_266 = arith.constant 0 : i32
        %dma_start3A_267 = tpu.memref_slice %arg10[%dma_start3A_265, %dma_start3A_266] : memref<24x128xi32, #tpu.memory_space<vmem>> -> memref<8x128xi32, #tpu.memory_space<vmem>>
        %dma_start3A_268 = arith.constant 0 : i32
        %dma_start3A_269 = tpu.memref_slice %arg5[%mul3A_264, %dma_start3A_268] : memref<2500x128xi32, #tpu.memory_space<hbm>> -> memref<8x128xi32, #tpu.memory_space<hbm>>
        %dma_start3A_270 = arith.constant 8 : i32
        %dma_start3A_271 = arith.constant 0 : i32
        %dma_start3A_272 = tpu.memref_slice %arg10[%dma_start3A_270, %dma_start3A_271] : memref<24x128xi32, #tpu.memory_space<vmem>> -> memref<8x128xi32, #tpu.memory_space<vmem>>
        %dma_start3A_273 = arith.constant 0 : i32
        %dma_start3A_274 = tpu.memref_slice %arg5[%mul3A_264, %dma_start3A_273] : memref<2500x128xi32, #tpu.memory_space<hbm>> -> memref<8x128xi32, #tpu.memory_space<hbm>>
        tpu.enqueue_dma source(%dma_start3A_274 : memref<8x128xi32, #tpu.memory_space<hbm>>) target(%dma_start3A_272 : memref<8x128xi32, #tpu.memory_space<vmem>>) target_semaphore(%run_scoped3A : memref<!tpu.dma_semaphore, #tpu.memory_space<semaphore_mem>>)
        %dma_wait3A_275 = arith.constant 8 : i32
        %dma_wait3A_276 = arith.constant 0 : i32
        %dma_wait3A_277 = tpu.memref_slice %arg10[%dma_wait3A_275, %dma_wait3A_276] : memref<24x128xi32, #tpu.memory_space<vmem>> -> memref<8x128xi32, #tpu.memory_space<vmem>>
        %dma_wait3A_278 = arith.constant 0 : i32
        %dma_wait3A_279 = tpu.memref_slice %arg5[%mul3A_264, %dma_wait3A_278] : memref<2500x128xi32, #tpu.memory_space<hbm>> -> memref<8x128xi32, #tpu.memory_space<hbm>>
        %dma_wait3A_280 = arith.constant 8 : i32
        %dma_wait3A_281 = arith.constant 0 : i32
        %dma_wait3A_282 = tpu.memref_slice %arg10[%dma_wait3A_280, %dma_wait3A_281] : memref<24x128xi32, #tpu.memory_space<vmem>> -> memref<8x128xi32, #tpu.memory_space<vmem>>
        %dma_wait3A_283 = arith.constant 0 : i32
        %dma_wait3A_284 = tpu.memref_slice %arg5[%mul3A_264, %dma_wait3A_283] : memref<2500x128xi32, #tpu.memory_space<hbm>> -> memref<8x128xi32, #tpu.memory_space<hbm>>
        tpu.wait_dma2 semaphore(%run_scoped3A : memref<!tpu.dma_semaphore, #tpu.memory_space<semaphore_mem>>) src(%dma_wait3A_284 : memref<8x128xi32, #tpu.memory_space<hbm>>) dst(%dma_wait3A_282 : memref<8x128xi32, #tpu.memory_space<vmem>>)
        tpu.yield
      }) : () -> ()
    } else {
    }
    %eq3A_125 = arith.constant 312 : i32
    %eq3A_126 = arith.cmpi eq, %add3A_119, %eq3A_125 : i32
    %convert_element_type3A_127 = arith.extui %eq3A_126 : i1 to i32
    %cond3A_128 = arith.constant 0 : i32
    %cond3A_129 = arith.cmpi ne, %convert_element_type3A_127, %cond3A_128 : i32
    scf.if %cond3A_129 {
      %mul3A_261 = arith.constant 8 : i32
      %mul3A_262 = arith.muli %add3A_119, %mul3A_261 : i32
      "tpu.region"() ({
        %run_scoped3A = tpu.sem_alloc : memref<!tpu.dma_semaphore, #tpu.memory_space<semaphore_mem>>
        %dma_start3A_265 = arith.constant 8 : i32
        %dma_start3A_266 = arith.constant 0 : i32
        %dma_start3A_267 = tpu.memref_slice %arg9[%dma_start3A_265, %dma_start3A_266] : memref<24x128xi32, #tpu.memory_space<vmem>> -> memref<4x128xi32, #tpu.memory_space<vmem>>
        %dma_start3A_268 = arith.constant 0 : i32
        %dma_start3A_269 = tpu.memref_slice %arg4[%mul3A_262, %dma_start3A_268] : memref<2500x128xi32, #tpu.memory_space<hbm>> -> memref<4x128xi32, #tpu.memory_space<hbm>>
        %dma_start3A_270 = arith.constant 8 : i32
        %dma_start3A_271 = arith.constant 0 : i32
        %dma_start3A_272 = tpu.memref_slice %arg9[%dma_start3A_270, %dma_start3A_271] : memref<24x128xi32, #tpu.memory_space<vmem>> -> memref<4x128xi32, #tpu.memory_space<vmem>>
        %dma_start3A_273 = arith.constant 0 : i32
        %dma_start3A_274 = tpu.memref_slice %arg4[%mul3A_262, %dma_start3A_273] : memref<2500x128xi32, #tpu.memory_space<hbm>> -> memref<4x128xi32, #tpu.memory_space<hbm>>
        tpu.enqueue_dma source(%dma_start3A_274 : memref<4x128xi32, #tpu.memory_space<hbm>>) target(%dma_start3A_272 : memref<4x128xi32, #tpu.memory_space<vmem>>) target_semaphore(%run_scoped3A : memref<!tpu.dma_semaphore, #tpu.memory_space<semaphore_mem>>)
        %dma_wait3A_275 = arith.constant 8 : i32
        %dma_wait3A_276 = arith.constant 0 : i32
        %dma_wait3A_277 = tpu.memref_slice %arg9[%dma_wait3A_275, %dma_wait3A_276] : memref<24x128xi32, #tpu.memory_space<vmem>> -> memref<4x128xi32, #tpu.memory_space<vmem>>
        %dma_wait3A_278 = arith.constant 0 : i32
        %dma_wait3A_279 = tpu.memref_slice %arg4[%mul3A_262, %dma_wait3A_278] : memref<2500x128xi32, #tpu.memory_space<hbm>> -> memref<4x128xi32, #tpu.memory_space<hbm>>
        %dma_wait3A_280 = arith.constant 8 : i32
        %dma_wait3A_281 = arith.constant 0 : i32
        %dma_wait3A_282 = tpu.memref_slice %arg9[%dma_wait3A_280, %dma_wait3A_281] : memref<24x128xi32, #tpu.memory_space<vmem>> -> memref<4x128xi32, #tpu.memory_space<vmem>>
        %dma_wait3A_283 = arith.constant 0 : i32
        %dma_wait3A_284 = tpu.memref_slice %arg4[%mul3A_262, %dma_wait3A_283] : memref<2500x128xi32, #tpu.memory_space<hbm>> -> memref<4x128xi32, #tpu.memory_space<hbm>>
        tpu.wait_dma2 semaphore(%run_scoped3A : memref<!tpu.dma_semaphore, #tpu.memory_space<semaphore_mem>>) src(%dma_wait3A_284 : memref<4x128xi32, #tpu.memory_space<hbm>>) dst(%dma_wait3A_282 : memref<4x128xi32, #tpu.memory_space<vmem>>)
        tpu.yield
      }) : () -> ()
      %mul3A_263 = arith.constant 8 : i32
      %mul3A_264 = arith.muli %add3A_119, %mul3A_263 : i32
      "tpu.region"() ({
        %run_scoped3A = tpu.sem_alloc : memref<!tpu.dma_semaphore, #tpu.memory_space<semaphore_mem>>
        %dma_start3A_265 = arith.constant 8 : i32
        %dma_start3A_266 = arith.constant 0 : i32
        %dma_start3A_267 = tpu.memref_slice %arg10[%dma_start3A_265, %dma_start3A_266] : memref<24x128xi32, #tpu.memory_space<vmem>> -> memref<4x128xi32, #tpu.memory_space<vmem>>
        %dma_start3A_268 = arith.constant 0 : i32
        %dma_start3A_269 = tpu.memref_slice %arg5[%mul3A_264, %dma_start3A_268] : memref<2500x128xi32, #tpu.memory_space<hbm>> -> memref<4x128xi32, #tpu.memory_space<hbm>>
        %dma_start3A_270 = arith.constant 8 : i32
        %dma_start3A_271 = arith.constant 0 : i32
        %dma_start3A_272 = tpu.memref_slice %arg10[%dma_start3A_270, %dma_start3A_271] : memref<24x128xi32, #tpu.memory_space<vmem>> -> memref<4x128xi32, #tpu.memory_space<vmem>>
        %dma_start3A_273 = arith.constant 0 : i32
        %dma_start3A_274 = tpu.memref_slice %arg5[%mul3A_264, %dma_start3A_273] : memref<2500x128xi32, #tpu.memory_space<hbm>> -> memref<4x128xi32, #tpu.memory_space<hbm>>
        tpu.enqueue_dma source(%dma_start3A_274 : memref<4x128xi32, #tpu.memory_space<hbm>>) target(%dma_start3A_272 : memref<4x128xi32, #tpu.memory_space<vmem>>) target_semaphore(%run_scoped3A : memref<!tpu.dma_semaphore, #tpu.memory_space<semaphore_mem>>)
        %dma_wait3A_275 = arith.constant 8 : i32
        %dma_wait3A_276 = arith.constant 0 : i32
        %dma_wait3A_277 = tpu.memref_slice %arg10[%dma_wait3A_275, %dma_wait3A_276] : memref<24x128xi32, #tpu.memory_space<vmem>> -> memref<4x128xi32, #tpu.memory_space<vmem>>
        %dma_wait3A_278 = arith.constant 0 : i32
        %dma_wait3A_279 = tpu.memref_slice %arg5[%mul3A_264, %dma_wait3A_278] : memref<2500x128xi32, #tpu.memory_space<hbm>> -> memref<4x128xi32, #tpu.memory_space<hbm>>
        %dma_wait3A_280 = arith.constant 8 : i32
        %dma_wait3A_281 = arith.constant 0 : i32
        %dma_wait3A_282 = tpu.memref_slice %arg10[%dma_wait3A_280, %dma_wait3A_281] : memref<24x128xi32, #tpu.memory_space<vmem>> -> memref<4x128xi32, #tpu.memory_space<vmem>>
        %dma_wait3A_283 = arith.constant 0 : i32
        %dma_wait3A_284 = tpu.memref_slice %arg5[%mul3A_264, %dma_wait3A_283] : memref<2500x128xi32, #tpu.memory_space<hbm>> -> memref<4x128xi32, #tpu.memory_space<hbm>>
        tpu.wait_dma2 semaphore(%run_scoped3A : memref<!tpu.dma_semaphore, #tpu.memory_space<semaphore_mem>>) src(%dma_wait3A_284 : memref<4x128xi32, #tpu.memory_space<hbm>>) dst(%dma_wait3A_282 : memref<4x128xi32, #tpu.memory_space<vmem>>)
        tpu.yield
      }) : () -> ()
    } else {
    }
    %mul3A_130 = arith.constant 10 : i32
    %mul3A_131 = arith.muli %add3A, %mul3A_130 : i32
    %add3A_132 = arith.constant 1 : i32
    %add3A_133 = arith.addi %mul3A_131, %add3A_132 : i32
    %lt3A_134 = arith.constant 312 : i32
    %lt3A_135 = arith.cmpi slt, %add3A_133, %lt3A_134 : i32
    %convert_element_type3A_136 = arith.extui %lt3A_135 : i1 to i32
    %cond3A_137 = arith.constant 0 : i32
    %cond3A_138 = arith.cmpi ne, %convert_element_type3A_136, %cond3A_137 : i32
    scf.if %cond3A_138 {
      %dma_start3A_261 = arith.constant 8 : i32
      %dma_start3A_262 = arith.constant 1024 : i32
      %dma_start3A_263 = arith.constant 0 : i32
      %dma_start3A_264 = tpu.memref_slice %arg11[%dma_start3A_262, %dma_start3A_263] : memref<3072x16xf32, #tpu.memory_space<vmem>> -> memref<128x16xf32, #tpu.memory_space<vmem>>
      %dma_start3A_265 = arith.constant 0 : i32
      %dma_start3A_266 = tpu.memref_slice %arg9[%dma_start3A_261, %dma_start3A_265] : memref<24x128xi32, #tpu.memory_space<vmem>> -> memref<1x128xi32, #tpu.memory_space<vmem>>
      %dma_start3A_267 = tpu.memref_squeeze %dma_start3A_266 : memref<1x128xi32, #tpu.memory_space<vmem>> -> memref<128xi32, #tpu.memory_space<vmem>>
      %dma_start3A_268 = arith.constant 0 : i32
      %dma_start3A_269 = arith.constant 0 : i32
      %dma_start3A_270 = tpu.memref_slice %arg15[%dma_start3A_268, %dma_start3A_269] : memref<10000x16xf32, #tpu.memory_space<vmem_shared>> -> memref<10000x16xf32, #tpu.memory_space<vmem_shared>>
      tpu.enqueue_indirect_dma source(%dma_start3A_270 : memref<10000x16xf32, #tpu.memory_space<vmem_shared>>) target(%dma_start3A_264 : memref<128x16xf32, #tpu.memory_space<vmem>>) offsets(%dma_start3A_267 : memref<128xi32, #tpu.memory_space<vmem>>) semaphore(%arg17 : memref<!tpu.dma_semaphore, #tpu.memory_space<semaphore_mem>>)
      %dma_start3A_271 = arith.constant 9 : i32
      %dma_start3A_272 = arith.constant 1152 : i32
      %dma_start3A_273 = arith.constant 0 : i32
      %dma_start3A_274 = tpu.memref_slice %arg11[%dma_start3A_272, %dma_start3A_273] : memref<3072x16xf32, #tpu.memory_space<vmem>> -> memref<128x16xf32, #tpu.memory_space<vmem>>
      %dma_start3A_275 = arith.constant 0 : i32
      %dma_start3A_276 = tpu.memref_slice %arg9[%dma_start3A_271, %dma_start3A_275] : memref<24x128xi32, #tpu.memory_space<vmem>> -> memref<1x128xi32, #tpu.memory_space<vmem>>
      %dma_start3A_277 = tpu.memref_squeeze %dma_start3A_276 : memref<1x128xi32, #tpu.memory_space<vmem>> -> memref<128xi32, #tpu.memory_space<vmem>>
      %dma_start3A_278 = arith.constant 0 : i32
      %dma_start3A_279 = arith.constant 0 : i32
      %dma_start3A_280 = tpu.memref_slice %arg15[%dma_start3A_278, %dma_start3A_279] : memref<10000x16xf32, #tpu.memory_space<vmem_shared>> -> memref<10000x16xf32, #tpu.memory_space<vmem_shared>>
      tpu.enqueue_indirect_dma source(%dma_start3A_280 : memref<10000x16xf32, #tpu.memory_space<vmem_shared>>) target(%dma_start3A_274 : memref<128x16xf32, #tpu.memory_space<vmem>>) offsets(%dma_start3A_277 : memref<128xi32, #tpu.memory_space<vmem>>) semaphore(%arg17 : memref<!tpu.dma_semaphore, #tpu.memory_space<semaphore_mem>>)
      %dma_start3A_281 = arith.constant 10 : i32
      %dma_start3A_282 = arith.constant 1280 : i32
      %dma_start3A_283 = arith.constant 0 : i32
      %dma_start3A_284 = tpu.memref_slice %arg11[%dma_start3A_282, %dma_start3A_283] : memref<3072x16xf32, #tpu.memory_space<vmem>> -> memref<128x16xf32, #tpu.memory_space<vmem>>
      %dma_start3A_285 = arith.constant 0 : i32
      %dma_start3A_286 = tpu.memref_slice %arg9[%dma_start3A_281, %dma_start3A_285] : memref<24x128xi32, #tpu.memory_space<vmem>> -> memref<1x128xi32, #tpu.memory_space<vmem>>
      %dma_start3A_287 = tpu.memref_squeeze %dma_start3A_286 : memref<1x128xi32, #tpu.memory_space<vmem>> -> memref<128xi32, #tpu.memory_space<vmem>>
      %dma_start3A_288 = arith.constant 0 : i32
      %dma_start3A_289 = arith.constant 0 : i32
      %dma_start3A_290 = tpu.memref_slice %arg15[%dma_start3A_288, %dma_start3A_289] : memref<10000x16xf32, #tpu.memory_space<vmem_shared>> -> memref<10000x16xf32, #tpu.memory_space<vmem_shared>>
      tpu.enqueue_indirect_dma source(%dma_start3A_290 : memref<10000x16xf32, #tpu.memory_space<vmem_shared>>) target(%dma_start3A_284 : memref<128x16xf32, #tpu.memory_space<vmem>>) offsets(%dma_start3A_287 : memref<128xi32, #tpu.memory_space<vmem>>) semaphore(%arg17 : memref<!tpu.dma_semaphore, #tpu.memory_space<semaphore_mem>>)
      %dma_start3A_291 = arith.constant 11 : i32
      %dma_start3A_292 = arith.constant 1408 : i32
      %dma_start3A_293 = arith.constant 0 : i32
      %dma_start3A_294 = tpu.memref_slice %arg11[%dma_start3A_292, %dma_start3A_293] : memref<3072x16xf32, #tpu.memory_space<vmem>> -> memref<128x16xf32, #tpu.memory_space<vmem>>
      %dma_start3A_295 = arith.constant 0 : i32
      %dma_start3A_296 = tpu.memref_slice %arg9[%dma_start3A_291, %dma_start3A_295] : memref<24x128xi32, #tpu.memory_space<vmem>> -> memref<1x128xi32, #tpu.memory_space<vmem>>
      %dma_start3A_297 = tpu.memref_squeeze %dma_start3A_296 : memref<1x128xi32, #tpu.memory_space<vmem>> -> memref<128xi32, #tpu.memory_space<vmem>>
      %dma_start3A_298 = arith.constant 0 : i32
      %dma_start3A_299 = arith.constant 0 : i32
      %dma_start3A_300 = tpu.memref_slice %arg15[%dma_start3A_298, %dma_start3A_299] : memref<10000x16xf32, #tpu.memory_space<vmem_shared>> -> memref<10000x16xf32, #tpu.memory_space<vmem_shared>>
      tpu.enqueue_indirect_dma source(%dma_start3A_300 : memref<10000x16xf32, #tpu.memory_space<vmem_shared>>) target(%dma_start3A_294 : memref<128x16xf32, #tpu.memory_space<vmem>>) offsets(%dma_start3A_297 : memref<128xi32, #tpu.memory_space<vmem>>) semaphore(%arg17 : memref<!tpu.dma_semaphore, #tpu.memory_space<semaphore_mem>>)
      %dma_start3A_301 = arith.constant 12 : i32
      %dma_start3A_302 = arith.constant 1536 : i32
      %dma_start3A_303 = arith.constant 0 : i32
      %dma_start3A_304 = tpu.memref_slice %arg11[%dma_start3A_302, %dma_start3A_303] : memref<3072x16xf32, #tpu.memory_space<vmem>> -> memref<128x16xf32, #tpu.memory_space<vmem>>
      %dma_start3A_305 = arith.constant 0 : i32
      %dma_start3A_306 = tpu.memref_slice %arg9[%dma_start3A_301, %dma_start3A_305] : memref<24x128xi32, #tpu.memory_space<vmem>> -> memref<1x128xi32, #tpu.memory_space<vmem>>
      %dma_start3A_307 = tpu.memref_squeeze %dma_start3A_306 : memref<1x128xi32, #tpu.memory_space<vmem>> -> memref<128xi32, #tpu.memory_space<vmem>>
      %dma_start3A_308 = arith.constant 0 : i32
      %dma_start3A_309 = arith.constant 0 : i32
      %dma_start3A_310 = tpu.memref_slice %arg15[%dma_start3A_308, %dma_start3A_309] : memref<10000x16xf32, #tpu.memory_space<vmem_shared>> -> memref<10000x16xf32, #tpu.memory_space<vmem_shared>>
      tpu.enqueue_indirect_dma source(%dma_start3A_310 : memref<10000x16xf32, #tpu.memory_space<vmem_shared>>) target(%dma_start3A_304 : memref<128x16xf32, #tpu.memory_space<vmem>>) offsets(%dma_start3A_307 : memref<128xi32, #tpu.memory_space<vmem>>) semaphore(%arg17 : memref<!tpu.dma_semaphore, #tpu.memory_space<semaphore_mem>>)
      %dma_start3A_311 = arith.constant 13 : i32
      %dma_start3A_312 = arith.constant 1664 : i32
      %dma_start3A_313 = arith.constant 0 : i32
      %dma_start3A_314 = tpu.memref_slice %arg11[%dma_start3A_312, %dma_start3A_313] : memref<3072x16xf32, #tpu.memory_space<vmem>> -> memref<128x16xf32, #tpu.memory_space<vmem>>
      %dma_start3A_315 = arith.constant 0 : i32
      %dma_start3A_316 = tpu.memref_slice %arg9[%dma_start3A_311, %dma_start3A_315] : memref<24x128xi32, #tpu.memory_space<vmem>> -> memref<1x128xi32, #tpu.memory_space<vmem>>
      %dma_start3A_317 = tpu.memref_squeeze %dma_start3A_316 : memref<1x128xi32, #tpu.memory_space<vmem>> -> memref<128xi32, #tpu.memory_space<vmem>>
      %dma_start3A_318 = arith.constant 0 : i32
      %dma_start3A_319 = arith.constant 0 : i32
      %dma_start3A_320 = tpu.memref_slice %arg15[%dma_start3A_318, %dma_start3A_319] : memref<10000x16xf32, #tpu.memory_space<vmem_shared>> -> memref<10000x16xf32, #tpu.memory_space<vmem_shared>>
      tpu.enqueue_indirect_dma source(%dma_start3A_320 : memref<10000x16xf32, #tpu.memory_space<vmem_shared>>) target(%dma_start3A_314 : memref<128x16xf32, #tpu.memory_space<vmem>>) offsets(%dma_start3A_317 : memref<128xi32, #tpu.memory_space<vmem>>) semaphore(%arg17 : memref<!tpu.dma_semaphore, #tpu.memory_space<semaphore_mem>>)
      %dma_start3A_321 = arith.constant 14 : i32
      %dma_start3A_322 = arith.constant 1792 : i32
      %dma_start3A_323 = arith.constant 0 : i32
      %dma_start3A_324 = tpu.memref_slice %arg11[%dma_start3A_322, %dma_start3A_323] : memref<3072x16xf32, #tpu.memory_space<vmem>> -> memref<128x16xf32, #tpu.memory_space<vmem>>
      %dma_start3A_325 = arith.constant 0 : i32
      %dma_start3A_326 = tpu.memref_slice %arg9[%dma_start3A_321, %dma_start3A_325] : memref<24x128xi32, #tpu.memory_space<vmem>> -> memref<1x128xi32, #tpu.memory_space<vmem>>
      %dma_start3A_327 = tpu.memref_squeeze %dma_start3A_326 : memref<1x128xi32, #tpu.memory_space<vmem>> -> memref<128xi32, #tpu.memory_space<vmem>>
      %dma_start3A_328 = arith.constant 0 : i32
      %dma_start3A_329 = arith.constant 0 : i32
      %dma_start3A_330 = tpu.memref_slice %arg15[%dma_start3A_328, %dma_start3A_329] : memref<10000x16xf32, #tpu.memory_space<vmem_shared>> -> memref<10000x16xf32, #tpu.memory_space<vmem_shared>>
      tpu.enqueue_indirect_dma source(%dma_start3A_330 : memref<10000x16xf32, #tpu.memory_space<vmem_shared>>) target(%dma_start3A_324 : memref<128x16xf32, #tpu.memory_space<vmem>>) offsets(%dma_start3A_327 : memref<128xi32, #tpu.memory_space<vmem>>) semaphore(%arg17 : memref<!tpu.dma_semaphore, #tpu.memory_space<semaphore_mem>>)
      %dma_start3A_331 = arith.constant 15 : i32
      %dma_start3A_332 = arith.constant 1920 : i32
      %dma_start3A_333 = arith.constant 0 : i32
      %dma_start3A_334 = tpu.memref_slice %arg11[%dma_start3A_332, %dma_start3A_333] : memref<3072x16xf32, #tpu.memory_space<vmem>> -> memref<128x16xf32, #tpu.memory_space<vmem>>
      %dma_start3A_335 = arith.constant 0 : i32
      %dma_start3A_336 = tpu.memref_slice %arg9[%dma_start3A_331, %dma_start3A_335] : memref<24x128xi32, #tpu.memory_space<vmem>> -> memref<1x128xi32, #tpu.memory_space<vmem>>
      %dma_start3A_337 = tpu.memref_squeeze %dma_start3A_336 : memref<1x128xi32, #tpu.memory_space<vmem>> -> memref<128xi32, #tpu.memory_space<vmem>>
      %dma_start3A_338 = arith.constant 0 : i32
      %dma_start3A_339 = arith.constant 0 : i32
      %dma_start3A_340 = tpu.memref_slice %arg15[%dma_start3A_338, %dma_start3A_339] : memref<10000x16xf32, #tpu.memory_space<vmem_shared>> -> memref<10000x16xf32, #tpu.memory_space<vmem_shared>>
      tpu.enqueue_indirect_dma source(%dma_start3A_340 : memref<10000x16xf32, #tpu.memory_space<vmem_shared>>) target(%dma_start3A_334 : memref<128x16xf32, #tpu.memory_space<vmem>>) offsets(%dma_start3A_337 : memref<128xi32, #tpu.memory_space<vmem>>) semaphore(%arg17 : memref<!tpu.dma_semaphore, #tpu.memory_space<semaphore_mem>>)
    } else {
    }
    %eq3A_139 = arith.constant 312 : i32
    %eq3A_140 = arith.cmpi eq, %add3A_133, %eq3A_139 : i32
    %convert_element_type3A_141 = arith.extui %eq3A_140 : i1 to i32
    %cond3A_142 = arith.constant 0 : i32
    %cond3A_143 = arith.cmpi ne, %convert_element_type3A_141, %cond3A_142 : i32
    scf.if %cond3A_143 {
      %dma_start3A_261 = arith.constant 8 : i32
      %dma_start3A_262 = arith.constant 1024 : i32
      %dma_start3A_263 = arith.constant 0 : i32
      %dma_start3A_264 = tpu.memref_slice %arg11[%dma_start3A_262, %dma_start3A_263] : memref<3072x16xf32, #tpu.memory_space<vmem>> -> memref<128x16xf32, #tpu.memory_space<vmem>>
      %dma_start3A_265 = arith.constant 0 : i32
      %dma_start3A_266 = tpu.memref_slice %arg9[%dma_start3A_261, %dma_start3A_265] : memref<24x128xi32, #tpu.memory_space<vmem>> -> memref<1x128xi32, #tpu.memory_space<vmem>>
      %dma_start3A_267 = tpu.memref_squeeze %dma_start3A_266 : memref<1x128xi32, #tpu.memory_space<vmem>> -> memref<128xi32, #tpu.memory_space<vmem>>
      %dma_start3A_268 = arith.constant 0 : i32
      %dma_start3A_269 = arith.constant 0 : i32
      %dma_start3A_270 = tpu.memref_slice %arg15[%dma_start3A_268, %dma_start3A_269] : memref<10000x16xf32, #tpu.memory_space<vmem_shared>> -> memref<10000x16xf32, #tpu.memory_space<vmem_shared>>
      tpu.enqueue_indirect_dma source(%dma_start3A_270 : memref<10000x16xf32, #tpu.memory_space<vmem_shared>>) target(%dma_start3A_264 : memref<128x16xf32, #tpu.memory_space<vmem>>) offsets(%dma_start3A_267 : memref<128xi32, #tpu.memory_space<vmem>>) semaphore(%arg17 : memref<!tpu.dma_semaphore, #tpu.memory_space<semaphore_mem>>)
      %dma_start3A_271 = arith.constant 9 : i32
      %dma_start3A_272 = arith.constant 1152 : i32
      %dma_start3A_273 = arith.constant 0 : i32
      %dma_start3A_274 = tpu.memref_slice %arg11[%dma_start3A_272, %dma_start3A_273] : memref<3072x16xf32, #tpu.memory_space<vmem>> -> memref<128x16xf32, #tpu.memory_space<vmem>>
      %dma_start3A_275 = arith.constant 0 : i32
      %dma_start3A_276 = tpu.memref_slice %arg9[%dma_start3A_271, %dma_start3A_275] : memref<24x128xi32, #tpu.memory_space<vmem>> -> memref<1x128xi32, #tpu.memory_space<vmem>>
      %dma_start3A_277 = tpu.memref_squeeze %dma_start3A_276 : memref<1x128xi32, #tpu.memory_space<vmem>> -> memref<128xi32, #tpu.memory_space<vmem>>
      %dma_start3A_278 = arith.constant 0 : i32
      %dma_start3A_279 = arith.constant 0 : i32
      %dma_start3A_280 = tpu.memref_slice %arg15[%dma_start3A_278, %dma_start3A_279] : memref<10000x16xf32, #tpu.memory_space<vmem_shared>> -> memref<10000x16xf32, #tpu.memory_space<vmem_shared>>
      tpu.enqueue_indirect_dma source(%dma_start3A_280 : memref<10000x16xf32, #tpu.memory_space<vmem_shared>>) target(%dma_start3A_274 : memref<128x16xf32, #tpu.memory_space<vmem>>) offsets(%dma_start3A_277 : memref<128xi32, #tpu.memory_space<vmem>>) semaphore(%arg17 : memref<!tpu.dma_semaphore, #tpu.memory_space<semaphore_mem>>)
      %dma_start3A_281 = arith.constant 10 : i32
      %dma_start3A_282 = arith.constant 1280 : i32
      %dma_start3A_283 = arith.constant 0 : i32
      %dma_start3A_284 = tpu.memref_slice %arg11[%dma_start3A_282, %dma_start3A_283] : memref<3072x16xf32, #tpu.memory_space<vmem>> -> memref<128x16xf32, #tpu.memory_space<vmem>>
      %dma_start3A_285 = arith.constant 0 : i32
      %dma_start3A_286 = tpu.memref_slice %arg9[%dma_start3A_281, %dma_start3A_285] : memref<24x128xi32, #tpu.memory_space<vmem>> -> memref<1x128xi32, #tpu.memory_space<vmem>>
      %dma_start3A_287 = tpu.memref_squeeze %dma_start3A_286 : memref<1x128xi32, #tpu.memory_space<vmem>> -> memref<128xi32, #tpu.memory_space<vmem>>
      %dma_start3A_288 = arith.constant 0 : i32
      %dma_start3A_289 = arith.constant 0 : i32
      %dma_start3A_290 = tpu.memref_slice %arg15[%dma_start3A_288, %dma_start3A_289] : memref<10000x16xf32, #tpu.memory_space<vmem_shared>> -> memref<10000x16xf32, #tpu.memory_space<vmem_shared>>
      tpu.enqueue_indirect_dma source(%dma_start3A_290 : memref<10000x16xf32, #tpu.memory_space<vmem_shared>>) target(%dma_start3A_284 : memref<128x16xf32, #tpu.memory_space<vmem>>) offsets(%dma_start3A_287 : memref<128xi32, #tpu.memory_space<vmem>>) semaphore(%arg17 : memref<!tpu.dma_semaphore, #tpu.memory_space<semaphore_mem>>)
      %dma_start3A_291 = arith.constant 11 : i32
      %dma_start3A_292 = arith.constant 1408 : i32
      %dma_start3A_293 = arith.constant 0 : i32
      %dma_start3A_294 = tpu.memref_slice %arg11[%dma_start3A_292, %dma_start3A_293] : memref<3072x16xf32, #tpu.memory_space<vmem>> -> memref<128x16xf32, #tpu.memory_space<vmem>>
      %dma_start3A_295 = arith.constant 0 : i32
      %dma_start3A_296 = tpu.memref_slice %arg9[%dma_start3A_291, %dma_start3A_295] : memref<24x128xi32, #tpu.memory_space<vmem>> -> memref<1x128xi32, #tpu.memory_space<vmem>>
      %dma_start3A_297 = tpu.memref_squeeze %dma_start3A_296 : memref<1x128xi32, #tpu.memory_space<vmem>> -> memref<128xi32, #tpu.memory_space<vmem>>
      %dma_start3A_298 = arith.constant 0 : i32
      %dma_start3A_299 = arith.constant 0 : i32
      %dma_start3A_300 = tpu.memref_slice %arg15[%dma_start3A_298, %dma_start3A_299] : memref<10000x16xf32, #tpu.memory_space<vmem_shared>> -> memref<10000x16xf32, #tpu.memory_space<vmem_shared>>
      tpu.enqueue_indirect_dma source(%dma_start3A_300 : memref<10000x16xf32, #tpu.memory_space<vmem_shared>>) target(%dma_start3A_294 : memref<128x16xf32, #tpu.memory_space<vmem>>) offsets(%dma_start3A_297 : memref<128xi32, #tpu.memory_space<vmem>>) semaphore(%arg17 : memref<!tpu.dma_semaphore, #tpu.memory_space<semaphore_mem>>)
    } else {
    }
    %mul3A_144 = arith.constant 10 : i32
    %mul3A_145 = arith.muli %add3A, %mul3A_144 : i32
    %add3A_146 = arith.constant 0 : i32
    %add3A_147 = arith.addi %mul3A_145, %add3A_146 : i32
    %lt3A_148 = arith.constant 312 : i32
    %lt3A_149 = arith.cmpi slt, %add3A_147, %lt3A_148 : i32
    %convert_element_type3A_150 = arith.extui %lt3A_149 : i1 to i32
    %cond3A_151 = arith.constant 0 : i32
    %cond3A_152 = arith.cmpi ne, %convert_element_type3A_150, %cond3A_151 : i32
    scf.if %cond3A_152 {
      %dma_wait3A_261 = arith.constant 0 : i32
      %dma_wait3A_262 = arith.constant 0 : i32
      %dma_wait3A_263 = tpu.memref_slice %arg11[%dma_wait3A_261, %dma_wait3A_262] : memref<3072x16xf32, #tpu.memory_space<vmem>> -> memref<128x16xf32, #tpu.memory_space<vmem>>
      %dma_wait3A_264 = arith.constant 0 : i32
      %dma_wait3A_265 = arith.constant 0 : i32
      %dma_wait3A_266 = tpu.memref_slice %arg2[%dma_wait3A_264, %dma_wait3A_265] : memref<10000x16xf32, #tpu.memory_space<hbm>> -> memref<128x16xf32, #tpu.memory_space<hbm>>
      %dma_wait3A_267 = arith.constant 0 : i32
      %dma_wait3A_268 = arith.constant 0 : i32
      %dma_wait3A_269 = tpu.memref_slice %arg11[%dma_wait3A_267, %dma_wait3A_268] : memref<3072x16xf32, #tpu.memory_space<vmem>> -> memref<128x16xf32, #tpu.memory_space<vmem>>
      %dma_wait3A_270 = arith.constant 0 : i32
      %dma_wait3A_271 = arith.constant 0 : i32
      %dma_wait3A_272 = tpu.memref_slice %arg2[%dma_wait3A_270, %dma_wait3A_271] : memref<10000x16xf32, #tpu.memory_space<hbm>> -> memref<128x16xf32, #tpu.memory_space<hbm>>
      tpu.wait_dma2 semaphore(%arg17 : memref<!tpu.dma_semaphore, #tpu.memory_space<semaphore_mem>>) src(%dma_wait3A_272 : memref<128x16xf32, #tpu.memory_space<hbm>>) dst(%dma_wait3A_269 : memref<128x16xf32, #tpu.memory_space<vmem>>)
      %dma_wait3A_273 = arith.constant 128 : i32
      %dma_wait3A_274 = arith.constant 0 : i32
      %dma_wait3A_275 = tpu.memref_slice %arg11[%dma_wait3A_273, %dma_wait3A_274] : memref<3072x16xf32, #tpu.memory_space<vmem>> -> memref<128x16xf32, #tpu.memory_space<vmem>>
      %dma_wait3A_276 = arith.constant 0 : i32
      %dma_wait3A_277 = arith.constant 0 : i32
      %dma_wait3A_278 = tpu.memref_slice %arg2[%dma_wait3A_276, %dma_wait3A_277] : memref<10000x16xf32, #tpu.memory_space<hbm>> -> memref<128x16xf32, #tpu.memory_space<hbm>>
      %dma_wait3A_279 = arith.constant 128 : i32
      %dma_wait3A_280 = arith.constant 0 : i32
      %dma_wait3A_281 = tpu.memref_slice %arg11[%dma_wait3A_279, %dma_wait3A_280] : memref<3072x16xf32, #tpu.memory_space<vmem>> -> memref<128x16xf32, #tpu.memory_space<vmem>>
      %dma_wait3A_282 = arith.constant 0 : i32
      %dma_wait3A_283 = arith.constant 0 : i32
      %dma_wait3A_284 = tpu.memref_slice %arg2[%dma_wait3A_282, %dma_wait3A_283] : memref<10000x16xf32, #tpu.memory_space<hbm>> -> memref<128x16xf32, #tpu.memory_space<hbm>>
      tpu.wait_dma2 semaphore(%arg17 : memref<!tpu.dma_semaphore, #tpu.memory_space<semaphore_mem>>) src(%dma_wait3A_284 : memref<128x16xf32, #tpu.memory_space<hbm>>) dst(%dma_wait3A_281 : memref<128x16xf32, #tpu.memory_space<vmem>>)
      %dma_wait3A_285 = arith.constant 256 : i32
      %dma_wait3A_286 = arith.constant 0 : i32
      %dma_wait3A_287 = tpu.memref_slice %arg11[%dma_wait3A_285, %dma_wait3A_286] : memref<3072x16xf32, #tpu.memory_space<vmem>> -> memref<128x16xf32, #tpu.memory_space<vmem>>
      %dma_wait3A_288 = arith.constant 0 : i32
      %dma_wait3A_289 = arith.constant 0 : i32
      %dma_wait3A_290 = tpu.memref_slice %arg2[%dma_wait3A_288, %dma_wait3A_289] : memref<10000x16xf32, #tpu.memory_space<hbm>> -> memref<128x16xf32, #tpu.memory_space<hbm>>
      %dma_wait3A_291 = arith.constant 256 : i32
      %dma_wait3A_292 = arith.constant 0 : i32
      %dma_wait3A_293 = tpu.memref_slice %arg11[%dma_wait3A_291, %dma_wait3A_292] : memref<3072x16xf32, #tpu.memory_space<vmem>> -> memref<128x16xf32, #tpu.memory_space<vmem>>
      %dma_wait3A_294 = arith.constant 0 : i32
      %dma_wait3A_295 = arith.constant 0 : i32
      %dma_wait3A_296 = tpu.memref_slice %arg2[%dma_wait3A_294, %dma_wait3A_295] : memref<10000x16xf32, #tpu.memory_space<hbm>> -> memref<128x16xf32, #tpu.memory_space<hbm>>
      tpu.wait_dma2 semaphore(%arg17 : memref<!tpu.dma_semaphore, #tpu.memory_space<semaphore_mem>>) src(%dma_wait3A_296 : memref<128x16xf32, #tpu.memory_space<hbm>>) dst(%dma_wait3A_293 : memref<128x16xf32, #tpu.memory_space<vmem>>)
      %dma_wait3A_297 = arith.constant 384 : i32
      %dma_wait3A_298 = arith.constant 0 : i32
      %dma_wait3A_299 = tpu.memref_slice %arg11[%dma_wait3A_297, %dma_wait3A_298] : memref<3072x16xf32, #tpu.memory_space<vmem>> -> memref<128x16xf32, #tpu.memory_space<vmem>>
      %dma_wait3A_300 = arith.constant 0 : i32
      %dma_wait3A_301 = arith.constant 0 : i32
      %dma_wait3A_302 = tpu.memref_slice %arg2[%dma_wait3A_300, %dma_wait3A_301] : memref<10000x16xf32, #tpu.memory_space<hbm>> -> memref<128x16xf32, #tpu.memory_space<hbm>>
      %dma_wait3A_303 = arith.constant 384 : i32
      %dma_wait3A_304 = arith.constant 0 : i32
      %dma_wait3A_305 = tpu.memref_slice %arg11[%dma_wait3A_303, %dma_wait3A_304] : memref<3072x16xf32, #tpu.memory_space<vmem>> -> memref<128x16xf32, #tpu.memory_space<vmem>>
      %dma_wait3A_306 = arith.constant 0 : i32
      %dma_wait3A_307 = arith.constant 0 : i32
      %dma_wait3A_308 = tpu.memref_slice %arg2[%dma_wait3A_306, %dma_wait3A_307] : memref<10000x16xf32, #tpu.memory_space<hbm>> -> memref<128x16xf32, #tpu.memory_space<hbm>>
      tpu.wait_dma2 semaphore(%arg17 : memref<!tpu.dma_semaphore, #tpu.memory_space<semaphore_mem>>) src(%dma_wait3A_308 : memref<128x16xf32, #tpu.memory_space<hbm>>) dst(%dma_wait3A_305 : memref<128x16xf32, #tpu.memory_space<vmem>>)
      %dma_wait3A_309 = arith.constant 512 : i32
      %dma_wait3A_310 = arith.constant 0 : i32
      %dma_wait3A_311 = tpu.memref_slice %arg11[%dma_wait3A_309, %dma_wait3A_310] : memref<3072x16xf32, #tpu.memory_space<vmem>> -> memref<128x16xf32, #tpu.memory_space<vmem>>
      %dma_wait3A_312 = arith.constant 0 : i32
      %dma_wait3A_313 = arith.constant 0 : i32
      %dma_wait3A_314 = tpu.memref_slice %arg2[%dma_wait3A_312, %dma_wait3A_313] : memref<10000x16xf32, #tpu.memory_space<hbm>> -> memref<128x16xf32, #tpu.memory_space<hbm>>
      %dma_wait3A_315 = arith.constant 512 : i32
      %dma_wait3A_316 = arith.constant 0 : i32
      %dma_wait3A_317 = tpu.memref_slice %arg11[%dma_wait3A_315, %dma_wait3A_316] : memref<3072x16xf32, #tpu.memory_space<vmem>> -> memref<128x16xf32, #tpu.memory_space<vmem>>
      %dma_wait3A_318 = arith.constant 0 : i32
      %dma_wait3A_319 = arith.constant 0 : i32
      %dma_wait3A_320 = tpu.memref_slice %arg2[%dma_wait3A_318, %dma_wait3A_319] : memref<10000x16xf32, #tpu.memory_space<hbm>> -> memref<128x16xf32, #tpu.memory_space<hbm>>
      tpu.wait_dma2 semaphore(%arg17 : memref<!tpu.dma_semaphore, #tpu.memory_space<semaphore_mem>>) src(%dma_wait3A_320 : memref<128x16xf32, #tpu.memory_space<hbm>>) dst(%dma_wait3A_317 : memref<128x16xf32, #tpu.memory_space<vmem>>)
      %dma_wait3A_321 = arith.constant 640 : i32
      %dma_wait3A_322 = arith.constant 0 : i32
      %dma_wait3A_323 = tpu.memref_slice %arg11[%dma_wait3A_321, %dma_wait3A_322] : memref<3072x16xf32, #tpu.memory_space<vmem>> -> memref<128x16xf32, #tpu.memory_space<vmem>>
      %dma_wait3A_324 = arith.constant 0 : i32
      %dma_wait3A_325 = arith.constant 0 : i32
      %dma_wait3A_326 = tpu.memref_slice %arg2[%dma_wait3A_324, %dma_wait3A_325] : memref<10000x16xf32, #tpu.memory_space<hbm>> -> memref<128x16xf32, #tpu.memory_space<hbm>>
      %dma_wait3A_327 = arith.constant 640 : i32
      %dma_wait3A_328 = arith.constant 0 : i32
      %dma_wait3A_329 = tpu.memref_slice %arg11[%dma_wait3A_327, %dma_wait3A_328] : memref<3072x16xf32, #tpu.memory_space<vmem>> -> memref<128x16xf32, #tpu.memory_space<vmem>>
      %dma_wait3A_330 = arith.constant 0 : i32
      %dma_wait3A_331 = arith.constant 0 : i32
      %dma_wait3A_332 = tpu.memref_slice %arg2[%dma_wait3A_330, %dma_wait3A_331] : memref<10000x16xf32, #tpu.memory_space<hbm>> -> memref<128x16xf32, #tpu.memory_space<hbm>>
      tpu.wait_dma2 semaphore(%arg17 : memref<!tpu.dma_semaphore, #tpu.memory_space<semaphore_mem>>) src(%dma_wait3A_332 : memref<128x16xf32, #tpu.memory_space<hbm>>) dst(%dma_wait3A_329 : memref<128x16xf32, #tpu.memory_space<vmem>>)
      %dma_wait3A_333 = arith.constant 768 : i32
      %dma_wait3A_334 = arith.constant 0 : i32
      %dma_wait3A_335 = tpu.memref_slice %arg11[%dma_wait3A_333, %dma_wait3A_334] : memref<3072x16xf32, #tpu.memory_space<vmem>> -> memref<128x16xf32, #tpu.memory_space<vmem>>
      %dma_wait3A_336 = arith.constant 0 : i32
      %dma_wait3A_337 = arith.constant 0 : i32
      %dma_wait3A_338 = tpu.memref_slice %arg2[%dma_wait3A_336, %dma_wait3A_337] : memref<10000x16xf32, #tpu.memory_space<hbm>> -> memref<128x16xf32, #tpu.memory_space<hbm>>
      %dma_wait3A_339 = arith.constant 768 : i32
      %dma_wait3A_340 = arith.constant 0 : i32
      %dma_wait3A_341 = tpu.memref_slice %arg11[%dma_wait3A_339, %dma_wait3A_340] : memref<3072x16xf32, #tpu.memory_space<vmem>> -> memref<128x16xf32, #tpu.memory_space<vmem>>
      %dma_wait3A_342 = arith.constant 0 : i32
      %dma_wait3A_343 = arith.constant 0 : i32
      %dma_wait3A_344 = tpu.memref_slice %arg2[%dma_wait3A_342, %dma_wait3A_343] : memref<10000x16xf32, #tpu.memory_space<hbm>> -> memref<128x16xf32, #tpu.memory_space<hbm>>
      tpu.wait_dma2 semaphore(%arg17 : memref<!tpu.dma_semaphore, #tpu.memory_space<semaphore_mem>>) src(%dma_wait3A_344 : memref<128x16xf32, #tpu.memory_space<hbm>>) dst(%dma_wait3A_341 : memref<128x16xf32, #tpu.memory_space<vmem>>)
      %dma_wait3A_345 = arith.constant 896 : i32
      %dma_wait3A_346 = arith.constant 0 : i32
      %dma_wait3A_347 = tpu.memref_slice %arg11[%dma_wait3A_345, %dma_wait3A_346] : memref<3072x16xf32, #tpu.memory_space<vmem>> -> memref<128x16xf32, #tpu.memory_space<vmem>>
      %dma_wait3A_348 = arith.constant 0 : i32
      %dma_wait3A_349 = arith.constant 0 : i32
      %dma_wait3A_350 = tpu.memref_slice %arg2[%dma_wait3A_348, %dma_wait3A_349] : memref<10000x16xf32, #tpu.memory_space<hbm>> -> memref<128x16xf32, #tpu.memory_space<hbm>>
      %dma_wait3A_351 = arith.constant 896 : i32
      %dma_wait3A_352 = arith.constant 0 : i32
      %dma_wait3A_353 = tpu.memref_slice %arg11[%dma_wait3A_351, %dma_wait3A_352] : memref<3072x16xf32, #tpu.memory_space<vmem>> -> memref<128x16xf32, #tpu.memory_space<vmem>>
      %dma_wait3A_354 = arith.constant 0 : i32
      %dma_wait3A_355 = arith.constant 0 : i32
      %dma_wait3A_356 = tpu.memref_slice %arg2[%dma_wait3A_354, %dma_wait3A_355] : memref<10000x16xf32, #tpu.memory_space<hbm>> -> memref<128x16xf32, #tpu.memory_space<hbm>>
      tpu.wait_dma2 semaphore(%arg17 : memref<!tpu.dma_semaphore, #tpu.memory_space<semaphore_mem>>) src(%dma_wait3A_356 : memref<128x16xf32, #tpu.memory_space<hbm>>) dst(%dma_wait3A_353 : memref<128x16xf32, #tpu.memory_space<vmem>>)
    } else {
    }
    %eq3A_153 = arith.constant 312 : i32
    %eq3A_154 = arith.cmpi eq, %add3A_147, %eq3A_153 : i32
    %convert_element_type3A_155 = arith.extui %eq3A_154 : i1 to i32
    %cond3A_156 = arith.constant 0 : i32
    %cond3A_157 = arith.cmpi ne, %convert_element_type3A_155, %cond3A_156 : i32
    scf.if %cond3A_157 {
      %dma_wait3A_261 = arith.constant 0 : i32
      %dma_wait3A_262 = arith.constant 0 : i32
      %dma_wait3A_263 = tpu.memref_slice %arg11[%dma_wait3A_261, %dma_wait3A_262] : memref<3072x16xf32, #tpu.memory_space<vmem>> -> memref<128x16xf32, #tpu.memory_space<vmem>>
      %dma_wait3A_264 = arith.constant 0 : i32
      %dma_wait3A_265 = arith.constant 0 : i32
      %dma_wait3A_266 = tpu.memref_slice %arg2[%dma_wait3A_264, %dma_wait3A_265] : memref<10000x16xf32, #tpu.memory_space<hbm>> -> memref<128x16xf32, #tpu.memory_space<hbm>>
      %dma_wait3A_267 = arith.constant 0 : i32
      %dma_wait3A_268 = arith.constant 0 : i32
      %dma_wait3A_269 = tpu.memref_slice %arg11[%dma_wait3A_267, %dma_wait3A_268] : memref<3072x16xf32, #tpu.memory_space<vmem>> -> memref<128x16xf32, #tpu.memory_space<vmem>>
      %dma_wait3A_270 = arith.constant 0 : i32
      %dma_wait3A_271 = arith.constant 0 : i32
      %dma_wait3A_272 = tpu.memref_slice %arg2[%dma_wait3A_270, %dma_wait3A_271] : memref<10000x16xf32, #tpu.memory_space<hbm>> -> memref<128x16xf32, #tpu.memory_space<hbm>>
      tpu.wait_dma2 semaphore(%arg17 : memref<!tpu.dma_semaphore, #tpu.memory_space<semaphore_mem>>) src(%dma_wait3A_272 : memref<128x16xf32, #tpu.memory_space<hbm>>) dst(%dma_wait3A_269 : memref<128x16xf32, #tpu.memory_space<vmem>>)
      %dma_wait3A_273 = arith.constant 128 : i32
      %dma_wait3A_274 = arith.constant 0 : i32
      %dma_wait3A_275 = tpu.memref_slice %arg11[%dma_wait3A_273, %dma_wait3A_274] : memref<3072x16xf32, #tpu.memory_space<vmem>> -> memref<128x16xf32, #tpu.memory_space<vmem>>
      %dma_wait3A_276 = arith.constant 0 : i32
      %dma_wait3A_277 = arith.constant 0 : i32
      %dma_wait3A_278 = tpu.memref_slice %arg2[%dma_wait3A_276, %dma_wait3A_277] : memref<10000x16xf32, #tpu.memory_space<hbm>> -> memref<128x16xf32, #tpu.memory_space<hbm>>
      %dma_wait3A_279 = arith.constant 128 : i32
      %dma_wait3A_280 = arith.constant 0 : i32
      %dma_wait3A_281 = tpu.memref_slice %arg11[%dma_wait3A_279, %dma_wait3A_280] : memref<3072x16xf32, #tpu.memory_space<vmem>> -> memref<128x16xf32, #tpu.memory_space<vmem>>
      %dma_wait3A_282 = arith.constant 0 : i32
      %dma_wait3A_283 = arith.constant 0 : i32
      %dma_wait3A_284 = tpu.memref_slice %arg2[%dma_wait3A_282, %dma_wait3A_283] : memref<10000x16xf32, #tpu.memory_space<hbm>> -> memref<128x16xf32, #tpu.memory_space<hbm>>
      tpu.wait_dma2 semaphore(%arg17 : memref<!tpu.dma_semaphore, #tpu.memory_space<semaphore_mem>>) src(%dma_wait3A_284 : memref<128x16xf32, #tpu.memory_space<hbm>>) dst(%dma_wait3A_281 : memref<128x16xf32, #tpu.memory_space<vmem>>)
      %dma_wait3A_285 = arith.constant 256 : i32
      %dma_wait3A_286 = arith.constant 0 : i32
      %dma_wait3A_287 = tpu.memref_slice %arg11[%dma_wait3A_285, %dma_wait3A_286] : memref<3072x16xf32, #tpu.memory_space<vmem>> -> memref<128x16xf32, #tpu.memory_space<vmem>>
      %dma_wait3A_288 = arith.constant 0 : i32
      %dma_wait3A_289 = arith.constant 0 : i32
      %dma_wait3A_290 = tpu.memref_slice %arg2[%dma_wait3A_288, %dma_wait3A_289] : memref<10000x16xf32, #tpu.memory_space<hbm>> -> memref<128x16xf32, #tpu.memory_space<hbm>>
      %dma_wait3A_291 = arith.constant 256 : i32
      %dma_wait3A_292 = arith.constant 0 : i32
      %dma_wait3A_293 = tpu.memref_slice %arg11[%dma_wait3A_291, %dma_wait3A_292] : memref<3072x16xf32, #tpu.memory_space<vmem>> -> memref<128x16xf32, #tpu.memory_space<vmem>>
      %dma_wait3A_294 = arith.constant 0 : i32
      %dma_wait3A_295 = arith.constant 0 : i32
      %dma_wait3A_296 = tpu.memref_slice %arg2[%dma_wait3A_294, %dma_wait3A_295] : memref<10000x16xf32, #tpu.memory_space<hbm>> -> memref<128x16xf32, #tpu.memory_space<hbm>>
      tpu.wait_dma2 semaphore(%arg17 : memref<!tpu.dma_semaphore, #tpu.memory_space<semaphore_mem>>) src(%dma_wait3A_296 : memref<128x16xf32, #tpu.memory_space<hbm>>) dst(%dma_wait3A_293 : memref<128x16xf32, #tpu.memory_space<vmem>>)
      %dma_wait3A_297 = arith.constant 384 : i32
      %dma_wait3A_298 = arith.constant 0 : i32
      %dma_wait3A_299 = tpu.memref_slice %arg11[%dma_wait3A_297, %dma_wait3A_298] : memref<3072x16xf32, #tpu.memory_space<vmem>> -> memref<128x16xf32, #tpu.memory_space<vmem>>
      %dma_wait3A_300 = arith.constant 0 : i32
      %dma_wait3A_301 = arith.constant 0 : i32
      %dma_wait3A_302 = tpu.memref_slice %arg2[%dma_wait3A_300, %dma_wait3A_301] : memref<10000x16xf32, #tpu.memory_space<hbm>> -> memref<128x16xf32, #tpu.memory_space<hbm>>
      %dma_wait3A_303 = arith.constant 384 : i32
      %dma_wait3A_304 = arith.constant 0 : i32
      %dma_wait3A_305 = tpu.memref_slice %arg11[%dma_wait3A_303, %dma_wait3A_304] : memref<3072x16xf32, #tpu.memory_space<vmem>> -> memref<128x16xf32, #tpu.memory_space<vmem>>
      %dma_wait3A_306 = arith.constant 0 : i32
      %dma_wait3A_307 = arith.constant 0 : i32
      %dma_wait3A_308 = tpu.memref_slice %arg2[%dma_wait3A_306, %dma_wait3A_307] : memref<10000x16xf32, #tpu.memory_space<hbm>> -> memref<128x16xf32, #tpu.memory_space<hbm>>
      tpu.wait_dma2 semaphore(%arg17 : memref<!tpu.dma_semaphore, #tpu.memory_space<semaphore_mem>>) src(%dma_wait3A_308 : memref<128x16xf32, #tpu.memory_space<hbm>>) dst(%dma_wait3A_305 : memref<128x16xf32, #tpu.memory_space<vmem>>)
    } else {
    }
    %mul3A_158 = arith.constant 10 : i32
    %mul3A_159 = arith.muli %add3A, %mul3A_158 : i32
    %add3A_160 = arith.constant 0 : i32
    %add3A_161 = arith.addi %mul3A_159, %add3A_160 : i32
    %lt3A_162 = arith.constant 312 : i32
    %lt3A_163 = arith.cmpi slt, %add3A_161, %lt3A_162 : i32
    %convert_element_type3A_164 = arith.extui %lt3A_163 : i1 to i32
    %cond3A_165 = arith.constant 0 : i32
    %cond3A_166 = arith.cmpi ne, %convert_element_type3A_164, %cond3A_165 : i32
    scf.if %cond3A_166 {
      %dma_start3A_261 = arith.constant 0 : i32
      %dma_start3A_262 = arith.constant 0 : i32
      %dma_start3A_263 = arith.constant 0 : i32
      %dma_start3A_264 = tpu.memref_slice %arg11[%dma_start3A_262, %dma_start3A_263] : memref<3072x16xf32, #tpu.memory_space<vmem>> -> memref<128x16xf32, #tpu.memory_space<vmem>>
      %dma_start3A_265 = arith.constant 0 : i32
      %dma_start3A_266 = tpu.memref_slice %arg10[%dma_start3A_261, %dma_start3A_265] : memref<24x128xi32, #tpu.memory_space<vmem>> -> memref<1x128xi32, #tpu.memory_space<vmem>>
      %dma_start3A_267 = tpu.memref_squeeze %dma_start3A_266 : memref<1x128xi32, #tpu.memory_space<vmem>> -> memref<128xi32, #tpu.memory_space<vmem>>
      %dma_start3A_268 = arith.constant 0 : i32
      %dma_start3A_269 = arith.constant 0 : i32
      %dma_start3A_270 = tpu.memref_slice %arg16[%dma_start3A_268, %dma_start3A_269] : memref<10000x16xf32, #tpu.memory_space<vmem_shared>> -> memref<10000x16xf32, #tpu.memory_space<vmem_shared>>
      tpu.enqueue_indirect_dma source(%dma_start3A_270 : memref<10000x16xf32, #tpu.memory_space<vmem_shared>>) target(%dma_start3A_264 : memref<128x16xf32, #tpu.memory_space<vmem>>) offsets(%dma_start3A_267 : memref<128xi32, #tpu.memory_space<vmem>>) semaphore(%arg17 : memref<!tpu.dma_semaphore, #tpu.memory_space<semaphore_mem>>) {add = true}
      %dma_start3A_271 = arith.constant 1 : i32
      %dma_start3A_272 = arith.constant 128 : i32
      %dma_start3A_273 = arith.constant 0 : i32
      %dma_start3A_274 = tpu.memref_slice %arg11[%dma_start3A_272, %dma_start3A_273] : memref<3072x16xf32, #tpu.memory_space<vmem>> -> memref<128x16xf32, #tpu.memory_space<vmem>>
      %dma_start3A_275 = arith.constant 0 : i32
      %dma_start3A_276 = tpu.memref_slice %arg10[%dma_start3A_271, %dma_start3A_275] : memref<24x128xi32, #tpu.memory_space<vmem>> -> memref<1x128xi32, #tpu.memory_space<vmem>>
      %dma_start3A_277 = tpu.memref_squeeze %dma_start3A_276 : memref<1x128xi32, #tpu.memory_space<vmem>> -> memref<128xi32, #tpu.memory_space<vmem>>
      %dma_start3A_278 = arith.constant 0 : i32
      %dma_start3A_279 = arith.constant 0 : i32
      %dma_start3A_280 = tpu.memref_slice %arg16[%dma_start3A_278, %dma_start3A_279] : memref<10000x16xf32, #tpu.memory_space<vmem_shared>> -> memref<10000x16xf32, #tpu.memory_space<vmem_shared>>
      tpu.enqueue_indirect_dma source(%dma_start3A_280 : memref<10000x16xf32, #tpu.memory_space<vmem_shared>>) target(%dma_start3A_274 : memref<128x16xf32, #tpu.memory_space<vmem>>) offsets(%dma_start3A_277 : memref<128xi32, #tpu.memory_space<vmem>>) semaphore(%arg17 : memref<!tpu.dma_semaphore, #tpu.memory_space<semaphore_mem>>) {add = true}
      %dma_start3A_281 = arith.constant 2 : i32
      %dma_start3A_282 = arith.constant 256 : i32
      %dma_start3A_283 = arith.constant 0 : i32
      %dma_start3A_284 = tpu.memref_slice %arg11[%dma_start3A_282, %dma_start3A_283] : memref<3072x16xf32, #tpu.memory_space<vmem>> -> memref<128x16xf32, #tpu.memory_space<vmem>>
      %dma_start3A_285 = arith.constant 0 : i32
      %dma_start3A_286 = tpu.memref_slice %arg10[%dma_start3A_281, %dma_start3A_285] : memref<24x128xi32, #tpu.memory_space<vmem>> -> memref<1x128xi32, #tpu.memory_space<vmem>>
      %dma_start3A_287 = tpu.memref_squeeze %dma_start3A_286 : memref<1x128xi32, #tpu.memory_space<vmem>> -> memref<128xi32, #tpu.memory_space<vmem>>
      %dma_start3A_288 = arith.constant 0 : i32
      %dma_start3A_289 = arith.constant 0 : i32
      %dma_start3A_290 = tpu.memref_slice %arg16[%dma_start3A_288, %dma_start3A_289] : memref<10000x16xf32, #tpu.memory_space<vmem_shared>> -> memref<10000x16xf32, #tpu.memory_space<vmem_shared>>
      tpu.enqueue_indirect_dma source(%dma_start3A_290 : memref<10000x16xf32, #tpu.memory_space<vmem_shared>>) target(%dma_start3A_284 : memref<128x16xf32, #tpu.memory_space<vmem>>) offsets(%dma_start3A_287 : memref<128xi32, #tpu.memory_space<vmem>>) semaphore(%arg17 : memref<!tpu.dma_semaphore, #tpu.memory_space<semaphore_mem>>) {add = true}
      %dma_start3A_291 = arith.constant 3 : i32
      %dma_start3A_292 = arith.constant 384 : i32
      %dma_start3A_293 = arith.constant 0 : i32
      %dma_start3A_294 = tpu.memref_slice %arg11[%dma_start3A_292, %dma_start3A_293] : memref<3072x16xf32, #tpu.memory_space<vmem>> -> memref<128x16xf32, #tpu.memory_space<vmem>>
      %dma_start3A_295 = arith.constant 0 : i32
      %dma_start3A_296 = tpu.memref_slice %arg10[%dma_start3A_291, %dma_start3A_295] : memref<24x128xi32, #tpu.memory_space<vmem>> -> memref<1x128xi32, #tpu.memory_space<vmem>>
      %dma_start3A_297 = tpu.memref_squeeze %dma_start3A_296 : memref<1x128xi32, #tpu.memory_space<vmem>> -> memref<128xi32, #tpu.memory_space<vmem>>
      %dma_start3A_298 = arith.constant 0 : i32
      %dma_start3A_299 = arith.constant 0 : i32
      %dma_start3A_300 = tpu.memref_slice %arg16[%dma_start3A_298, %dma_start3A_299] : memref<10000x16xf32, #tpu.memory_space<vmem_shared>> -> memref<10000x16xf32, #tpu.memory_space<vmem_shared>>
      tpu.enqueue_indirect_dma source(%dma_start3A_300 : memref<10000x16xf32, #tpu.memory_space<vmem_shared>>) target(%dma_start3A_294 : memref<128x16xf32, #tpu.memory_space<vmem>>) offsets(%dma_start3A_297 : memref<128xi32, #tpu.memory_space<vmem>>) semaphore(%arg17 : memref<!tpu.dma_semaphore, #tpu.memory_space<semaphore_mem>>) {add = true}
      %dma_start3A_301 = arith.constant 4 : i32
      %dma_start3A_302 = arith.constant 512 : i32
      %dma_start3A_303 = arith.constant 0 : i32
      %dma_start3A_304 = tpu.memref_slice %arg11[%dma_start3A_302, %dma_start3A_303] : memref<3072x16xf32, #tpu.memory_space<vmem>> -> memref<128x16xf32, #tpu.memory_space<vmem>>
      %dma_start3A_305 = arith.constant 0 : i32
      %dma_start3A_306 = tpu.memref_slice %arg10[%dma_start3A_301, %dma_start3A_305] : memref<24x128xi32, #tpu.memory_space<vmem>> -> memref<1x128xi32, #tpu.memory_space<vmem>>
      %dma_start3A_307 = tpu.memref_squeeze %dma_start3A_306 : memref<1x128xi32, #tpu.memory_space<vmem>> -> memref<128xi32, #tpu.memory_space<vmem>>
      %dma_start3A_308 = arith.constant 0 : i32
      %dma_start3A_309 = arith.constant 0 : i32
      %dma_start3A_310 = tpu.memref_slice %arg16[%dma_start3A_308, %dma_start3A_309] : memref<10000x16xf32, #tpu.memory_space<vmem_shared>> -> memref<10000x16xf32, #tpu.memory_space<vmem_shared>>
      tpu.enqueue_indirect_dma source(%dma_start3A_310 : memref<10000x16xf32, #tpu.memory_space<vmem_shared>>) target(%dma_start3A_304 : memref<128x16xf32, #tpu.memory_space<vmem>>) offsets(%dma_start3A_307 : memref<128xi32, #tpu.memory_space<vmem>>) semaphore(%arg17 : memref<!tpu.dma_semaphore, #tpu.memory_space<semaphore_mem>>) {add = true}
      %dma_start3A_311 = arith.constant 5 : i32
      %dma_start3A_312 = arith.constant 640 : i32
      %dma_start3A_313 = arith.constant 0 : i32
      %dma_start3A_314 = tpu.memref_slice %arg11[%dma_start3A_312, %dma_start3A_313] : memref<3072x16xf32, #tpu.memory_space<vmem>> -> memref<128x16xf32, #tpu.memory_space<vmem>>
      %dma_start3A_315 = arith.constant 0 : i32
      %dma_start3A_316 = tpu.memref_slice %arg10[%dma_start3A_311, %dma_start3A_315] : memref<24x128xi32, #tpu.memory_space<vmem>> -> memref<1x128xi32, #tpu.memory_space<vmem>>
      %dma_start3A_317 = tpu.memref_squeeze %dma_start3A_316 : memref<1x128xi32, #tpu.memory_space<vmem>> -> memref<128xi32, #tpu.memory_space<vmem>>
      %dma_start3A_318 = arith.constant 0 : i32
      %dma_start3A_319 = arith.constant 0 : i32
      %dma_start3A_320 = tpu.memref_slice %arg16[%dma_start3A_318, %dma_start3A_319] : memref<10000x16xf32, #tpu.memory_space<vmem_shared>> -> memref<10000x16xf32, #tpu.memory_space<vmem_shared>>
      tpu.enqueue_indirect_dma source(%dma_start3A_320 : memref<10000x16xf32, #tpu.memory_space<vmem_shared>>) target(%dma_start3A_314 : memref<128x16xf32, #tpu.memory_space<vmem>>) offsets(%dma_start3A_317 : memref<128xi32, #tpu.memory_space<vmem>>) semaphore(%arg17 : memref<!tpu.dma_semaphore, #tpu.memory_space<semaphore_mem>>) {add = true}
      %dma_start3A_321 = arith.constant 6 : i32
      %dma_start3A_322 = arith.constant 768 : i32
      %dma_start3A_323 = arith.constant 0 : i32
      %dma_start3A_324 = tpu.memref_slice %arg11[%dma_start3A_322, %dma_start3A_323] : memref<3072x16xf32, #tpu.memory_space<vmem>> -> memref<128x16xf32, #tpu.memory_space<vmem>>
      %dma_start3A_325 = arith.constant 0 : i32
      %dma_start3A_326 = tpu.memref_slice %arg10[%dma_start3A_321, %dma_start3A_325] : memref<24x128xi32, #tpu.memory_space<vmem>> -> memref<1x128xi32, #tpu.memory_space<vmem>>
      %dma_start3A_327 = tpu.memref_squeeze %dma_start3A_326 : memref<1x128xi32, #tpu.memory_space<vmem>> -> memref<128xi32, #tpu.memory_space<vmem>>
      %dma_start3A_328 = arith.constant 0 : i32
      %dma_start3A_329 = arith.constant 0 : i32
      %dma_start3A_330 = tpu.memref_slice %arg16[%dma_start3A_328, %dma_start3A_329] : memref<10000x16xf32, #tpu.memory_space<vmem_shared>> -> memref<10000x16xf32, #tpu.memory_space<vmem_shared>>
      tpu.enqueue_indirect_dma source(%dma_start3A_330 : memref<10000x16xf32, #tpu.memory_space<vmem_shared>>) target(%dma_start3A_324 : memref<128x16xf32, #tpu.memory_space<vmem>>) offsets(%dma_start3A_327 : memref<128xi32, #tpu.memory_space<vmem>>) semaphore(%arg17 : memref<!tpu.dma_semaphore, #tpu.memory_space<semaphore_mem>>) {add = true}
      %dma_start3A_331 = arith.constant 7 : i32
      %dma_start3A_332 = arith.constant 896 : i32
      %dma_start3A_333 = arith.constant 0 : i32
      %dma_start3A_334 = tpu.memref_slice %arg11[%dma_start3A_332, %dma_start3A_333] : memref<3072x16xf32, #tpu.memory_space<vmem>> -> memref<128x16xf32, #tpu.memory_space<vmem>>
      %dma_start3A_335 = arith.constant 0 : i32
      %dma_start3A_336 = tpu.memref_slice %arg10[%dma_start3A_331, %dma_start3A_335] : memref<24x128xi32, #tpu.memory_space<vmem>> -> memref<1x128xi32, #tpu.memory_space<vmem>>
      %dma_start3A_337 = tpu.memref_squeeze %dma_start3A_336 : memref<1x128xi32, #tpu.memory_space<vmem>> -> memref<128xi32, #tpu.memory_space<vmem>>
      %dma_start3A_338 = arith.constant 0 : i32
      %dma_start3A_339 = arith.constant 0 : i32
      %dma_start3A_340 = tpu.memref_slice %arg16[%dma_start3A_338, %dma_start3A_339] : memref<10000x16xf32, #tpu.memory_space<vmem_shared>> -> memref<10000x16xf32, #tpu.memory_space<vmem_shared>>
      tpu.enqueue_indirect_dma source(%dma_start3A_340 : memref<10000x16xf32, #tpu.memory_space<vmem_shared>>) target(%dma_start3A_334 : memref<128x16xf32, #tpu.memory_space<vmem>>) offsets(%dma_start3A_337 : memref<128xi32, #tpu.memory_space<vmem>>) semaphore(%arg17 : memref<!tpu.dma_semaphore, #tpu.memory_space<semaphore_mem>>) {add = true}
    } else {
    }
    %eq3A_167 = arith.constant 312 : i32
    %eq3A_168 = arith.cmpi eq, %add3A_161, %eq3A_167 : i32
    %convert_element_type3A_169 = arith.extui %eq3A_168 : i1 to i32
    %cond3A_170 = arith.constant 0 : i32
    %cond3A_171 = arith.cmpi ne, %convert_element_type3A_169, %cond3A_170 : i32
    scf.if %cond3A_171 {
      %dma_start3A_261 = arith.constant 0 : i32
      %dma_start3A_262 = arith.constant 0 : i32
      %dma_start3A_263 = arith.constant 0 : i32
      %dma_start3A_264 = tpu.memref_slice %arg11[%dma_start3A_262, %dma_start3A_263] : memref<3072x16xf32, #tpu.memory_space<vmem>> -> memref<128x16xf32, #tpu.memory_space<vmem>>
      %dma_start3A_265 = arith.constant 0 : i32
      %dma_start3A_266 = tpu.memref_slice %arg10[%dma_start3A_261, %dma_start3A_265] : memref<24x128xi32, #tpu.memory_space<vmem>> -> memref<1x128xi32, #tpu.memory_space<vmem>>
      %dma_start3A_267 = tpu.memref_squeeze %dma_start3A_266 : memref<1x128xi32, #tpu.memory_space<vmem>> -> memref<128xi32, #tpu.memory_space<vmem>>
      %dma_start3A_268 = arith.constant 0 : i32
      %dma_start3A_269 = arith.constant 0 : i32
      %dma_start3A_270 = tpu.memref_slice %arg16[%dma_start3A_268, %dma_start3A_269] : memref<10000x16xf32, #tpu.memory_space<vmem_shared>> -> memref<10000x16xf32, #tpu.memory_space<vmem_shared>>
      tpu.enqueue_indirect_dma source(%dma_start3A_270 : memref<10000x16xf32, #tpu.memory_space<vmem_shared>>) target(%dma_start3A_264 : memref<128x16xf32, #tpu.memory_space<vmem>>) offsets(%dma_start3A_267 : memref<128xi32, #tpu.memory_space<vmem>>) semaphore(%arg17 : memref<!tpu.dma_semaphore, #tpu.memory_space<semaphore_mem>>) {add = true}
      %dma_start3A_271 = arith.constant 1 : i32
      %dma_start3A_272 = arith.constant 128 : i32
      %dma_start3A_273 = arith.constant 0 : i32
      %dma_start3A_274 = tpu.memref_slice %arg11[%dma_start3A_272, %dma_start3A_273] : memref<3072x16xf32, #tpu.memory_space<vmem>> -> memref<128x16xf32, #tpu.memory_space<vmem>>
      %dma_start3A_275 = arith.constant 0 : i32
      %dma_start3A_276 = tpu.memref_slice %arg10[%dma_start3A_271, %dma_start3A_275] : memref<24x128xi32, #tpu.memory_space<vmem>> -> memref<1x128xi32, #tpu.memory_space<vmem>>
      %dma_start3A_277 = tpu.memref_squeeze %dma_start3A_276 : memref<1x128xi32, #tpu.memory_space<vmem>> -> memref<128xi32, #tpu.memory_space<vmem>>
      %dma_start3A_278 = arith.constant 0 : i32
      %dma_start3A_279 = arith.constant 0 : i32
      %dma_start3A_280 = tpu.memref_slice %arg16[%dma_start3A_278, %dma_start3A_279] : memref<10000x16xf32, #tpu.memory_space<vmem_shared>> -> memref<10000x16xf32, #tpu.memory_space<vmem_shared>>
      tpu.enqueue_indirect_dma source(%dma_start3A_280 : memref<10000x16xf32, #tpu.memory_space<vmem_shared>>) target(%dma_start3A_274 : memref<128x16xf32, #tpu.memory_space<vmem>>) offsets(%dma_start3A_277 : memref<128xi32, #tpu.memory_space<vmem>>) semaphore(%arg17 : memref<!tpu.dma_semaphore, #tpu.memory_space<semaphore_mem>>) {add = true}
      %dma_start3A_281 = arith.constant 2 : i32
      %dma_start3A_282 = arith.constant 256 : i32
      %dma_start3A_283 = arith.constant 0 : i32
      %dma_start3A_284 = tpu.memref_slice %arg11[%dma_start3A_282, %dma_start3A_283] : memref<3072x16xf32, #tpu.memory_space<vmem>> -> memref<128x16xf32, #tpu.memory_space<vmem>>
      %dma_start3A_285 = arith.constant 0 : i32
      %dma_start3A_286 = tpu.memref_slice %arg10[%dma_start3A_281, %dma_start3A_285] : memref<24x128xi32, #tpu.memory_space<vmem>> -> memref<1x128xi32, #tpu.memory_space<vmem>>
      %dma_start3A_287 = tpu.memref_squeeze %dma_start3A_286 : memref<1x128xi32, #tpu.memory_space<vmem>> -> memref<128xi32, #tpu.memory_space<vmem>>
      %dma_start3A_288 = arith.constant 0 : i32
      %dma_start3A_289 = arith.constant 0 : i32
      %dma_start3A_290 = tpu.memref_slice %arg16[%dma_start3A_288, %dma_start3A_289] : memref<10000x16xf32, #tpu.memory_space<vmem_shared>> -> memref<10000x16xf32, #tpu.memory_space<vmem_shared>>
      tpu.enqueue_indirect_dma source(%dma_start3A_290 : memref<10000x16xf32, #tpu.memory_space<vmem_shared>>) target(%dma_start3A_284 : memref<128x16xf32, #tpu.memory_space<vmem>>) offsets(%dma_start3A_287 : memref<128xi32, #tpu.memory_space<vmem>>) semaphore(%arg17 : memref<!tpu.dma_semaphore, #tpu.memory_space<semaphore_mem>>) {add = true}
      %dma_start3A_291 = arith.constant 3 : i32
      %dma_start3A_292 = arith.constant 384 : i32
      %dma_start3A_293 = arith.constant 0 : i32
      %dma_start3A_294 = tpu.memref_slice %arg11[%dma_start3A_292, %dma_start3A_293] : memref<3072x16xf32, #tpu.memory_space<vmem>> -> memref<128x16xf32, #tpu.memory_space<vmem>>
      %dma_start3A_295 = arith.constant 0 : i32
      %dma_start3A_296 = tpu.memref_slice %arg10[%dma_start3A_291, %dma_start3A_295] : memref<24x128xi32, #tpu.memory_space<vmem>> -> memref<1x128xi32, #tpu.memory_space<vmem>>
      %dma_start3A_297 = tpu.memref_squeeze %dma_start3A_296 : memref<1x128xi32, #tpu.memory_space<vmem>> -> memref<128xi32, #tpu.memory_space<vmem>>
      %dma_start3A_298 = arith.constant 0 : i32
      %dma_start3A_299 = arith.constant 0 : i32
      %dma_start3A_300 = tpu.memref_slice %arg16[%dma_start3A_298, %dma_start3A_299] : memref<10000x16xf32, #tpu.memory_space<vmem_shared>> -> memref<10000x16xf32, #tpu.memory_space<vmem_shared>>
      tpu.enqueue_indirect_dma source(%dma_start3A_300 : memref<10000x16xf32, #tpu.memory_space<vmem_shared>>) target(%dma_start3A_294 : memref<128x16xf32, #tpu.memory_space<vmem>>) offsets(%dma_start3A_297 : memref<128xi32, #tpu.memory_space<vmem>>) semaphore(%arg17 : memref<!tpu.dma_semaphore, #tpu.memory_space<semaphore_mem>>) {add = true}
    } else {
    }
    %scan3A = arith.constant 0 : i32
    %scan3A_172 = arith.constant 0 : i32
    %scan3A_173 = arith.constant 8 : i32
    %scan3A_174 = arith.addi %scan3A_172, %scan3A_173 : i32
    %scan3A_175 = arith.constant 1 : i32
    scf.for %scan3A_261 = %scan3A_172 to %scan3A_174 step %scan3A_175  : i32 {
      %rem3A = arith.constant 3 : i32
      %rem3A_262 = arith.remsi %scan3A_261, %rem3A : i32
      %add3A_263 = arith.constant 1 : i32
      %add3A_264 = arith.addi %scan3A_261, %add3A_263 : i32
      %rem3A_265 = arith.constant 3 : i32
      %rem3A_266 = arith.remsi %add3A_264, %rem3A_265 : i32
      %add3A_267 = arith.constant 2 : i32
      %add3A_268 = arith.addi %scan3A_261, %add3A_267 : i32
      %rem3A_269 = arith.constant 3 : i32
      %rem3A_270 = arith.remsi %add3A_268, %rem3A_269 : i32
      %add3A_271 = arith.constant 2 : i32
      %add3A_272 = arith.addi %scan3A_261, %add3A_271 : i32
      %mul3A_273 = arith.constant 10 : i32
      %mul3A_274 = arith.muli %add3A, %mul3A_273 : i32
      %add3A_275 = arith.addi %mul3A_274, %add3A_272 : i32
      %mul3A_276 = arith.constant 8 : i32
      %mul3A_277 = arith.muli %rem3A_270, %mul3A_276 : i32
      %lt3A_278 = arith.constant 312 : i32
      %lt3A_279 = arith.cmpi slt, %add3A_275, %lt3A_278 : i32
      %convert_element_type3A_280 = arith.extui %lt3A_279 : i1 to i32
      %cond3A_281 = arith.constant 0 : i32
      %cond3A_282 = arith.cmpi ne, %convert_element_type3A_280, %cond3A_281 : i32
      scf.if %cond3A_282 {
        %mul3A_373 = arith.constant 8 : i32
        %mul3A_374 = arith.muli %add3A_275, %mul3A_373 : i32
        "tpu.region"() ({
          %run_scoped3A = tpu.sem_alloc : memref<!tpu.dma_semaphore, #tpu.memory_space<semaphore_mem>>
          %dma_start3A_377 = arith.constant 0 : i32
          %dma_start3A_378 = tpu.memref_slice %arg9[%mul3A_277, %dma_start3A_377] : memref<24x128xi32, #tpu.memory_space<vmem>> -> memref<8x128xi32, #tpu.memory_space<vmem>>
          %dma_start3A_379 = arith.constant 0 : i32
          %dma_start3A_380 = tpu.memref_slice %arg4[%mul3A_374, %dma_start3A_379] : memref<2500x128xi32, #tpu.memory_space<hbm>> -> memref<8x128xi32, #tpu.memory_space<hbm>>
          %dma_start3A_381 = arith.constant 0 : i32
          %dma_start3A_382 = tpu.memref_slice %arg9[%mul3A_277, %dma_start3A_381] : memref<24x128xi32, #tpu.memory_space<vmem>> -> memref<8x128xi32, #tpu.memory_space<vmem>>
          %dma_start3A_383 = arith.constant 0 : i32
          %dma_start3A_384 = tpu.memref_slice %arg4[%mul3A_374, %dma_start3A_383] : memref<2500x128xi32, #tpu.memory_space<hbm>> -> memref<8x128xi32, #tpu.memory_space<hbm>>
          tpu.enqueue_dma source(%dma_start3A_384 : memref<8x128xi32, #tpu.memory_space<hbm>>) target(%dma_start3A_382 : memref<8x128xi32, #tpu.memory_space<vmem>>) target_semaphore(%run_scoped3A : memref<!tpu.dma_semaphore, #tpu.memory_space<semaphore_mem>>)
          %dma_wait3A_385 = arith.constant 0 : i32
          %dma_wait3A_386 = tpu.memref_slice %arg9[%mul3A_277, %dma_wait3A_385] : memref<24x128xi32, #tpu.memory_space<vmem>> -> memref<8x128xi32, #tpu.memory_space<vmem>>
          %dma_wait3A_387 = arith.constant 0 : i32
          %dma_wait3A_388 = tpu.memref_slice %arg4[%mul3A_374, %dma_wait3A_387] : memref<2500x128xi32, #tpu.memory_space<hbm>> -> memref<8x128xi32, #tpu.memory_space<hbm>>
          %dma_wait3A_389 = arith.constant 0 : i32
          %dma_wait3A_390 = tpu.memref_slice %arg9[%mul3A_277, %dma_wait3A_389] : memref<24x128xi32, #tpu.memory_space<vmem>> -> memref<8x128xi32, #tpu.memory_space<vmem>>
          %dma_wait3A_391 = arith.constant 0 : i32
          %dma_wait3A_392 = tpu.memref_slice %arg4[%mul3A_374, %dma_wait3A_391] : memref<2500x128xi32, #tpu.memory_space<hbm>> -> memref<8x128xi32, #tpu.memory_space<hbm>>
          tpu.wait_dma2 semaphore(%run_scoped3A : memref<!tpu.dma_semaphore, #tpu.memory_space<semaphore_mem>>) src(%dma_wait3A_392 : memref<8x128xi32, #tpu.memory_space<hbm>>) dst(%dma_wait3A_390 : memref<8x128xi32, #tpu.memory_space<vmem>>)
          tpu.yield
        }) : () -> ()
        %mul3A_375 = arith.constant 8 : i32
        %mul3A_376 = arith.muli %add3A_275, %mul3A_375 : i32
        "tpu.region"() ({
          %run_scoped3A = tpu.sem_alloc : memref<!tpu.dma_semaphore, #tpu.memory_space<semaphore_mem>>
          %dma_start3A_377 = arith.constant 0 : i32
          %dma_start3A_378 = tpu.memref_slice %arg10[%mul3A_277, %dma_start3A_377] : memref<24x128xi32, #tpu.memory_space<vmem>> -> memref<8x128xi32, #tpu.memory_space<vmem>>
          %dma_start3A_379 = arith.constant 0 : i32
          %dma_start3A_380 = tpu.memref_slice %arg5[%mul3A_376, %dma_start3A_379] : memref<2500x128xi32, #tpu.memory_space<hbm>> -> memref<8x128xi32, #tpu.memory_space<hbm>>
          %dma_start3A_381 = arith.constant 0 : i32
          %dma_start3A_382 = tpu.memref_slice %arg10[%mul3A_277, %dma_start3A_381] : memref<24x128xi32, #tpu.memory_space<vmem>> -> memref<8x128xi32, #tpu.memory_space<vmem>>
          %dma_start3A_383 = arith.constant 0 : i32
          %dma_start3A_384 = tpu.memref_slice %arg5[%mul3A_376, %dma_start3A_383] : memref<2500x128xi32, #tpu.memory_space<hbm>> -> memref<8x128xi32, #tpu.memory_space<hbm>>
          tpu.enqueue_dma source(%dma_start3A_384 : memref<8x128xi32, #tpu.memory_space<hbm>>) target(%dma_start3A_382 : memref<8x128xi32, #tpu.memory_space<vmem>>) target_semaphore(%run_scoped3A : memref<!tpu.dma_semaphore, #tpu.memory_space<semaphore_mem>>)
          %dma_wait3A_385 = arith.constant 0 : i32
          %dma_wait3A_386 = tpu.memref_slice %arg10[%mul3A_277, %dma_wait3A_385] : memref<24x128xi32, #tpu.memory_space<vmem>> -> memref<8x128xi32, #tpu.memory_space<vmem>>
          %dma_wait3A_387 = arith.constant 0 : i32
          %dma_wait3A_388 = tpu.memref_slice %arg5[%mul3A_376, %dma_wait3A_387] : memref<2500x128xi32, #tpu.memory_space<hbm>> -> memref<8x128xi32, #tpu.memory_space<hbm>>
          %dma_wait3A_389 = arith.constant 0 : i32
          %dma_wait3A_390 = tpu.memref_slice %arg10[%mul3A_277, %dma_wait3A_389] : memref<24x128xi32, #tpu.memory_space<vmem>> -> memref<8x128xi32, #tpu.memory_space<vmem>>
          %dma_wait3A_391 = arith.constant 0 : i32
          %dma_wait3A_392 = tpu.memref_slice %arg5[%mul3A_376, %dma_wait3A_391] : memref<2500x128xi32, #tpu.memory_space<hbm>> -> memref<8x128xi32, #tpu.memory_space<hbm>>
          tpu.wait_dma2 semaphore(%run_scoped3A : memref<!tpu.dma_semaphore, #tpu.memory_space<semaphore_mem>>) src(%dma_wait3A_392 : memref<8x128xi32, #tpu.memory_space<hbm>>) dst(%dma_wait3A_390 : memref<8x128xi32, #tpu.memory_space<vmem>>)
          tpu.yield
        }) : () -> ()
      } else {
      }
      %eq3A_283 = arith.constant 312 : i32
      %eq3A_284 = arith.cmpi eq, %add3A_275, %eq3A_283 : i32
      %convert_element_type3A_285 = arith.extui %eq3A_284 : i1 to i32
      %cond3A_286 = arith.constant 0 : i32
      %cond3A_287 = arith.cmpi ne, %convert_element_type3A_285, %cond3A_286 : i32
      scf.if %cond3A_287 {
        %mul3A_373 = arith.constant 8 : i32
        %mul3A_374 = arith.muli %add3A_275, %mul3A_373 : i32
        "tpu.region"() ({
          %run_scoped3A = tpu.sem_alloc : memref<!tpu.dma_semaphore, #tpu.memory_space<semaphore_mem>>
          %dma_start3A_377 = arith.constant 0 : i32
          %dma_start3A_378 = tpu.memref_slice %arg9[%mul3A_277, %dma_start3A_377] : memref<24x128xi32, #tpu.memory_space<vmem>> -> memref<4x128xi32, #tpu.memory_space<vmem>>
          %dma_start3A_379 = arith.constant 0 : i32
          %dma_start3A_380 = tpu.memref_slice %arg4[%mul3A_374, %dma_start3A_379] : memref<2500x128xi32, #tpu.memory_space<hbm>> -> memref<4x128xi32, #tpu.memory_space<hbm>>
          %dma_start3A_381 = arith.constant 0 : i32
          %dma_start3A_382 = tpu.memref_slice %arg9[%mul3A_277, %dma_start3A_381] : memref<24x128xi32, #tpu.memory_space<vmem>> -> memref<4x128xi32, #tpu.memory_space<vmem>>
          %dma_start3A_383 = arith.constant 0 : i32
          %dma_start3A_384 = tpu.memref_slice %arg4[%mul3A_374, %dma_start3A_383] : memref<2500x128xi32, #tpu.memory_space<hbm>> -> memref<4x128xi32, #tpu.memory_space<hbm>>
          tpu.enqueue_dma source(%dma_start3A_384 : memref<4x128xi32, #tpu.memory_space<hbm>>) target(%dma_start3A_382 : memref<4x128xi32, #tpu.memory_space<vmem>>) target_semaphore(%run_scoped3A : memref<!tpu.dma_semaphore, #tpu.memory_space<semaphore_mem>>)
          %dma_wait3A_385 = arith.constant 0 : i32
          %dma_wait3A_386 = tpu.memref_slice %arg9[%mul3A_277, %dma_wait3A_385] : memref<24x128xi32, #tpu.memory_space<vmem>> -> memref<4x128xi32, #tpu.memory_space<vmem>>
          %dma_wait3A_387 = arith.constant 0 : i32
          %dma_wait3A_388 = tpu.memref_slice %arg4[%mul3A_374, %dma_wait3A_387] : memref<2500x128xi32, #tpu.memory_space<hbm>> -> memref<4x128xi32, #tpu.memory_space<hbm>>
          %dma_wait3A_389 = arith.constant 0 : i32
          %dma_wait3A_390 = tpu.memref_slice %arg9[%mul3A_277, %dma_wait3A_389] : memref<24x128xi32, #tpu.memory_space<vmem>> -> memref<4x128xi32, #tpu.memory_space<vmem>>
          %dma_wait3A_391 = arith.constant 0 : i32
          %dma_wait3A_392 = tpu.memref_slice %arg4[%mul3A_374, %dma_wait3A_391] : memref<2500x128xi32, #tpu.memory_space<hbm>> -> memref<4x128xi32, #tpu.memory_space<hbm>>
          tpu.wait_dma2 semaphore(%run_scoped3A : memref<!tpu.dma_semaphore, #tpu.memory_space<semaphore_mem>>) src(%dma_wait3A_392 : memref<4x128xi32, #tpu.memory_space<hbm>>) dst(%dma_wait3A_390 : memref<4x128xi32, #tpu.memory_space<vmem>>)
          tpu.yield
        }) : () -> ()
        %mul3A_375 = arith.constant 8 : i32
        %mul3A_376 = arith.muli %add3A_275, %mul3A_375 : i32
        "tpu.region"() ({
          %run_scoped3A = tpu.sem_alloc : memref<!tpu.dma_semaphore, #tpu.memory_space<semaphore_mem>>
          %dma_start3A_377 = arith.constant 0 : i32
          %dma_start3A_378 = tpu.memref_slice %arg10[%mul3A_277, %dma_start3A_377] : memref<24x128xi32, #tpu.memory_space<vmem>> -> memref<4x128xi32, #tpu.memory_space<vmem>>
          %dma_start3A_379 = arith.constant 0 : i32
          %dma_start3A_380 = tpu.memref_slice %arg5[%mul3A_376, %dma_start3A_379] : memref<2500x128xi32, #tpu.memory_space<hbm>> -> memref<4x128xi32, #tpu.memory_space<hbm>>
          %dma_start3A_381 = arith.constant 0 : i32
          %dma_start3A_382 = tpu.memref_slice %arg10[%mul3A_277, %dma_start3A_381] : memref<24x128xi32, #tpu.memory_space<vmem>> -> memref<4x128xi32, #tpu.memory_space<vmem>>
          %dma_start3A_383 = arith.constant 0 : i32
          %dma_start3A_384 = tpu.memref_slice %arg5[%mul3A_376, %dma_start3A_383] : memref<2500x128xi32, #tpu.memory_space<hbm>> -> memref<4x128xi32, #tpu.memory_space<hbm>>
          tpu.enqueue_dma source(%dma_start3A_384 : memref<4x128xi32, #tpu.memory_space<hbm>>) target(%dma_start3A_382 : memref<4x128xi32, #tpu.memory_space<vmem>>) target_semaphore(%run_scoped3A : memref<!tpu.dma_semaphore, #tpu.memory_space<semaphore_mem>>)
          %dma_wait3A_385 = arith.constant 0 : i32
          %dma_wait3A_386 = tpu.memref_slice %arg10[%mul3A_277, %dma_wait3A_385] : memref<24x128xi32, #tpu.memory_space<vmem>> -> memref<4x128xi32, #tpu.memory_space<vmem>>
          %dma_wait3A_387 = arith.constant 0 : i32
          %dma_wait3A_388 = tpu.memref_slice %arg5[%mul3A_376, %dma_wait3A_387] : memref<2500x128xi32, #tpu.memory_space<hbm>> -> memref<4x128xi32, #tpu.memory_space<hbm>>
          %dma_wait3A_389 = arith.constant 0 : i32
          %dma_wait3A_390 = tpu.memref_slice %arg10[%mul3A_277, %dma_wait3A_389] : memref<24x128xi32, #tpu.memory_space<vmem>> -> memref<4x128xi32, #tpu.memory_space<vmem>>
          %dma_wait3A_391 = arith.constant 0 : i32
          %dma_wait3A_392 = tpu.memref_slice %arg5[%mul3A_376, %dma_wait3A_391] : memref<2500x128xi32, #tpu.memory_space<hbm>> -> memref<4x128xi32, #tpu.memory_space<hbm>>
          tpu.wait_dma2 semaphore(%run_scoped3A : memref<!tpu.dma_semaphore, #tpu.memory_space<semaphore_mem>>) src(%dma_wait3A_392 : memref<4x128xi32, #tpu.memory_space<hbm>>) dst(%dma_wait3A_390 : memref<4x128xi32, #tpu.memory_space<vmem>>)
          tpu.yield
        }) : () -> ()
      } else {
      }
      %add3A_288 = arith.constant 2 : i32
      %add3A_289 = arith.addi %scan3A_261, %add3A_288 : i32
      %mul3A_290 = arith.constant 10 : i32
      %mul3A_291 = arith.muli %add3A, %mul3A_290 : i32
      %add3A_292 = arith.addi %mul3A_291, %add3A_289 : i32
      %mul3A_293 = arith.constant 1024 : i32
      %mul3A_294 = arith.muli %rem3A_270, %mul3A_293 : i32
      %mul3A_295 = arith.constant 8 : i32
      %mul3A_296 = arith.muli %rem3A_270, %mul3A_295 : i32
      %lt3A_297 = arith.constant 312 : i32
      %lt3A_298 = arith.cmpi slt, %add3A_292, %lt3A_297 : i32
      %convert_element_type3A_299 = arith.extui %lt3A_298 : i1 to i32
      %cond3A_300 = arith.constant 0 : i32
      %cond3A_301 = arith.cmpi ne, %convert_element_type3A_299, %cond3A_300 : i32
      scf.if %cond3A_301 {
        %add3A_373 = arith.constant 0 : i32
        %add3A_374 = arith.addi %mul3A_296, %add3A_373 : i32
        %add3A_375 = arith.constant 0 : i32
        %add3A_376 = arith.addi %mul3A_294, %add3A_375 : i32
        %dma_start3A_377 = arith.constant 0 : i32
        %dma_start3A_378 = tpu.memref_slice %arg11[%add3A_376, %dma_start3A_377] : memref<3072x16xf32, #tpu.memory_space<vmem>> -> memref<128x16xf32, #tpu.memory_space<vmem>>
        %dma_start3A_379 = arith.constant 0 : i32
        %dma_start3A_380 = tpu.memref_slice %arg9[%add3A_374, %dma_start3A_379] : memref<24x128xi32, #tpu.memory_space<vmem>> -> memref<1x128xi32, #tpu.memory_space<vmem>>
        %dma_start3A_381 = tpu.memref_squeeze %dma_start3A_380 : memref<1x128xi32, #tpu.memory_space<vmem>> -> memref<128xi32, #tpu.memory_space<vmem>>
        %dma_start3A_382 = arith.constant 0 : i32
        %dma_start3A_383 = arith.constant 0 : i32
        %dma_start3A_384 = tpu.memref_slice %arg15[%dma_start3A_382, %dma_start3A_383] : memref<10000x16xf32, #tpu.memory_space<vmem_shared>> -> memref<10000x16xf32, #tpu.memory_space<vmem_shared>>
        tpu.enqueue_indirect_dma source(%dma_start3A_384 : memref<10000x16xf32, #tpu.memory_space<vmem_shared>>) target(%dma_start3A_378 : memref<128x16xf32, #tpu.memory_space<vmem>>) offsets(%dma_start3A_381 : memref<128xi32, #tpu.memory_space<vmem>>) semaphore(%arg17 : memref<!tpu.dma_semaphore, #tpu.memory_space<semaphore_mem>>)
        %add3A_385 = arith.constant 1 : i32
        %add3A_386 = arith.addi %mul3A_296, %add3A_385 : i32
        %add3A_387 = arith.constant 128 : i32
        %add3A_388 = arith.addi %mul3A_294, %add3A_387 : i32
        %dma_start3A_389 = arith.constant 0 : i32
        %dma_start3A_390 = tpu.memref_slice %arg11[%add3A_388, %dma_start3A_389] : memref<3072x16xf32, #tpu.memory_space<vmem>> -> memref<128x16xf32, #tpu.memory_space<vmem>>
        %dma_start3A_391 = arith.constant 0 : i32
        %dma_start3A_392 = tpu.memref_slice %arg9[%add3A_386, %dma_start3A_391] : memref<24x128xi32, #tpu.memory_space<vmem>> -> memref<1x128xi32, #tpu.memory_space<vmem>>
        %dma_start3A_393 = tpu.memref_squeeze %dma_start3A_392 : memref<1x128xi32, #tpu.memory_space<vmem>> -> memref<128xi32, #tpu.memory_space<vmem>>
        %dma_start3A_394 = arith.constant 0 : i32
        %dma_start3A_395 = arith.constant 0 : i32
        %dma_start3A_396 = tpu.memref_slice %arg15[%dma_start3A_394, %dma_start3A_395] : memref<10000x16xf32, #tpu.memory_space<vmem_shared>> -> memref<10000x16xf32, #tpu.memory_space<vmem_shared>>
        tpu.enqueue_indirect_dma source(%dma_start3A_396 : memref<10000x16xf32, #tpu.memory_space<vmem_shared>>) target(%dma_start3A_390 : memref<128x16xf32, #tpu.memory_space<vmem>>) offsets(%dma_start3A_393 : memref<128xi32, #tpu.memory_space<vmem>>) semaphore(%arg17 : memref<!tpu.dma_semaphore, #tpu.memory_space<semaphore_mem>>)
        %add3A_397 = arith.constant 2 : i32
        %add3A_398 = arith.addi %mul3A_296, %add3A_397 : i32
        %add3A_399 = arith.constant 256 : i32
        %add3A_400 = arith.addi %mul3A_294, %add3A_399 : i32
        %dma_start3A_401 = arith.constant 0 : i32
        %dma_start3A_402 = tpu.memref_slice %arg11[%add3A_400, %dma_start3A_401] : memref<3072x16xf32, #tpu.memory_space<vmem>> -> memref<128x16xf32, #tpu.memory_space<vmem>>
        %dma_start3A_403 = arith.constant 0 : i32
        %dma_start3A_404 = tpu.memref_slice %arg9[%add3A_398, %dma_start3A_403] : memref<24x128xi32, #tpu.memory_space<vmem>> -> memref<1x128xi32, #tpu.memory_space<vmem>>
        %dma_start3A_405 = tpu.memref_squeeze %dma_start3A_404 : memref<1x128xi32, #tpu.memory_space<vmem>> -> memref<128xi32, #tpu.memory_space<vmem>>
        %dma_start3A_406 = arith.constant 0 : i32
        %dma_start3A_407 = arith.constant 0 : i32
        %dma_start3A_408 = tpu.memref_slice %arg15[%dma_start3A_406, %dma_start3A_407] : memref<10000x16xf32, #tpu.memory_space<vmem_shared>> -> memref<10000x16xf32, #tpu.memory_space<vmem_shared>>
        tpu.enqueue_indirect_dma source(%dma_start3A_408 : memref<10000x16xf32, #tpu.memory_space<vmem_shared>>) target(%dma_start3A_402 : memref<128x16xf32, #tpu.memory_space<vmem>>) offsets(%dma_start3A_405 : memref<128xi32, #tpu.memory_space<vmem>>) semaphore(%arg17 : memref<!tpu.dma_semaphore, #tpu.memory_space<semaphore_mem>>)
        %add3A_409 = arith.constant 3 : i32
        %add3A_410 = arith.addi %mul3A_296, %add3A_409 : i32
        %add3A_411 = arith.constant 384 : i32
        %add3A_412 = arith.addi %mul3A_294, %add3A_411 : i32
        %dma_start3A_413 = arith.constant 0 : i32
        %dma_start3A_414 = tpu.memref_slice %arg11[%add3A_412, %dma_start3A_413] : memref<3072x16xf32, #tpu.memory_space<vmem>> -> memref<128x16xf32, #tpu.memory_space<vmem>>
        %dma_start3A_415 = arith.constant 0 : i32
        %dma_start3A_416 = tpu.memref_slice %arg9[%add3A_410, %dma_start3A_415] : memref<24x128xi32, #tpu.memory_space<vmem>> -> memref<1x128xi32, #tpu.memory_space<vmem>>
        %dma_start3A_417 = tpu.memref_squeeze %dma_start3A_416 : memref<1x128xi32, #tpu.memory_space<vmem>> -> memref<128xi32, #tpu.memory_space<vmem>>
        %dma_start3A_418 = arith.constant 0 : i32
        %dma_start3A_419 = arith.constant 0 : i32
        %dma_start3A_420 = tpu.memref_slice %arg15[%dma_start3A_418, %dma_start3A_419] : memref<10000x16xf32, #tpu.memory_space<vmem_shared>> -> memref<10000x16xf32, #tpu.memory_space<vmem_shared>>
        tpu.enqueue_indirect_dma source(%dma_start3A_420 : memref<10000x16xf32, #tpu.memory_space<vmem_shared>>) target(%dma_start3A_414 : memref<128x16xf32, #tpu.memory_space<vmem>>) offsets(%dma_start3A_417 : memref<128xi32, #tpu.memory_space<vmem>>) semaphore(%arg17 : memref<!tpu.dma_semaphore, #tpu.memory_space<semaphore_mem>>)
        %add3A_421 = arith.constant 4 : i32
        %add3A_422 = arith.addi %mul3A_296, %add3A_421 : i32
        %add3A_423 = arith.constant 512 : i32
        %add3A_424 = arith.addi %mul3A_294, %add3A_423 : i32
        %dma_start3A_425 = arith.constant 0 : i32
        %dma_start3A_426 = tpu.memref_slice %arg11[%add3A_424, %dma_start3A_425] : memref<3072x16xf32, #tpu.memory_space<vmem>> -> memref<128x16xf32, #tpu.memory_space<vmem>>
        %dma_start3A_427 = arith.constant 0 : i32
        %dma_start3A_428 = tpu.memref_slice %arg9[%add3A_422, %dma_start3A_427] : memref<24x128xi32, #tpu.memory_space<vmem>> -> memref<1x128xi32, #tpu.memory_space<vmem>>
        %dma_start3A_429 = tpu.memref_squeeze %dma_start3A_428 : memref<1x128xi32, #tpu.memory_space<vmem>> -> memref<128xi32, #tpu.memory_space<vmem>>
        %dma_start3A_430 = arith.constant 0 : i32
        %dma_start3A_431 = arith.constant 0 : i32
        %dma_start3A_432 = tpu.memref_slice %arg15[%dma_start3A_430, %dma_start3A_431] : memref<10000x16xf32, #tpu.memory_space<vmem_shared>> -> memref<10000x16xf32, #tpu.memory_space<vmem_shared>>
        tpu.enqueue_indirect_dma source(%dma_start3A_432 : memref<10000x16xf32, #tpu.memory_space<vmem_shared>>) target(%dma_start3A_426 : memref<128x16xf32, #tpu.memory_space<vmem>>) offsets(%dma_start3A_429 : memref<128xi32, #tpu.memory_space<vmem>>) semaphore(%arg17 : memref<!tpu.dma_semaphore, #tpu.memory_space<semaphore_mem>>)
        %add3A_433 = arith.constant 5 : i32
        %add3A_434 = arith.addi %mul3A_296, %add3A_433 : i32
        %add3A_435 = arith.constant 640 : i32
        %add3A_436 = arith.addi %mul3A_294, %add3A_435 : i32
        %dma_start3A_437 = arith.constant 0 : i32
        %dma_start3A_438 = tpu.memref_slice %arg11[%add3A_436, %dma_start3A_437] : memref<3072x16xf32, #tpu.memory_space<vmem>> -> memref<128x16xf32, #tpu.memory_space<vmem>>
        %dma_start3A_439 = arith.constant 0 : i32
        %dma_start3A_440 = tpu.memref_slice %arg9[%add3A_434, %dma_start3A_439] : memref<24x128xi32, #tpu.memory_space<vmem>> -> memref<1x128xi32, #tpu.memory_space<vmem>>
        %dma_start3A_441 = tpu.memref_squeeze %dma_start3A_440 : memref<1x128xi32, #tpu.memory_space<vmem>> -> memref<128xi32, #tpu.memory_space<vmem>>
        %dma_start3A_442 = arith.constant 0 : i32
        %dma_start3A_443 = arith.constant 0 : i32
        %dma_start3A_444 = tpu.memref_slice %arg15[%dma_start3A_442, %dma_start3A_443] : memref<10000x16xf32, #tpu.memory_space<vmem_shared>> -> memref<10000x16xf32, #tpu.memory_space<vmem_shared>>
        tpu.enqueue_indirect_dma source(%dma_start3A_444 : memref<10000x16xf32, #tpu.memory_space<vmem_shared>>) target(%dma_start3A_438 : memref<128x16xf32, #tpu.memory_space<vmem>>) offsets(%dma_start3A_441 : memref<128xi32, #tpu.memory_space<vmem>>) semaphore(%arg17 : memref<!tpu.dma_semaphore, #tpu.memory_space<semaphore_mem>>)
        %add3A_445 = arith.constant 6 : i32
        %add3A_446 = arith.addi %mul3A_296, %add3A_445 : i32
        %add3A_447 = arith.constant 768 : i32
        %add3A_448 = arith.addi %mul3A_294, %add3A_447 : i32
        %dma_start3A_449 = arith.constant 0 : i32
        %dma_start3A_450 = tpu.memref_slice %arg11[%add3A_448, %dma_start3A_449] : memref<3072x16xf32, #tpu.memory_space<vmem>> -> memref<128x16xf32, #tpu.memory_space<vmem>>
        %dma_start3A_451 = arith.constant 0 : i32
        %dma_start3A_452 = tpu.memref_slice %arg9[%add3A_446, %dma_start3A_451] : memref<24x128xi32, #tpu.memory_space<vmem>> -> memref<1x128xi32, #tpu.memory_space<vmem>>
        %dma_start3A_453 = tpu.memref_squeeze %dma_start3A_452 : memref<1x128xi32, #tpu.memory_space<vmem>> -> memref<128xi32, #tpu.memory_space<vmem>>
        %dma_start3A_454 = arith.constant 0 : i32
        %dma_start3A_455 = arith.constant 0 : i32
        %dma_start3A_456 = tpu.memref_slice %arg15[%dma_start3A_454, %dma_start3A_455] : memref<10000x16xf32, #tpu.memory_space<vmem_shared>> -> memref<10000x16xf32, #tpu.memory_space<vmem_shared>>
        tpu.enqueue_indirect_dma source(%dma_start3A_456 : memref<10000x16xf32, #tpu.memory_space<vmem_shared>>) target(%dma_start3A_450 : memref<128x16xf32, #tpu.memory_space<vmem>>) offsets(%dma_start3A_453 : memref<128xi32, #tpu.memory_space<vmem>>) semaphore(%arg17 : memref<!tpu.dma_semaphore, #tpu.memory_space<semaphore_mem>>)
        %add3A_457 = arith.constant 7 : i32
        %add3A_458 = arith.addi %mul3A_296, %add3A_457 : i32
        %add3A_459 = arith.constant 896 : i32
        %add3A_460 = arith.addi %mul3A_294, %add3A_459 : i32
        %dma_start3A_461 = arith.constant 0 : i32
        %dma_start3A_462 = tpu.memref_slice %arg11[%add3A_460, %dma_start3A_461] : memref<3072x16xf32, #tpu.memory_space<vmem>> -> memref<128x16xf32, #tpu.memory_space<vmem>>
        %dma_start3A_463 = arith.constant 0 : i32
        %dma_start3A_464 = tpu.memref_slice %arg9[%add3A_458, %dma_start3A_463] : memref<24x128xi32, #tpu.memory_space<vmem>> -> memref<1x128xi32, #tpu.memory_space<vmem>>
        %dma_start3A_465 = tpu.memref_squeeze %dma_start3A_464 : memref<1x128xi32, #tpu.memory_space<vmem>> -> memref<128xi32, #tpu.memory_space<vmem>>
        %dma_start3A_466 = arith.constant 0 : i32
        %dma_start3A_467 = arith.constant 0 : i32
        %dma_start3A_468 = tpu.memref_slice %arg15[%dma_start3A_466, %dma_start3A_467] : memref<10000x16xf32, #tpu.memory_space<vmem_shared>> -> memref<10000x16xf32, #tpu.memory_space<vmem_shared>>
        tpu.enqueue_indirect_dma source(%dma_start3A_468 : memref<10000x16xf32, #tpu.memory_space<vmem_shared>>) target(%dma_start3A_462 : memref<128x16xf32, #tpu.memory_space<vmem>>) offsets(%dma_start3A_465 : memref<128xi32, #tpu.memory_space<vmem>>) semaphore(%arg17 : memref<!tpu.dma_semaphore, #tpu.memory_space<semaphore_mem>>)
      } else {
      }
      %eq3A_302 = arith.constant 312 : i32
      %eq3A_303 = arith.cmpi eq, %add3A_292, %eq3A_302 : i32
      %convert_element_type3A_304 = arith.extui %eq3A_303 : i1 to i32
      %cond3A_305 = arith.constant 0 : i32
      %cond3A_306 = arith.cmpi ne, %convert_element_type3A_304, %cond3A_305 : i32
      scf.if %cond3A_306 {
        %add3A_373 = arith.constant 0 : i32
        %add3A_374 = arith.addi %mul3A_296, %add3A_373 : i32
        %add3A_375 = arith.constant 0 : i32
        %add3A_376 = arith.addi %mul3A_294, %add3A_375 : i32
        %dma_start3A_377 = arith.constant 0 : i32
        %dma_start3A_378 = tpu.memref_slice %arg11[%add3A_376, %dma_start3A_377] : memref<3072x16xf32, #tpu.memory_space<vmem>> -> memref<128x16xf32, #tpu.memory_space<vmem>>
        %dma_start3A_379 = arith.constant 0 : i32
        %dma_start3A_380 = tpu.memref_slice %arg9[%add3A_374, %dma_start3A_379] : memref<24x128xi32, #tpu.memory_space<vmem>> -> memref<1x128xi32, #tpu.memory_space<vmem>>
        %dma_start3A_381 = tpu.memref_squeeze %dma_start3A_380 : memref<1x128xi32, #tpu.memory_space<vmem>> -> memref<128xi32, #tpu.memory_space<vmem>>
        %dma_start3A_382 = arith.constant 0 : i32
        %dma_start3A_383 = arith.constant 0 : i32
        %dma_start3A_384 = tpu.memref_slice %arg15[%dma_start3A_382, %dma_start3A_383] : memref<10000x16xf32, #tpu.memory_space<vmem_shared>> -> memref<10000x16xf32, #tpu.memory_space<vmem_shared>>
        tpu.enqueue_indirect_dma source(%dma_start3A_384 : memref<10000x16xf32, #tpu.memory_space<vmem_shared>>) target(%dma_start3A_378 : memref<128x16xf32, #tpu.memory_space<vmem>>) offsets(%dma_start3A_381 : memref<128xi32, #tpu.memory_space<vmem>>) semaphore(%arg17 : memref<!tpu.dma_semaphore, #tpu.memory_space<semaphore_mem>>)
        %add3A_385 = arith.constant 1 : i32
        %add3A_386 = arith.addi %mul3A_296, %add3A_385 : i32
        %add3A_387 = arith.constant 128 : i32
        %add3A_388 = arith.addi %mul3A_294, %add3A_387 : i32
        %dma_start3A_389 = arith.constant 0 : i32
        %dma_start3A_390 = tpu.memref_slice %arg11[%add3A_388, %dma_start3A_389] : memref<3072x16xf32, #tpu.memory_space<vmem>> -> memref<128x16xf32, #tpu.memory_space<vmem>>
        %dma_start3A_391 = arith.constant 0 : i32
        %dma_start3A_392 = tpu.memref_slice %arg9[%add3A_386, %dma_start3A_391] : memref<24x128xi32, #tpu.memory_space<vmem>> -> memref<1x128xi32, #tpu.memory_space<vmem>>
        %dma_start3A_393 = tpu.memref_squeeze %dma_start3A_392 : memref<1x128xi32, #tpu.memory_space<vmem>> -> memref<128xi32, #tpu.memory_space<vmem>>
        %dma_start3A_394 = arith.constant 0 : i32
        %dma_start3A_395 = arith.constant 0 : i32
        %dma_start3A_396 = tpu.memref_slice %arg15[%dma_start3A_394, %dma_start3A_395] : memref<10000x16xf32, #tpu.memory_space<vmem_shared>> -> memref<10000x16xf32, #tpu.memory_space<vmem_shared>>
        tpu.enqueue_indirect_dma source(%dma_start3A_396 : memref<10000x16xf32, #tpu.memory_space<vmem_shared>>) target(%dma_start3A_390 : memref<128x16xf32, #tpu.memory_space<vmem>>) offsets(%dma_start3A_393 : memref<128xi32, #tpu.memory_space<vmem>>) semaphore(%arg17 : memref<!tpu.dma_semaphore, #tpu.memory_space<semaphore_mem>>)
        %add3A_397 = arith.constant 2 : i32
        %add3A_398 = arith.addi %mul3A_296, %add3A_397 : i32
        %add3A_399 = arith.constant 256 : i32
        %add3A_400 = arith.addi %mul3A_294, %add3A_399 : i32
        %dma_start3A_401 = arith.constant 0 : i32
        %dma_start3A_402 = tpu.memref_slice %arg11[%add3A_400, %dma_start3A_401] : memref<3072x16xf32, #tpu.memory_space<vmem>> -> memref<128x16xf32, #tpu.memory_space<vmem>>
        %dma_start3A_403 = arith.constant 0 : i32
        %dma_start3A_404 = tpu.memref_slice %arg9[%add3A_398, %dma_start3A_403] : memref<24x128xi32, #tpu.memory_space<vmem>> -> memref<1x128xi32, #tpu.memory_space<vmem>>
        %dma_start3A_405 = tpu.memref_squeeze %dma_start3A_404 : memref<1x128xi32, #tpu.memory_space<vmem>> -> memref<128xi32, #tpu.memory_space<vmem>>
        %dma_start3A_406 = arith.constant 0 : i32
        %dma_start3A_407 = arith.constant 0 : i32
        %dma_start3A_408 = tpu.memref_slice %arg15[%dma_start3A_406, %dma_start3A_407] : memref<10000x16xf32, #tpu.memory_space<vmem_shared>> -> memref<10000x16xf32, #tpu.memory_space<vmem_shared>>
        tpu.enqueue_indirect_dma source(%dma_start3A_408 : memref<10000x16xf32, #tpu.memory_space<vmem_shared>>) target(%dma_start3A_402 : memref<128x16xf32, #tpu.memory_space<vmem>>) offsets(%dma_start3A_405 : memref<128xi32, #tpu.memory_space<vmem>>) semaphore(%arg17 : memref<!tpu.dma_semaphore, #tpu.memory_space<semaphore_mem>>)
        %add3A_409 = arith.constant 3 : i32
        %add3A_410 = arith.addi %mul3A_296, %add3A_409 : i32
        %add3A_411 = arith.constant 384 : i32
        %add3A_412 = arith.addi %mul3A_294, %add3A_411 : i32
        %dma_start3A_413 = arith.constant 0 : i32
        %dma_start3A_414 = tpu.memref_slice %arg11[%add3A_412, %dma_start3A_413] : memref<3072x16xf32, #tpu.memory_space<vmem>> -> memref<128x16xf32, #tpu.memory_space<vmem>>
        %dma_start3A_415 = arith.constant 0 : i32
        %dma_start3A_416 = tpu.memref_slice %arg9[%add3A_410, %dma_start3A_415] : memref<24x128xi32, #tpu.memory_space<vmem>> -> memref<1x128xi32, #tpu.memory_space<vmem>>
        %dma_start3A_417 = tpu.memref_squeeze %dma_start3A_416 : memref<1x128xi32, #tpu.memory_space<vmem>> -> memref<128xi32, #tpu.memory_space<vmem>>
        %dma_start3A_418 = arith.constant 0 : i32
        %dma_start3A_419 = arith.constant 0 : i32
        %dma_start3A_420 = tpu.memref_slice %arg15[%dma_start3A_418, %dma_start3A_419] : memref<10000x16xf32, #tpu.memory_space<vmem_shared>> -> memref<10000x16xf32, #tpu.memory_space<vmem_shared>>
        tpu.enqueue_indirect_dma source(%dma_start3A_420 : memref<10000x16xf32, #tpu.memory_space<vmem_shared>>) target(%dma_start3A_414 : memref<128x16xf32, #tpu.memory_space<vmem>>) offsets(%dma_start3A_417 : memref<128xi32, #tpu.memory_space<vmem>>) semaphore(%arg17 : memref<!tpu.dma_semaphore, #tpu.memory_space<semaphore_mem>>)
      } else {
      }
      %add3A_307 = arith.constant 1 : i32
      %add3A_308 = arith.addi %scan3A_261, %add3A_307 : i32
      %mul3A_309 = arith.constant 10 : i32
      %mul3A_310 = arith.muli %add3A, %mul3A_309 : i32
      %add3A_311 = arith.addi %mul3A_310, %add3A_308 : i32
      %mul3A_312 = arith.constant 1024 : i32
      %mul3A_313 = arith.muli %rem3A_266, %mul3A_312 : i32
      %lt3A_314 = arith.constant 312 : i32
      %lt3A_315 = arith.cmpi slt, %add3A_311, %lt3A_314 : i32
      %convert_element_type3A_316 = arith.extui %lt3A_315 : i1 to i32
      %cond3A_317 = arith.constant 0 : i32
      %cond3A_318 = arith.cmpi ne, %convert_element_type3A_316, %cond3A_317 : i32
      scf.if %cond3A_318 {
        %add3A_373 = arith.constant 0 : i32
        %add3A_374 = arith.addi %mul3A_313, %add3A_373 : i32
        %dma_wait3A_375 = arith.constant 0 : i32
        %dma_wait3A_376 = tpu.memref_slice %arg11[%add3A_374, %dma_wait3A_375] : memref<3072x16xf32, #tpu.memory_space<vmem>> -> memref<128x16xf32, #tpu.memory_space<vmem>>
        %dma_wait3A_377 = arith.constant 0 : i32
        %dma_wait3A_378 = arith.constant 0 : i32
        %dma_wait3A_379 = tpu.memref_slice %arg2[%dma_wait3A_377, %dma_wait3A_378] : memref<10000x16xf32, #tpu.memory_space<hbm>> -> memref<128x16xf32, #tpu.memory_space<hbm>>
        %dma_wait3A_380 = arith.constant 0 : i32
        %dma_wait3A_381 = tpu.memref_slice %arg11[%add3A_374, %dma_wait3A_380] : memref<3072x16xf32, #tpu.memory_space<vmem>> -> memref<128x16xf32, #tpu.memory_space<vmem>>
        %dma_wait3A_382 = arith.constant 0 : i32
        %dma_wait3A_383 = arith.constant 0 : i32
        %dma_wait3A_384 = tpu.memref_slice %arg2[%dma_wait3A_382, %dma_wait3A_383] : memref<10000x16xf32, #tpu.memory_space<hbm>> -> memref<128x16xf32, #tpu.memory_space<hbm>>
        tpu.wait_dma2 semaphore(%arg17 : memref<!tpu.dma_semaphore, #tpu.memory_space<semaphore_mem>>) src(%dma_wait3A_384 : memref<128x16xf32, #tpu.memory_space<hbm>>) dst(%dma_wait3A_381 : memref<128x16xf32, #tpu.memory_space<vmem>>)
        %add3A_385 = arith.constant 128 : i32
        %add3A_386 = arith.addi %mul3A_313, %add3A_385 : i32
        %dma_wait3A_387 = arith.constant 0 : i32
        %dma_wait3A_388 = tpu.memref_slice %arg11[%add3A_386, %dma_wait3A_387] : memref<3072x16xf32, #tpu.memory_space<vmem>> -> memref<128x16xf32, #tpu.memory_space<vmem>>
        %dma_wait3A_389 = arith.constant 0 : i32
        %dma_wait3A_390 = arith.constant 0 : i32
        %dma_wait3A_391 = tpu.memref_slice %arg2[%dma_wait3A_389, %dma_wait3A_390] : memref<10000x16xf32, #tpu.memory_space<hbm>> -> memref<128x16xf32, #tpu.memory_space<hbm>>
        %dma_wait3A_392 = arith.constant 0 : i32
        %dma_wait3A_393 = tpu.memref_slice %arg11[%add3A_386, %dma_wait3A_392] : memref<3072x16xf32, #tpu.memory_space<vmem>> -> memref<128x16xf32, #tpu.memory_space<vmem>>
        %dma_wait3A_394 = arith.constant 0 : i32
        %dma_wait3A_395 = arith.constant 0 : i32
        %dma_wait3A_396 = tpu.memref_slice %arg2[%dma_wait3A_394, %dma_wait3A_395] : memref<10000x16xf32, #tpu.memory_space<hbm>> -> memref<128x16xf32, #tpu.memory_space<hbm>>
        tpu.wait_dma2 semaphore(%arg17 : memref<!tpu.dma_semaphore, #tpu.memory_space<semaphore_mem>>) src(%dma_wait3A_396 : memref<128x16xf32, #tpu.memory_space<hbm>>) dst(%dma_wait3A_393 : memref<128x16xf32, #tpu.memory_space<vmem>>)
        %add3A_397 = arith.constant 256 : i32
        %add3A_398 = arith.addi %mul3A_313, %add3A_397 : i32
        %dma_wait3A_399 = arith.constant 0 : i32
        %dma_wait3A_400 = tpu.memref_slice %arg11[%add3A_398, %dma_wait3A_399] : memref<3072x16xf32, #tpu.memory_space<vmem>> -> memref<128x16xf32, #tpu.memory_space<vmem>>
        %dma_wait3A_401 = arith.constant 0 : i32
        %dma_wait3A_402 = arith.constant 0 : i32
        %dma_wait3A_403 = tpu.memref_slice %arg2[%dma_wait3A_401, %dma_wait3A_402] : memref<10000x16xf32, #tpu.memory_space<hbm>> -> memref<128x16xf32, #tpu.memory_space<hbm>>
        %dma_wait3A_404 = arith.constant 0 : i32
        %dma_wait3A_405 = tpu.memref_slice %arg11[%add3A_398, %dma_wait3A_404] : memref<3072x16xf32, #tpu.memory_space<vmem>> -> memref<128x16xf32, #tpu.memory_space<vmem>>
        %dma_wait3A_406 = arith.constant 0 : i32
        %dma_wait3A_407 = arith.constant 0 : i32
        %dma_wait3A_408 = tpu.memref_slice %arg2[%dma_wait3A_406, %dma_wait3A_407] : memref<10000x16xf32, #tpu.memory_space<hbm>> -> memref<128x16xf32, #tpu.memory_space<hbm>>
        tpu.wait_dma2 semaphore(%arg17 : memref<!tpu.dma_semaphore, #tpu.memory_space<semaphore_mem>>) src(%dma_wait3A_408 : memref<128x16xf32, #tpu.memory_space<hbm>>) dst(%dma_wait3A_405 : memref<128x16xf32, #tpu.memory_space<vmem>>)
        %add3A_409 = arith.constant 384 : i32
        %add3A_410 = arith.addi %mul3A_313, %add3A_409 : i32
        %dma_wait3A_411 = arith.constant 0 : i32
        %dma_wait3A_412 = tpu.memref_slice %arg11[%add3A_410, %dma_wait3A_411] : memref<3072x16xf32, #tpu.memory_space<vmem>> -> memref<128x16xf32, #tpu.memory_space<vmem>>
        %dma_wait3A_413 = arith.constant 0 : i32
        %dma_wait3A_414 = arith.constant 0 : i32
        %dma_wait3A_415 = tpu.memref_slice %arg2[%dma_wait3A_413, %dma_wait3A_414] : memref<10000x16xf32, #tpu.memory_space<hbm>> -> memref<128x16xf32, #tpu.memory_space<hbm>>
        %dma_wait3A_416 = arith.constant 0 : i32
        %dma_wait3A_417 = tpu.memref_slice %arg11[%add3A_410, %dma_wait3A_416] : memref<3072x16xf32, #tpu.memory_space<vmem>> -> memref<128x16xf32, #tpu.memory_space<vmem>>
        %dma_wait3A_418 = arith.constant 0 : i32
        %dma_wait3A_419 = arith.constant 0 : i32
        %dma_wait3A_420 = tpu.memref_slice %arg2[%dma_wait3A_418, %dma_wait3A_419] : memref<10000x16xf32, #tpu.memory_space<hbm>> -> memref<128x16xf32, #tpu.memory_space<hbm>>
        tpu.wait_dma2 semaphore(%arg17 : memref<!tpu.dma_semaphore, #tpu.memory_space<semaphore_mem>>) src(%dma_wait3A_420 : memref<128x16xf32, #tpu.memory_space<hbm>>) dst(%dma_wait3A_417 : memref<128x16xf32, #tpu.memory_space<vmem>>)
        %add3A_421 = arith.constant 512 : i32
        %add3A_422 = arith.addi %mul3A_313, %add3A_421 : i32
        %dma_wait3A_423 = arith.constant 0 : i32
        %dma_wait3A_424 = tpu.memref_slice %arg11[%add3A_422, %dma_wait3A_423] : memref<3072x16xf32, #tpu.memory_space<vmem>> -> memref<128x16xf32, #tpu.memory_space<vmem>>
        %dma_wait3A_425 = arith.constant 0 : i32
        %dma_wait3A_426 = arith.constant 0 : i32
        %dma_wait3A_427 = tpu.memref_slice %arg2[%dma_wait3A_425, %dma_wait3A_426] : memref<10000x16xf32, #tpu.memory_space<hbm>> -> memref<128x16xf32, #tpu.memory_space<hbm>>
        %dma_wait3A_428 = arith.constant 0 : i32
        %dma_wait3A_429 = tpu.memref_slice %arg11[%add3A_422, %dma_wait3A_428] : memref<3072x16xf32, #tpu.memory_space<vmem>> -> memref<128x16xf32, #tpu.memory_space<vmem>>
        %dma_wait3A_430 = arith.constant 0 : i32
        %dma_wait3A_431 = arith.constant 0 : i32
        %dma_wait3A_432 = tpu.memref_slice %arg2[%dma_wait3A_430, %dma_wait3A_431] : memref<10000x16xf32, #tpu.memory_space<hbm>> -> memref<128x16xf32, #tpu.memory_space<hbm>>
        tpu.wait_dma2 semaphore(%arg17 : memref<!tpu.dma_semaphore, #tpu.memory_space<semaphore_mem>>) src(%dma_wait3A_432 : memref<128x16xf32, #tpu.memory_space<hbm>>) dst(%dma_wait3A_429 : memref<128x16xf32, #tpu.memory_space<vmem>>)
        %add3A_433 = arith.constant 640 : i32
        %add3A_434 = arith.addi %mul3A_313, %add3A_433 : i32
        %dma_wait3A_435 = arith.constant 0 : i32
        %dma_wait3A_436 = tpu.memref_slice %arg11[%add3A_434, %dma_wait3A_435] : memref<3072x16xf32, #tpu.memory_space<vmem>> -> memref<128x16xf32, #tpu.memory_space<vmem>>
        %dma_wait3A_437 = arith.constant 0 : i32
        %dma_wait3A_438 = arith.constant 0 : i32
        %dma_wait3A_439 = tpu.memref_slice %arg2[%dma_wait3A_437, %dma_wait3A_438] : memref<10000x16xf32, #tpu.memory_space<hbm>> -> memref<128x16xf32, #tpu.memory_space<hbm>>
        %dma_wait3A_440 = arith.constant 0 : i32
        %dma_wait3A_441 = tpu.memref_slice %arg11[%add3A_434, %dma_wait3A_440] : memref<3072x16xf32, #tpu.memory_space<vmem>> -> memref<128x16xf32, #tpu.memory_space<vmem>>
        %dma_wait3A_442 = arith.constant 0 : i32
        %dma_wait3A_443 = arith.constant 0 : i32
        %dma_wait3A_444 = tpu.memref_slice %arg2[%dma_wait3A_442, %dma_wait3A_443] : memref<10000x16xf32, #tpu.memory_space<hbm>> -> memref<128x16xf32, #tpu.memory_space<hbm>>
        tpu.wait_dma2 semaphore(%arg17 : memref<!tpu.dma_semaphore, #tpu.memory_space<semaphore_mem>>) src(%dma_wait3A_444 : memref<128x16xf32, #tpu.memory_space<hbm>>) dst(%dma_wait3A_441 : memref<128x16xf32, #tpu.memory_space<vmem>>)
        %add3A_445 = arith.constant 768 : i32
        %add3A_446 = arith.addi %mul3A_313, %add3A_445 : i32
        %dma_wait3A_447 = arith.constant 0 : i32
        %dma_wait3A_448 = tpu.memref_slice %arg11[%add3A_446, %dma_wait3A_447] : memref<3072x16xf32, #tpu.memory_space<vmem>> -> memref<128x16xf32, #tpu.memory_space<vmem>>
        %dma_wait3A_449 = arith.constant 0 : i32
        %dma_wait3A_450 = arith.constant 0 : i32
        %dma_wait3A_451 = tpu.memref_slice %arg2[%dma_wait3A_449, %dma_wait3A_450] : memref<10000x16xf32, #tpu.memory_space<hbm>> -> memref<128x16xf32, #tpu.memory_space<hbm>>
        %dma_wait3A_452 = arith.constant 0 : i32
        %dma_wait3A_453 = tpu.memref_slice %arg11[%add3A_446, %dma_wait3A_452] : memref<3072x16xf32, #tpu.memory_space<vmem>> -> memref<128x16xf32, #tpu.memory_space<vmem>>
        %dma_wait3A_454 = arith.constant 0 : i32
        %dma_wait3A_455 = arith.constant 0 : i32
        %dma_wait3A_456 = tpu.memref_slice %arg2[%dma_wait3A_454, %dma_wait3A_455] : memref<10000x16xf32, #tpu.memory_space<hbm>> -> memref<128x16xf32, #tpu.memory_space<hbm>>
        tpu.wait_dma2 semaphore(%arg17 : memref<!tpu.dma_semaphore, #tpu.memory_space<semaphore_mem>>) src(%dma_wait3A_456 : memref<128x16xf32, #tpu.memory_space<hbm>>) dst(%dma_wait3A_453 : memref<128x16xf32, #tpu.memory_space<vmem>>)
        %add3A_457 = arith.constant 896 : i32
        %add3A_458 = arith.addi %mul3A_313, %add3A_457 : i32
        %dma_wait3A_459 = arith.constant 0 : i32
        %dma_wait3A_460 = tpu.memref_slice %arg11[%add3A_458, %dma_wait3A_459] : memref<3072x16xf32, #tpu.memory_space<vmem>> -> memref<128x16xf32, #tpu.memory_space<vmem>>
        %dma_wait3A_461 = arith.constant 0 : i32
        %dma_wait3A_462 = arith.constant 0 : i32
        %dma_wait3A_463 = tpu.memref_slice %arg2[%dma_wait3A_461, %dma_wait3A_462] : memref<10000x16xf32, #tpu.memory_space<hbm>> -> memref<128x16xf32, #tpu.memory_space<hbm>>
        %dma_wait3A_464 = arith.constant 0 : i32
        %dma_wait3A_465 = tpu.memref_slice %arg11[%add3A_458, %dma_wait3A_464] : memref<3072x16xf32, #tpu.memory_space<vmem>> -> memref<128x16xf32, #tpu.memory_space<vmem>>
        %dma_wait3A_466 = arith.constant 0 : i32
        %dma_wait3A_467 = arith.constant 0 : i32
        %dma_wait3A_468 = tpu.memref_slice %arg2[%dma_wait3A_466, %dma_wait3A_467] : memref<10000x16xf32, #tpu.memory_space<hbm>> -> memref<128x16xf32, #tpu.memory_space<hbm>>
        tpu.wait_dma2 semaphore(%arg17 : memref<!tpu.dma_semaphore, #tpu.memory_space<semaphore_mem>>) src(%dma_wait3A_468 : memref<128x16xf32, #tpu.memory_space<hbm>>) dst(%dma_wait3A_465 : memref<128x16xf32, #tpu.memory_space<vmem>>)
      } else {
      }
      %eq3A_319 = arith.constant 312 : i32
      %eq3A_320 = arith.cmpi eq, %add3A_311, %eq3A_319 : i32
      %convert_element_type3A_321 = arith.extui %eq3A_320 : i1 to i32
      %cond3A_322 = arith.constant 0 : i32
      %cond3A_323 = arith.cmpi ne, %convert_element_type3A_321, %cond3A_322 : i32
      scf.if %cond3A_323 {
        %add3A_373 = arith.constant 0 : i32
        %add3A_374 = arith.addi %mul3A_313, %add3A_373 : i32
        %dma_wait3A_375 = arith.constant 0 : i32
        %dma_wait3A_376 = tpu.memref_slice %arg11[%add3A_374, %dma_wait3A_375] : memref<3072x16xf32, #tpu.memory_space<vmem>> -> memref<128x16xf32, #tpu.memory_space<vmem>>
        %dma_wait3A_377 = arith.constant 0 : i32
        %dma_wait3A_378 = arith.constant 0 : i32
        %dma_wait3A_379 = tpu.memref_slice %arg2[%dma_wait3A_377, %dma_wait3A_378] : memref<10000x16xf32, #tpu.memory_space<hbm>> -> memref<128x16xf32, #tpu.memory_space<hbm>>
        %dma_wait3A_380 = arith.constant 0 : i32
        %dma_wait3A_381 = tpu.memref_slice %arg11[%add3A_374, %dma_wait3A_380] : memref<3072x16xf32, #tpu.memory_space<vmem>> -> memref<128x16xf32, #tpu.memory_space<vmem>>
        %dma_wait3A_382 = arith.constant 0 : i32
        %dma_wait3A_383 = arith.constant 0 : i32
        %dma_wait3A_384 = tpu.memref_slice %arg2[%dma_wait3A_382, %dma_wait3A_383] : memref<10000x16xf32, #tpu.memory_space<hbm>> -> memref<128x16xf32, #tpu.memory_space<hbm>>
        tpu.wait_dma2 semaphore(%arg17 : memref<!tpu.dma_semaphore, #tpu.memory_space<semaphore_mem>>) src(%dma_wait3A_384 : memref<128x16xf32, #tpu.memory_space<hbm>>) dst(%dma_wait3A_381 : memref<128x16xf32, #tpu.memory_space<vmem>>)
        %add3A_385 = arith.constant 128 : i32
        %add3A_386 = arith.addi %mul3A_313, %add3A_385 : i32
        %dma_wait3A_387 = arith.constant 0 : i32
        %dma_wait3A_388 = tpu.memref_slice %arg11[%add3A_386, %dma_wait3A_387] : memref<3072x16xf32, #tpu.memory_space<vmem>> -> memref<128x16xf32, #tpu.memory_space<vmem>>
        %dma_wait3A_389 = arith.constant 0 : i32
        %dma_wait3A_390 = arith.constant 0 : i32
        %dma_wait3A_391 = tpu.memref_slice %arg2[%dma_wait3A_389, %dma_wait3A_390] : memref<10000x16xf32, #tpu.memory_space<hbm>> -> memref<128x16xf32, #tpu.memory_space<hbm>>
        %dma_wait3A_392 = arith.constant 0 : i32
        %dma_wait3A_393 = tpu.memref_slice %arg11[%add3A_386, %dma_wait3A_392] : memref<3072x16xf32, #tpu.memory_space<vmem>> -> memref<128x16xf32, #tpu.memory_space<vmem>>
        %dma_wait3A_394 = arith.constant 0 : i32
        %dma_wait3A_395 = arith.constant 0 : i32
        %dma_wait3A_396 = tpu.memref_slice %arg2[%dma_wait3A_394, %dma_wait3A_395] : memref<10000x16xf32, #tpu.memory_space<hbm>> -> memref<128x16xf32, #tpu.memory_space<hbm>>
        tpu.wait_dma2 semaphore(%arg17 : memref<!tpu.dma_semaphore, #tpu.memory_space<semaphore_mem>>) src(%dma_wait3A_396 : memref<128x16xf32, #tpu.memory_space<hbm>>) dst(%dma_wait3A_393 : memref<128x16xf32, #tpu.memory_space<vmem>>)
        %add3A_397 = arith.constant 256 : i32
        %add3A_398 = arith.addi %mul3A_313, %add3A_397 : i32
        %dma_wait3A_399 = arith.constant 0 : i32
        %dma_wait3A_400 = tpu.memref_slice %arg11[%add3A_398, %dma_wait3A_399] : memref<3072x16xf32, #tpu.memory_space<vmem>> -> memref<128x16xf32, #tpu.memory_space<vmem>>
        %dma_wait3A_401 = arith.constant 0 : i32
        %dma_wait3A_402 = arith.constant 0 : i32
        %dma_wait3A_403 = tpu.memref_slice %arg2[%dma_wait3A_401, %dma_wait3A_402] : memref<10000x16xf32, #tpu.memory_space<hbm>> -> memref<128x16xf32, #tpu.memory_space<hbm>>
        %dma_wait3A_404 = arith.constant 0 : i32
        %dma_wait3A_405 = tpu.memref_slice %arg11[%add3A_398, %dma_wait3A_404] : memref<3072x16xf32, #tpu.memory_space<vmem>> -> memref<128x16xf32, #tpu.memory_space<vmem>>
        %dma_wait3A_406 = arith.constant 0 : i32
        %dma_wait3A_407 = arith.constant 0 : i32
        %dma_wait3A_408 = tpu.memref_slice %arg2[%dma_wait3A_406, %dma_wait3A_407] : memref<10000x16xf32, #tpu.memory_space<hbm>> -> memref<128x16xf32, #tpu.memory_space<hbm>>
        tpu.wait_dma2 semaphore(%arg17 : memref<!tpu.dma_semaphore, #tpu.memory_space<semaphore_mem>>) src(%dma_wait3A_408 : memref<128x16xf32, #tpu.memory_space<hbm>>) dst(%dma_wait3A_405 : memref<128x16xf32, #tpu.memory_space<vmem>>)
        %add3A_409 = arith.constant 384 : i32
        %add3A_410 = arith.addi %mul3A_313, %add3A_409 : i32
        %dma_wait3A_411 = arith.constant 0 : i32
        %dma_wait3A_412 = tpu.memref_slice %arg11[%add3A_410, %dma_wait3A_411] : memref<3072x16xf32, #tpu.memory_space<vmem>> -> memref<128x16xf32, #tpu.memory_space<vmem>>
        %dma_wait3A_413 = arith.constant 0 : i32
        %dma_wait3A_414 = arith.constant 0 : i32
        %dma_wait3A_415 = tpu.memref_slice %arg2[%dma_wait3A_413, %dma_wait3A_414] : memref<10000x16xf32, #tpu.memory_space<hbm>> -> memref<128x16xf32, #tpu.memory_space<hbm>>
        %dma_wait3A_416 = arith.constant 0 : i32
        %dma_wait3A_417 = tpu.memref_slice %arg11[%add3A_410, %dma_wait3A_416] : memref<3072x16xf32, #tpu.memory_space<vmem>> -> memref<128x16xf32, #tpu.memory_space<vmem>>
        %dma_wait3A_418 = arith.constant 0 : i32
        %dma_wait3A_419 = arith.constant 0 : i32
        %dma_wait3A_420 = tpu.memref_slice %arg2[%dma_wait3A_418, %dma_wait3A_419] : memref<10000x16xf32, #tpu.memory_space<hbm>> -> memref<128x16xf32, #tpu.memory_space<hbm>>
        tpu.wait_dma2 semaphore(%arg17 : memref<!tpu.dma_semaphore, #tpu.memory_space<semaphore_mem>>) src(%dma_wait3A_420 : memref<128x16xf32, #tpu.memory_space<hbm>>) dst(%dma_wait3A_417 : memref<128x16xf32, #tpu.memory_space<vmem>>)
      } else {
      }
      %add3A_324 = arith.constant 1 : i32
      %add3A_325 = arith.addi %scan3A_261, %add3A_324 : i32
      %mul3A_326 = arith.constant 10 : i32
      %mul3A_327 = arith.muli %add3A, %mul3A_326 : i32
      %add3A_328 = arith.addi %mul3A_327, %add3A_325 : i32
      %mul3A_329 = arith.constant 1024 : i32
      %mul3A_330 = arith.muli %rem3A_266, %mul3A_329 : i32
      %mul3A_331 = arith.constant 8 : i32
      %mul3A_332 = arith.muli %rem3A_266, %mul3A_331 : i32
      %lt3A_333 = arith.constant 312 : i32
      %lt3A_334 = arith.cmpi slt, %add3A_328, %lt3A_333 : i32
      %convert_element_type3A_335 = arith.extui %lt3A_334 : i1 to i32
      %cond3A_336 = arith.constant 0 : i32
      %cond3A_337 = arith.cmpi ne, %convert_element_type3A_335, %cond3A_336 : i32
      scf.if %cond3A_337 {
        %add3A_373 = arith.constant 0 : i32
        %add3A_374 = arith.addi %mul3A_332, %add3A_373 : i32
        %add3A_375 = arith.constant 0 : i32
        %add3A_376 = arith.addi %mul3A_330, %add3A_375 : i32
        %dma_start3A_377 = arith.constant 0 : i32
        %dma_start3A_378 = tpu.memref_slice %arg11[%add3A_376, %dma_start3A_377] : memref<3072x16xf32, #tpu.memory_space<vmem>> -> memref<128x16xf32, #tpu.memory_space<vmem>>
        %dma_start3A_379 = arith.constant 0 : i32
        %dma_start3A_380 = tpu.memref_slice %arg10[%add3A_374, %dma_start3A_379] : memref<24x128xi32, #tpu.memory_space<vmem>> -> memref<1x128xi32, #tpu.memory_space<vmem>>
        %dma_start3A_381 = tpu.memref_squeeze %dma_start3A_380 : memref<1x128xi32, #tpu.memory_space<vmem>> -> memref<128xi32, #tpu.memory_space<vmem>>
        %dma_start3A_382 = arith.constant 0 : i32
        %dma_start3A_383 = arith.constant 0 : i32
        %dma_start3A_384 = tpu.memref_slice %arg16[%dma_start3A_382, %dma_start3A_383] : memref<10000x16xf32, #tpu.memory_space<vmem_shared>> -> memref<10000x16xf32, #tpu.memory_space<vmem_shared>>
        tpu.enqueue_indirect_dma source(%dma_start3A_384 : memref<10000x16xf32, #tpu.memory_space<vmem_shared>>) target(%dma_start3A_378 : memref<128x16xf32, #tpu.memory_space<vmem>>) offsets(%dma_start3A_381 : memref<128xi32, #tpu.memory_space<vmem>>) semaphore(%arg17 : memref<!tpu.dma_semaphore, #tpu.memory_space<semaphore_mem>>) {add = true}
        %add3A_385 = arith.constant 1 : i32
        %add3A_386 = arith.addi %mul3A_332, %add3A_385 : i32
        %add3A_387 = arith.constant 128 : i32
        %add3A_388 = arith.addi %mul3A_330, %add3A_387 : i32
        %dma_start3A_389 = arith.constant 0 : i32
        %dma_start3A_390 = tpu.memref_slice %arg11[%add3A_388, %dma_start3A_389] : memref<3072x16xf32, #tpu.memory_space<vmem>> -> memref<128x16xf32, #tpu.memory_space<vmem>>
        %dma_start3A_391 = arith.constant 0 : i32
        %dma_start3A_392 = tpu.memref_slice %arg10[%add3A_386, %dma_start3A_391] : memref<24x128xi32, #tpu.memory_space<vmem>> -> memref<1x128xi32, #tpu.memory_space<vmem>>
        %dma_start3A_393 = tpu.memref_squeeze %dma_start3A_392 : memref<1x128xi32, #tpu.memory_space<vmem>> -> memref<128xi32, #tpu.memory_space<vmem>>
        %dma_start3A_394 = arith.constant 0 : i32
        %dma_start3A_395 = arith.constant 0 : i32
        %dma_start3A_396 = tpu.memref_slice %arg16[%dma_start3A_394, %dma_start3A_395] : memref<10000x16xf32, #tpu.memory_space<vmem_shared>> -> memref<10000x16xf32, #tpu.memory_space<vmem_shared>>
        tpu.enqueue_indirect_dma source(%dma_start3A_396 : memref<10000x16xf32, #tpu.memory_space<vmem_shared>>) target(%dma_start3A_390 : memref<128x16xf32, #tpu.memory_space<vmem>>) offsets(%dma_start3A_393 : memref<128xi32, #tpu.memory_space<vmem>>) semaphore(%arg17 : memref<!tpu.dma_semaphore, #tpu.memory_space<semaphore_mem>>) {add = true}
        %add3A_397 = arith.constant 2 : i32
        %add3A_398 = arith.addi %mul3A_332, %add3A_397 : i32
        %add3A_399 = arith.constant 256 : i32
        %add3A_400 = arith.addi %mul3A_330, %add3A_399 : i32
        %dma_start3A_401 = arith.constant 0 : i32
        %dma_start3A_402 = tpu.memref_slice %arg11[%add3A_400, %dma_start3A_401] : memref<3072x16xf32, #tpu.memory_space<vmem>> -> memref<128x16xf32, #tpu.memory_space<vmem>>
        %dma_start3A_403 = arith.constant 0 : i32
        %dma_start3A_404 = tpu.memref_slice %arg10[%add3A_398, %dma_start3A_403] : memref<24x128xi32, #tpu.memory_space<vmem>> -> memref<1x128xi32, #tpu.memory_space<vmem>>
        %dma_start3A_405 = tpu.memref_squeeze %dma_start3A_404 : memref<1x128xi32, #tpu.memory_space<vmem>> -> memref<128xi32, #tpu.memory_space<vmem>>
        %dma_start3A_406 = arith.constant 0 : i32
        %dma_start3A_407 = arith.constant 0 : i32
        %dma_start3A_408 = tpu.memref_slice %arg16[%dma_start3A_406, %dma_start3A_407] : memref<10000x16xf32, #tpu.memory_space<vmem_shared>> -> memref<10000x16xf32, #tpu.memory_space<vmem_shared>>
        tpu.enqueue_indirect_dma source(%dma_start3A_408 : memref<10000x16xf32, #tpu.memory_space<vmem_shared>>) target(%dma_start3A_402 : memref<128x16xf32, #tpu.memory_space<vmem>>) offsets(%dma_start3A_405 : memref<128xi32, #tpu.memory_space<vmem>>) semaphore(%arg17 : memref<!tpu.dma_semaphore, #tpu.memory_space<semaphore_mem>>) {add = true}
        %add3A_409 = arith.constant 3 : i32
        %add3A_410 = arith.addi %mul3A_332, %add3A_409 : i32
        %add3A_411 = arith.constant 384 : i32
        %add3A_412 = arith.addi %mul3A_330, %add3A_411 : i32
        %dma_start3A_413 = arith.constant 0 : i32
        %dma_start3A_414 = tpu.memref_slice %arg11[%add3A_412, %dma_start3A_413] : memref<3072x16xf32, #tpu.memory_space<vmem>> -> memref<128x16xf32, #tpu.memory_space<vmem>>
        %dma_start3A_415 = arith.constant 0 : i32
        %dma_start3A_416 = tpu.memref_slice %arg10[%add3A_410, %dma_start3A_415] : memref<24x128xi32, #tpu.memory_space<vmem>> -> memref<1x128xi32, #tpu.memory_space<vmem>>
        %dma_start3A_417 = tpu.memref_squeeze %dma_start3A_416 : memref<1x128xi32, #tpu.memory_space<vmem>> -> memref<128xi32, #tpu.memory_space<vmem>>
        %dma_start3A_418 = arith.constant 0 : i32
        %dma_start3A_419 = arith.constant 0 : i32
        %dma_start3A_420 = tpu.memref_slice %arg16[%dma_start3A_418, %dma_start3A_419] : memref<10000x16xf32, #tpu.memory_space<vmem_shared>> -> memref<10000x16xf32, #tpu.memory_space<vmem_shared>>
        tpu.enqueue_indirect_dma source(%dma_start3A_420 : memref<10000x16xf32, #tpu.memory_space<vmem_shared>>) target(%dma_start3A_414 : memref<128x16xf32, #tpu.memory_space<vmem>>) offsets(%dma_start3A_417 : memref<128xi32, #tpu.memory_space<vmem>>) semaphore(%arg17 : memref<!tpu.dma_semaphore, #tpu.memory_space<semaphore_mem>>) {add = true}
        %add3A_421 = arith.constant 4 : i32
        %add3A_422 = arith.addi %mul3A_332, %add3A_421 : i32
        %add3A_423 = arith.constant 512 : i32
        %add3A_424 = arith.addi %mul3A_330, %add3A_423 : i32
        %dma_start3A_425 = arith.constant 0 : i32
        %dma_start3A_426 = tpu.memref_slice %arg11[%add3A_424, %dma_start3A_425] : memref<3072x16xf32, #tpu.memory_space<vmem>> -> memref<128x16xf32, #tpu.memory_space<vmem>>
        %dma_start3A_427 = arith.constant 0 : i32
        %dma_start3A_428 = tpu.memref_slice %arg10[%add3A_422, %dma_start3A_427] : memref<24x128xi32, #tpu.memory_space<vmem>> -> memref<1x128xi32, #tpu.memory_space<vmem>>
        %dma_start3A_429 = tpu.memref_squeeze %dma_start3A_428 : memref<1x128xi32, #tpu.memory_space<vmem>> -> memref<128xi32, #tpu.memory_space<vmem>>
        %dma_start3A_430 = arith.constant 0 : i32
        %dma_start3A_431 = arith.constant 0 : i32
        %dma_start3A_432 = tpu.memref_slice %arg16[%dma_start3A_430, %dma_start3A_431] : memref<10000x16xf32, #tpu.memory_space<vmem_shared>> -> memref<10000x16xf32, #tpu.memory_space<vmem_shared>>
        tpu.enqueue_indirect_dma source(%dma_start3A_432 : memref<10000x16xf32, #tpu.memory_space<vmem_shared>>) target(%dma_start3A_426 : memref<128x16xf32, #tpu.memory_space<vmem>>) offsets(%dma_start3A_429 : memref<128xi32, #tpu.memory_space<vmem>>) semaphore(%arg17 : memref<!tpu.dma_semaphore, #tpu.memory_space<semaphore_mem>>) {add = true}
        %add3A_433 = arith.constant 5 : i32
        %add3A_434 = arith.addi %mul3A_332, %add3A_433 : i32
        %add3A_435 = arith.constant 640 : i32
        %add3A_436 = arith.addi %mul3A_330, %add3A_435 : i32
        %dma_start3A_437 = arith.constant 0 : i32
        %dma_start3A_438 = tpu.memref_slice %arg11[%add3A_436, %dma_start3A_437] : memref<3072x16xf32, #tpu.memory_space<vmem>> -> memref<128x16xf32, #tpu.memory_space<vmem>>
        %dma_start3A_439 = arith.constant 0 : i32
        %dma_start3A_440 = tpu.memref_slice %arg10[%add3A_434, %dma_start3A_439] : memref<24x128xi32, #tpu.memory_space<vmem>> -> memref<1x128xi32, #tpu.memory_space<vmem>>
        %dma_start3A_441 = tpu.memref_squeeze %dma_start3A_440 : memref<1x128xi32, #tpu.memory_space<vmem>> -> memref<128xi32, #tpu.memory_space<vmem>>
        %dma_start3A_442 = arith.constant 0 : i32
        %dma_start3A_443 = arith.constant 0 : i32
        %dma_start3A_444 = tpu.memref_slice %arg16[%dma_start3A_442, %dma_start3A_443] : memref<10000x16xf32, #tpu.memory_space<vmem_shared>> -> memref<10000x16xf32, #tpu.memory_space<vmem_shared>>
        tpu.enqueue_indirect_dma source(%dma_start3A_444 : memref<10000x16xf32, #tpu.memory_space<vmem_shared>>) target(%dma_start3A_438 : memref<128x16xf32, #tpu.memory_space<vmem>>) offsets(%dma_start3A_441 : memref<128xi32, #tpu.memory_space<vmem>>) semaphore(%arg17 : memref<!tpu.dma_semaphore, #tpu.memory_space<semaphore_mem>>) {add = true}
        %add3A_445 = arith.constant 6 : i32
        %add3A_446 = arith.addi %mul3A_332, %add3A_445 : i32
        %add3A_447 = arith.constant 768 : i32
        %add3A_448 = arith.addi %mul3A_330, %add3A_447 : i32
        %dma_start3A_449 = arith.constant 0 : i32
        %dma_start3A_450 = tpu.memref_slice %arg11[%add3A_448, %dma_start3A_449] : memref<3072x16xf32, #tpu.memory_space<vmem>> -> memref<128x16xf32, #tpu.memory_space<vmem>>
        %dma_start3A_451 = arith.constant 0 : i32
        %dma_start3A_452 = tpu.memref_slice %arg10[%add3A_446, %dma_start3A_451] : memref<24x128xi32, #tpu.memory_space<vmem>> -> memref<1x128xi32, #tpu.memory_space<vmem>>
        %dma_start3A_453 = tpu.memref_squeeze %dma_start3A_452 : memref<1x128xi32, #tpu.memory_space<vmem>> -> memref<128xi32, #tpu.memory_space<vmem>>
        %dma_start3A_454 = arith.constant 0 : i32
        %dma_start3A_455 = arith.constant 0 : i32
        %dma_start3A_456 = tpu.memref_slice %arg16[%dma_start3A_454, %dma_start3A_455] : memref<10000x16xf32, #tpu.memory_space<vmem_shared>> -> memref<10000x16xf32, #tpu.memory_space<vmem_shared>>
        tpu.enqueue_indirect_dma source(%dma_start3A_456 : memref<10000x16xf32, #tpu.memory_space<vmem_shared>>) target(%dma_start3A_450 : memref<128x16xf32, #tpu.memory_space<vmem>>) offsets(%dma_start3A_453 : memref<128xi32, #tpu.memory_space<vmem>>) semaphore(%arg17 : memref<!tpu.dma_semaphore, #tpu.memory_space<semaphore_mem>>) {add = true}
        %add3A_457 = arith.constant 7 : i32
        %add3A_458 = arith.addi %mul3A_332, %add3A_457 : i32
        %add3A_459 = arith.constant 896 : i32
        %add3A_460 = arith.addi %mul3A_330, %add3A_459 : i32
        %dma_start3A_461 = arith.constant 0 : i32
        %dma_start3A_462 = tpu.memref_slice %arg11[%add3A_460, %dma_start3A_461] : memref<3072x16xf32, #tpu.memory_space<vmem>> -> memref<128x16xf32, #tpu.memory_space<vmem>>
        %dma_start3A_463 = arith.constant 0 : i32
        %dma_start3A_464 = tpu.memref_slice %arg10[%add3A_458, %dma_start3A_463] : memref<24x128xi32, #tpu.memory_space<vmem>> -> memref<1x128xi32, #tpu.memory_space<vmem>>
        %dma_start3A_465 = tpu.memref_squeeze %dma_start3A_464 : memref<1x128xi32, #tpu.memory_space<vmem>> -> memref<128xi32, #tpu.memory_space<vmem>>
        %dma_start3A_466 = arith.constant 0 : i32
        %dma_start3A_467 = arith.constant 0 : i32
        %dma_start3A_468 = tpu.memref_slice %arg16[%dma_start3A_466, %dma_start3A_467] : memref<10000x16xf32, #tpu.memory_space<vmem_shared>> -> memref<10000x16xf32, #tpu.memory_space<vmem_shared>>
        tpu.enqueue_indirect_dma source(%dma_start3A_468 : memref<10000x16xf32, #tpu.memory_space<vmem_shared>>) target(%dma_start3A_462 : memref<128x16xf32, #tpu.memory_space<vmem>>) offsets(%dma_start3A_465 : memref<128xi32, #tpu.memory_space<vmem>>) semaphore(%arg17 : memref<!tpu.dma_semaphore, #tpu.memory_space<semaphore_mem>>) {add = true}
      } else {
      }
      %eq3A_338 = arith.constant 312 : i32
      %eq3A_339 = arith.cmpi eq, %add3A_328, %eq3A_338 : i32
      %convert_element_type3A_340 = arith.extui %eq3A_339 : i1 to i32
      %cond3A_341 = arith.constant 0 : i32
      %cond3A_342 = arith.cmpi ne, %convert_element_type3A_340, %cond3A_341 : i32
      scf.if %cond3A_342 {
        %add3A_373 = arith.constant 0 : i32
        %add3A_374 = arith.addi %mul3A_332, %add3A_373 : i32
        %add3A_375 = arith.constant 0 : i32
        %add3A_376 = arith.addi %mul3A_330, %add3A_375 : i32
        %dma_start3A_377 = arith.constant 0 : i32
        %dma_start3A_378 = tpu.memref_slice %arg11[%add3A_376, %dma_start3A_377] : memref<3072x16xf32, #tpu.memory_space<vmem>> -> memref<128x16xf32, #tpu.memory_space<vmem>>
        %dma_start3A_379 = arith.constant 0 : i32
        %dma_start3A_380 = tpu.memref_slice %arg10[%add3A_374, %dma_start3A_379] : memref<24x128xi32, #tpu.memory_space<vmem>> -> memref<1x128xi32, #tpu.memory_space<vmem>>
        %dma_start3A_381 = tpu.memref_squeeze %dma_start3A_380 : memref<1x128xi32, #tpu.memory_space<vmem>> -> memref<128xi32, #tpu.memory_space<vmem>>
        %dma_start3A_382 = arith.constant 0 : i32
        %dma_start3A_383 = arith.constant 0 : i32
        %dma_start3A_384 = tpu.memref_slice %arg16[%dma_start3A_382, %dma_start3A_383] : memref<10000x16xf32, #tpu.memory_space<vmem_shared>> -> memref<10000x16xf32, #tpu.memory_space<vmem_shared>>
        tpu.enqueue_indirect_dma source(%dma_start3A_384 : memref<10000x16xf32, #tpu.memory_space<vmem_shared>>) target(%dma_start3A_378 : memref<128x16xf32, #tpu.memory_space<vmem>>) offsets(%dma_start3A_381 : memref<128xi32, #tpu.memory_space<vmem>>) semaphore(%arg17 : memref<!tpu.dma_semaphore, #tpu.memory_space<semaphore_mem>>) {add = true}
        %add3A_385 = arith.constant 1 : i32
        %add3A_386 = arith.addi %mul3A_332, %add3A_385 : i32
        %add3A_387 = arith.constant 128 : i32
        %add3A_388 = arith.addi %mul3A_330, %add3A_387 : i32
        %dma_start3A_389 = arith.constant 0 : i32
        %dma_start3A_390 = tpu.memref_slice %arg11[%add3A_388, %dma_start3A_389] : memref<3072x16xf32, #tpu.memory_space<vmem>> -> memref<128x16xf32, #tpu.memory_space<vmem>>
        %dma_start3A_391 = arith.constant 0 : i32
        %dma_start3A_392 = tpu.memref_slice %arg10[%add3A_386, %dma_start3A_391] : memref<24x128xi32, #tpu.memory_space<vmem>> -> memref<1x128xi32, #tpu.memory_space<vmem>>
        %dma_start3A_393 = tpu.memref_squeeze %dma_start3A_392 : memref<1x128xi32, #tpu.memory_space<vmem>> -> memref<128xi32, #tpu.memory_space<vmem>>
        %dma_start3A_394 = arith.constant 0 : i32
        %dma_start3A_395 = arith.constant 0 : i32
        %dma_start3A_396 = tpu.memref_slice %arg16[%dma_start3A_394, %dma_start3A_395] : memref<10000x16xf32, #tpu.memory_space<vmem_shared>> -> memref<10000x16xf32, #tpu.memory_space<vmem_shared>>
        tpu.enqueue_indirect_dma source(%dma_start3A_396 : memref<10000x16xf32, #tpu.memory_space<vmem_shared>>) target(%dma_start3A_390 : memref<128x16xf32, #tpu.memory_space<vmem>>) offsets(%dma_start3A_393 : memref<128xi32, #tpu.memory_space<vmem>>) semaphore(%arg17 : memref<!tpu.dma_semaphore, #tpu.memory_space<semaphore_mem>>) {add = true}
        %add3A_397 = arith.constant 2 : i32
        %add3A_398 = arith.addi %mul3A_332, %add3A_397 : i32
        %add3A_399 = arith.constant 256 : i32
        %add3A_400 = arith.addi %mul3A_330, %add3A_399 : i32
        %dma_start3A_401 = arith.constant 0 : i32
        %dma_start3A_402 = tpu.memref_slice %arg11[%add3A_400, %dma_start3A_401] : memref<3072x16xf32, #tpu.memory_space<vmem>> -> memref<128x16xf32, #tpu.memory_space<vmem>>
        %dma_start3A_403 = arith.constant 0 : i32
        %dma_start3A_404 = tpu.memref_slice %arg10[%add3A_398, %dma_start3A_403] : memref<24x128xi32, #tpu.memory_space<vmem>> -> memref<1x128xi32, #tpu.memory_space<vmem>>
        %dma_start3A_405 = tpu.memref_squeeze %dma_start3A_404 : memref<1x128xi32, #tpu.memory_space<vmem>> -> memref<128xi32, #tpu.memory_space<vmem>>
        %dma_start3A_406 = arith.constant 0 : i32
        %dma_start3A_407 = arith.constant 0 : i32
        %dma_start3A_408 = tpu.memref_slice %arg16[%dma_start3A_406, %dma_start3A_407] : memref<10000x16xf32, #tpu.memory_space<vmem_shared>> -> memref<10000x16xf32, #tpu.memory_space<vmem_shared>>
        tpu.enqueue_indirect_dma source(%dma_start3A_408 : memref<10000x16xf32, #tpu.memory_space<vmem_shared>>) target(%dma_start3A_402 : memref<128x16xf32, #tpu.memory_space<vmem>>) offsets(%dma_start3A_405 : memref<128xi32, #tpu.memory_space<vmem>>) semaphore(%arg17 : memref<!tpu.dma_semaphore, #tpu.memory_space<semaphore_mem>>) {add = true}
        %add3A_409 = arith.constant 3 : i32
        %add3A_410 = arith.addi %mul3A_332, %add3A_409 : i32
        %add3A_411 = arith.constant 384 : i32
        %add3A_412 = arith.addi %mul3A_330, %add3A_411 : i32
        %dma_start3A_413 = arith.constant 0 : i32
        %dma_start3A_414 = tpu.memref_slice %arg11[%add3A_412, %dma_start3A_413] : memref<3072x16xf32, #tpu.memory_space<vmem>> -> memref<128x16xf32, #tpu.memory_space<vmem>>
        %dma_start3A_415 = arith.constant 0 : i32
        %dma_start3A_416 = tpu.memref_slice %arg10[%add3A_410, %dma_start3A_415] : memref<24x128xi32, #tpu.memory_space<vmem>> -> memref<1x128xi32, #tpu.memory_space<vmem>>
        %dma_start3A_417 = tpu.memref_squeeze %dma_start3A_416 : memref<1x128xi32, #tpu.memory_space<vmem>> -> memref<128xi32, #tpu.memory_space<vmem>>
        %dma_start3A_418 = arith.constant 0 : i32
        %dma_start3A_419 = arith.constant 0 : i32
        %dma_start3A_420 = tpu.memref_slice %arg16[%dma_start3A_418, %dma_start3A_419] : memref<10000x16xf32, #tpu.memory_space<vmem_shared>> -> memref<10000x16xf32, #tpu.memory_space<vmem_shared>>
        tpu.enqueue_indirect_dma source(%dma_start3A_420 : memref<10000x16xf32, #tpu.memory_space<vmem_shared>>) target(%dma_start3A_414 : memref<128x16xf32, #tpu.memory_space<vmem>>) offsets(%dma_start3A_417 : memref<128xi32, #tpu.memory_space<vmem>>) semaphore(%arg17 : memref<!tpu.dma_semaphore, #tpu.memory_space<semaphore_mem>>) {add = true}
      } else {
      }
      %mul3A_343 = arith.constant 10 : i32
      %mul3A_344 = arith.muli %add3A, %mul3A_343 : i32
      %add3A_345 = arith.addi %mul3A_344, %scan3A_261 : i32
      %mul3A_346 = arith.constant 1024 : i32
      %mul3A_347 = arith.muli %rem3A_262, %mul3A_346 : i32
      %lt3A_348 = arith.constant 312 : i32
      %lt3A_349 = arith.cmpi slt, %add3A_345, %lt3A_348 : i32
      %convert_element_type3A_350 = arith.extui %lt3A_349 : i1 to i32
      %cond3A_351 = arith.constant 0 : i32
      %cond3A_352 = arith.cmpi ne, %convert_element_type3A_350, %cond3A_351 : i32
      scf.if %cond3A_352 {
        %add3A_373 = arith.constant 0 : i32
        %add3A_374 = arith.addi %mul3A_347, %add3A_373 : i32
        %dma_wait3A_375 = arith.constant 0 : i32
        %dma_wait3A_376 = tpu.memref_slice %arg11[%add3A_374, %dma_wait3A_375] : memref<3072x16xf32, #tpu.memory_space<vmem>> -> memref<128x16xf32, #tpu.memory_space<vmem>>
        %dma_wait3A_377 = arith.constant 0 : i32
        %dma_wait3A_378 = arith.constant 0 : i32
        %dma_wait3A_379 = tpu.memref_slice %arg2[%dma_wait3A_377, %dma_wait3A_378] : memref<10000x16xf32, #tpu.memory_space<hbm>> -> memref<128x16xf32, #tpu.memory_space<hbm>>
        %dma_wait3A_380 = arith.constant 0 : i32
        %dma_wait3A_381 = tpu.memref_slice %arg11[%add3A_374, %dma_wait3A_380] : memref<3072x16xf32, #tpu.memory_space<vmem>> -> memref<128x16xf32, #tpu.memory_space<vmem>>
        %dma_wait3A_382 = arith.constant 0 : i32
        %dma_wait3A_383 = arith.constant 0 : i32
        %dma_wait3A_384 = tpu.memref_slice %arg2[%dma_wait3A_382, %dma_wait3A_383] : memref<10000x16xf32, #tpu.memory_space<hbm>> -> memref<128x16xf32, #tpu.memory_space<hbm>>
        tpu.wait_dma2 semaphore(%arg17 : memref<!tpu.dma_semaphore, #tpu.memory_space<semaphore_mem>>) src(%dma_wait3A_384 : memref<128x16xf32, #tpu.memory_space<hbm>>) dst(%dma_wait3A_381 : memref<128x16xf32, #tpu.memory_space<vmem>>)
        %add3A_385 = arith.constant 128 : i32
        %add3A_386 = arith.addi %mul3A_347, %add3A_385 : i32
        %dma_wait3A_387 = arith.constant 0 : i32
        %dma_wait3A_388 = tpu.memref_slice %arg11[%add3A_386, %dma_wait3A_387] : memref<3072x16xf32, #tpu.memory_space<vmem>> -> memref<128x16xf32, #tpu.memory_space<vmem>>
        %dma_wait3A_389 = arith.constant 0 : i32
        %dma_wait3A_390 = arith.constant 0 : i32
        %dma_wait3A_391 = tpu.memref_slice %arg2[%dma_wait3A_389, %dma_wait3A_390] : memref<10000x16xf32, #tpu.memory_space<hbm>> -> memref<128x16xf32, #tpu.memory_space<hbm>>
        %dma_wait3A_392 = arith.constant 0 : i32
        %dma_wait3A_393 = tpu.memref_slice %arg11[%add3A_386, %dma_wait3A_392] : memref<3072x16xf32, #tpu.memory_space<vmem>> -> memref<128x16xf32, #tpu.memory_space<vmem>>
        %dma_wait3A_394 = arith.constant 0 : i32
        %dma_wait3A_395 = arith.constant 0 : i32
        %dma_wait3A_396 = tpu.memref_slice %arg2[%dma_wait3A_394, %dma_wait3A_395] : memref<10000x16xf32, #tpu.memory_space<hbm>> -> memref<128x16xf32, #tpu.memory_space<hbm>>
        tpu.wait_dma2 semaphore(%arg17 : memref<!tpu.dma_semaphore, #tpu.memory_space<semaphore_mem>>) src(%dma_wait3A_396 : memref<128x16xf32, #tpu.memory_space<hbm>>) dst(%dma_wait3A_393 : memref<128x16xf32, #tpu.memory_space<vmem>>)
        %add3A_397 = arith.constant 256 : i32
        %add3A_398 = arith.addi %mul3A_347, %add3A_397 : i32
        %dma_wait3A_399 = arith.constant 0 : i32
        %dma_wait3A_400 = tpu.memref_slice %arg11[%add3A_398, %dma_wait3A_399] : memref<3072x16xf32, #tpu.memory_space<vmem>> -> memref<128x16xf32, #tpu.memory_space<vmem>>
        %dma_wait3A_401 = arith.constant 0 : i32
        %dma_wait3A_402 = arith.constant 0 : i32
        %dma_wait3A_403 = tpu.memref_slice %arg2[%dma_wait3A_401, %dma_wait3A_402] : memref<10000x16xf32, #tpu.memory_space<hbm>> -> memref<128x16xf32, #tpu.memory_space<hbm>>
        %dma_wait3A_404 = arith.constant 0 : i32
        %dma_wait3A_405 = tpu.memref_slice %arg11[%add3A_398, %dma_wait3A_404] : memref<3072x16xf32, #tpu.memory_space<vmem>> -> memref<128x16xf32, #tpu.memory_space<vmem>>
        %dma_wait3A_406 = arith.constant 0 : i32
        %dma_wait3A_407 = arith.constant 0 : i32
        %dma_wait3A_408 = tpu.memref_slice %arg2[%dma_wait3A_406, %dma_wait3A_407] : memref<10000x16xf32, #tpu.memory_space<hbm>> -> memref<128x16xf32, #tpu.memory_space<hbm>>
        tpu.wait_dma2 semaphore(%arg17 : memref<!tpu.dma_semaphore, #tpu.memory_space<semaphore_mem>>) src(%dma_wait3A_408 : memref<128x16xf32, #tpu.memory_space<hbm>>) dst(%dma_wait3A_405 : memref<128x16xf32, #tpu.memory_space<vmem>>)
        %add3A_409 = arith.constant 384 : i32
        %add3A_410 = arith.addi %mul3A_347, %add3A_409 : i32
        %dma_wait3A_411 = arith.constant 0 : i32
        %dma_wait3A_412 = tpu.memref_slice %arg11[%add3A_410, %dma_wait3A_411] : memref<3072x16xf32, #tpu.memory_space<vmem>> -> memref<128x16xf32, #tpu.memory_space<vmem>>
        %dma_wait3A_413 = arith.constant 0 : i32
        %dma_wait3A_414 = arith.constant 0 : i32
        %dma_wait3A_415 = tpu.memref_slice %arg2[%dma_wait3A_413, %dma_wait3A_414] : memref<10000x16xf32, #tpu.memory_space<hbm>> -> memref<128x16xf32, #tpu.memory_space<hbm>>
        %dma_wait3A_416 = arith.constant 0 : i32
        %dma_wait3A_417 = tpu.memref_slice %arg11[%add3A_410, %dma_wait3A_416] : memref<3072x16xf32, #tpu.memory_space<vmem>> -> memref<128x16xf32, #tpu.memory_space<vmem>>
        %dma_wait3A_418 = arith.constant 0 : i32
        %dma_wait3A_419 = arith.constant 0 : i32
        %dma_wait3A_420 = tpu.memref_slice %arg2[%dma_wait3A_418, %dma_wait3A_419] : memref<10000x16xf32, #tpu.memory_space<hbm>> -> memref<128x16xf32, #tpu.memory_space<hbm>>
        tpu.wait_dma2 semaphore(%arg17 : memref<!tpu.dma_semaphore, #tpu.memory_space<semaphore_mem>>) src(%dma_wait3A_420 : memref<128x16xf32, #tpu.memory_space<hbm>>) dst(%dma_wait3A_417 : memref<128x16xf32, #tpu.memory_space<vmem>>)
        %add3A_421 = arith.constant 512 : i32
        %add3A_422 = arith.addi %mul3A_347, %add3A_421 : i32
        %dma_wait3A_423 = arith.constant 0 : i32
        %dma_wait3A_424 = tpu.memref_slice %arg11[%add3A_422, %dma_wait3A_423] : memref<3072x16xf32, #tpu.memory_space<vmem>> -> memref<128x16xf32, #tpu.memory_space<vmem>>
        %dma_wait3A_425 = arith.constant 0 : i32
        %dma_wait3A_426 = arith.constant 0 : i32
        %dma_wait3A_427 = tpu.memref_slice %arg2[%dma_wait3A_425, %dma_wait3A_426] : memref<10000x16xf32, #tpu.memory_space<hbm>> -> memref<128x16xf32, #tpu.memory_space<hbm>>
        %dma_wait3A_428 = arith.constant 0 : i32
        %dma_wait3A_429 = tpu.memref_slice %arg11[%add3A_422, %dma_wait3A_428] : memref<3072x16xf32, #tpu.memory_space<vmem>> -> memref<128x16xf32, #tpu.memory_space<vmem>>
        %dma_wait3A_430 = arith.constant 0 : i32
        %dma_wait3A_431 = arith.constant 0 : i32
        %dma_wait3A_432 = tpu.memref_slice %arg2[%dma_wait3A_430, %dma_wait3A_431] : memref<10000x16xf32, #tpu.memory_space<hbm>> -> memref<128x16xf32, #tpu.memory_space<hbm>>
        tpu.wait_dma2 semaphore(%arg17 : memref<!tpu.dma_semaphore, #tpu.memory_space<semaphore_mem>>) src(%dma_wait3A_432 : memref<128x16xf32, #tpu.memory_space<hbm>>) dst(%dma_wait3A_429 : memref<128x16xf32, #tpu.memory_space<vmem>>)
        %add3A_433 = arith.constant 640 : i32
        %add3A_434 = arith.addi %mul3A_347, %add3A_433 : i32
        %dma_wait3A_435 = arith.constant 0 : i32
        %dma_wait3A_436 = tpu.memref_slice %arg11[%add3A_434, %dma_wait3A_435] : memref<3072x16xf32, #tpu.memory_space<vmem>> -> memref<128x16xf32, #tpu.memory_space<vmem>>
        %dma_wait3A_437 = arith.constant 0 : i32
        %dma_wait3A_438 = arith.constant 0 : i32
        %dma_wait3A_439 = tpu.memref_slice %arg2[%dma_wait3A_437, %dma_wait3A_438] : memref<10000x16xf32, #tpu.memory_space<hbm>> -> memref<128x16xf32, #tpu.memory_space<hbm>>
        %dma_wait3A_440 = arith.constant 0 : i32
        %dma_wait3A_441 = tpu.memref_slice %arg11[%add3A_434, %dma_wait3A_440] : memref<3072x16xf32, #tpu.memory_space<vmem>> -> memref<128x16xf32, #tpu.memory_space<vmem>>
        %dma_wait3A_442 = arith.constant 0 : i32
        %dma_wait3A_443 = arith.constant 0 : i32
        %dma_wait3A_444 = tpu.memref_slice %arg2[%dma_wait3A_442, %dma_wait3A_443] : memref<10000x16xf32, #tpu.memory_space<hbm>> -> memref<128x16xf32, #tpu.memory_space<hbm>>
        tpu.wait_dma2 semaphore(%arg17 : memref<!tpu.dma_semaphore, #tpu.memory_space<semaphore_mem>>) src(%dma_wait3A_444 : memref<128x16xf32, #tpu.memory_space<hbm>>) dst(%dma_wait3A_441 : memref<128x16xf32, #tpu.memory_space<vmem>>)
        %add3A_445 = arith.constant 768 : i32
        %add3A_446 = arith.addi %mul3A_347, %add3A_445 : i32
        %dma_wait3A_447 = arith.constant 0 : i32
        %dma_wait3A_448 = tpu.memref_slice %arg11[%add3A_446, %dma_wait3A_447] : memref<3072x16xf32, #tpu.memory_space<vmem>> -> memref<128x16xf32, #tpu.memory_space<vmem>>
        %dma_wait3A_449 = arith.constant 0 : i32
        %dma_wait3A_450 = arith.constant 0 : i32
        %dma_wait3A_451 = tpu.memref_slice %arg2[%dma_wait3A_449, %dma_wait3A_450] : memref<10000x16xf32, #tpu.memory_space<hbm>> -> memref<128x16xf32, #tpu.memory_space<hbm>>
        %dma_wait3A_452 = arith.constant 0 : i32
        %dma_wait3A_453 = tpu.memref_slice %arg11[%add3A_446, %dma_wait3A_452] : memref<3072x16xf32, #tpu.memory_space<vmem>> -> memref<128x16xf32, #tpu.memory_space<vmem>>
        %dma_wait3A_454 = arith.constant 0 : i32
        %dma_wait3A_455 = arith.constant 0 : i32
        %dma_wait3A_456 = tpu.memref_slice %arg2[%dma_wait3A_454, %dma_wait3A_455] : memref<10000x16xf32, #tpu.memory_space<hbm>> -> memref<128x16xf32, #tpu.memory_space<hbm>>
        tpu.wait_dma2 semaphore(%arg17 : memref<!tpu.dma_semaphore, #tpu.memory_space<semaphore_mem>>) src(%dma_wait3A_456 : memref<128x16xf32, #tpu.memory_space<hbm>>) dst(%dma_wait3A_453 : memref<128x16xf32, #tpu.memory_space<vmem>>)
        %add3A_457 = arith.constant 896 : i32
        %add3A_458 = arith.addi %mul3A_347, %add3A_457 : i32
        %dma_wait3A_459 = arith.constant 0 : i32
        %dma_wait3A_460 = tpu.memref_slice %arg11[%add3A_458, %dma_wait3A_459] : memref<3072x16xf32, #tpu.memory_space<vmem>> -> memref<128x16xf32, #tpu.memory_space<vmem>>
        %dma_wait3A_461 = arith.constant 0 : i32
        %dma_wait3A_462 = arith.constant 0 : i32
        %dma_wait3A_463 = tpu.memref_slice %arg2[%dma_wait3A_461, %dma_wait3A_462] : memref<10000x16xf32, #tpu.memory_space<hbm>> -> memref<128x16xf32, #tpu.memory_space<hbm>>
        %dma_wait3A_464 = arith.constant 0 : i32
        %dma_wait3A_465 = tpu.memref_slice %arg11[%add3A_458, %dma_wait3A_464] : memref<3072x16xf32, #tpu.memory_space<vmem>> -> memref<128x16xf32, #tpu.memory_space<vmem>>
        %dma_wait3A_466 = arith.constant 0 : i32
        %dma_wait3A_467 = arith.constant 0 : i32
        %dma_wait3A_468 = tpu.memref_slice %arg2[%dma_wait3A_466, %dma_wait3A_467] : memref<10000x16xf32, #tpu.memory_space<hbm>> -> memref<128x16xf32, #tpu.memory_space<hbm>>
        tpu.wait_dma2 semaphore(%arg17 : memref<!tpu.dma_semaphore, #tpu.memory_space<semaphore_mem>>) src(%dma_wait3A_468 : memref<128x16xf32, #tpu.memory_space<hbm>>) dst(%dma_wait3A_465 : memref<128x16xf32, #tpu.memory_space<vmem>>)
      } else {
      }
      %eq3A_353 = arith.constant 312 : i32
      %eq3A_354 = arith.cmpi eq, %add3A_345, %eq3A_353 : i32
      %convert_element_type3A_355 = arith.extui %eq3A_354 : i1 to i32
      %cond3A_356 = arith.constant 0 : i32
      %cond3A_357 = arith.cmpi ne, %convert_element_type3A_355, %cond3A_356 : i32
      scf.if %cond3A_357 {
        %add3A_373 = arith.constant 0 : i32
        %add3A_374 = arith.addi %mul3A_347, %add3A_373 : i32
        %dma_wait3A_375 = arith.constant 0 : i32
        %dma_wait3A_376 = tpu.memref_slice %arg11[%add3A_374, %dma_wait3A_375] : memref<3072x16xf32, #tpu.memory_space<vmem>> -> memref<128x16xf32, #tpu.memory_space<vmem>>
        %dma_wait3A_377 = arith.constant 0 : i32
        %dma_wait3A_378 = arith.constant 0 : i32
        %dma_wait3A_379 = tpu.memref_slice %arg2[%dma_wait3A_377, %dma_wait3A_378] : memref<10000x16xf32, #tpu.memory_space<hbm>> -> memref<128x16xf32, #tpu.memory_space<hbm>>
        %dma_wait3A_380 = arith.constant 0 : i32
        %dma_wait3A_381 = tpu.memref_slice %arg11[%add3A_374, %dma_wait3A_380] : memref<3072x16xf32, #tpu.memory_space<vmem>> -> memref<128x16xf32, #tpu.memory_space<vmem>>
        %dma_wait3A_382 = arith.constant 0 : i32
        %dma_wait3A_383 = arith.constant 0 : i32
        %dma_wait3A_384 = tpu.memref_slice %arg2[%dma_wait3A_382, %dma_wait3A_383] : memref<10000x16xf32, #tpu.memory_space<hbm>> -> memref<128x16xf32, #tpu.memory_space<hbm>>
        tpu.wait_dma2 semaphore(%arg17 : memref<!tpu.dma_semaphore, #tpu.memory_space<semaphore_mem>>) src(%dma_wait3A_384 : memref<128x16xf32, #tpu.memory_space<hbm>>) dst(%dma_wait3A_381 : memref<128x16xf32, #tpu.memory_space<vmem>>)
        %add3A_385 = arith.constant 128 : i32
        %add3A_386 = arith.addi %mul3A_347, %add3A_385 : i32
        %dma_wait3A_387 = arith.constant 0 : i32
        %dma_wait3A_388 = tpu.memref_slice %arg11[%add3A_386, %dma_wait3A_387] : memref<3072x16xf32, #tpu.memory_space<vmem>> -> memref<128x16xf32, #tpu.memory_space<vmem>>
        %dma_wait3A_389 = arith.constant 0 : i32
        %dma_wait3A_390 = arith.constant 0 : i32
        %dma_wait3A_391 = tpu.memref_slice %arg2[%dma_wait3A_389, %dma_wait3A_390] : memref<10000x16xf32, #tpu.memory_space<hbm>> -> memref<128x16xf32, #tpu.memory_space<hbm>>
        %dma_wait3A_392 = arith.constant 0 : i32
        %dma_wait3A_393 = tpu.memref_slice %arg11[%add3A_386, %dma_wait3A_392] : memref<3072x16xf32, #tpu.memory_space<vmem>> -> memref<128x16xf32, #tpu.memory_space<vmem>>
        %dma_wait3A_394 = arith.constant 0 : i32
        %dma_wait3A_395 = arith.constant 0 : i32
        %dma_wait3A_396 = tpu.memref_slice %arg2[%dma_wait3A_394, %dma_wait3A_395] : memref<10000x16xf32, #tpu.memory_space<hbm>> -> memref<128x16xf32, #tpu.memory_space<hbm>>
        tpu.wait_dma2 semaphore(%arg17 : memref<!tpu.dma_semaphore, #tpu.memory_space<semaphore_mem>>) src(%dma_wait3A_396 : memref<128x16xf32, #tpu.memory_space<hbm>>) dst(%dma_wait3A_393 : memref<128x16xf32, #tpu.memory_space<vmem>>)
        %add3A_397 = arith.constant 256 : i32
        %add3A_398 = arith.addi %mul3A_347, %add3A_397 : i32
        %dma_wait3A_399 = arith.constant 0 : i32
        %dma_wait3A_400 = tpu.memref_slice %arg11[%add3A_398, %dma_wait3A_399] : memref<3072x16xf32, #tpu.memory_space<vmem>> -> memref<128x16xf32, #tpu.memory_space<vmem>>
        %dma_wait3A_401 = arith.constant 0 : i32
        %dma_wait3A_402 = arith.constant 0 : i32
        %dma_wait3A_403 = tpu.memref_slice %arg2[%dma_wait3A_401, %dma_wait3A_402] : memref<10000x16xf32, #tpu.memory_space<hbm>> -> memref<128x16xf32, #tpu.memory_space<hbm>>
        %dma_wait3A_404 = arith.constant 0 : i32
        %dma_wait3A_405 = tpu.memref_slice %arg11[%add3A_398, %dma_wait3A_404] : memref<3072x16xf32, #tpu.memory_space<vmem>> -> memref<128x16xf32, #tpu.memory_space<vmem>>
        %dma_wait3A_406 = arith.constant 0 : i32
        %dma_wait3A_407 = arith.constant 0 : i32
        %dma_wait3A_408 = tpu.memref_slice %arg2[%dma_wait3A_406, %dma_wait3A_407] : memref<10000x16xf32, #tpu.memory_space<hbm>> -> memref<128x16xf32, #tpu.memory_space<hbm>>
        tpu.wait_dma2 semaphore(%arg17 : memref<!tpu.dma_semaphore, #tpu.memory_space<semaphore_mem>>) src(%dma_wait3A_408 : memref<128x16xf32, #tpu.memory_space<hbm>>) dst(%dma_wait3A_405 : memref<128x16xf32, #tpu.memory_space<vmem>>)
        %add3A_409 = arith.constant 384 : i32
        %add3A_410 = arith.addi %mul3A_347, %add3A_409 : i32
        %dma_wait3A_411 = arith.constant 0 : i32
        %dma_wait3A_412 = tpu.memref_slice %arg11[%add3A_410, %dma_wait3A_411] : memref<3072x16xf32, #tpu.memory_space<vmem>> -> memref<128x16xf32, #tpu.memory_space<vmem>>
        %dma_wait3A_413 = arith.constant 0 : i32
        %dma_wait3A_414 = arith.constant 0 : i32
        %dma_wait3A_415 = tpu.memref_slice %arg2[%dma_wait3A_413, %dma_wait3A_414] : memref<10000x16xf32, #tpu.memory_space<hbm>> -> memref<128x16xf32, #tpu.memory_space<hbm>>
        %dma_wait3A_416 = arith.constant 0 : i32
        %dma_wait3A_417 = tpu.memref_slice %arg11[%add3A_410, %dma_wait3A_416] : memref<3072x16xf32, #tpu.memory_space<vmem>> -> memref<128x16xf32, #tpu.memory_space<vmem>>
        %dma_wait3A_418 = arith.constant 0 : i32
        %dma_wait3A_419 = arith.constant 0 : i32
        %dma_wait3A_420 = tpu.memref_slice %arg2[%dma_wait3A_418, %dma_wait3A_419] : memref<10000x16xf32, #tpu.memory_space<hbm>> -> memref<128x16xf32, #tpu.memory_space<hbm>>
        tpu.wait_dma2 semaphore(%arg17 : memref<!tpu.dma_semaphore, #tpu.memory_space<semaphore_mem>>) src(%dma_wait3A_420 : memref<128x16xf32, #tpu.memory_space<hbm>>) dst(%dma_wait3A_417 : memref<128x16xf32, #tpu.memory_space<vmem>>)
      } else {
      }
      %mul3A_358 = arith.constant 10 : i32
      %mul3A_359 = arith.muli %add3A, %mul3A_358 : i32
      %add3A_360 = arith.addi %mul3A_359, %scan3A_261 : i32
      %mul3A_361 = arith.constant 1024 : i32
      %mul3A_362 = arith.muli %rem3A_262, %mul3A_361 : i32
      %lt3A_363 = arith.constant 312 : i32
      %lt3A_364 = arith.cmpi slt, %add3A_360, %lt3A_363 : i32
      %convert_element_type3A_365 = arith.extui %lt3A_364 : i1 to i32
      %cond3A_366 = arith.constant 0 : i32
      %cond3A_367 = arith.cmpi ne, %convert_element_type3A_365, %cond3A_366 : i32
      scf.if %cond3A_367 {
        %scan3A_373 = arith.constant 0 : i32
        %scan3A_374 = arith.constant 0 : i32
        %scan3A_375 = arith.constant 64 : i32
        %scan3A_376 = arith.addi %scan3A_374, %scan3A_375 : i32
        %scan3A_377 = arith.constant 1 : i32
        scf.for %scan3A_381 = %scan3A_374 to %scan3A_376 step %scan3A_377  : i32 {
          %mul3A_382 = arith.constant 16 : i32
          %mul3A_383 = arith.muli %scan3A_381, %mul3A_382 : i32
          %add3A_384 = arith.addi %mul3A_362, %mul3A_383 : i32
          %add3A_385 = vector.broadcast %add3A_384 : i32 to vector<16xi32>
          %add3A_386 = arith.addi %add3A_385, %iota3A : vector<16xi32>
          %broadcast_in_dim3A = arith.constant 0.000000e+00 : f32
          %broadcast_in_dim3A_387 = vector.broadcast %broadcast_in_dim3A : f32 to vector<16xf32>
          %broadcast_in_dim3A_388 = arith.constant 0.000000e+00 : f32
          %broadcast_in_dim3A_389 = vector.broadcast %broadcast_in_dim3A_388 : f32 to vector<16xf32>
          %broadcast_in_dim3A_390 = arith.constant 0.000000e+00 : f32
          %broadcast_in_dim3A_391 = vector.broadcast %broadcast_in_dim3A_390 : f32 to vector<16xf32>
          %broadcast_in_dim3A_392 = arith.constant 0 : i32
          %broadcast_in_dim3A_393 = vector.broadcast %broadcast_in_dim3A_392 : i32 to vector<16xi32>
          %gather3A = tpu.vector_load_idx %arg11[%add3A_386, %broadcast_in_dim3A_393] : memref<3072x16xf32, #tpu.memory_space<vmem>>[vector<16xi32>, vector<16xi32>], vector<16xf32>,
          %max3A = arith.constant 0.000000e+00 : f32
          %max3A_394 = vector.broadcast %max3A : f32 to vector<16xf32>
          %max3A_395 = arith.maximumf %gather3A, %max3A_394 : vector<16xf32>
          %mul3A_396 = arith.mulf %max3A_395, %get3A_31 : vector<16xf32>
          %add3A_397 = arith.addf %get3A_27, %mul3A_396 : vector<16xf32>
          %broadcast_in_dim3A_398 = arith.constant 1 : i32
          %broadcast_in_dim3A_399 = vector.broadcast %broadcast_in_dim3A_398 : i32 to vector<16xi32>
          %gather3A_400 = tpu.vector_load_idx %arg11[%add3A_386, %broadcast_in_dim3A_399] : memref<3072x16xf32, #tpu.memory_space<vmem>>[vector<16xi32>, vector<16xi32>], vector<16xf32>,
          %max3A_401 = arith.constant 0.000000e+00 : f32
          %max3A_402 = vector.broadcast %max3A_401 : f32 to vector<16xf32>
          %max3A_403 = arith.maximumf %gather3A_400, %max3A_402 : vector<16xf32>
          %mul3A_404 = arith.mulf %max3A_403, %get3A_35 : vector<16xf32>
          %add3A_405 = arith.addf %broadcast_in_dim3A_387, %mul3A_404 : vector<16xf32>
          %broadcast_in_dim3A_406 = arith.constant 2 : i32
          %broadcast_in_dim3A_407 = vector.broadcast %broadcast_in_dim3A_406 : i32 to vector<16xi32>
          %gather3A_408 = tpu.vector_load_idx %arg11[%add3A_386, %broadcast_in_dim3A_407] : memref<3072x16xf32, #tpu.memory_space<vmem>>[vector<16xi32>, vector<16xi32>], vector<16xf32>,
          %max3A_409 = arith.constant 0.000000e+00 : f32
          %max3A_410 = vector.broadcast %max3A_409 : f32 to vector<16xf32>
          %max3A_411 = arith.maximumf %gather3A_408, %max3A_410 : vector<16xf32>
          %mul3A_412 = arith.mulf %max3A_411, %get3A_39 : vector<16xf32>
          %add3A_413 = arith.addf %broadcast_in_dim3A_389, %mul3A_412 : vector<16xf32>
          %broadcast_in_dim3A_414 = arith.constant 3 : i32
          %broadcast_in_dim3A_415 = vector.broadcast %broadcast_in_dim3A_414 : i32 to vector<16xi32>
          %gather3A_416 = tpu.vector_load_idx %arg11[%add3A_386, %broadcast_in_dim3A_415] : memref<3072x16xf32, #tpu.memory_space<vmem>>[vector<16xi32>, vector<16xi32>], vector<16xf32>,
          %max3A_417 = arith.constant 0.000000e+00 : f32
          %max3A_418 = vector.broadcast %max3A_417 : f32 to vector<16xf32>
          %max3A_419 = arith.maximumf %gather3A_416, %max3A_418 : vector<16xf32>
          %mul3A_420 = arith.mulf %max3A_419, %get3A_43 : vector<16xf32>
          %add3A_421 = arith.addf %broadcast_in_dim3A_391, %mul3A_420 : vector<16xf32>
          %broadcast_in_dim3A_422 = arith.constant 4 : i32
          %broadcast_in_dim3A_423 = vector.broadcast %broadcast_in_dim3A_422 : i32 to vector<16xi32>
          %gather3A_424 = tpu.vector_load_idx %arg11[%add3A_386, %broadcast_in_dim3A_423] : memref<3072x16xf32, #tpu.memory_space<vmem>>[vector<16xi32>, vector<16xi32>], vector<16xf32>,
          %max3A_425 = arith.constant 0.000000e+00 : f32
          %max3A_426 = vector.broadcast %max3A_425 : f32 to vector<16xf32>
          %max3A_427 = arith.maximumf %gather3A_424, %max3A_426 : vector<16xf32>
          %mul3A_428 = arith.mulf %max3A_427, %get3A_47 : vector<16xf32>
          %add3A_429 = arith.addf %add3A_397, %mul3A_428 : vector<16xf32>
          %broadcast_in_dim3A_430 = arith.constant 5 : i32
          %broadcast_in_dim3A_431 = vector.broadcast %broadcast_in_dim3A_430 : i32 to vector<16xi32>
          %gather3A_432 = tpu.vector_load_idx %arg11[%add3A_386, %broadcast_in_dim3A_431] : memref<3072x16xf32, #tpu.memory_space<vmem>>[vector<16xi32>, vector<16xi32>], vector<16xf32>,
          %max3A_433 = arith.constant 0.000000e+00 : f32
          %max3A_434 = vector.broadcast %max3A_433 : f32 to vector<16xf32>
          %max3A_435 = arith.maximumf %gather3A_432, %max3A_434 : vector<16xf32>
          %mul3A_436 = arith.mulf %max3A_435, %get3A_51 : vector<16xf32>
          %add3A_437 = arith.addf %add3A_405, %mul3A_436 : vector<16xf32>
          %broadcast_in_dim3A_438 = arith.constant 6 : i32
          %broadcast_in_dim3A_439 = vector.broadcast %broadcast_in_dim3A_438 : i32 to vector<16xi32>
          %gather3A_440 = tpu.vector_load_idx %arg11[%add3A_386, %broadcast_in_dim3A_439] : memref<3072x16xf32, #tpu.memory_space<vmem>>[vector<16xi32>, vector<16xi32>], vector<16xf32>,
          %max3A_441 = arith.constant 0.000000e+00 : f32
          %max3A_442 = vector.broadcast %max3A_441 : f32 to vector<16xf32>
          %max3A_443 = arith.maximumf %gather3A_440, %max3A_442 : vector<16xf32>
          %mul3A_444 = arith.mulf %max3A_443, %get3A_55 : vector<16xf32>
          %add3A_445 = arith.addf %add3A_413, %mul3A_444 : vector<16xf32>
          %broadcast_in_dim3A_446 = arith.constant 7 : i32
          %broadcast_in_dim3A_447 = vector.broadcast %broadcast_in_dim3A_446 : i32 to vector<16xi32>
          %gather3A_448 = tpu.vector_load_idx %arg11[%add3A_386, %broadcast_in_dim3A_447] : memref<3072x16xf32, #tpu.memory_space<vmem>>[vector<16xi32>, vector<16xi32>], vector<16xf32>,
          %max3A_449 = arith.constant 0.000000e+00 : f32
          %max3A_450 = vector.broadcast %max3A_449 : f32 to vector<16xf32>
          %max3A_451 = arith.maximumf %gather3A_448, %max3A_450 : vector<16xf32>
          %mul3A_452 = arith.mulf %max3A_451, %get3A_59 : vector<16xf32>
          %add3A_453 = arith.addf %add3A_421, %mul3A_452 : vector<16xf32>
          %broadcast_in_dim3A_454 = arith.constant 8 : i32
          %broadcast_in_dim3A_455 = vector.broadcast %broadcast_in_dim3A_454 : i32 to vector<16xi32>
          %gather3A_456 = tpu.vector_load_idx %arg11[%add3A_386, %broadcast_in_dim3A_455] : memref<3072x16xf32, #tpu.memory_space<vmem>>[vector<16xi32>, vector<16xi32>], vector<16xf32>,
          %max3A_457 = arith.constant 0.000000e+00 : f32
          %max3A_458 = vector.broadcast %max3A_457 : f32 to vector<16xf32>
          %max3A_459 = arith.maximumf %gather3A_456, %max3A_458 : vector<16xf32>
          %mul3A_460 = arith.mulf %max3A_459, %get3A_63 : vector<16xf32>
          %add3A_461 = arith.addf %add3A_429, %mul3A_460 : vector<16xf32>
          %broadcast_in_dim3A_462 = arith.constant 9 : i32
          %broadcast_in_dim3A_463 = vector.broadcast %broadcast_in_dim3A_462 : i32 to vector<16xi32>
          %gather3A_464 = tpu.vector_load_idx %arg11[%add3A_386, %broadcast_in_dim3A_463] : memref<3072x16xf32, #tpu.memory_space<vmem>>[vector<16xi32>, vector<16xi32>], vector<16xf32>,
          %max3A_465 = arith.constant 0.000000e+00 : f32
          %max3A_466 = vector.broadcast %max3A_465 : f32 to vector<16xf32>
          %max3A_467 = arith.maximumf %gather3A_464, %max3A_466 : vector<16xf32>
          %mul3A_468 = arith.mulf %max3A_467, %get3A_67 : vector<16xf32>
          %add3A_469 = arith.addf %add3A_437, %mul3A_468 : vector<16xf32>
          %broadcast_in_dim3A_470 = arith.constant 10 : i32
          %broadcast_in_dim3A_471 = vector.broadcast %broadcast_in_dim3A_470 : i32 to vector<16xi32>
          %gather3A_472 = tpu.vector_load_idx %arg11[%add3A_386, %broadcast_in_dim3A_471] : memref<3072x16xf32, #tpu.memory_space<vmem>>[vector<16xi32>, vector<16xi32>], vector<16xf32>,
          %max3A_473 = arith.constant 0.000000e+00 : f32
          %max3A_474 = vector.broadcast %max3A_473 : f32 to vector<16xf32>
          %max3A_475 = arith.maximumf %gather3A_472, %max3A_474 : vector<16xf32>
          %mul3A_476 = arith.mulf %max3A_475, %get3A_71 : vector<16xf32>
          %add3A_477 = arith.addf %add3A_445, %mul3A_476 : vector<16xf32>
          %broadcast_in_dim3A_478 = arith.constant 11 : i32
          %broadcast_in_dim3A_479 = vector.broadcast %broadcast_in_dim3A_478 : i32 to vector<16xi32>
          %gather3A_480 = tpu.vector_load_idx %arg11[%add3A_386, %broadcast_in_dim3A_479] : memref<3072x16xf32, #tpu.memory_space<vmem>>[vector<16xi32>, vector<16xi32>], vector<16xf32>,
          %max3A_481 = arith.constant 0.000000e+00 : f32
          %max3A_482 = vector.broadcast %max3A_481 : f32 to vector<16xf32>
          %max3A_483 = arith.maximumf %gather3A_480, %max3A_482 : vector<16xf32>
          %mul3A_484 = arith.mulf %max3A_483, %get3A_75 : vector<16xf32>
          %add3A_485 = arith.addf %add3A_453, %mul3A_484 : vector<16xf32>
          %broadcast_in_dim3A_486 = arith.constant 12 : i32
          %broadcast_in_dim3A_487 = vector.broadcast %broadcast_in_dim3A_486 : i32 to vector<16xi32>
          %gather3A_488 = tpu.vector_load_idx %arg11[%add3A_386, %broadcast_in_dim3A_487] : memref<3072x16xf32, #tpu.memory_space<vmem>>[vector<16xi32>, vector<16xi32>], vector<16xf32>,
          %max3A_489 = arith.constant 0.000000e+00 : f32
          %max3A_490 = vector.broadcast %max3A_489 : f32 to vector<16xf32>
          %max3A_491 = arith.maximumf %gather3A_488, %max3A_490 : vector<16xf32>
          %mul3A_492 = arith.mulf %max3A_491, %get3A_79 : vector<16xf32>
          %add3A_493 = arith.addf %add3A_461, %mul3A_492 : vector<16xf32>
          %broadcast_in_dim3A_494 = arith.constant 13 : i32
          %broadcast_in_dim3A_495 = vector.broadcast %broadcast_in_dim3A_494 : i32 to vector<16xi32>
          %gather3A_496 = tpu.vector_load_idx %arg11[%add3A_386, %broadcast_in_dim3A_495] : memref<3072x16xf32, #tpu.memory_space<vmem>>[vector<16xi32>, vector<16xi32>], vector<16xf32>,
          %max3A_497 = arith.constant 0.000000e+00 : f32
          %max3A_498 = vector.broadcast %max3A_497 : f32 to vector<16xf32>
          %max3A_499 = arith.maximumf %gather3A_496, %max3A_498 : vector<16xf32>
          %mul3A_500 = arith.mulf %max3A_499, %get3A_83 : vector<16xf32>
          %add3A_501 = arith.addf %add3A_469, %mul3A_500 : vector<16xf32>
          %broadcast_in_dim3A_502 = arith.constant 14 : i32
          %broadcast_in_dim3A_503 = vector.broadcast %broadcast_in_dim3A_502 : i32 to vector<16xi32>
          %gather3A_504 = tpu.vector_load_idx %arg11[%add3A_386, %broadcast_in_dim3A_503] : memref<3072x16xf32, #tpu.memory_space<vmem>>[vector<16xi32>, vector<16xi32>], vector<16xf32>,
          %max3A_505 = arith.constant 0.000000e+00 : f32
          %max3A_506 = vector.broadcast %max3A_505 : f32 to vector<16xf32>
          %max3A_507 = arith.maximumf %gather3A_504, %max3A_506 : vector<16xf32>
          %mul3A_508 = arith.mulf %max3A_507, %get3A_87 : vector<16xf32>
          %add3A_509 = arith.addf %add3A_477, %mul3A_508 : vector<16xf32>
          %broadcast_in_dim3A_510 = arith.constant 15 : i32
          %broadcast_in_dim3A_511 = vector.broadcast %broadcast_in_dim3A_510 : i32 to vector<16xi32>
          %gather3A_512 = tpu.vector_load_idx %arg11[%add3A_386, %broadcast_in_dim3A_511] : memref<3072x16xf32, #tpu.memory_space<vmem>>[vector<16xi32>, vector<16xi32>], vector<16xf32>,
          %max3A_513 = arith.constant 0.000000e+00 : f32
          %max3A_514 = vector.broadcast %max3A_513 : f32 to vector<16xf32>
          %max3A_515 = arith.maximumf %gather3A_512, %max3A_514 : vector<16xf32>
          %mul3A_516 = arith.mulf %max3A_515, %get3A_91 : vector<16xf32>
          %add3A_517 = arith.addf %add3A_485, %mul3A_516 : vector<16xf32>
          %add3A_518 = arith.addf %add3A_493, %add3A_501 : vector<16xf32>
          %add3A_519 = arith.addf %add3A_509, %add3A_517 : vector<16xf32>
          %add3A_520 = arith.addf %add3A_518, %add3A_519 : vector<16xf32>
          %mul3A_521 = arith.constant 16 : i32
          %mul3A_522 = arith.muli %scan3A_381, %mul3A_521 : i32
          %swap3A = arith.index_cast %mul3A_522 : i32 to index
          %swap3A_523 = tpu.vector_load %arg12[%swap3A] {strides = array<i32>} : memref<1024xf32, #tpu.memory_space<vmem>>, vector<16xf32>,
          tpu.vector_store %arg12[%swap3A], %add3A_520 {strides = array<i32>} : memref<1024xf32, #tpu.memory_space<vmem>>, vector<16xf32>,
        }
        %scan3A_378 = arith.constant 64 : i32
        %mul3A_379 = arith.constant 1024 : i32
        %mul3A_380 = arith.muli %add3A_360, %mul3A_379 : i32
        "tpu.region"() ({
          %run_scoped3A = tpu.sem_alloc : memref<!tpu.dma_semaphore, #tpu.memory_space<semaphore_mem>>
          %dma_start3A_381 = tpu.memref_slice %arg8[%mul3A_380] : memref<320000xf32, #tpu.memory_space<hbm>> -> memref<1024xf32, #tpu.memory_space<hbm>>
          %dma_start3A_382 = tpu.memref_slice %arg8[%mul3A_380] : memref<320000xf32, #tpu.memory_space<hbm>> -> memref<1024xf32, #tpu.memory_space<hbm>>
          tpu.enqueue_dma source(%arg12 : memref<1024xf32, #tpu.memory_space<vmem>>) target(%dma_start3A_382 : memref<1024xf32, #tpu.memory_space<hbm>>) target_semaphore(%run_scoped3A : memref<!tpu.dma_semaphore, #tpu.memory_space<semaphore_mem>>)
          %dma_wait3A_383 = tpu.memref_slice %arg8[%mul3A_380] : memref<320000xf32, #tpu.memory_space<hbm>> -> memref<1024xf32, #tpu.memory_space<hbm>>
          %dma_wait3A_384 = tpu.memref_slice %arg8[%mul3A_380] : memref<320000xf32, #tpu.memory_space<hbm>> -> memref<1024xf32, #tpu.memory_space<hbm>>
          tpu.wait_dma2 semaphore(%run_scoped3A : memref<!tpu.dma_semaphore, #tpu.memory_space<semaphore_mem>>) src(%arg12 : memref<1024xf32, #tpu.memory_space<vmem>>) dst(%dma_wait3A_384 : memref<1024xf32, #tpu.memory_space<hbm>>)
          tpu.yield
        }) : () -> ()
      } else {
      }
      %eq3A_368 = arith.constant 312 : i32
      %eq3A_369 = arith.cmpi eq, %add3A_360, %eq3A_368 : i32
      %convert_element_type3A_370 = arith.extui %eq3A_369 : i1 to i32
      %cond3A_371 = arith.constant 0 : i32
      %cond3A_372 = arith.cmpi ne, %convert_element_type3A_370, %cond3A_371 : i32
      scf.if %cond3A_372 {
        %scan3A_373 = arith.constant 0 : i32
        %scan3A_374 = arith.constant 0 : i32
        %scan3A_375 = arith.constant 32 : i32
        %scan3A_376 = arith.addi %scan3A_374, %scan3A_375 : i32
        %scan3A_377 = arith.constant 1 : i32
        scf.for %scan3A_381 = %scan3A_374 to %scan3A_376 step %scan3A_377  : i32 {
          %mul3A_382 = arith.constant 16 : i32
          %mul3A_383 = arith.muli %scan3A_381, %mul3A_382 : i32
          %add3A_384 = arith.addi %mul3A_362, %mul3A_383 : i32
          %add3A_385 = vector.broadcast %add3A_384 : i32 to vector<16xi32>
          %add3A_386 = arith.addi %add3A_385, %iota3A : vector<16xi32>
          %broadcast_in_dim3A = arith.constant 0.000000e+00 : f32
          %broadcast_in_dim3A_387 = vector.broadcast %broadcast_in_dim3A : f32 to vector<16xf32>
          %broadcast_in_dim3A_388 = arith.constant 0.000000e+00 : f32
          %broadcast_in_dim3A_389 = vector.broadcast %broadcast_in_dim3A_388 : f32 to vector<16xf32>
          %broadcast_in_dim3A_390 = arith.constant 0.000000e+00 : f32
          %broadcast_in_dim3A_391 = vector.broadcast %broadcast_in_dim3A_390 : f32 to vector<16xf32>
          %broadcast_in_dim3A_392 = arith.constant 0 : i32
          %broadcast_in_dim3A_393 = vector.broadcast %broadcast_in_dim3A_392 : i32 to vector<16xi32>
          %gather3A = tpu.vector_load_idx %arg11[%add3A_386, %broadcast_in_dim3A_393] : memref<3072x16xf32, #tpu.memory_space<vmem>>[vector<16xi32>, vector<16xi32>], vector<16xf32>,
          %max3A = arith.constant 0.000000e+00 : f32
          %max3A_394 = vector.broadcast %max3A : f32 to vector<16xf32>
          %max3A_395 = arith.maximumf %gather3A, %max3A_394 : vector<16xf32>
          %mul3A_396 = arith.mulf %max3A_395, %get3A_31 : vector<16xf32>
          %add3A_397 = arith.addf %get3A_27, %mul3A_396 : vector<16xf32>
          %broadcast_in_dim3A_398 = arith.constant 1 : i32
          %broadcast_in_dim3A_399 = vector.broadcast %broadcast_in_dim3A_398 : i32 to vector<16xi32>
          %gather3A_400 = tpu.vector_load_idx %arg11[%add3A_386, %broadcast_in_dim3A_399] : memref<3072x16xf32, #tpu.memory_space<vmem>>[vector<16xi32>, vector<16xi32>], vector<16xf32>,
          %max3A_401 = arith.constant 0.000000e+00 : f32
          %max3A_402 = vector.broadcast %max3A_401 : f32 to vector<16xf32>
          %max3A_403 = arith.maximumf %gather3A_400, %max3A_402 : vector<16xf32>
          %mul3A_404 = arith.mulf %max3A_403, %get3A_35 : vector<16xf32>
          %add3A_405 = arith.addf %broadcast_in_dim3A_387, %mul3A_404 : vector<16xf32>
          %broadcast_in_dim3A_406 = arith.constant 2 : i32
          %broadcast_in_dim3A_407 = vector.broadcast %broadcast_in_dim3A_406 : i32 to vector<16xi32>
          %gather3A_408 = tpu.vector_load_idx %arg11[%add3A_386, %broadcast_in_dim3A_407] : memref<3072x16xf32, #tpu.memory_space<vmem>>[vector<16xi32>, vector<16xi32>], vector<16xf32>,
          %max3A_409 = arith.constant 0.000000e+00 : f32
          %max3A_410 = vector.broadcast %max3A_409 : f32 to vector<16xf32>
          %max3A_411 = arith.maximumf %gather3A_408, %max3A_410 : vector<16xf32>
          %mul3A_412 = arith.mulf %max3A_411, %get3A_39 : vector<16xf32>
          %add3A_413 = arith.addf %broadcast_in_dim3A_389, %mul3A_412 : vector<16xf32>
          %broadcast_in_dim3A_414 = arith.constant 3 : i32
          %broadcast_in_dim3A_415 = vector.broadcast %broadcast_in_dim3A_414 : i32 to vector<16xi32>
          %gather3A_416 = tpu.vector_load_idx %arg11[%add3A_386, %broadcast_in_dim3A_415] : memref<3072x16xf32, #tpu.memory_space<vmem>>[vector<16xi32>, vector<16xi32>], vector<16xf32>,
          %max3A_417 = arith.constant 0.000000e+00 : f32
          %max3A_418 = vector.broadcast %max3A_417 : f32 to vector<16xf32>
          %max3A_419 = arith.maximumf %gather3A_416, %max3A_418 : vector<16xf32>
          %mul3A_420 = arith.mulf %max3A_419, %get3A_43 : vector<16xf32>
          %add3A_421 = arith.addf %broadcast_in_dim3A_391, %mul3A_420 : vector<16xf32>
          %broadcast_in_dim3A_422 = arith.constant 4 : i32
          %broadcast_in_dim3A_423 = vector.broadcast %broadcast_in_dim3A_422 : i32 to vector<16xi32>
          %gather3A_424 = tpu.vector_load_idx %arg11[%add3A_386, %broadcast_in_dim3A_423] : memref<3072x16xf32, #tpu.memory_space<vmem>>[vector<16xi32>, vector<16xi32>], vector<16xf32>,
          %max3A_425 = arith.constant 0.000000e+00 : f32
          %max3A_426 = vector.broadcast %max3A_425 : f32 to vector<16xf32>
          %max3A_427 = arith.maximumf %gather3A_424, %max3A_426 : vector<16xf32>
          %mul3A_428 = arith.mulf %max3A_427, %get3A_47 : vector<16xf32>
          %add3A_429 = arith.addf %add3A_397, %mul3A_428 : vector<16xf32>
          %broadcast_in_dim3A_430 = arith.constant 5 : i32
          %broadcast_in_dim3A_431 = vector.broadcast %broadcast_in_dim3A_430 : i32 to vector<16xi32>
          %gather3A_432 = tpu.vector_load_idx %arg11[%add3A_386, %broadcast_in_dim3A_431] : memref<3072x16xf32, #tpu.memory_space<vmem>>[vector<16xi32>, vector<16xi32>], vector<16xf32>,
          %max3A_433 = arith.constant 0.000000e+00 : f32
          %max3A_434 = vector.broadcast %max3A_433 : f32 to vector<16xf32>
          %max3A_435 = arith.maximumf %gather3A_432, %max3A_434 : vector<16xf32>
          %mul3A_436 = arith.mulf %max3A_435, %get3A_51 : vector<16xf32>
          %add3A_437 = arith.addf %add3A_405, %mul3A_436 : vector<16xf32>
          %broadcast_in_dim3A_438 = arith.constant 6 : i32
          %broadcast_in_dim3A_439 = vector.broadcast %broadcast_in_dim3A_438 : i32 to vector<16xi32>
          %gather3A_440 = tpu.vector_load_idx %arg11[%add3A_386, %broadcast_in_dim3A_439] : memref<3072x16xf32, #tpu.memory_space<vmem>>[vector<16xi32>, vector<16xi32>], vector<16xf32>,
          %max3A_441 = arith.constant 0.000000e+00 : f32
          %max3A_442 = vector.broadcast %max3A_441 : f32 to vector<16xf32>
          %max3A_443 = arith.maximumf %gather3A_440, %max3A_442 : vector<16xf32>
          %mul3A_444 = arith.mulf %max3A_443, %get3A_55 : vector<16xf32>
          %add3A_445 = arith.addf %add3A_413, %mul3A_444 : vector<16xf32>
          %broadcast_in_dim3A_446 = arith.constant 7 : i32
          %broadcast_in_dim3A_447 = vector.broadcast %broadcast_in_dim3A_446 : i32 to vector<16xi32>
          %gather3A_448 = tpu.vector_load_idx %arg11[%add3A_386, %broadcast_in_dim3A_447] : memref<3072x16xf32, #tpu.memory_space<vmem>>[vector<16xi32>, vector<16xi32>], vector<16xf32>,
          %max3A_449 = arith.constant 0.000000e+00 : f32
          %max3A_450 = vector.broadcast %max3A_449 : f32 to vector<16xf32>
          %max3A_451 = arith.maximumf %gather3A_448, %max3A_450 : vector<16xf32>
          %mul3A_452 = arith.mulf %max3A_451, %get3A_59 : vector<16xf32>
          %add3A_453 = arith.addf %add3A_421, %mul3A_452 : vector<16xf32>
          %broadcast_in_dim3A_454 = arith.constant 8 : i32
          %broadcast_in_dim3A_455 = vector.broadcast %broadcast_in_dim3A_454 : i32 to vector<16xi32>
          %gather3A_456 = tpu.vector_load_idx %arg11[%add3A_386, %broadcast_in_dim3A_455] : memref<3072x16xf32, #tpu.memory_space<vmem>>[vector<16xi32>, vector<16xi32>], vector<16xf32>,
          %max3A_457 = arith.constant 0.000000e+00 : f32
          %max3A_458 = vector.broadcast %max3A_457 : f32 to vector<16xf32>
          %max3A_459 = arith.maximumf %gather3A_456, %max3A_458 : vector<16xf32>
          %mul3A_460 = arith.mulf %max3A_459, %get3A_63 : vector<16xf32>
          %add3A_461 = arith.addf %add3A_429, %mul3A_460 : vector<16xf32>
          %broadcast_in_dim3A_462 = arith.constant 9 : i32
          %broadcast_in_dim3A_463 = vector.broadcast %broadcast_in_dim3A_462 : i32 to vector<16xi32>
          %gather3A_464 = tpu.vector_load_idx %arg11[%add3A_386, %broadcast_in_dim3A_463] : memref<3072x16xf32, #tpu.memory_space<vmem>>[vector<16xi32>, vector<16xi32>], vector<16xf32>,
          %max3A_465 = arith.constant 0.000000e+00 : f32
          %max3A_466 = vector.broadcast %max3A_465 : f32 to vector<16xf32>
          %max3A_467 = arith.maximumf %gather3A_464, %max3A_466 : vector<16xf32>
          %mul3A_468 = arith.mulf %max3A_467, %get3A_67 : vector<16xf32>
          %add3A_469 = arith.addf %add3A_437, %mul3A_468 : vector<16xf32>
          %broadcast_in_dim3A_470 = arith.constant 10 : i32
          %broadcast_in_dim3A_471 = vector.broadcast %broadcast_in_dim3A_470 : i32 to vector<16xi32>
          %gather3A_472 = tpu.vector_load_idx %arg11[%add3A_386, %broadcast_in_dim3A_471] : memref<3072x16xf32, #tpu.memory_space<vmem>>[vector<16xi32>, vector<16xi32>], vector<16xf32>,
          %max3A_473 = arith.constant 0.000000e+00 : f32
          %max3A_474 = vector.broadcast %max3A_473 : f32 to vector<16xf32>
          %max3A_475 = arith.maximumf %gather3A_472, %max3A_474 : vector<16xf32>
          %mul3A_476 = arith.mulf %max3A_475, %get3A_71 : vector<16xf32>
          %add3A_477 = arith.addf %add3A_445, %mul3A_476 : vector<16xf32>
          %broadcast_in_dim3A_478 = arith.constant 11 : i32
          %broadcast_in_dim3A_479 = vector.broadcast %broadcast_in_dim3A_478 : i32 to vector<16xi32>
          %gather3A_480 = tpu.vector_load_idx %arg11[%add3A_386, %broadcast_in_dim3A_479] : memref<3072x16xf32, #tpu.memory_space<vmem>>[vector<16xi32>, vector<16xi32>], vector<16xf32>,
          %max3A_481 = arith.constant 0.000000e+00 : f32
          %max3A_482 = vector.broadcast %max3A_481 : f32 to vector<16xf32>
          %max3A_483 = arith.maximumf %gather3A_480, %max3A_482 : vector<16xf32>
          %mul3A_484 = arith.mulf %max3A_483, %get3A_75 : vector<16xf32>
          %add3A_485 = arith.addf %add3A_453, %mul3A_484 : vector<16xf32>
          %broadcast_in_dim3A_486 = arith.constant 12 : i32
          %broadcast_in_dim3A_487 = vector.broadcast %broadcast_in_dim3A_486 : i32 to vector<16xi32>
          %gather3A_488 = tpu.vector_load_idx %arg11[%add3A_386, %broadcast_in_dim3A_487] : memref<3072x16xf32, #tpu.memory_space<vmem>>[vector<16xi32>, vector<16xi32>], vector<16xf32>,
          %max3A_489 = arith.constant 0.000000e+00 : f32
          %max3A_490 = vector.broadcast %max3A_489 : f32 to vector<16xf32>
          %max3A_491 = arith.maximumf %gather3A_488, %max3A_490 : vector<16xf32>
          %mul3A_492 = arith.mulf %max3A_491, %get3A_79 : vector<16xf32>
          %add3A_493 = arith.addf %add3A_461, %mul3A_492 : vector<16xf32>
          %broadcast_in_dim3A_494 = arith.constant 13 : i32
          %broadcast_in_dim3A_495 = vector.broadcast %broadcast_in_dim3A_494 : i32 to vector<16xi32>
          %gather3A_496 = tpu.vector_load_idx %arg11[%add3A_386, %broadcast_in_dim3A_495] : memref<3072x16xf32, #tpu.memory_space<vmem>>[vector<16xi32>, vector<16xi32>], vector<16xf32>,
          %max3A_497 = arith.constant 0.000000e+00 : f32
          %max3A_498 = vector.broadcast %max3A_497 : f32 to vector<16xf32>
          %max3A_499 = arith.maximumf %gather3A_496, %max3A_498 : vector<16xf32>
          %mul3A_500 = arith.mulf %max3A_499, %get3A_83 : vector<16xf32>
          %add3A_501 = arith.addf %add3A_469, %mul3A_500 : vector<16xf32>
          %broadcast_in_dim3A_502 = arith.constant 14 : i32
          %broadcast_in_dim3A_503 = vector.broadcast %broadcast_in_dim3A_502 : i32 to vector<16xi32>
          %gather3A_504 = tpu.vector_load_idx %arg11[%add3A_386, %broadcast_in_dim3A_503] : memref<3072x16xf32, #tpu.memory_space<vmem>>[vector<16xi32>, vector<16xi32>], vector<16xf32>,
          %max3A_505 = arith.constant 0.000000e+00 : f32
          %max3A_506 = vector.broadcast %max3A_505 : f32 to vector<16xf32>
          %max3A_507 = arith.maximumf %gather3A_504, %max3A_506 : vector<16xf32>
          %mul3A_508 = arith.mulf %max3A_507, %get3A_87 : vector<16xf32>
          %add3A_509 = arith.addf %add3A_477, %mul3A_508 : vector<16xf32>
          %broadcast_in_dim3A_510 = arith.constant 15 : i32
          %broadcast_in_dim3A_511 = vector.broadcast %broadcast_in_dim3A_510 : i32 to vector<16xi32>
          %gather3A_512 = tpu.vector_load_idx %arg11[%add3A_386, %broadcast_in_dim3A_511] : memref<3072x16xf32, #tpu.memory_space<vmem>>[vector<16xi32>, vector<16xi32>], vector<16xf32>,
          %max3A_513 = arith.constant 0.000000e+00 : f32
          %max3A_514 = vector.broadcast %max3A_513 : f32 to vector<16xf32>
          %max3A_515 = arith.maximumf %gather3A_512, %max3A_514 : vector<16xf32>
          %mul3A_516 = arith.mulf %max3A_515, %get3A_91 : vector<16xf32>
          %add3A_517 = arith.addf %add3A_485, %mul3A_516 : vector<16xf32>
          %add3A_518 = arith.addf %add3A_493, %add3A_501 : vector<16xf32>
          %add3A_519 = arith.addf %add3A_509, %add3A_517 : vector<16xf32>
          %add3A_520 = arith.addf %add3A_518, %add3A_519 : vector<16xf32>
          %mul3A_521 = arith.constant 16 : i32
          %mul3A_522 = arith.muli %scan3A_381, %mul3A_521 : i32
          %swap3A = arith.index_cast %mul3A_522 : i32 to index
          %swap3A_523 = tpu.vector_load %arg12[%swap3A] {strides = array<i32>} : memref<1024xf32, #tpu.memory_space<vmem>>, vector<16xf32>,
          tpu.vector_store %arg12[%swap3A], %add3A_520 {strides = array<i32>} : memref<1024xf32, #tpu.memory_space<vmem>>, vector<16xf32>,
        }
        %scan3A_378 = arith.constant 32 : i32
        %mul3A_379 = arith.constant 1024 : i32
        %mul3A_380 = arith.muli %add3A_360, %mul3A_379 : i32
        "tpu.region"() ({
          %run_scoped3A = tpu.sem_alloc : memref<!tpu.dma_semaphore, #tpu.memory_space<semaphore_mem>>
          %dma_start3A_381 = arith.constant 0 : i32
          %dma_start3A_382 = tpu.memref_slice %arg12[%dma_start3A_381] : memref<1024xf32, #tpu.memory_space<vmem>> -> memref<512xf32, #tpu.memory_space<vmem>>
          %dma_start3A_383 = tpu.memref_slice %arg8[%mul3A_380] : memref<320000xf32, #tpu.memory_space<hbm>> -> memref<512xf32, #tpu.memory_space<hbm>>
          %dma_start3A_384 = tpu.memref_slice %arg8[%mul3A_380] : memref<320000xf32, #tpu.memory_space<hbm>> -> memref<512xf32, #tpu.memory_space<hbm>>
          %dma_start3A_385 = arith.constant 0 : i32
          %dma_start3A_386 = tpu.memref_slice %arg12[%dma_start3A_385] : memref<1024xf32, #tpu.memory_space<vmem>> -> memref<512xf32, #tpu.memory_space<vmem>>
          tpu.enqueue_dma source(%dma_start3A_386 : memref<512xf32, #tpu.memory_space<vmem>>) target(%dma_start3A_384 : memref<512xf32, #tpu.memory_space<hbm>>) target_semaphore(%run_scoped3A : memref<!tpu.dma_semaphore, #tpu.memory_space<semaphore_mem>>)
          %dma_wait3A_387 = arith.constant 0 : i32
          %dma_wait3A_388 = tpu.memref_slice %arg12[%dma_wait3A_387] : memref<1024xf32, #tpu.memory_space<vmem>> -> memref<512xf32, #tpu.memory_space<vmem>>
          %dma_wait3A_389 = tpu.memref_slice %arg8[%mul3A_380] : memref<320000xf32, #tpu.memory_space<hbm>> -> memref<512xf32, #tpu.memory_space<hbm>>
          %dma_wait3A_390 = tpu.memref_slice %arg8[%mul3A_380] : memref<320000xf32, #tpu.memory_space<hbm>> -> memref<512xf32, #tpu.memory_space<hbm>>
          %dma_wait3A_391 = arith.constant 0 : i32
          %dma_wait3A_392 = tpu.memref_slice %arg12[%dma_wait3A_391] : memref<1024xf32, #tpu.memory_space<vmem>> -> memref<512xf32, #tpu.memory_space<vmem>>
          tpu.wait_dma2 semaphore(%run_scoped3A : memref<!tpu.dma_semaphore, #tpu.memory_space<semaphore_mem>>) src(%dma_wait3A_392 : memref<512xf32, #tpu.memory_space<vmem>>) dst(%dma_wait3A_390 : memref<512xf32, #tpu.memory_space<hbm>>)
          tpu.yield
        }) : () -> ()
      } else {
      }
    }
    %scan3A_176 = arith.constant 8 : i32
    %mul3A_177 = arith.constant 10 : i32
    %mul3A_178 = arith.muli %add3A, %mul3A_177 : i32
    %add3A_179 = arith.constant 9 : i32
    %add3A_180 = arith.addi %mul3A_178, %add3A_179 : i32
    %lt3A_181 = arith.constant 312 : i32
    %lt3A_182 = arith.cmpi slt, %add3A_180, %lt3A_181 : i32
    %convert_element_type3A_183 = arith.extui %lt3A_182 : i1 to i32
    %cond3A_184 = arith.constant 0 : i32
    %cond3A_185 = arith.cmpi ne, %convert_element_type3A_183, %cond3A_184 : i32
    scf.if %cond3A_185 {
      %dma_wait3A_261 = arith.constant 0 : i32
      %dma_wait3A_262 = arith.constant 0 : i32
      %dma_wait3A_263 = tpu.memref_slice %arg11[%dma_wait3A_261, %dma_wait3A_262] : memref<3072x16xf32, #tpu.memory_space<vmem>> -> memref<128x16xf32, #tpu.memory_space<vmem>>
      %dma_wait3A_264 = arith.constant 0 : i32
      %dma_wait3A_265 = arith.constant 0 : i32
      %dma_wait3A_266 = tpu.memref_slice %arg2[%dma_wait3A_264, %dma_wait3A_265] : memref<10000x16xf32, #tpu.memory_space<hbm>> -> memref<128x16xf32, #tpu.memory_space<hbm>>
      %dma_wait3A_267 = arith.constant 0 : i32
      %dma_wait3A_268 = arith.constant 0 : i32
      %dma_wait3A_269 = tpu.memref_slice %arg11[%dma_wait3A_267, %dma_wait3A_268] : memref<3072x16xf32, #tpu.memory_space<vmem>> -> memref<128x16xf32, #tpu.memory_space<vmem>>
      %dma_wait3A_270 = arith.constant 0 : i32
      %dma_wait3A_271 = arith.constant 0 : i32
      %dma_wait3A_272 = tpu.memref_slice %arg2[%dma_wait3A_270, %dma_wait3A_271] : memref<10000x16xf32, #tpu.memory_space<hbm>> -> memref<128x16xf32, #tpu.memory_space<hbm>>
      tpu.wait_dma2 semaphore(%arg17 : memref<!tpu.dma_semaphore, #tpu.memory_space<semaphore_mem>>) src(%dma_wait3A_272 : memref<128x16xf32, #tpu.memory_space<hbm>>) dst(%dma_wait3A_269 : memref<128x16xf32, #tpu.memory_space<vmem>>)
      %dma_wait3A_273 = arith.constant 128 : i32
      %dma_wait3A_274 = arith.constant 0 : i32
      %dma_wait3A_275 = tpu.memref_slice %arg11[%dma_wait3A_273, %dma_wait3A_274] : memref<3072x16xf32, #tpu.memory_space<vmem>> -> memref<128x16xf32, #tpu.memory_space<vmem>>
      %dma_wait3A_276 = arith.constant 0 : i32
      %dma_wait3A_277 = arith.constant 0 : i32
      %dma_wait3A_278 = tpu.memref_slice %arg2[%dma_wait3A_276, %dma_wait3A_277] : memref<10000x16xf32, #tpu.memory_space<hbm>> -> memref<128x16xf32, #tpu.memory_space<hbm>>
      %dma_wait3A_279 = arith.constant 128 : i32
      %dma_wait3A_280 = arith.constant 0 : i32
      %dma_wait3A_281 = tpu.memref_slice %arg11[%dma_wait3A_279, %dma_wait3A_280] : memref<3072x16xf32, #tpu.memory_space<vmem>> -> memref<128x16xf32, #tpu.memory_space<vmem>>
      %dma_wait3A_282 = arith.constant 0 : i32
      %dma_wait3A_283 = arith.constant 0 : i32
      %dma_wait3A_284 = tpu.memref_slice %arg2[%dma_wait3A_282, %dma_wait3A_283] : memref<10000x16xf32, #tpu.memory_space<hbm>> -> memref<128x16xf32, #tpu.memory_space<hbm>>
      tpu.wait_dma2 semaphore(%arg17 : memref<!tpu.dma_semaphore, #tpu.memory_space<semaphore_mem>>) src(%dma_wait3A_284 : memref<128x16xf32, #tpu.memory_space<hbm>>) dst(%dma_wait3A_281 : memref<128x16xf32, #tpu.memory_space<vmem>>)
      %dma_wait3A_285 = arith.constant 256 : i32
      %dma_wait3A_286 = arith.constant 0 : i32
      %dma_wait3A_287 = tpu.memref_slice %arg11[%dma_wait3A_285, %dma_wait3A_286] : memref<3072x16xf32, #tpu.memory_space<vmem>> -> memref<128x16xf32, #tpu.memory_space<vmem>>
      %dma_wait3A_288 = arith.constant 0 : i32
      %dma_wait3A_289 = arith.constant 0 : i32
      %dma_wait3A_290 = tpu.memref_slice %arg2[%dma_wait3A_288, %dma_wait3A_289] : memref<10000x16xf32, #tpu.memory_space<hbm>> -> memref<128x16xf32, #tpu.memory_space<hbm>>
      %dma_wait3A_291 = arith.constant 256 : i32
      %dma_wait3A_292 = arith.constant 0 : i32
      %dma_wait3A_293 = tpu.memref_slice %arg11[%dma_wait3A_291, %dma_wait3A_292] : memref<3072x16xf32, #tpu.memory_space<vmem>> -> memref<128x16xf32, #tpu.memory_space<vmem>>
      %dma_wait3A_294 = arith.constant 0 : i32
      %dma_wait3A_295 = arith.constant 0 : i32
      %dma_wait3A_296 = tpu.memref_slice %arg2[%dma_wait3A_294, %dma_wait3A_295] : memref<10000x16xf32, #tpu.memory_space<hbm>> -> memref<128x16xf32, #tpu.memory_space<hbm>>
      tpu.wait_dma2 semaphore(%arg17 : memref<!tpu.dma_semaphore, #tpu.memory_space<semaphore_mem>>) src(%dma_wait3A_296 : memref<128x16xf32, #tpu.memory_space<hbm>>) dst(%dma_wait3A_293 : memref<128x16xf32, #tpu.memory_space<vmem>>)
      %dma_wait3A_297 = arith.constant 384 : i32
      %dma_wait3A_298 = arith.constant 0 : i32
      %dma_wait3A_299 = tpu.memref_slice %arg11[%dma_wait3A_297, %dma_wait3A_298] : memref<3072x16xf32, #tpu.memory_space<vmem>> -> memref<128x16xf32, #tpu.memory_space<vmem>>
      %dma_wait3A_300 = arith.constant 0 : i32
      %dma_wait3A_301 = arith.constant 0 : i32
      %dma_wait3A_302 = tpu.memref_slice %arg2[%dma_wait3A_300, %dma_wait3A_301] : memref<10000x16xf32, #tpu.memory_space<hbm>> -> memref<128x16xf32, #tpu.memory_space<hbm>>
      %dma_wait3A_303 = arith.constant 384 : i32
      %dma_wait3A_304 = arith.constant 0 : i32
      %dma_wait3A_305 = tpu.memref_slice %arg11[%dma_wait3A_303, %dma_wait3A_304] : memref<3072x16xf32, #tpu.memory_space<vmem>> -> memref<128x16xf32, #tpu.memory_space<vmem>>
      %dma_wait3A_306 = arith.constant 0 : i32
      %dma_wait3A_307 = arith.constant 0 : i32
      %dma_wait3A_308 = tpu.memref_slice %arg2[%dma_wait3A_306, %dma_wait3A_307] : memref<10000x16xf32, #tpu.memory_space<hbm>> -> memref<128x16xf32, #tpu.memory_space<hbm>>
      tpu.wait_dma2 semaphore(%arg17 : memref<!tpu.dma_semaphore, #tpu.memory_space<semaphore_mem>>) src(%dma_wait3A_308 : memref<128x16xf32, #tpu.memory_space<hbm>>) dst(%dma_wait3A_305 : memref<128x16xf32, #tpu.memory_space<vmem>>)
      %dma_wait3A_309 = arith.constant 512 : i32
      %dma_wait3A_310 = arith.constant 0 : i32
      %dma_wait3A_311 = tpu.memref_slice %arg11[%dma_wait3A_309, %dma_wait3A_310] : memref<3072x16xf32, #tpu.memory_space<vmem>> -> memref<128x16xf32, #tpu.memory_space<vmem>>
      %dma_wait3A_312 = arith.constant 0 : i32
      %dma_wait3A_313 = arith.constant 0 : i32
      %dma_wait3A_314 = tpu.memref_slice %arg2[%dma_wait3A_312, %dma_wait3A_313] : memref<10000x16xf32, #tpu.memory_space<hbm>> -> memref<128x16xf32, #tpu.memory_space<hbm>>
      %dma_wait3A_315 = arith.constant 512 : i32
      %dma_wait3A_316 = arith.constant 0 : i32
      %dma_wait3A_317 = tpu.memref_slice %arg11[%dma_wait3A_315, %dma_wait3A_316] : memref<3072x16xf32, #tpu.memory_space<vmem>> -> memref<128x16xf32, #tpu.memory_space<vmem>>
      %dma_wait3A_318 = arith.constant 0 : i32
      %dma_wait3A_319 = arith.constant 0 : i32
      %dma_wait3A_320 = tpu.memref_slice %arg2[%dma_wait3A_318, %dma_wait3A_319] : memref<10000x16xf32, #tpu.memory_space<hbm>> -> memref<128x16xf32, #tpu.memory_space<hbm>>
      tpu.wait_dma2 semaphore(%arg17 : memref<!tpu.dma_semaphore, #tpu.memory_space<semaphore_mem>>) src(%dma_wait3A_320 : memref<128x16xf32, #tpu.memory_space<hbm>>) dst(%dma_wait3A_317 : memref<128x16xf32, #tpu.memory_space<vmem>>)
      %dma_wait3A_321 = arith.constant 640 : i32
      %dma_wait3A_322 = arith.constant 0 : i32
      %dma_wait3A_323 = tpu.memref_slice %arg11[%dma_wait3A_321, %dma_wait3A_322] : memref<3072x16xf32, #tpu.memory_space<vmem>> -> memref<128x16xf32, #tpu.memory_space<vmem>>
      %dma_wait3A_324 = arith.constant 0 : i32
      %dma_wait3A_325 = arith.constant 0 : i32
      %dma_wait3A_326 = tpu.memref_slice %arg2[%dma_wait3A_324, %dma_wait3A_325] : memref<10000x16xf32, #tpu.memory_space<hbm>> -> memref<128x16xf32, #tpu.memory_space<hbm>>
      %dma_wait3A_327 = arith.constant 640 : i32
      %dma_wait3A_328 = arith.constant 0 : i32
      %dma_wait3A_329 = tpu.memref_slice %arg11[%dma_wait3A_327, %dma_wait3A_328] : memref<3072x16xf32, #tpu.memory_space<vmem>> -> memref<128x16xf32, #tpu.memory_space<vmem>>
      %dma_wait3A_330 = arith.constant 0 : i32
      %dma_wait3A_331 = arith.constant 0 : i32
      %dma_wait3A_332 = tpu.memref_slice %arg2[%dma_wait3A_330, %dma_wait3A_331] : memref<10000x16xf32, #tpu.memory_space<hbm>> -> memref<128x16xf32, #tpu.memory_space<hbm>>
      tpu.wait_dma2 semaphore(%arg17 : memref<!tpu.dma_semaphore, #tpu.memory_space<semaphore_mem>>) src(%dma_wait3A_332 : memref<128x16xf32, #tpu.memory_space<hbm>>) dst(%dma_wait3A_329 : memref<128x16xf32, #tpu.memory_space<vmem>>)
      %dma_wait3A_333 = arith.constant 768 : i32
      %dma_wait3A_334 = arith.constant 0 : i32
      %dma_wait3A_335 = tpu.memref_slice %arg11[%dma_wait3A_333, %dma_wait3A_334] : memref<3072x16xf32, #tpu.memory_space<vmem>> -> memref<128x16xf32, #tpu.memory_space<vmem>>
      %dma_wait3A_336 = arith.constant 0 : i32
      %dma_wait3A_337 = arith.constant 0 : i32
      %dma_wait3A_338 = tpu.memref_slice %arg2[%dma_wait3A_336, %dma_wait3A_337] : memref<10000x16xf32, #tpu.memory_space<hbm>> -> memref<128x16xf32, #tpu.memory_space<hbm>>
      %dma_wait3A_339 = arith.constant 768 : i32
      %dma_wait3A_340 = arith.constant 0 : i32
      %dma_wait3A_341 = tpu.memref_slice %arg11[%dma_wait3A_339, %dma_wait3A_340] : memref<3072x16xf32, #tpu.memory_space<vmem>> -> memref<128x16xf32, #tpu.memory_space<vmem>>
      %dma_wait3A_342 = arith.constant 0 : i32
      %dma_wait3A_343 = arith.constant 0 : i32
      %dma_wait3A_344 = tpu.memref_slice %arg2[%dma_wait3A_342, %dma_wait3A_343] : memref<10000x16xf32, #tpu.memory_space<hbm>> -> memref<128x16xf32, #tpu.memory_space<hbm>>
      tpu.wait_dma2 semaphore(%arg17 : memref<!tpu.dma_semaphore, #tpu.memory_space<semaphore_mem>>) src(%dma_wait3A_344 : memref<128x16xf32, #tpu.memory_space<hbm>>) dst(%dma_wait3A_341 : memref<128x16xf32, #tpu.memory_space<vmem>>)
      %dma_wait3A_345 = arith.constant 896 : i32
      %dma_wait3A_346 = arith.constant 0 : i32
      %dma_wait3A_347 = tpu.memref_slice %arg11[%dma_wait3A_345, %dma_wait3A_346] : memref<3072x16xf32, #tpu.memory_space<vmem>> -> memref<128x16xf32, #tpu.memory_space<vmem>>
      %dma_wait3A_348 = arith.constant 0 : i32
      %dma_wait3A_349 = arith.constant 0 : i32
      %dma_wait3A_350 = tpu.memref_slice %arg2[%dma_wait3A_348, %dma_wait3A_349] : memref<10000x16xf32, #tpu.memory_space<hbm>> -> memref<128x16xf32, #tpu.memory_space<hbm>>
      %dma_wait3A_351 = arith.constant 896 : i32
      %dma_wait3A_352 = arith.constant 0 : i32
      %dma_wait3A_353 = tpu.memref_slice %arg11[%dma_wait3A_351, %dma_wait3A_352] : memref<3072x16xf32, #tpu.memory_space<vmem>> -> memref<128x16xf32, #tpu.memory_space<vmem>>
      %dma_wait3A_354 = arith.constant 0 : i32
      %dma_wait3A_355 = arith.constant 0 : i32
      %dma_wait3A_356 = tpu.memref_slice %arg2[%dma_wait3A_354, %dma_wait3A_355] : memref<10000x16xf32, #tpu.memory_space<hbm>> -> memref<128x16xf32, #tpu.memory_space<hbm>>
      tpu.wait_dma2 semaphore(%arg17 : memref<!tpu.dma_semaphore, #tpu.memory_space<semaphore_mem>>) src(%dma_wait3A_356 : memref<128x16xf32, #tpu.memory_space<hbm>>) dst(%dma_wait3A_353 : memref<128x16xf32, #tpu.memory_space<vmem>>)
    } else {
    }
    %eq3A_186 = arith.constant 312 : i32
    %eq3A_187 = arith.cmpi eq, %add3A_180, %eq3A_186 : i32
    %convert_element_type3A_188 = arith.extui %eq3A_187 : i1 to i32
    %cond3A_189 = arith.constant 0 : i32
    %cond3A_190 = arith.cmpi ne, %convert_element_type3A_188, %cond3A_189 : i32
    scf.if %cond3A_190 {
      %dma_wait3A_261 = arith.constant 0 : i32
      %dma_wait3A_262 = arith.constant 0 : i32
      %dma_wait3A_263 = tpu.memref_slice %arg11[%dma_wait3A_261, %dma_wait3A_262] : memref<3072x16xf32, #tpu.memory_space<vmem>> -> memref<128x16xf32, #tpu.memory_space<vmem>>
      %dma_wait3A_264 = arith.constant 0 : i32
      %dma_wait3A_265 = arith.constant 0 : i32
      %dma_wait3A_266 = tpu.memref_slice %arg2[%dma_wait3A_264, %dma_wait3A_265] : memref<10000x16xf32, #tpu.memory_space<hbm>> -> memref<128x16xf32, #tpu.memory_space<hbm>>
      %dma_wait3A_267 = arith.constant 0 : i32
      %dma_wait3A_268 = arith.constant 0 : i32
      %dma_wait3A_269 = tpu.memref_slice %arg11[%dma_wait3A_267, %dma_wait3A_268] : memref<3072x16xf32, #tpu.memory_space<vmem>> -> memref<128x16xf32, #tpu.memory_space<vmem>>
      %dma_wait3A_270 = arith.constant 0 : i32
      %dma_wait3A_271 = arith.constant 0 : i32
      %dma_wait3A_272 = tpu.memref_slice %arg2[%dma_wait3A_270, %dma_wait3A_271] : memref<10000x16xf32, #tpu.memory_space<hbm>> -> memref<128x16xf32, #tpu.memory_space<hbm>>
      tpu.wait_dma2 semaphore(%arg17 : memref<!tpu.dma_semaphore, #tpu.memory_space<semaphore_mem>>) src(%dma_wait3A_272 : memref<128x16xf32, #tpu.memory_space<hbm>>) dst(%dma_wait3A_269 : memref<128x16xf32, #tpu.memory_space<vmem>>)
      %dma_wait3A_273 = arith.constant 128 : i32
      %dma_wait3A_274 = arith.constant 0 : i32
      %dma_wait3A_275 = tpu.memref_slice %arg11[%dma_wait3A_273, %dma_wait3A_274] : memref<3072x16xf32, #tpu.memory_space<vmem>> -> memref<128x16xf32, #tpu.memory_space<vmem>>
      %dma_wait3A_276 = arith.constant 0 : i32
      %dma_wait3A_277 = arith.constant 0 : i32
      %dma_wait3A_278 = tpu.memref_slice %arg2[%dma_wait3A_276, %dma_wait3A_277] : memref<10000x16xf32, #tpu.memory_space<hbm>> -> memref<128x16xf32, #tpu.memory_space<hbm>>
      %dma_wait3A_279 = arith.constant 128 : i32
      %dma_wait3A_280 = arith.constant 0 : i32
      %dma_wait3A_281 = tpu.memref_slice %arg11[%dma_wait3A_279, %dma_wait3A_280] : memref<3072x16xf32, #tpu.memory_space<vmem>> -> memref<128x16xf32, #tpu.memory_space<vmem>>
      %dma_wait3A_282 = arith.constant 0 : i32
      %dma_wait3A_283 = arith.constant 0 : i32
      %dma_wait3A_284 = tpu.memref_slice %arg2[%dma_wait3A_282, %dma_wait3A_283] : memref<10000x16xf32, #tpu.memory_space<hbm>> -> memref<128x16xf32, #tpu.memory_space<hbm>>
      tpu.wait_dma2 semaphore(%arg17 : memref<!tpu.dma_semaphore, #tpu.memory_space<semaphore_mem>>) src(%dma_wait3A_284 : memref<128x16xf32, #tpu.memory_space<hbm>>) dst(%dma_wait3A_281 : memref<128x16xf32, #tpu.memory_space<vmem>>)
      %dma_wait3A_285 = arith.constant 256 : i32
      %dma_wait3A_286 = arith.constant 0 : i32
      %dma_wait3A_287 = tpu.memref_slice %arg11[%dma_wait3A_285, %dma_wait3A_286] : memref<3072x16xf32, #tpu.memory_space<vmem>> -> memref<128x16xf32, #tpu.memory_space<vmem>>
      %dma_wait3A_288 = arith.constant 0 : i32
      %dma_wait3A_289 = arith.constant 0 : i32
      %dma_wait3A_290 = tpu.memref_slice %arg2[%dma_wait3A_288, %dma_wait3A_289] : memref<10000x16xf32, #tpu.memory_space<hbm>> -> memref<128x16xf32, #tpu.memory_space<hbm>>
      %dma_wait3A_291 = arith.constant 256 : i32
      %dma_wait3A_292 = arith.constant 0 : i32
      %dma_wait3A_293 = tpu.memref_slice %arg11[%dma_wait3A_291, %dma_wait3A_292] : memref<3072x16xf32, #tpu.memory_space<vmem>> -> memref<128x16xf32, #tpu.memory_space<vmem>>
      %dma_wait3A_294 = arith.constant 0 : i32
      %dma_wait3A_295 = arith.constant 0 : i32
      %dma_wait3A_296 = tpu.memref_slice %arg2[%dma_wait3A_294, %dma_wait3A_295] : memref<10000x16xf32, #tpu.memory_space<hbm>> -> memref<128x16xf32, #tpu.memory_space<hbm>>
      tpu.wait_dma2 semaphore(%arg17 : memref<!tpu.dma_semaphore, #tpu.memory_space<semaphore_mem>>) src(%dma_wait3A_296 : memref<128x16xf32, #tpu.memory_space<hbm>>) dst(%dma_wait3A_293 : memref<128x16xf32, #tpu.memory_space<vmem>>)
      %dma_wait3A_297 = arith.constant 384 : i32
      %dma_wait3A_298 = arith.constant 0 : i32
      %dma_wait3A_299 = tpu.memref_slice %arg11[%dma_wait3A_297, %dma_wait3A_298] : memref<3072x16xf32, #tpu.memory_space<vmem>> -> memref<128x16xf32, #tpu.memory_space<vmem>>
      %dma_wait3A_300 = arith.constant 0 : i32
      %dma_wait3A_301 = arith.constant 0 : i32
      %dma_wait3A_302 = tpu.memref_slice %arg2[%dma_wait3A_300, %dma_wait3A_301] : memref<10000x16xf32, #tpu.memory_space<hbm>> -> memref<128x16xf32, #tpu.memory_space<hbm>>
      %dma_wait3A_303 = arith.constant 384 : i32
      %dma_wait3A_304 = arith.constant 0 : i32
      %dma_wait3A_305 = tpu.memref_slice %arg11[%dma_wait3A_303, %dma_wait3A_304] : memref<3072x16xf32, #tpu.memory_space<vmem>> -> memref<128x16xf32, #tpu.memory_space<vmem>>
      %dma_wait3A_306 = arith.constant 0 : i32
      %dma_wait3A_307 = arith.constant 0 : i32
      %dma_wait3A_308 = tpu.memref_slice %arg2[%dma_wait3A_306, %dma_wait3A_307] : memref<10000x16xf32, #tpu.memory_space<hbm>> -> memref<128x16xf32, #tpu.memory_space<hbm>>
      tpu.wait_dma2 semaphore(%arg17 : memref<!tpu.dma_semaphore, #tpu.memory_space<semaphore_mem>>) src(%dma_wait3A_308 : memref<128x16xf32, #tpu.memory_space<hbm>>) dst(%dma_wait3A_305 : memref<128x16xf32, #tpu.memory_space<vmem>>)
    } else {
    }
    %mul3A_191 = arith.constant 10 : i32
    %mul3A_192 = arith.muli %add3A, %mul3A_191 : i32
    %add3A_193 = arith.constant 9 : i32
    %add3A_194 = arith.addi %mul3A_192, %add3A_193 : i32
    %lt3A_195 = arith.constant 312 : i32
    %lt3A_196 = arith.cmpi slt, %add3A_194, %lt3A_195 : i32
    %convert_element_type3A_197 = arith.extui %lt3A_196 : i1 to i32
    %cond3A_198 = arith.constant 0 : i32
    %cond3A_199 = arith.cmpi ne, %convert_element_type3A_197, %cond3A_198 : i32
    scf.if %cond3A_199 {
      %dma_start3A_261 = arith.constant 0 : i32
      %dma_start3A_262 = arith.constant 0 : i32
      %dma_start3A_263 = arith.constant 0 : i32
      %dma_start3A_264 = tpu.memref_slice %arg11[%dma_start3A_262, %dma_start3A_263] : memref<3072x16xf32, #tpu.memory_space<vmem>> -> memref<128x16xf32, #tpu.memory_space<vmem>>
      %dma_start3A_265 = arith.constant 0 : i32
      %dma_start3A_266 = tpu.memref_slice %arg10[%dma_start3A_261, %dma_start3A_265] : memref<24x128xi32, #tpu.memory_space<vmem>> -> memref<1x128xi32, #tpu.memory_space<vmem>>
      %dma_start3A_267 = tpu.memref_squeeze %dma_start3A_266 : memref<1x128xi32, #tpu.memory_space<vmem>> -> memref<128xi32, #tpu.memory_space<vmem>>
      %dma_start3A_268 = arith.constant 0 : i32
      %dma_start3A_269 = arith.constant 0 : i32
      %dma_start3A_270 = tpu.memref_slice %arg16[%dma_start3A_268, %dma_start3A_269] : memref<10000x16xf32, #tpu.memory_space<vmem_shared>> -> memref<10000x16xf32, #tpu.memory_space<vmem_shared>>
      tpu.enqueue_indirect_dma source(%dma_start3A_270 : memref<10000x16xf32, #tpu.memory_space<vmem_shared>>) target(%dma_start3A_264 : memref<128x16xf32, #tpu.memory_space<vmem>>) offsets(%dma_start3A_267 : memref<128xi32, #tpu.memory_space<vmem>>) semaphore(%arg17 : memref<!tpu.dma_semaphore, #tpu.memory_space<semaphore_mem>>) {add = true}
      %dma_start3A_271 = arith.constant 1 : i32
      %dma_start3A_272 = arith.constant 128 : i32
      %dma_start3A_273 = arith.constant 0 : i32
      %dma_start3A_274 = tpu.memref_slice %arg11[%dma_start3A_272, %dma_start3A_273] : memref<3072x16xf32, #tpu.memory_space<vmem>> -> memref<128x16xf32, #tpu.memory_space<vmem>>
      %dma_start3A_275 = arith.constant 0 : i32
      %dma_start3A_276 = tpu.memref_slice %arg10[%dma_start3A_271, %dma_start3A_275] : memref<24x128xi32, #tpu.memory_space<vmem>> -> memref<1x128xi32, #tpu.memory_space<vmem>>
      %dma_start3A_277 = tpu.memref_squeeze %dma_start3A_276 : memref<1x128xi32, #tpu.memory_space<vmem>> -> memref<128xi32, #tpu.memory_space<vmem>>
      %dma_start3A_278 = arith.constant 0 : i32
      %dma_start3A_279 = arith.constant 0 : i32
      %dma_start3A_280 = tpu.memref_slice %arg16[%dma_start3A_278, %dma_start3A_279] : memref<10000x16xf32, #tpu.memory_space<vmem_shared>> -> memref<10000x16xf32, #tpu.memory_space<vmem_shared>>
      tpu.enqueue_indirect_dma source(%dma_start3A_280 : memref<10000x16xf32, #tpu.memory_space<vmem_shared>>) target(%dma_start3A_274 : memref<128x16xf32, #tpu.memory_space<vmem>>) offsets(%dma_start3A_277 : memref<128xi32, #tpu.memory_space<vmem>>) semaphore(%arg17 : memref<!tpu.dma_semaphore, #tpu.memory_space<semaphore_mem>>) {add = true}
      %dma_start3A_281 = arith.constant 2 : i32
      %dma_start3A_282 = arith.constant 256 : i32
      %dma_start3A_283 = arith.constant 0 : i32
      %dma_start3A_284 = tpu.memref_slice %arg11[%dma_start3A_282, %dma_start3A_283] : memref<3072x16xf32, #tpu.memory_space<vmem>> -> memref<128x16xf32, #tpu.memory_space<vmem>>
      %dma_start3A_285 = arith.constant 0 : i32
      %dma_start3A_286 = tpu.memref_slice %arg10[%dma_start3A_281, %dma_start3A_285] : memref<24x128xi32, #tpu.memory_space<vmem>> -> memref<1x128xi32, #tpu.memory_space<vmem>>
      %dma_start3A_287 = tpu.memref_squeeze %dma_start3A_286 : memref<1x128xi32, #tpu.memory_space<vmem>> -> memref<128xi32, #tpu.memory_space<vmem>>
      %dma_start3A_288 = arith.constant 0 : i32
      %dma_start3A_289 = arith.constant 0 : i32
      %dma_start3A_290 = tpu.memref_slice %arg16[%dma_start3A_288, %dma_start3A_289] : memref<10000x16xf32, #tpu.memory_space<vmem_shared>> -> memref<10000x16xf32, #tpu.memory_space<vmem_shared>>
      tpu.enqueue_indirect_dma source(%dma_start3A_290 : memref<10000x16xf32, #tpu.memory_space<vmem_shared>>) target(%dma_start3A_284 : memref<128x16xf32, #tpu.memory_space<vmem>>) offsets(%dma_start3A_287 : memref<128xi32, #tpu.memory_space<vmem>>) semaphore(%arg17 : memref<!tpu.dma_semaphore, #tpu.memory_space<semaphore_mem>>) {add = true}
      %dma_start3A_291 = arith.constant 3 : i32
      %dma_start3A_292 = arith.constant 384 : i32
      %dma_start3A_293 = arith.constant 0 : i32
      %dma_start3A_294 = tpu.memref_slice %arg11[%dma_start3A_292, %dma_start3A_293] : memref<3072x16xf32, #tpu.memory_space<vmem>> -> memref<128x16xf32, #tpu.memory_space<vmem>>
      %dma_start3A_295 = arith.constant 0 : i32
      %dma_start3A_296 = tpu.memref_slice %arg10[%dma_start3A_291, %dma_start3A_295] : memref<24x128xi32, #tpu.memory_space<vmem>> -> memref<1x128xi32, #tpu.memory_space<vmem>>
      %dma_start3A_297 = tpu.memref_squeeze %dma_start3A_296 : memref<1x128xi32, #tpu.memory_space<vmem>> -> memref<128xi32, #tpu.memory_space<vmem>>
      %dma_start3A_298 = arith.constant 0 : i32
      %dma_start3A_299 = arith.constant 0 : i32
      %dma_start3A_300 = tpu.memref_slice %arg16[%dma_start3A_298, %dma_start3A_299] : memref<10000x16xf32, #tpu.memory_space<vmem_shared>> -> memref<10000x16xf32, #tpu.memory_space<vmem_shared>>
      tpu.enqueue_indirect_dma source(%dma_start3A_300 : memref<10000x16xf32, #tpu.memory_space<vmem_shared>>) target(%dma_start3A_294 : memref<128x16xf32, #tpu.memory_space<vmem>>) offsets(%dma_start3A_297 : memref<128xi32, #tpu.memory_space<vmem>>) semaphore(%arg17 : memref<!tpu.dma_semaphore, #tpu.memory_space<semaphore_mem>>) {add = true}
      %dma_start3A_301 = arith.constant 4 : i32
      %dma_start3A_302 = arith.constant 512 : i32
      %dma_start3A_303 = arith.constant 0 : i32
      %dma_start3A_304 = tpu.memref_slice %arg11[%dma_start3A_302, %dma_start3A_303] : memref<3072x16xf32, #tpu.memory_space<vmem>> -> memref<128x16xf32, #tpu.memory_space<vmem>>
      %dma_start3A_305 = arith.constant 0 : i32
      %dma_start3A_306 = tpu.memref_slice %arg10[%dma_start3A_301, %dma_start3A_305] : memref<24x128xi32, #tpu.memory_space<vmem>> -> memref<1x128xi32, #tpu.memory_space<vmem>>
      %dma_start3A_307 = tpu.memref_squeeze %dma_start3A_306 : memref<1x128xi32, #tpu.memory_space<vmem>> -> memref<128xi32, #tpu.memory_space<vmem>>
      %dma_start3A_308 = arith.constant 0 : i32
      %dma_start3A_309 = arith.constant 0 : i32
      %dma_start3A_310 = tpu.memref_slice %arg16[%dma_start3A_308, %dma_start3A_309] : memref<10000x16xf32, #tpu.memory_space<vmem_shared>> -> memref<10000x16xf32, #tpu.memory_space<vmem_shared>>
      tpu.enqueue_indirect_dma source(%dma_start3A_310 : memref<10000x16xf32, #tpu.memory_space<vmem_shared>>) target(%dma_start3A_304 : memref<128x16xf32, #tpu.memory_space<vmem>>) offsets(%dma_start3A_307 : memref<128xi32, #tpu.memory_space<vmem>>) semaphore(%arg17 : memref<!tpu.dma_semaphore, #tpu.memory_space<semaphore_mem>>) {add = true}
      %dma_start3A_311 = arith.constant 5 : i32
      %dma_start3A_312 = arith.constant 640 : i32
      %dma_start3A_313 = arith.constant 0 : i32
      %dma_start3A_314 = tpu.memref_slice %arg11[%dma_start3A_312, %dma_start3A_313] : memref<3072x16xf32, #tpu.memory_space<vmem>> -> memref<128x16xf32, #tpu.memory_space<vmem>>
      %dma_start3A_315 = arith.constant 0 : i32
      %dma_start3A_316 = tpu.memref_slice %arg10[%dma_start3A_311, %dma_start3A_315] : memref<24x128xi32, #tpu.memory_space<vmem>> -> memref<1x128xi32, #tpu.memory_space<vmem>>
      %dma_start3A_317 = tpu.memref_squeeze %dma_start3A_316 : memref<1x128xi32, #tpu.memory_space<vmem>> -> memref<128xi32, #tpu.memory_space<vmem>>
      %dma_start3A_318 = arith.constant 0 : i32
      %dma_start3A_319 = arith.constant 0 : i32
      %dma_start3A_320 = tpu.memref_slice %arg16[%dma_start3A_318, %dma_start3A_319] : memref<10000x16xf32, #tpu.memory_space<vmem_shared>> -> memref<10000x16xf32, #tpu.memory_space<vmem_shared>>
      tpu.enqueue_indirect_dma source(%dma_start3A_320 : memref<10000x16xf32, #tpu.memory_space<vmem_shared>>) target(%dma_start3A_314 : memref<128x16xf32, #tpu.memory_space<vmem>>) offsets(%dma_start3A_317 : memref<128xi32, #tpu.memory_space<vmem>>) semaphore(%arg17 : memref<!tpu.dma_semaphore, #tpu.memory_space<semaphore_mem>>) {add = true}
      %dma_start3A_321 = arith.constant 6 : i32
      %dma_start3A_322 = arith.constant 768 : i32
      %dma_start3A_323 = arith.constant 0 : i32
      %dma_start3A_324 = tpu.memref_slice %arg11[%dma_start3A_322, %dma_start3A_323] : memref<3072x16xf32, #tpu.memory_space<vmem>> -> memref<128x16xf32, #tpu.memory_space<vmem>>
      %dma_start3A_325 = arith.constant 0 : i32
      %dma_start3A_326 = tpu.memref_slice %arg10[%dma_start3A_321, %dma_start3A_325] : memref<24x128xi32, #tpu.memory_space<vmem>> -> memref<1x128xi32, #tpu.memory_space<vmem>>
      %dma_start3A_327 = tpu.memref_squeeze %dma_start3A_326 : memref<1x128xi32, #tpu.memory_space<vmem>> -> memref<128xi32, #tpu.memory_space<vmem>>
      %dma_start3A_328 = arith.constant 0 : i32
      %dma_start3A_329 = arith.constant 0 : i32
      %dma_start3A_330 = tpu.memref_slice %arg16[%dma_start3A_328, %dma_start3A_329] : memref<10000x16xf32, #tpu.memory_space<vmem_shared>> -> memref<10000x16xf32, #tpu.memory_space<vmem_shared>>
      tpu.enqueue_indirect_dma source(%dma_start3A_330 : memref<10000x16xf32, #tpu.memory_space<vmem_shared>>) target(%dma_start3A_324 : memref<128x16xf32, #tpu.memory_space<vmem>>) offsets(%dma_start3A_327 : memref<128xi32, #tpu.memory_space<vmem>>) semaphore(%arg17 : memref<!tpu.dma_semaphore, #tpu.memory_space<semaphore_mem>>) {add = true}
      %dma_start3A_331 = arith.constant 7 : i32
      %dma_start3A_332 = arith.constant 896 : i32
      %dma_start3A_333 = arith.constant 0 : i32
      %dma_start3A_334 = tpu.memref_slice %arg11[%dma_start3A_332, %dma_start3A_333] : memref<3072x16xf32, #tpu.memory_space<vmem>> -> memref<128x16xf32, #tpu.memory_space<vmem>>
      %dma_start3A_335 = arith.constant 0 : i32
      %dma_start3A_336 = tpu.memref_slice %arg10[%dma_start3A_331, %dma_start3A_335] : memref<24x128xi32, #tpu.memory_space<vmem>> -> memref<1x128xi32, #tpu.memory_space<vmem>>
      %dma_start3A_337 = tpu.memref_squeeze %dma_start3A_336 : memref<1x128xi32, #tpu.memory_space<vmem>> -> memref<128xi32, #tpu.memory_space<vmem>>
      %dma_start3A_338 = arith.constant 0 : i32
      %dma_start3A_339 = arith.constant 0 : i32
      %dma_start3A_340 = tpu.memref_slice %arg16[%dma_start3A_338, %dma_start3A_339] : memref<10000x16xf32, #tpu.memory_space<vmem_shared>> -> memref<10000x16xf32, #tpu.memory_space<vmem_shared>>
      tpu.enqueue_indirect_dma source(%dma_start3A_340 : memref<10000x16xf32, #tpu.memory_space<vmem_shared>>) target(%dma_start3A_334 : memref<128x16xf32, #tpu.memory_space<vmem>>) offsets(%dma_start3A_337 : memref<128xi32, #tpu.memory_space<vmem>>) semaphore(%arg17 : memref<!tpu.dma_semaphore, #tpu.memory_space<semaphore_mem>>) {add = true}
    } else {
    }
    %eq3A_200 = arith.constant 312 : i32
    %eq3A_201 = arith.cmpi eq, %add3A_194, %eq3A_200 : i32
    %convert_element_type3A_202 = arith.extui %eq3A_201 : i1 to i32
    %cond3A_203 = arith.constant 0 : i32
    %cond3A_204 = arith.cmpi ne, %convert_element_type3A_202, %cond3A_203 : i32
    scf.if %cond3A_204 {
      %dma_start3A_261 = arith.constant 0 : i32
      %dma_start3A_262 = arith.constant 0 : i32
      %dma_start3A_263 = arith.constant 0 : i32
      %dma_start3A_264 = tpu.memref_slice %arg11[%dma_start3A_262, %dma_start3A_263] : memref<3072x16xf32, #tpu.memory_space<vmem>> -> memref<128x16xf32, #tpu.memory_space<vmem>>
      %dma_start3A_265 = arith.constant 0 : i32
      %dma_start3A_266 = tpu.memref_slice %arg10[%dma_start3A_261, %dma_start3A_265] : memref<24x128xi32, #tpu.memory_space<vmem>> -> memref<1x128xi32, #tpu.memory_space<vmem>>
      %dma_start3A_267 = tpu.memref_squeeze %dma_start3A_266 : memref<1x128xi32, #tpu.memory_space<vmem>> -> memref<128xi32, #tpu.memory_space<vmem>>
      %dma_start3A_268 = arith.constant 0 : i32
      %dma_start3A_269 = arith.constant 0 : i32
      %dma_start3A_270 = tpu.memref_slice %arg16[%dma_start3A_268, %dma_start3A_269] : memref<10000x16xf32, #tpu.memory_space<vmem_shared>> -> memref<10000x16xf32, #tpu.memory_space<vmem_shared>>
      tpu.enqueue_indirect_dma source(%dma_start3A_270 : memref<10000x16xf32, #tpu.memory_space<vmem_shared>>) target(%dma_start3A_264 : memref<128x16xf32, #tpu.memory_space<vmem>>) offsets(%dma_start3A_267 : memref<128xi32, #tpu.memory_space<vmem>>) semaphore(%arg17 : memref<!tpu.dma_semaphore, #tpu.memory_space<semaphore_mem>>) {add = true}
      %dma_start3A_271 = arith.constant 1 : i32
      %dma_start3A_272 = arith.constant 128 : i32
      %dma_start3A_273 = arith.constant 0 : i32
      %dma_start3A_274 = tpu.memref_slice %arg11[%dma_start3A_272, %dma_start3A_273] : memref<3072x16xf32, #tpu.memory_space<vmem>> -> memref<128x16xf32, #tpu.memory_space<vmem>>
      %dma_start3A_275 = arith.constant 0 : i32
      %dma_start3A_276 = tpu.memref_slice %arg10[%dma_start3A_271, %dma_start3A_275] : memref<24x128xi32, #tpu.memory_space<vmem>> -> memref<1x128xi32, #tpu.memory_space<vmem>>
      %dma_start3A_277 = tpu.memref_squeeze %dma_start3A_276 : memref<1x128xi32, #tpu.memory_space<vmem>> -> memref<128xi32, #tpu.memory_space<vmem>>
      %dma_start3A_278 = arith.constant 0 : i32
      %dma_start3A_279 = arith.constant 0 : i32
      %dma_start3A_280 = tpu.memref_slice %arg16[%dma_start3A_278, %dma_start3A_279] : memref<10000x16xf32, #tpu.memory_space<vmem_shared>> -> memref<10000x16xf32, #tpu.memory_space<vmem_shared>>
      tpu.enqueue_indirect_dma source(%dma_start3A_280 : memref<10000x16xf32, #tpu.memory_space<vmem_shared>>) target(%dma_start3A_274 : memref<128x16xf32, #tpu.memory_space<vmem>>) offsets(%dma_start3A_277 : memref<128xi32, #tpu.memory_space<vmem>>) semaphore(%arg17 : memref<!tpu.dma_semaphore, #tpu.memory_space<semaphore_mem>>) {add = true}
      %dma_start3A_281 = arith.constant 2 : i32
      %dma_start3A_282 = arith.constant 256 : i32
      %dma_start3A_283 = arith.constant 0 : i32
      %dma_start3A_284 = tpu.memref_slice %arg11[%dma_start3A_282, %dma_start3A_283] : memref<3072x16xf32, #tpu.memory_space<vmem>> -> memref<128x16xf32, #tpu.memory_space<vmem>>
      %dma_start3A_285 = arith.constant 0 : i32
      %dma_start3A_286 = tpu.memref_slice %arg10[%dma_start3A_281, %dma_start3A_285] : memref<24x128xi32, #tpu.memory_space<vmem>> -> memref<1x128xi32, #tpu.memory_space<vmem>>
      %dma_start3A_287 = tpu.memref_squeeze %dma_start3A_286 : memref<1x128xi32, #tpu.memory_space<vmem>> -> memref<128xi32, #tpu.memory_space<vmem>>
      %dma_start3A_288 = arith.constant 0 : i32
      %dma_start3A_289 = arith.constant 0 : i32
      %dma_start3A_290 = tpu.memref_slice %arg16[%dma_start3A_288, %dma_start3A_289] : memref<10000x16xf32, #tpu.memory_space<vmem_shared>> -> memref<10000x16xf32, #tpu.memory_space<vmem_shared>>
      tpu.enqueue_indirect_dma source(%dma_start3A_290 : memref<10000x16xf32, #tpu.memory_space<vmem_shared>>) target(%dma_start3A_284 : memref<128x16xf32, #tpu.memory_space<vmem>>) offsets(%dma_start3A_287 : memref<128xi32, #tpu.memory_space<vmem>>) semaphore(%arg17 : memref<!tpu.dma_semaphore, #tpu.memory_space<semaphore_mem>>) {add = true}
      %dma_start3A_291 = arith.constant 3 : i32
      %dma_start3A_292 = arith.constant 384 : i32
      %dma_start3A_293 = arith.constant 0 : i32
      %dma_start3A_294 = tpu.memref_slice %arg11[%dma_start3A_292, %dma_start3A_293] : memref<3072x16xf32, #tpu.memory_space<vmem>> -> memref<128x16xf32, #tpu.memory_space<vmem>>
      %dma_start3A_295 = arith.constant 0 : i32
      %dma_start3A_296 = tpu.memref_slice %arg10[%dma_start3A_291, %dma_start3A_295] : memref<24x128xi32, #tpu.memory_space<vmem>> -> memref<1x128xi32, #tpu.memory_space<vmem>>
      %dma_start3A_297 = tpu.memref_squeeze %dma_start3A_296 : memref<1x128xi32, #tpu.memory_space<vmem>> -> memref<128xi32, #tpu.memory_space<vmem>>
      %dma_start3A_298 = arith.constant 0 : i32
      %dma_start3A_299 = arith.constant 0 : i32
      %dma_start3A_300 = tpu.memref_slice %arg16[%dma_start3A_298, %dma_start3A_299] : memref<10000x16xf32, #tpu.memory_space<vmem_shared>> -> memref<10000x16xf32, #tpu.memory_space<vmem_shared>>
      tpu.enqueue_indirect_dma source(%dma_start3A_300 : memref<10000x16xf32, #tpu.memory_space<vmem_shared>>) target(%dma_start3A_294 : memref<128x16xf32, #tpu.memory_space<vmem>>) offsets(%dma_start3A_297 : memref<128xi32, #tpu.memory_space<vmem>>) semaphore(%arg17 : memref<!tpu.dma_semaphore, #tpu.memory_space<semaphore_mem>>) {add = true}
    } else {
    }
    %mul3A_205 = arith.constant 10 : i32
    %mul3A_206 = arith.muli %add3A, %mul3A_205 : i32
    %add3A_207 = arith.constant 8 : i32
    %add3A_208 = arith.addi %mul3A_206, %add3A_207 : i32
    %lt3A_209 = arith.constant 312 : i32
    %lt3A_210 = arith.cmpi slt, %add3A_208, %lt3A_209 : i32
    %convert_element_type3A_211 = arith.extui %lt3A_210 : i1 to i32
    %cond3A_212 = arith.constant 0 : i32
    %cond3A_213 = arith.cmpi ne, %convert_element_type3A_211, %cond3A_212 : i32
    scf.if %cond3A_213 {
      %dma_wait3A_261 = arith.constant 2048 : i32
      %dma_wait3A_262 = arith.constant 0 : i32
      %dma_wait3A_263 = tpu.memref_slice %arg11[%dma_wait3A_261, %dma_wait3A_262] : memref<3072x16xf32, #tpu.memory_space<vmem>> -> memref<128x16xf32, #tpu.memory_space<vmem>>
      %dma_wait3A_264 = arith.constant 0 : i32
      %dma_wait3A_265 = arith.constant 0 : i32
      %dma_wait3A_266 = tpu.memref_slice %arg2[%dma_wait3A_264, %dma_wait3A_265] : memref<10000x16xf32, #tpu.memory_space<hbm>> -> memref<128x16xf32, #tpu.memory_space<hbm>>
      %dma_wait3A_267 = arith.constant 2048 : i32
      %dma_wait3A_268 = arith.constant 0 : i32
      %dma_wait3A_269 = tpu.memref_slice %arg11[%dma_wait3A_267, %dma_wait3A_268] : memref<3072x16xf32, #tpu.memory_space<vmem>> -> memref<128x16xf32, #tpu.memory_space<vmem>>
      %dma_wait3A_270 = arith.constant 0 : i32
      %dma_wait3A_271 = arith.constant 0 : i32
      %dma_wait3A_272 = tpu.memref_slice %arg2[%dma_wait3A_270, %dma_wait3A_271] : memref<10000x16xf32, #tpu.memory_space<hbm>> -> memref<128x16xf32, #tpu.memory_space<hbm>>
      tpu.wait_dma2 semaphore(%arg17 : memref<!tpu.dma_semaphore, #tpu.memory_space<semaphore_mem>>) src(%dma_wait3A_272 : memref<128x16xf32, #tpu.memory_space<hbm>>) dst(%dma_wait3A_269 : memref<128x16xf32, #tpu.memory_space<vmem>>)
      %dma_wait3A_273 = arith.constant 2176 : i32
      %dma_wait3A_274 = arith.constant 0 : i32
      %dma_wait3A_275 = tpu.memref_slice %arg11[%dma_wait3A_273, %dma_wait3A_274] : memref<3072x16xf32, #tpu.memory_space<vmem>> -> memref<128x16xf32, #tpu.memory_space<vmem>>
      %dma_wait3A_276 = arith.constant 0 : i32
      %dma_wait3A_277 = arith.constant 0 : i32
      %dma_wait3A_278 = tpu.memref_slice %arg2[%dma_wait3A_276, %dma_wait3A_277] : memref<10000x16xf32, #tpu.memory_space<hbm>> -> memref<128x16xf32, #tpu.memory_space<hbm>>
      %dma_wait3A_279 = arith.constant 2176 : i32
      %dma_wait3A_280 = arith.constant 0 : i32
      %dma_wait3A_281 = tpu.memref_slice %arg11[%dma_wait3A_279, %dma_wait3A_280] : memref<3072x16xf32, #tpu.memory_space<vmem>> -> memref<128x16xf32, #tpu.memory_space<vmem>>
      %dma_wait3A_282 = arith.constant 0 : i32
      %dma_wait3A_283 = arith.constant 0 : i32
      %dma_wait3A_284 = tpu.memref_slice %arg2[%dma_wait3A_282, %dma_wait3A_283] : memref<10000x16xf32, #tpu.memory_space<hbm>> -> memref<128x16xf32, #tpu.memory_space<hbm>>
      tpu.wait_dma2 semaphore(%arg17 : memref<!tpu.dma_semaphore, #tpu.memory_space<semaphore_mem>>) src(%dma_wait3A_284 : memref<128x16xf32, #tpu.memory_space<hbm>>) dst(%dma_wait3A_281 : memref<128x16xf32, #tpu.memory_space<vmem>>)
      %dma_wait3A_285 = arith.constant 2304 : i32
      %dma_wait3A_286 = arith.constant 0 : i32
      %dma_wait3A_287 = tpu.memref_slice %arg11[%dma_wait3A_285, %dma_wait3A_286] : memref<3072x16xf32, #tpu.memory_space<vmem>> -> memref<128x16xf32, #tpu.memory_space<vmem>>
      %dma_wait3A_288 = arith.constant 0 : i32
      %dma_wait3A_289 = arith.constant 0 : i32
      %dma_wait3A_290 = tpu.memref_slice %arg2[%dma_wait3A_288, %dma_wait3A_289] : memref<10000x16xf32, #tpu.memory_space<hbm>> -> memref<128x16xf32, #tpu.memory_space<hbm>>
      %dma_wait3A_291 = arith.constant 2304 : i32
      %dma_wait3A_292 = arith.constant 0 : i32
      %dma_wait3A_293 = tpu.memref_slice %arg11[%dma_wait3A_291, %dma_wait3A_292] : memref<3072x16xf32, #tpu.memory_space<vmem>> -> memref<128x16xf32, #tpu.memory_space<vmem>>
      %dma_wait3A_294 = arith.constant 0 : i32
      %dma_wait3A_295 = arith.constant 0 : i32
      %dma_wait3A_296 = tpu.memref_slice %arg2[%dma_wait3A_294, %dma_wait3A_295] : memref<10000x16xf32, #tpu.memory_space<hbm>> -> memref<128x16xf32, #tpu.memory_space<hbm>>
      tpu.wait_dma2 semaphore(%arg17 : memref<!tpu.dma_semaphore, #tpu.memory_space<semaphore_mem>>) src(%dma_wait3A_296 : memref<128x16xf32, #tpu.memory_space<hbm>>) dst(%dma_wait3A_293 : memref<128x16xf32, #tpu.memory_space<vmem>>)
      %dma_wait3A_297 = arith.constant 2432 : i32
      %dma_wait3A_298 = arith.constant 0 : i32
      %dma_wait3A_299 = tpu.memref_slice %arg11[%dma_wait3A_297, %dma_wait3A_298] : memref<3072x16xf32, #tpu.memory_space<vmem>> -> memref<128x16xf32, #tpu.memory_space<vmem>>
      %dma_wait3A_300 = arith.constant 0 : i32
      %dma_wait3A_301 = arith.constant 0 : i32
      %dma_wait3A_302 = tpu.memref_slice %arg2[%dma_wait3A_300, %dma_wait3A_301] : memref<10000x16xf32, #tpu.memory_space<hbm>> -> memref<128x16xf32, #tpu.memory_space<hbm>>
      %dma_wait3A_303 = arith.constant 2432 : i32
      %dma_wait3A_304 = arith.constant 0 : i32
      %dma_wait3A_305 = tpu.memref_slice %arg11[%dma_wait3A_303, %dma_wait3A_304] : memref<3072x16xf32, #tpu.memory_space<vmem>> -> memref<128x16xf32, #tpu.memory_space<vmem>>
      %dma_wait3A_306 = arith.constant 0 : i32
      %dma_wait3A_307 = arith.constant 0 : i32
      %dma_wait3A_308 = tpu.memref_slice %arg2[%dma_wait3A_306, %dma_wait3A_307] : memref<10000x16xf32, #tpu.memory_space<hbm>> -> memref<128x16xf32, #tpu.memory_space<hbm>>
      tpu.wait_dma2 semaphore(%arg17 : memref<!tpu.dma_semaphore, #tpu.memory_space<semaphore_mem>>) src(%dma_wait3A_308 : memref<128x16xf32, #tpu.memory_space<hbm>>) dst(%dma_wait3A_305 : memref<128x16xf32, #tpu.memory_space<vmem>>)
      %dma_wait3A_309 = arith.constant 2560 : i32
      %dma_wait3A_310 = arith.constant 0 : i32
      %dma_wait3A_311 = tpu.memref_slice %arg11[%dma_wait3A_309, %dma_wait3A_310] : memref<3072x16xf32, #tpu.memory_space<vmem>> -> memref<128x16xf32, #tpu.memory_space<vmem>>
      %dma_wait3A_312 = arith.constant 0 : i32
      %dma_wait3A_313 = arith.constant 0 : i32
      %dma_wait3A_314 = tpu.memref_slice %arg2[%dma_wait3A_312, %dma_wait3A_313] : memref<10000x16xf32, #tpu.memory_space<hbm>> -> memref<128x16xf32, #tpu.memory_space<hbm>>
      %dma_wait3A_315 = arith.constant 2560 : i32
      %dma_wait3A_316 = arith.constant 0 : i32
      %dma_wait3A_317 = tpu.memref_slice %arg11[%dma_wait3A_315, %dma_wait3A_316] : memref<3072x16xf32, #tpu.memory_space<vmem>> -> memref<128x16xf32, #tpu.memory_space<vmem>>
      %dma_wait3A_318 = arith.constant 0 : i32
      %dma_wait3A_319 = arith.constant 0 : i32
      %dma_wait3A_320 = tpu.memref_slice %arg2[%dma_wait3A_318, %dma_wait3A_319] : memref<10000x16xf32, #tpu.memory_space<hbm>> -> memref<128x16xf32, #tpu.memory_space<hbm>>
      tpu.wait_dma2 semaphore(%arg17 : memref<!tpu.dma_semaphore, #tpu.memory_space<semaphore_mem>>) src(%dma_wait3A_320 : memref<128x16xf32, #tpu.memory_space<hbm>>) dst(%dma_wait3A_317 : memref<128x16xf32, #tpu.memory_space<vmem>>)
      %dma_wait3A_321 = arith.constant 2688 : i32
      %dma_wait3A_322 = arith.constant 0 : i32
      %dma_wait3A_323 = tpu.memref_slice %arg11[%dma_wait3A_321, %dma_wait3A_322] : memref<3072x16xf32, #tpu.memory_space<vmem>> -> memref<128x16xf32, #tpu.memory_space<vmem>>
      %dma_wait3A_324 = arith.constant 0 : i32
      %dma_wait3A_325 = arith.constant 0 : i32
      %dma_wait3A_326 = tpu.memref_slice %arg2[%dma_wait3A_324, %dma_wait3A_325] : memref<10000x16xf32, #tpu.memory_space<hbm>> -> memref<128x16xf32, #tpu.memory_space<hbm>>
      %dma_wait3A_327 = arith.constant 2688 : i32
      %dma_wait3A_328 = arith.constant 0 : i32
      %dma_wait3A_329 = tpu.memref_slice %arg11[%dma_wait3A_327, %dma_wait3A_328] : memref<3072x16xf32, #tpu.memory_space<vmem>> -> memref<128x16xf32, #tpu.memory_space<vmem>>
      %dma_wait3A_330 = arith.constant 0 : i32
      %dma_wait3A_331 = arith.constant 0 : i32
      %dma_wait3A_332 = tpu.memref_slice %arg2[%dma_wait3A_330, %dma_wait3A_331] : memref<10000x16xf32, #tpu.memory_space<hbm>> -> memref<128x16xf32, #tpu.memory_space<hbm>>
      tpu.wait_dma2 semaphore(%arg17 : memref<!tpu.dma_semaphore, #tpu.memory_space<semaphore_mem>>) src(%dma_wait3A_332 : memref<128x16xf32, #tpu.memory_space<hbm>>) dst(%dma_wait3A_329 : memref<128x16xf32, #tpu.memory_space<vmem>>)
      %dma_wait3A_333 = arith.constant 2816 : i32
      %dma_wait3A_334 = arith.constant 0 : i32
      %dma_wait3A_335 = tpu.memref_slice %arg11[%dma_wait3A_333, %dma_wait3A_334] : memref<3072x16xf32, #tpu.memory_space<vmem>> -> memref<128x16xf32, #tpu.memory_space<vmem>>
      %dma_wait3A_336 = arith.constant 0 : i32
      %dma_wait3A_337 = arith.constant 0 : i32
      %dma_wait3A_338 = tpu.memref_slice %arg2[%dma_wait3A_336, %dma_wait3A_337] : memref<10000x16xf32, #tpu.memory_space<hbm>> -> memref<128x16xf32, #tpu.memory_space<hbm>>
      %dma_wait3A_339 = arith.constant 2816 : i32
      %dma_wait3A_340 = arith.constant 0 : i32
      %dma_wait3A_341 = tpu.memref_slice %arg11[%dma_wait3A_339, %dma_wait3A_340] : memref<3072x16xf32, #tpu.memory_space<vmem>> -> memref<128x16xf32, #tpu.memory_space<vmem>>
      %dma_wait3A_342 = arith.constant 0 : i32
      %dma_wait3A_343 = arith.constant 0 : i32
      %dma_wait3A_344 = tpu.memref_slice %arg2[%dma_wait3A_342, %dma_wait3A_343] : memref<10000x16xf32, #tpu.memory_space<hbm>> -> memref<128x16xf32, #tpu.memory_space<hbm>>
      tpu.wait_dma2 semaphore(%arg17 : memref<!tpu.dma_semaphore, #tpu.memory_space<semaphore_mem>>) src(%dma_wait3A_344 : memref<128x16xf32, #tpu.memory_space<hbm>>) dst(%dma_wait3A_341 : memref<128x16xf32, #tpu.memory_space<vmem>>)
      %dma_wait3A_345 = arith.constant 2944 : i32
      %dma_wait3A_346 = arith.constant 0 : i32
      %dma_wait3A_347 = tpu.memref_slice %arg11[%dma_wait3A_345, %dma_wait3A_346] : memref<3072x16xf32, #tpu.memory_space<vmem>> -> memref<128x16xf32, #tpu.memory_space<vmem>>
      %dma_wait3A_348 = arith.constant 0 : i32
      %dma_wait3A_349 = arith.constant 0 : i32
      %dma_wait3A_350 = tpu.memref_slice %arg2[%dma_wait3A_348, %dma_wait3A_349] : memref<10000x16xf32, #tpu.memory_space<hbm>> -> memref<128x16xf32, #tpu.memory_space<hbm>>
      %dma_wait3A_351 = arith.constant 2944 : i32
      %dma_wait3A_352 = arith.constant 0 : i32
      %dma_wait3A_353 = tpu.memref_slice %arg11[%dma_wait3A_351, %dma_wait3A_352] : memref<3072x16xf32, #tpu.memory_space<vmem>> -> memref<128x16xf32, #tpu.memory_space<vmem>>
      %dma_wait3A_354 = arith.constant 0 : i32
      %dma_wait3A_355 = arith.constant 0 : i32
      %dma_wait3A_356 = tpu.memref_slice %arg2[%dma_wait3A_354, %dma_wait3A_355] : memref<10000x16xf32, #tpu.memory_space<hbm>> -> memref<128x16xf32, #tpu.memory_space<hbm>>
      tpu.wait_dma2 semaphore(%arg17 : memref<!tpu.dma_semaphore, #tpu.memory_space<semaphore_mem>>) src(%dma_wait3A_356 : memref<128x16xf32, #tpu.memory_space<hbm>>) dst(%dma_wait3A_353 : memref<128x16xf32, #tpu.memory_space<vmem>>)
    } else {
    }
    %eq3A_214 = arith.constant 312 : i32
    %eq3A_215 = arith.cmpi eq, %add3A_208, %eq3A_214 : i32
    %convert_element_type3A_216 = arith.extui %eq3A_215 : i1 to i32
    %cond3A_217 = arith.constant 0 : i32
    %cond3A_218 = arith.cmpi ne, %convert_element_type3A_216, %cond3A_217 : i32
    scf.if %cond3A_218 {
      %dma_wait3A_261 = arith.constant 2048 : i32
      %dma_wait3A_262 = arith.constant 0 : i32
      %dma_wait3A_263 = tpu.memref_slice %arg11[%dma_wait3A_261, %dma_wait3A_262] : memref<3072x16xf32, #tpu.memory_space<vmem>> -> memref<128x16xf32, #tpu.memory_space<vmem>>
      %dma_wait3A_264 = arith.constant 0 : i32
      %dma_wait3A_265 = arith.constant 0 : i32
      %dma_wait3A_266 = tpu.memref_slice %arg2[%dma_wait3A_264, %dma_wait3A_265] : memref<10000x16xf32, #tpu.memory_space<hbm>> -> memref<128x16xf32, #tpu.memory_space<hbm>>
      %dma_wait3A_267 = arith.constant 2048 : i32
      %dma_wait3A_268 = arith.constant 0 : i32
      %dma_wait3A_269 = tpu.memref_slice %arg11[%dma_wait3A_267, %dma_wait3A_268] : memref<3072x16xf32, #tpu.memory_space<vmem>> -> memref<128x16xf32, #tpu.memory_space<vmem>>
      %dma_wait3A_270 = arith.constant 0 : i32
      %dma_wait3A_271 = arith.constant 0 : i32
      %dma_wait3A_272 = tpu.memref_slice %arg2[%dma_wait3A_270, %dma_wait3A_271] : memref<10000x16xf32, #tpu.memory_space<hbm>> -> memref<128x16xf32, #tpu.memory_space<hbm>>
      tpu.wait_dma2 semaphore(%arg17 : memref<!tpu.dma_semaphore, #tpu.memory_space<semaphore_mem>>) src(%dma_wait3A_272 : memref<128x16xf32, #tpu.memory_space<hbm>>) dst(%dma_wait3A_269 : memref<128x16xf32, #tpu.memory_space<vmem>>)
      %dma_wait3A_273 = arith.constant 2176 : i32
      %dma_wait3A_274 = arith.constant 0 : i32
      %dma_wait3A_275 = tpu.memref_slice %arg11[%dma_wait3A_273, %dma_wait3A_274] : memref<3072x16xf32, #tpu.memory_space<vmem>> -> memref<128x16xf32, #tpu.memory_space<vmem>>
      %dma_wait3A_276 = arith.constant 0 : i32
      %dma_wait3A_277 = arith.constant 0 : i32
      %dma_wait3A_278 = tpu.memref_slice %arg2[%dma_wait3A_276, %dma_wait3A_277] : memref<10000x16xf32, #tpu.memory_space<hbm>> -> memref<128x16xf32, #tpu.memory_space<hbm>>
      %dma_wait3A_279 = arith.constant 2176 : i32
      %dma_wait3A_280 = arith.constant 0 : i32
      %dma_wait3A_281 = tpu.memref_slice %arg11[%dma_wait3A_279, %dma_wait3A_280] : memref<3072x16xf32, #tpu.memory_space<vmem>> -> memref<128x16xf32, #tpu.memory_space<vmem>>
      %dma_wait3A_282 = arith.constant 0 : i32
      %dma_wait3A_283 = arith.constant 0 : i32
      %dma_wait3A_284 = tpu.memref_slice %arg2[%dma_wait3A_282, %dma_wait3A_283] : memref<10000x16xf32, #tpu.memory_space<hbm>> -> memref<128x16xf32, #tpu.memory_space<hbm>>
      tpu.wait_dma2 semaphore(%arg17 : memref<!tpu.dma_semaphore, #tpu.memory_space<semaphore_mem>>) src(%dma_wait3A_284 : memref<128x16xf32, #tpu.memory_space<hbm>>) dst(%dma_wait3A_281 : memref<128x16xf32, #tpu.memory_space<vmem>>)
      %dma_wait3A_285 = arith.constant 2304 : i32
      %dma_wait3A_286 = arith.constant 0 : i32
      %dma_wait3A_287 = tpu.memref_slice %arg11[%dma_wait3A_285, %dma_wait3A_286] : memref<3072x16xf32, #tpu.memory_space<vmem>> -> memref<128x16xf32, #tpu.memory_space<vmem>>
      %dma_wait3A_288 = arith.constant 0 : i32
      %dma_wait3A_289 = arith.constant 0 : i32
      %dma_wait3A_290 = tpu.memref_slice %arg2[%dma_wait3A_288, %dma_wait3A_289] : memref<10000x16xf32, #tpu.memory_space<hbm>> -> memref<128x16xf32, #tpu.memory_space<hbm>>
      %dma_wait3A_291 = arith.constant 2304 : i32
      %dma_wait3A_292 = arith.constant 0 : i32
      %dma_wait3A_293 = tpu.memref_slice %arg11[%dma_wait3A_291, %dma_wait3A_292] : memref<3072x16xf32, #tpu.memory_space<vmem>> -> memref<128x16xf32, #tpu.memory_space<vmem>>
      %dma_wait3A_294 = arith.constant 0 : i32
      %dma_wait3A_295 = arith.constant 0 : i32
      %dma_wait3A_296 = tpu.memref_slice %arg2[%dma_wait3A_294, %dma_wait3A_295] : memref<10000x16xf32, #tpu.memory_space<hbm>> -> memref<128x16xf32, #tpu.memory_space<hbm>>
      tpu.wait_dma2 semaphore(%arg17 : memref<!tpu.dma_semaphore, #tpu.memory_space<semaphore_mem>>) src(%dma_wait3A_296 : memref<128x16xf32, #tpu.memory_space<hbm>>) dst(%dma_wait3A_293 : memref<128x16xf32, #tpu.memory_space<vmem>>)
      %dma_wait3A_297 = arith.constant 2432 : i32
      %dma_wait3A_298 = arith.constant 0 : i32
      %dma_wait3A_299 = tpu.memref_slice %arg11[%dma_wait3A_297, %dma_wait3A_298] : memref<3072x16xf32, #tpu.memory_space<vmem>> -> memref<128x16xf32, #tpu.memory_space<vmem>>
      %dma_wait3A_300 = arith.constant 0 : i32
      %dma_wait3A_301 = arith.constant 0 : i32
      %dma_wait3A_302 = tpu.memref_slice %arg2[%dma_wait3A_300, %dma_wait3A_301] : memref<10000x16xf32, #tpu.memory_space<hbm>> -> memref<128x16xf32, #tpu.memory_space<hbm>>
      %dma_wait3A_303 = arith.constant 2432 : i32
      %dma_wait3A_304 = arith.constant 0 : i32
      %dma_wait3A_305 = tpu.memref_slice %arg11[%dma_wait3A_303, %dma_wait3A_304] : memref<3072x16xf32, #tpu.memory_space<vmem>> -> memref<128x16xf32, #tpu.memory_space<vmem>>
      %dma_wait3A_306 = arith.constant 0 : i32
      %dma_wait3A_307 = arith.constant 0 : i32
      %dma_wait3A_308 = tpu.memref_slice %arg2[%dma_wait3A_306, %dma_wait3A_307] : memref<10000x16xf32, #tpu.memory_space<hbm>> -> memref<128x16xf32, #tpu.memory_space<hbm>>
      tpu.wait_dma2 semaphore(%arg17 : memref<!tpu.dma_semaphore, #tpu.memory_space<semaphore_mem>>) src(%dma_wait3A_308 : memref<128x16xf32, #tpu.memory_space<hbm>>) dst(%dma_wait3A_305 : memref<128x16xf32, #tpu.memory_space<vmem>>)
    } else {
    }
    %mul3A_219 = arith.constant 10 : i32
    %mul3A_220 = arith.muli %add3A, %mul3A_219 : i32
    %add3A_221 = arith.constant 8 : i32
    %add3A_222 = arith.addi %mul3A_220, %add3A_221 : i32
    %lt3A_223 = arith.constant 312 : i32
    %lt3A_224 = arith.cmpi slt, %add3A_222, %lt3A_223 : i32
    %convert_element_type3A_225 = arith.extui %lt3A_224 : i1 to i32
    %cond3A_226 = arith.constant 0 : i32
    %cond3A_227 = arith.cmpi ne, %convert_element_type3A_225, %cond3A_226 : i32
    scf.if %cond3A_227 {
      %scan3A_261 = arith.constant 0 : i32
      %scan3A_262 = arith.constant 0 : i32
      %scan3A_263 = arith.constant 64 : i32
      %scan3A_264 = arith.addi %scan3A_262, %scan3A_263 : i32
      %scan3A_265 = arith.constant 1 : i32
      scf.for %scan3A_269 = %scan3A_262 to %scan3A_264 step %scan3A_265  : i32 {
        %mul3A_270 = arith.constant 16 : i32
        %mul3A_271 = arith.muli %scan3A_269, %mul3A_270 : i32
        %add3A_272 = arith.constant 2048 : i32
        %add3A_273 = arith.addi %add3A_272, %mul3A_271 : i32
        %add3A_274 = vector.broadcast %add3A_273 : i32 to vector<16xi32>
        %add3A_275 = arith.addi %add3A_274, %iota3A : vector<16xi32>
        %broadcast_in_dim3A = arith.constant 0.000000e+00 : f32
        %broadcast_in_dim3A_276 = vector.broadcast %broadcast_in_dim3A : f32 to vector<16xf32>
        %broadcast_in_dim3A_277 = arith.constant 0.000000e+00 : f32
        %broadcast_in_dim3A_278 = vector.broadcast %broadcast_in_dim3A_277 : f32 to vector<16xf32>
        %broadcast_in_dim3A_279 = arith.constant 0.000000e+00 : f32
        %broadcast_in_dim3A_280 = vector.broadcast %broadcast_in_dim3A_279 : f32 to vector<16xf32>
        %broadcast_in_dim3A_281 = arith.constant 0 : i32
        %broadcast_in_dim3A_282 = vector.broadcast %broadcast_in_dim3A_281 : i32 to vector<16xi32>
        %gather3A = tpu.vector_load_idx %arg11[%add3A_275, %broadcast_in_dim3A_282] : memref<3072x16xf32, #tpu.memory_space<vmem>>[vector<16xi32>, vector<16xi32>], vector<16xf32>,
        %max3A = arith.constant 0.000000e+00 : f32
        %max3A_283 = vector.broadcast %max3A : f32 to vector<16xf32>
        %max3A_284 = arith.maximumf %gather3A, %max3A_283 : vector<16xf32>
        %mul3A_285 = arith.mulf %max3A_284, %get3A_31 : vector<16xf32>
        %add3A_286 = arith.addf %get3A_27, %mul3A_285 : vector<16xf32>
        %broadcast_in_dim3A_287 = arith.constant 1 : i32
        %broadcast_in_dim3A_288 = vector.broadcast %broadcast_in_dim3A_287 : i32 to vector<16xi32>
        %gather3A_289 = tpu.vector_load_idx %arg11[%add3A_275, %broadcast_in_dim3A_288] : memref<3072x16xf32, #tpu.memory_space<vmem>>[vector<16xi32>, vector<16xi32>], vector<16xf32>,
        %max3A_290 = arith.constant 0.000000e+00 : f32
        %max3A_291 = vector.broadcast %max3A_290 : f32 to vector<16xf32>
        %max3A_292 = arith.maximumf %gather3A_289, %max3A_291 : vector<16xf32>
        %mul3A_293 = arith.mulf %max3A_292, %get3A_35 : vector<16xf32>
        %add3A_294 = arith.addf %broadcast_in_dim3A_276, %mul3A_293 : vector<16xf32>
        %broadcast_in_dim3A_295 = arith.constant 2 : i32
        %broadcast_in_dim3A_296 = vector.broadcast %broadcast_in_dim3A_295 : i32 to vector<16xi32>
        %gather3A_297 = tpu.vector_load_idx %arg11[%add3A_275, %broadcast_in_dim3A_296] : memref<3072x16xf32, #tpu.memory_space<vmem>>[vector<16xi32>, vector<16xi32>], vector<16xf32>,
        %max3A_298 = arith.constant 0.000000e+00 : f32
        %max3A_299 = vector.broadcast %max3A_298 : f32 to vector<16xf32>
        %max3A_300 = arith.maximumf %gather3A_297, %max3A_299 : vector<16xf32>
        %mul3A_301 = arith.mulf %max3A_300, %get3A_39 : vector<16xf32>
        %add3A_302 = arith.addf %broadcast_in_dim3A_278, %mul3A_301 : vector<16xf32>
        %broadcast_in_dim3A_303 = arith.constant 3 : i32
        %broadcast_in_dim3A_304 = vector.broadcast %broadcast_in_dim3A_303 : i32 to vector<16xi32>
        %gather3A_305 = tpu.vector_load_idx %arg11[%add3A_275, %broadcast_in_dim3A_304] : memref<3072x16xf32, #tpu.memory_space<vmem>>[vector<16xi32>, vector<16xi32>], vector<16xf32>,
        %max3A_306 = arith.constant 0.000000e+00 : f32
        %max3A_307 = vector.broadcast %max3A_306 : f32 to vector<16xf32>
        %max3A_308 = arith.maximumf %gather3A_305, %max3A_307 : vector<16xf32>
        %mul3A_309 = arith.mulf %max3A_308, %get3A_43 : vector<16xf32>
        %add3A_310 = arith.addf %broadcast_in_dim3A_280, %mul3A_309 : vector<16xf32>
        %broadcast_in_dim3A_311 = arith.constant 4 : i32
        %broadcast_in_dim3A_312 = vector.broadcast %broadcast_in_dim3A_311 : i32 to vector<16xi32>
        %gather3A_313 = tpu.vector_load_idx %arg11[%add3A_275, %broadcast_in_dim3A_312] : memref<3072x16xf32, #tpu.memory_space<vmem>>[vector<16xi32>, vector<16xi32>], vector<16xf32>,
        %max3A_314 = arith.constant 0.000000e+00 : f32
        %max3A_315 = vector.broadcast %max3A_314 : f32 to vector<16xf32>
        %max3A_316 = arith.maximumf %gather3A_313, %max3A_315 : vector<16xf32>
        %mul3A_317 = arith.mulf %max3A_316, %get3A_47 : vector<16xf32>
        %add3A_318 = arith.addf %add3A_286, %mul3A_317 : vector<16xf32>
        %broadcast_in_dim3A_319 = arith.constant 5 : i32
        %broadcast_in_dim3A_320 = vector.broadcast %broadcast_in_dim3A_319 : i32 to vector<16xi32>
        %gather3A_321 = tpu.vector_load_idx %arg11[%add3A_275, %broadcast_in_dim3A_320] : memref<3072x16xf32, #tpu.memory_space<vmem>>[vector<16xi32>, vector<16xi32>], vector<16xf32>,
        %max3A_322 = arith.constant 0.000000e+00 : f32
        %max3A_323 = vector.broadcast %max3A_322 : f32 to vector<16xf32>
        %max3A_324 = arith.maximumf %gather3A_321, %max3A_323 : vector<16xf32>
        %mul3A_325 = arith.mulf %max3A_324, %get3A_51 : vector<16xf32>
        %add3A_326 = arith.addf %add3A_294, %mul3A_325 : vector<16xf32>
        %broadcast_in_dim3A_327 = arith.constant 6 : i32
        %broadcast_in_dim3A_328 = vector.broadcast %broadcast_in_dim3A_327 : i32 to vector<16xi32>
        %gather3A_329 = tpu.vector_load_idx %arg11[%add3A_275, %broadcast_in_dim3A_328] : memref<3072x16xf32, #tpu.memory_space<vmem>>[vector<16xi32>, vector<16xi32>], vector<16xf32>,
        %max3A_330 = arith.constant 0.000000e+00 : f32
        %max3A_331 = vector.broadcast %max3A_330 : f32 to vector<16xf32>
        %max3A_332 = arith.maximumf %gather3A_329, %max3A_331 : vector<16xf32>
        %mul3A_333 = arith.mulf %max3A_332, %get3A_55 : vector<16xf32>
        %add3A_334 = arith.addf %add3A_302, %mul3A_333 : vector<16xf32>
        %broadcast_in_dim3A_335 = arith.constant 7 : i32
        %broadcast_in_dim3A_336 = vector.broadcast %broadcast_in_dim3A_335 : i32 to vector<16xi32>
        %gather3A_337 = tpu.vector_load_idx %arg11[%add3A_275, %broadcast_in_dim3A_336] : memref<3072x16xf32, #tpu.memory_space<vmem>>[vector<16xi32>, vector<16xi32>], vector<16xf32>,
        %max3A_338 = arith.constant 0.000000e+00 : f32
        %max3A_339 = vector.broadcast %max3A_338 : f32 to vector<16xf32>
        %max3A_340 = arith.maximumf %gather3A_337, %max3A_339 : vector<16xf32>
        %mul3A_341 = arith.mulf %max3A_340, %get3A_59 : vector<16xf32>
        %add3A_342 = arith.addf %add3A_310, %mul3A_341 : vector<16xf32>
        %broadcast_in_dim3A_343 = arith.constant 8 : i32
        %broadcast_in_dim3A_344 = vector.broadcast %broadcast_in_dim3A_343 : i32 to vector<16xi32>
        %gather3A_345 = tpu.vector_load_idx %arg11[%add3A_275, %broadcast_in_dim3A_344] : memref<3072x16xf32, #tpu.memory_space<vmem>>[vector<16xi32>, vector<16xi32>], vector<16xf32>,
        %max3A_346 = arith.constant 0.000000e+00 : f32
        %max3A_347 = vector.broadcast %max3A_346 : f32 to vector<16xf32>
        %max3A_348 = arith.maximumf %gather3A_345, %max3A_347 : vector<16xf32>
        %mul3A_349 = arith.mulf %max3A_348, %get3A_63 : vector<16xf32>
        %add3A_350 = arith.addf %add3A_318, %mul3A_349 : vector<16xf32>
        %broadcast_in_dim3A_351 = arith.constant 9 : i32
        %broadcast_in_dim3A_352 = vector.broadcast %broadcast_in_dim3A_351 : i32 to vector<16xi32>
        %gather3A_353 = tpu.vector_load_idx %arg11[%add3A_275, %broadcast_in_dim3A_352] : memref<3072x16xf32, #tpu.memory_space<vmem>>[vector<16xi32>, vector<16xi32>], vector<16xf32>,
        %max3A_354 = arith.constant 0.000000e+00 : f32
        %max3A_355 = vector.broadcast %max3A_354 : f32 to vector<16xf32>
        %max3A_356 = arith.maximumf %gather3A_353, %max3A_355 : vector<16xf32>
        %mul3A_357 = arith.mulf %max3A_356, %get3A_67 : vector<16xf32>
        %add3A_358 = arith.addf %add3A_326, %mul3A_357 : vector<16xf32>
        %broadcast_in_dim3A_359 = arith.constant 10 : i32
        %broadcast_in_dim3A_360 = vector.broadcast %broadcast_in_dim3A_359 : i32 to vector<16xi32>
        %gather3A_361 = tpu.vector_load_idx %arg11[%add3A_275, %broadcast_in_dim3A_360] : memref<3072x16xf32, #tpu.memory_space<vmem>>[vector<16xi32>, vector<16xi32>], vector<16xf32>,
        %max3A_362 = arith.constant 0.000000e+00 : f32
        %max3A_363 = vector.broadcast %max3A_362 : f32 to vector<16xf32>
        %max3A_364 = arith.maximumf %gather3A_361, %max3A_363 : vector<16xf32>
        %mul3A_365 = arith.mulf %max3A_364, %get3A_71 : vector<16xf32>
        %add3A_366 = arith.addf %add3A_334, %mul3A_365 : vector<16xf32>
        %broadcast_in_dim3A_367 = arith.constant 11 : i32
        %broadcast_in_dim3A_368 = vector.broadcast %broadcast_in_dim3A_367 : i32 to vector<16xi32>
        %gather3A_369 = tpu.vector_load_idx %arg11[%add3A_275, %broadcast_in_dim3A_368] : memref<3072x16xf32, #tpu.memory_space<vmem>>[vector<16xi32>, vector<16xi32>], vector<16xf32>,
        %max3A_370 = arith.constant 0.000000e+00 : f32
        %max3A_371 = vector.broadcast %max3A_370 : f32 to vector<16xf32>
        %max3A_372 = arith.maximumf %gather3A_369, %max3A_371 : vector<16xf32>
        %mul3A_373 = arith.mulf %max3A_372, %get3A_75 : vector<16xf32>
        %add3A_374 = arith.addf %add3A_342, %mul3A_373 : vector<16xf32>
        %broadcast_in_dim3A_375 = arith.constant 12 : i32
        %broadcast_in_dim3A_376 = vector.broadcast %broadcast_in_dim3A_375 : i32 to vector<16xi32>
        %gather3A_377 = tpu.vector_load_idx %arg11[%add3A_275, %broadcast_in_dim3A_376] : memref<3072x16xf32, #tpu.memory_space<vmem>>[vector<16xi32>, vector<16xi32>], vector<16xf32>,
        %max3A_378 = arith.constant 0.000000e+00 : f32
        %max3A_379 = vector.broadcast %max3A_378 : f32 to vector<16xf32>
        %max3A_380 = arith.maximumf %gather3A_377, %max3A_379 : vector<16xf32>
        %mul3A_381 = arith.mulf %max3A_380, %get3A_79 : vector<16xf32>
        %add3A_382 = arith.addf %add3A_350, %mul3A_381 : vector<16xf32>
        %broadcast_in_dim3A_383 = arith.constant 13 : i32
        %broadcast_in_dim3A_384 = vector.broadcast %broadcast_in_dim3A_383 : i32 to vector<16xi32>
        %gather3A_385 = tpu.vector_load_idx %arg11[%add3A_275, %broadcast_in_dim3A_384] : memref<3072x16xf32, #tpu.memory_space<vmem>>[vector<16xi32>, vector<16xi32>], vector<16xf32>,
        %max3A_386 = arith.constant 0.000000e+00 : f32
        %max3A_387 = vector.broadcast %max3A_386 : f32 to vector<16xf32>
        %max3A_388 = arith.maximumf %gather3A_385, %max3A_387 : vector<16xf32>
        %mul3A_389 = arith.mulf %max3A_388, %get3A_83 : vector<16xf32>
        %add3A_390 = arith.addf %add3A_358, %mul3A_389 : vector<16xf32>
        %broadcast_in_dim3A_391 = arith.constant 14 : i32
        %broadcast_in_dim3A_392 = vector.broadcast %broadcast_in_dim3A_391 : i32 to vector<16xi32>
        %gather3A_393 = tpu.vector_load_idx %arg11[%add3A_275, %broadcast_in_dim3A_392] : memref<3072x16xf32, #tpu.memory_space<vmem>>[vector<16xi32>, vector<16xi32>], vector<16xf32>,
        %max3A_394 = arith.constant 0.000000e+00 : f32
        %max3A_395 = vector.broadcast %max3A_394 : f32 to vector<16xf32>
        %max3A_396 = arith.maximumf %gather3A_393, %max3A_395 : vector<16xf32>
        %mul3A_397 = arith.mulf %max3A_396, %get3A_87 : vector<16xf32>
        %add3A_398 = arith.addf %add3A_366, %mul3A_397 : vector<16xf32>
        %broadcast_in_dim3A_399 = arith.constant 15 : i32
        %broadcast_in_dim3A_400 = vector.broadcast %broadcast_in_dim3A_399 : i32 to vector<16xi32>
        %gather3A_401 = tpu.vector_load_idx %arg11[%add3A_275, %broadcast_in_dim3A_400] : memref<3072x16xf32, #tpu.memory_space<vmem>>[vector<16xi32>, vector<16xi32>], vector<16xf32>,
        %max3A_402 = arith.constant 0.000000e+00 : f32
        %max3A_403 = vector.broadcast %max3A_402 : f32 to vector<16xf32>
        %max3A_404 = arith.maximumf %gather3A_401, %max3A_403 : vector<16xf32>
        %mul3A_405 = arith.mulf %max3A_404, %get3A_91 : vector<16xf32>
        %add3A_406 = arith.addf %add3A_374, %mul3A_405 : vector<16xf32>
        %add3A_407 = arith.addf %add3A_382, %add3A_390 : vector<16xf32>
        %add3A_408 = arith.addf %add3A_398, %add3A_406 : vector<16xf32>
        %add3A_409 = arith.addf %add3A_407, %add3A_408 : vector<16xf32>
        %mul3A_410 = arith.constant 16 : i32
        %mul3A_411 = arith.muli %scan3A_269, %mul3A_410 : i32
        %swap3A = arith.index_cast %mul3A_411 : i32 to index
        %swap3A_412 = tpu.vector_load %arg12[%swap3A] {strides = array<i32>} : memref<1024xf32, #tpu.memory_space<vmem>>, vector<16xf32>,
        tpu.vector_store %arg12[%swap3A], %add3A_409 {strides = array<i32>} : memref<1024xf32, #tpu.memory_space<vmem>>, vector<16xf32>,
      }
      %scan3A_266 = arith.constant 64 : i32
      %mul3A_267 = arith.constant 1024 : i32
      %mul3A_268 = arith.muli %add3A_222, %mul3A_267 : i32
      "tpu.region"() ({
        %run_scoped3A = tpu.sem_alloc : memref<!tpu.dma_semaphore, #tpu.memory_space<semaphore_mem>>
        %dma_start3A_269 = tpu.memref_slice %arg8[%mul3A_268] : memref<320000xf32, #tpu.memory_space<hbm>> -> memref<1024xf32, #tpu.memory_space<hbm>>
        %dma_start3A_270 = tpu.memref_slice %arg8[%mul3A_268] : memref<320000xf32, #tpu.memory_space<hbm>> -> memref<1024xf32, #tpu.memory_space<hbm>>
        tpu.enqueue_dma source(%arg12 : memref<1024xf32, #tpu.memory_space<vmem>>) target(%dma_start3A_270 : memref<1024xf32, #tpu.memory_space<hbm>>) target_semaphore(%run_scoped3A : memref<!tpu.dma_semaphore, #tpu.memory_space<semaphore_mem>>)
        %dma_wait3A_271 = tpu.memref_slice %arg8[%mul3A_268] : memref<320000xf32, #tpu.memory_space<hbm>> -> memref<1024xf32, #tpu.memory_space<hbm>>
        %dma_wait3A_272 = tpu.memref_slice %arg8[%mul3A_268] : memref<320000xf32, #tpu.memory_space<hbm>> -> memref<1024xf32, #tpu.memory_space<hbm>>
        tpu.wait_dma2 semaphore(%run_scoped3A : memref<!tpu.dma_semaphore, #tpu.memory_space<semaphore_mem>>) src(%arg12 : memref<1024xf32, #tpu.memory_space<vmem>>) dst(%dma_wait3A_272 : memref<1024xf32, #tpu.memory_space<hbm>>)
        tpu.yield
      }) : () -> ()
    } else {
    }
    %eq3A_228 = arith.constant 312 : i32
    %eq3A_229 = arith.cmpi eq, %add3A_222, %eq3A_228 : i32
    %convert_element_type3A_230 = arith.extui %eq3A_229 : i1 to i32
    %cond3A_231 = arith.constant 0 : i32
    %cond3A_232 = arith.cmpi ne, %convert_element_type3A_230, %cond3A_231 : i32
    scf.if %cond3A_232 {
      %scan3A_261 = arith.constant 0 : i32
      %scan3A_262 = arith.constant 0 : i32
      %scan3A_263 = arith.constant 32 : i32
      %scan3A_264 = arith.addi %scan3A_262, %scan3A_263 : i32
      %scan3A_265 = arith.constant 1 : i32
      scf.for %scan3A_269 = %scan3A_262 to %scan3A_264 step %scan3A_265  : i32 {
        %mul3A_270 = arith.constant 16 : i32
        %mul3A_271 = arith.muli %scan3A_269, %mul3A_270 : i32
        %add3A_272 = arith.constant 2048 : i32
        %add3A_273 = arith.addi %add3A_272, %mul3A_271 : i32
        %add3A_274 = vector.broadcast %add3A_273 : i32 to vector<16xi32>
        %add3A_275 = arith.addi %add3A_274, %iota3A : vector<16xi32>
        %broadcast_in_dim3A = arith.constant 0.000000e+00 : f32
        %broadcast_in_dim3A_276 = vector.broadcast %broadcast_in_dim3A : f32 to vector<16xf32>
        %broadcast_in_dim3A_277 = arith.constant 0.000000e+00 : f32
        %broadcast_in_dim3A_278 = vector.broadcast %broadcast_in_dim3A_277 : f32 to vector<16xf32>
        %broadcast_in_dim3A_279 = arith.constant 0.000000e+00 : f32
        %broadcast_in_dim3A_280 = vector.broadcast %broadcast_in_dim3A_279 : f32 to vector<16xf32>
        %broadcast_in_dim3A_281 = arith.constant 0 : i32
        %broadcast_in_dim3A_282 = vector.broadcast %broadcast_in_dim3A_281 : i32 to vector<16xi32>
        %gather3A = tpu.vector_load_idx %arg11[%add3A_275, %broadcast_in_dim3A_282] : memref<3072x16xf32, #tpu.memory_space<vmem>>[vector<16xi32>, vector<16xi32>], vector<16xf32>,
        %max3A = arith.constant 0.000000e+00 : f32
        %max3A_283 = vector.broadcast %max3A : f32 to vector<16xf32>
        %max3A_284 = arith.maximumf %gather3A, %max3A_283 : vector<16xf32>
        %mul3A_285 = arith.mulf %max3A_284, %get3A_31 : vector<16xf32>
        %add3A_286 = arith.addf %get3A_27, %mul3A_285 : vector<16xf32>
        %broadcast_in_dim3A_287 = arith.constant 1 : i32
        %broadcast_in_dim3A_288 = vector.broadcast %broadcast_in_dim3A_287 : i32 to vector<16xi32>
        %gather3A_289 = tpu.vector_load_idx %arg11[%add3A_275, %broadcast_in_dim3A_288] : memref<3072x16xf32, #tpu.memory_space<vmem>>[vector<16xi32>, vector<16xi32>], vector<16xf32>,
        %max3A_290 = arith.constant 0.000000e+00 : f32
        %max3A_291 = vector.broadcast %max3A_290 : f32 to vector<16xf32>
        %max3A_292 = arith.maximumf %gather3A_289, %max3A_291 : vector<16xf32>
        %mul3A_293 = arith.mulf %max3A_292, %get3A_35 : vector<16xf32>
        %add3A_294 = arith.addf %broadcast_in_dim3A_276, %mul3A_293 : vector<16xf32>
        %broadcast_in_dim3A_295 = arith.constant 2 : i32
        %broadcast_in_dim3A_296 = vector.broadcast %broadcast_in_dim3A_295 : i32 to vector<16xi32>
        %gather3A_297 = tpu.vector_load_idx %arg11[%add3A_275, %broadcast_in_dim3A_296] : memref<3072x16xf32, #tpu.memory_space<vmem>>[vector<16xi32>, vector<16xi32>], vector<16xf32>,
        %max3A_298 = arith.constant 0.000000e+00 : f32
        %max3A_299 = vector.broadcast %max3A_298 : f32 to vector<16xf32>
        %max3A_300 = arith.maximumf %gather3A_297, %max3A_299 : vector<16xf32>
        %mul3A_301 = arith.mulf %max3A_300, %get3A_39 : vector<16xf32>
        %add3A_302 = arith.addf %broadcast_in_dim3A_278, %mul3A_301 : vector<16xf32>
        %broadcast_in_dim3A_303 = arith.constant 3 : i32
        %broadcast_in_dim3A_304 = vector.broadcast %broadcast_in_dim3A_303 : i32 to vector<16xi32>
        %gather3A_305 = tpu.vector_load_idx %arg11[%add3A_275, %broadcast_in_dim3A_304] : memref<3072x16xf32, #tpu.memory_space<vmem>>[vector<16xi32>, vector<16xi32>], vector<16xf32>,
        %max3A_306 = arith.constant 0.000000e+00 : f32
        %max3A_307 = vector.broadcast %max3A_306 : f32 to vector<16xf32>
        %max3A_308 = arith.maximumf %gather3A_305, %max3A_307 : vector<16xf32>
        %mul3A_309 = arith.mulf %max3A_308, %get3A_43 : vector<16xf32>
        %add3A_310 = arith.addf %broadcast_in_dim3A_280, %mul3A_309 : vector<16xf32>
        %broadcast_in_dim3A_311 = arith.constant 4 : i32
        %broadcast_in_dim3A_312 = vector.broadcast %broadcast_in_dim3A_311 : i32 to vector<16xi32>
        %gather3A_313 = tpu.vector_load_idx %arg11[%add3A_275, %broadcast_in_dim3A_312] : memref<3072x16xf32, #tpu.memory_space<vmem>>[vector<16xi32>, vector<16xi32>], vector<16xf32>,
        %max3A_314 = arith.constant 0.000000e+00 : f32
        %max3A_315 = vector.broadcast %max3A_314 : f32 to vector<16xf32>
        %max3A_316 = arith.maximumf %gather3A_313, %max3A_315 : vector<16xf32>
        %mul3A_317 = arith.mulf %max3A_316, %get3A_47 : vector<16xf32>
        %add3A_318 = arith.addf %add3A_286, %mul3A_317 : vector<16xf32>
        %broadcast_in_dim3A_319 = arith.constant 5 : i32
        %broadcast_in_dim3A_320 = vector.broadcast %broadcast_in_dim3A_319 : i32 to vector<16xi32>
        %gather3A_321 = tpu.vector_load_idx %arg11[%add3A_275, %broadcast_in_dim3A_320] : memref<3072x16xf32, #tpu.memory_space<vmem>>[vector<16xi32>, vector<16xi32>], vector<16xf32>,
        %max3A_322 = arith.constant 0.000000e+00 : f32
        %max3A_323 = vector.broadcast %max3A_322 : f32 to vector<16xf32>
        %max3A_324 = arith.maximumf %gather3A_321, %max3A_323 : vector<16xf32>
        %mul3A_325 = arith.mulf %max3A_324, %get3A_51 : vector<16xf32>
        %add3A_326 = arith.addf %add3A_294, %mul3A_325 : vector<16xf32>
        %broadcast_in_dim3A_327 = arith.constant 6 : i32
        %broadcast_in_dim3A_328 = vector.broadcast %broadcast_in_dim3A_327 : i32 to vector<16xi32>
        %gather3A_329 = tpu.vector_load_idx %arg11[%add3A_275, %broadcast_in_dim3A_328] : memref<3072x16xf32, #tpu.memory_space<vmem>>[vector<16xi32>, vector<16xi32>], vector<16xf32>,
        %max3A_330 = arith.constant 0.000000e+00 : f32
        %max3A_331 = vector.broadcast %max3A_330 : f32 to vector<16xf32>
        %max3A_332 = arith.maximumf %gather3A_329, %max3A_331 : vector<16xf32>
        %mul3A_333 = arith.mulf %max3A_332, %get3A_55 : vector<16xf32>
        %add3A_334 = arith.addf %add3A_302, %mul3A_333 : vector<16xf32>
        %broadcast_in_dim3A_335 = arith.constant 7 : i32
        %broadcast_in_dim3A_336 = vector.broadcast %broadcast_in_dim3A_335 : i32 to vector<16xi32>
        %gather3A_337 = tpu.vector_load_idx %arg11[%add3A_275, %broadcast_in_dim3A_336] : memref<3072x16xf32, #tpu.memory_space<vmem>>[vector<16xi32>, vector<16xi32>], vector<16xf32>,
        %max3A_338 = arith.constant 0.000000e+00 : f32
        %max3A_339 = vector.broadcast %max3A_338 : f32 to vector<16xf32>
        %max3A_340 = arith.maximumf %gather3A_337, %max3A_339 : vector<16xf32>
        %mul3A_341 = arith.mulf %max3A_340, %get3A_59 : vector<16xf32>
        %add3A_342 = arith.addf %add3A_310, %mul3A_341 : vector<16xf32>
        %broadcast_in_dim3A_343 = arith.constant 8 : i32
        %broadcast_in_dim3A_344 = vector.broadcast %broadcast_in_dim3A_343 : i32 to vector<16xi32>
        %gather3A_345 = tpu.vector_load_idx %arg11[%add3A_275, %broadcast_in_dim3A_344] : memref<3072x16xf32, #tpu.memory_space<vmem>>[vector<16xi32>, vector<16xi32>], vector<16xf32>,
        %max3A_346 = arith.constant 0.000000e+00 : f32
        %max3A_347 = vector.broadcast %max3A_346 : f32 to vector<16xf32>
        %max3A_348 = arith.maximumf %gather3A_345, %max3A_347 : vector<16xf32>
        %mul3A_349 = arith.mulf %max3A_348, %get3A_63 : vector<16xf32>
        %add3A_350 = arith.addf %add3A_318, %mul3A_349 : vector<16xf32>
        %broadcast_in_dim3A_351 = arith.constant 9 : i32
        %broadcast_in_dim3A_352 = vector.broadcast %broadcast_in_dim3A_351 : i32 to vector<16xi32>
        %gather3A_353 = tpu.vector_load_idx %arg11[%add3A_275, %broadcast_in_dim3A_352] : memref<3072x16xf32, #tpu.memory_space<vmem>>[vector<16xi32>, vector<16xi32>], vector<16xf32>,
        %max3A_354 = arith.constant 0.000000e+00 : f32
        %max3A_355 = vector.broadcast %max3A_354 : f32 to vector<16xf32>
        %max3A_356 = arith.maximumf %gather3A_353, %max3A_355 : vector<16xf32>
        %mul3A_357 = arith.mulf %max3A_356, %get3A_67 : vector<16xf32>
        %add3A_358 = arith.addf %add3A_326, %mul3A_357 : vector<16xf32>
        %broadcast_in_dim3A_359 = arith.constant 10 : i32
        %broadcast_in_dim3A_360 = vector.broadcast %broadcast_in_dim3A_359 : i32 to vector<16xi32>
        %gather3A_361 = tpu.vector_load_idx %arg11[%add3A_275, %broadcast_in_dim3A_360] : memref<3072x16xf32, #tpu.memory_space<vmem>>[vector<16xi32>, vector<16xi32>], vector<16xf32>,
        %max3A_362 = arith.constant 0.000000e+00 : f32
        %max3A_363 = vector.broadcast %max3A_362 : f32 to vector<16xf32>
        %max3A_364 = arith.maximumf %gather3A_361, %max3A_363 : vector<16xf32>
        %mul3A_365 = arith.mulf %max3A_364, %get3A_71 : vector<16xf32>
        %add3A_366 = arith.addf %add3A_334, %mul3A_365 : vector<16xf32>
        %broadcast_in_dim3A_367 = arith.constant 11 : i32
        %broadcast_in_dim3A_368 = vector.broadcast %broadcast_in_dim3A_367 : i32 to vector<16xi32>
        %gather3A_369 = tpu.vector_load_idx %arg11[%add3A_275, %broadcast_in_dim3A_368] : memref<3072x16xf32, #tpu.memory_space<vmem>>[vector<16xi32>, vector<16xi32>], vector<16xf32>,
        %max3A_370 = arith.constant 0.000000e+00 : f32
        %max3A_371 = vector.broadcast %max3A_370 : f32 to vector<16xf32>
        %max3A_372 = arith.maximumf %gather3A_369, %max3A_371 : vector<16xf32>
        %mul3A_373 = arith.mulf %max3A_372, %get3A_75 : vector<16xf32>
        %add3A_374 = arith.addf %add3A_342, %mul3A_373 : vector<16xf32>
        %broadcast_in_dim3A_375 = arith.constant 12 : i32
        %broadcast_in_dim3A_376 = vector.broadcast %broadcast_in_dim3A_375 : i32 to vector<16xi32>
        %gather3A_377 = tpu.vector_load_idx %arg11[%add3A_275, %broadcast_in_dim3A_376] : memref<3072x16xf32, #tpu.memory_space<vmem>>[vector<16xi32>, vector<16xi32>], vector<16xf32>,
        %max3A_378 = arith.constant 0.000000e+00 : f32
        %max3A_379 = vector.broadcast %max3A_378 : f32 to vector<16xf32>
        %max3A_380 = arith.maximumf %gather3A_377, %max3A_379 : vector<16xf32>
        %mul3A_381 = arith.mulf %max3A_380, %get3A_79 : vector<16xf32>
        %add3A_382 = arith.addf %add3A_350, %mul3A_381 : vector<16xf32>
        %broadcast_in_dim3A_383 = arith.constant 13 : i32
        %broadcast_in_dim3A_384 = vector.broadcast %broadcast_in_dim3A_383 : i32 to vector<16xi32>
        %gather3A_385 = tpu.vector_load_idx %arg11[%add3A_275, %broadcast_in_dim3A_384] : memref<3072x16xf32, #tpu.memory_space<vmem>>[vector<16xi32>, vector<16xi32>], vector<16xf32>,
        %max3A_386 = arith.constant 0.000000e+00 : f32
        %max3A_387 = vector.broadcast %max3A_386 : f32 to vector<16xf32>
        %max3A_388 = arith.maximumf %gather3A_385, %max3A_387 : vector<16xf32>
        %mul3A_389 = arith.mulf %max3A_388, %get3A_83 : vector<16xf32>
        %add3A_390 = arith.addf %add3A_358, %mul3A_389 : vector<16xf32>
        %broadcast_in_dim3A_391 = arith.constant 14 : i32
        %broadcast_in_dim3A_392 = vector.broadcast %broadcast_in_dim3A_391 : i32 to vector<16xi32>
        %gather3A_393 = tpu.vector_load_idx %arg11[%add3A_275, %broadcast_in_dim3A_392] : memref<3072x16xf32, #tpu.memory_space<vmem>>[vector<16xi32>, vector<16xi32>], vector<16xf32>,
        %max3A_394 = arith.constant 0.000000e+00 : f32
        %max3A_395 = vector.broadcast %max3A_394 : f32 to vector<16xf32>
        %max3A_396 = arith.maximumf %gather3A_393, %max3A_395 : vector<16xf32>
        %mul3A_397 = arith.mulf %max3A_396, %get3A_87 : vector<16xf32>
        %add3A_398 = arith.addf %add3A_366, %mul3A_397 : vector<16xf32>
        %broadcast_in_dim3A_399 = arith.constant 15 : i32
        %broadcast_in_dim3A_400 = vector.broadcast %broadcast_in_dim3A_399 : i32 to vector<16xi32>
        %gather3A_401 = tpu.vector_load_idx %arg11[%add3A_275, %broadcast_in_dim3A_400] : memref<3072x16xf32, #tpu.memory_space<vmem>>[vector<16xi32>, vector<16xi32>], vector<16xf32>,
        %max3A_402 = arith.constant 0.000000e+00 : f32
        %max3A_403 = vector.broadcast %max3A_402 : f32 to vector<16xf32>
        %max3A_404 = arith.maximumf %gather3A_401, %max3A_403 : vector<16xf32>
        %mul3A_405 = arith.mulf %max3A_404, %get3A_91 : vector<16xf32>
        %add3A_406 = arith.addf %add3A_374, %mul3A_405 : vector<16xf32>
        %add3A_407 = arith.addf %add3A_382, %add3A_390 : vector<16xf32>
        %add3A_408 = arith.addf %add3A_398, %add3A_406 : vector<16xf32>
        %add3A_409 = arith.addf %add3A_407, %add3A_408 : vector<16xf32>
        %mul3A_410 = arith.constant 16 : i32
        %mul3A_411 = arith.muli %scan3A_269, %mul3A_410 : i32
        %swap3A = arith.index_cast %mul3A_411 : i32 to index
        %swap3A_412 = tpu.vector_load %arg12[%swap3A] {strides = array<i32>} : memref<1024xf32, #tpu.memory_space<vmem>>, vector<16xf32>,
        tpu.vector_store %arg12[%swap3A], %add3A_409 {strides = array<i32>} : memref<1024xf32, #tpu.memory_space<vmem>>, vector<16xf32>,
      }
      %scan3A_266 = arith.constant 32 : i32
      %mul3A_267 = arith.constant 1024 : i32
      %mul3A_268 = arith.muli %add3A_222, %mul3A_267 : i32
      "tpu.region"() ({
        %run_scoped3A = tpu.sem_alloc : memref<!tpu.dma_semaphore, #tpu.memory_space<semaphore_mem>>
        %dma_start3A_269 = arith.constant 0 : i32
        %dma_start3A_270 = tpu.memref_slice %arg12[%dma_start3A_269] : memref<1024xf32, #tpu.memory_space<vmem>> -> memref<512xf32, #tpu.memory_space<vmem>>
        %dma_start3A_271 = tpu.memref_slice %arg8[%mul3A_268] : memref<320000xf32, #tpu.memory_space<hbm>> -> memref<512xf32, #tpu.memory_space<hbm>>
        %dma_start3A_272 = tpu.memref_slice %arg8[%mul3A_268] : memref<320000xf32, #tpu.memory_space<hbm>> -> memref<512xf32, #tpu.memory_space<hbm>>
        %dma_start3A_273 = arith.constant 0 : i32
        %dma_start3A_274 = tpu.memref_slice %arg12[%dma_start3A_273] : memref<1024xf32, #tpu.memory_space<vmem>> -> memref<512xf32, #tpu.memory_space<vmem>>
        tpu.enqueue_dma source(%dma_start3A_274 : memref<512xf32, #tpu.memory_space<vmem>>) target(%dma_start3A_272 : memref<512xf32, #tpu.memory_space<hbm>>) target_semaphore(%run_scoped3A : memref<!tpu.dma_semaphore, #tpu.memory_space<semaphore_mem>>)
        %dma_wait3A_275 = arith.constant 0 : i32
        %dma_wait3A_276 = tpu.memref_slice %arg12[%dma_wait3A_275] : memref<1024xf32, #tpu.memory_space<vmem>> -> memref<512xf32, #tpu.memory_space<vmem>>
        %dma_wait3A_277 = tpu.memref_slice %arg8[%mul3A_268] : memref<320000xf32, #tpu.memory_space<hbm>> -> memref<512xf32, #tpu.memory_space<hbm>>
        %dma_wait3A_278 = tpu.memref_slice %arg8[%mul3A_268] : memref<320000xf32, #tpu.memory_space<hbm>> -> memref<512xf32, #tpu.memory_space<hbm>>
        %dma_wait3A_279 = arith.constant 0 : i32
        %dma_wait3A_280 = tpu.memref_slice %arg12[%dma_wait3A_279] : memref<1024xf32, #tpu.memory_space<vmem>> -> memref<512xf32, #tpu.memory_space<vmem>>
        tpu.wait_dma2 semaphore(%run_scoped3A : memref<!tpu.dma_semaphore, #tpu.memory_space<semaphore_mem>>) src(%dma_wait3A_280 : memref<512xf32, #tpu.memory_space<vmem>>) dst(%dma_wait3A_278 : memref<512xf32, #tpu.memory_space<hbm>>)
        tpu.yield
      }) : () -> ()
    } else {
    }
    %mul3A_233 = arith.constant 10 : i32
    %mul3A_234 = arith.muli %add3A, %mul3A_233 : i32
    %add3A_235 = arith.constant 9 : i32
    %add3A_236 = arith.addi %mul3A_234, %add3A_235 : i32
    %lt3A_237 = arith.constant 312 : i32
    %lt3A_238 = arith.cmpi slt, %add3A_236, %lt3A_237 : i32
    %convert_element_type3A_239 = arith.extui %lt3A_238 : i1 to i32
    %cond3A_240 = arith.constant 0 : i32
    %cond3A_241 = arith.cmpi ne, %convert_element_type3A_239, %cond3A_240 : i32
    scf.if %cond3A_241 {
      %dma_wait3A_261 = arith.constant 0 : i32
      %dma_wait3A_262 = arith.constant 0 : i32
      %dma_wait3A_263 = tpu.memref_slice %arg11[%dma_wait3A_261, %dma_wait3A_262] : memref<3072x16xf32, #tpu.memory_space<vmem>> -> memref<128x16xf32, #tpu.memory_space<vmem>>
      %dma_wait3A_264 = arith.constant 0 : i32
      %dma_wait3A_265 = arith.constant 0 : i32
      %dma_wait3A_266 = tpu.memref_slice %arg2[%dma_wait3A_264, %dma_wait3A_265] : memref<10000x16xf32, #tpu.memory_space<hbm>> -> memref<128x16xf32, #tpu.memory_space<hbm>>
      %dma_wait3A_267 = arith.constant 0 : i32
      %dma_wait3A_268 = arith.constant 0 : i32
      %dma_wait3A_269 = tpu.memref_slice %arg11[%dma_wait3A_267, %dma_wait3A_268] : memref<3072x16xf32, #tpu.memory_space<vmem>> -> memref<128x16xf32, #tpu.memory_space<vmem>>
      %dma_wait3A_270 = arith.constant 0 : i32
      %dma_wait3A_271 = arith.constant 0 : i32
      %dma_wait3A_272 = tpu.memref_slice %arg2[%dma_wait3A_270, %dma_wait3A_271] : memref<10000x16xf32, #tpu.memory_space<hbm>> -> memref<128x16xf32, #tpu.memory_space<hbm>>
      tpu.wait_dma2 semaphore(%arg17 : memref<!tpu.dma_semaphore, #tpu.memory_space<semaphore_mem>>) src(%dma_wait3A_272 : memref<128x16xf32, #tpu.memory_space<hbm>>) dst(%dma_wait3A_269 : memref<128x16xf32, #tpu.memory_space<vmem>>)
      %dma_wait3A_273 = arith.constant 128 : i32
      %dma_wait3A_274 = arith.constant 0 : i32
      %dma_wait3A_275 = tpu.memref_slice %arg11[%dma_wait3A_273, %dma_wait3A_274] : memref<3072x16xf32, #tpu.memory_space<vmem>> -> memref<128x16xf32, #tpu.memory_space<vmem>>
      %dma_wait3A_276 = arith.constant 0 : i32
      %dma_wait3A_277 = arith.constant 0 : i32
      %dma_wait3A_278 = tpu.memref_slice %arg2[%dma_wait3A_276, %dma_wait3A_277] : memref<10000x16xf32, #tpu.memory_space<hbm>> -> memref<128x16xf32, #tpu.memory_space<hbm>>
      %dma_wait3A_279 = arith.constant 128 : i32
      %dma_wait3A_280 = arith.constant 0 : i32
      %dma_wait3A_281 = tpu.memref_slice %arg11[%dma_wait3A_279, %dma_wait3A_280] : memref<3072x16xf32, #tpu.memory_space<vmem>> -> memref<128x16xf32, #tpu.memory_space<vmem>>
      %dma_wait3A_282 = arith.constant 0 : i32
      %dma_wait3A_283 = arith.constant 0 : i32
      %dma_wait3A_284 = tpu.memref_slice %arg2[%dma_wait3A_282, %dma_wait3A_283] : memref<10000x16xf32, #tpu.memory_space<hbm>> -> memref<128x16xf32, #tpu.memory_space<hbm>>
      tpu.wait_dma2 semaphore(%arg17 : memref<!tpu.dma_semaphore, #tpu.memory_space<semaphore_mem>>) src(%dma_wait3A_284 : memref<128x16xf32, #tpu.memory_space<hbm>>) dst(%dma_wait3A_281 : memref<128x16xf32, #tpu.memory_space<vmem>>)
      %dma_wait3A_285 = arith.constant 256 : i32
      %dma_wait3A_286 = arith.constant 0 : i32
      %dma_wait3A_287 = tpu.memref_slice %arg11[%dma_wait3A_285, %dma_wait3A_286] : memref<3072x16xf32, #tpu.memory_space<vmem>> -> memref<128x16xf32, #tpu.memory_space<vmem>>
      %dma_wait3A_288 = arith.constant 0 : i32
      %dma_wait3A_289 = arith.constant 0 : i32
      %dma_wait3A_290 = tpu.memref_slice %arg2[%dma_wait3A_288, %dma_wait3A_289] : memref<10000x16xf32, #tpu.memory_space<hbm>> -> memref<128x16xf32, #tpu.memory_space<hbm>>
      %dma_wait3A_291 = arith.constant 256 : i32
      %dma_wait3A_292 = arith.constant 0 : i32
      %dma_wait3A_293 = tpu.memref_slice %arg11[%dma_wait3A_291, %dma_wait3A_292] : memref<3072x16xf32, #tpu.memory_space<vmem>> -> memref<128x16xf32, #tpu.memory_space<vmem>>
      %dma_wait3A_294 = arith.constant 0 : i32
      %dma_wait3A_295 = arith.constant 0 : i32
      %dma_wait3A_296 = tpu.memref_slice %arg2[%dma_wait3A_294, %dma_wait3A_295] : memref<10000x16xf32, #tpu.memory_space<hbm>> -> memref<128x16xf32, #tpu.memory_space<hbm>>
      tpu.wait_dma2 semaphore(%arg17 : memref<!tpu.dma_semaphore, #tpu.memory_space<semaphore_mem>>) src(%dma_wait3A_296 : memref<128x16xf32, #tpu.memory_space<hbm>>) dst(%dma_wait3A_293 : memref<128x16xf32, #tpu.memory_space<vmem>>)
      %dma_wait3A_297 = arith.constant 384 : i32
      %dma_wait3A_298 = arith.constant 0 : i32
      %dma_wait3A_299 = tpu.memref_slice %arg11[%dma_wait3A_297, %dma_wait3A_298] : memref<3072x16xf32, #tpu.memory_space<vmem>> -> memref<128x16xf32, #tpu.memory_space<vmem>>
      %dma_wait3A_300 = arith.constant 0 : i32
      %dma_wait3A_301 = arith.constant 0 : i32
      %dma_wait3A_302 = tpu.memref_slice %arg2[%dma_wait3A_300, %dma_wait3A_301] : memref<10000x16xf32, #tpu.memory_space<hbm>> -> memref<128x16xf32, #tpu.memory_space<hbm>>
      %dma_wait3A_303 = arith.constant 384 : i32
      %dma_wait3A_304 = arith.constant 0 : i32
      %dma_wait3A_305 = tpu.memref_slice %arg11[%dma_wait3A_303, %dma_wait3A_304] : memref<3072x16xf32, #tpu.memory_space<vmem>> -> memref<128x16xf32, #tpu.memory_space<vmem>>
      %dma_wait3A_306 = arith.constant 0 : i32
      %dma_wait3A_307 = arith.constant 0 : i32
      %dma_wait3A_308 = tpu.memref_slice %arg2[%dma_wait3A_306, %dma_wait3A_307] : memref<10000x16xf32, #tpu.memory_space<hbm>> -> memref<128x16xf32, #tpu.memory_space<hbm>>
      tpu.wait_dma2 semaphore(%arg17 : memref<!tpu.dma_semaphore, #tpu.memory_space<semaphore_mem>>) src(%dma_wait3A_308 : memref<128x16xf32, #tpu.memory_space<hbm>>) dst(%dma_wait3A_305 : memref<128x16xf32, #tpu.memory_space<vmem>>)
      %dma_wait3A_309 = arith.constant 512 : i32
      %dma_wait3A_310 = arith.constant 0 : i32
      %dma_wait3A_311 = tpu.memref_slice %arg11[%dma_wait3A_309, %dma_wait3A_310] : memref<3072x16xf32, #tpu.memory_space<vmem>> -> memref<128x16xf32, #tpu.memory_space<vmem>>
      %dma_wait3A_312 = arith.constant 0 : i32
      %dma_wait3A_313 = arith.constant 0 : i32
      %dma_wait3A_314 = tpu.memref_slice %arg2[%dma_wait3A_312, %dma_wait3A_313] : memref<10000x16xf32, #tpu.memory_space<hbm>> -> memref<128x16xf32, #tpu.memory_space<hbm>>
      %dma_wait3A_315 = arith.constant 512 : i32
      %dma_wait3A_316 = arith.constant 0 : i32
      %dma_wait3A_317 = tpu.memref_slice %arg11[%dma_wait3A_315, %dma_wait3A_316] : memref<3072x16xf32, #tpu.memory_space<vmem>> -> memref<128x16xf32, #tpu.memory_space<vmem>>
      %dma_wait3A_318 = arith.constant 0 : i32
      %dma_wait3A_319 = arith.constant 0 : i32
      %dma_wait3A_320 = tpu.memref_slice %arg2[%dma_wait3A_318, %dma_wait3A_319] : memref<10000x16xf32, #tpu.memory_space<hbm>> -> memref<128x16xf32, #tpu.memory_space<hbm>>
      tpu.wait_dma2 semaphore(%arg17 : memref<!tpu.dma_semaphore, #tpu.memory_space<semaphore_mem>>) src(%dma_wait3A_320 : memref<128x16xf32, #tpu.memory_space<hbm>>) dst(%dma_wait3A_317 : memref<128x16xf32, #tpu.memory_space<vmem>>)
      %dma_wait3A_321 = arith.constant 640 : i32
      %dma_wait3A_322 = arith.constant 0 : i32
      %dma_wait3A_323 = tpu.memref_slice %arg11[%dma_wait3A_321, %dma_wait3A_322] : memref<3072x16xf32, #tpu.memory_space<vmem>> -> memref<128x16xf32, #tpu.memory_space<vmem>>
      %dma_wait3A_324 = arith.constant 0 : i32
      %dma_wait3A_325 = arith.constant 0 : i32
      %dma_wait3A_326 = tpu.memref_slice %arg2[%dma_wait3A_324, %dma_wait3A_325] : memref<10000x16xf32, #tpu.memory_space<hbm>> -> memref<128x16xf32, #tpu.memory_space<hbm>>
      %dma_wait3A_327 = arith.constant 640 : i32
      %dma_wait3A_328 = arith.constant 0 : i32
      %dma_wait3A_329 = tpu.memref_slice %arg11[%dma_wait3A_327, %dma_wait3A_328] : memref<3072x16xf32, #tpu.memory_space<vmem>> -> memref<128x16xf32, #tpu.memory_space<vmem>>
      %dma_wait3A_330 = arith.constant 0 : i32
      %dma_wait3A_331 = arith.constant 0 : i32
      %dma_wait3A_332 = tpu.memref_slice %arg2[%dma_wait3A_330, %dma_wait3A_331] : memref<10000x16xf32, #tpu.memory_space<hbm>> -> memref<128x16xf32, #tpu.memory_space<hbm>>
      tpu.wait_dma2 semaphore(%arg17 : memref<!tpu.dma_semaphore, #tpu.memory_space<semaphore_mem>>) src(%dma_wait3A_332 : memref<128x16xf32, #tpu.memory_space<hbm>>) dst(%dma_wait3A_329 : memref<128x16xf32, #tpu.memory_space<vmem>>)
      %dma_wait3A_333 = arith.constant 768 : i32
      %dma_wait3A_334 = arith.constant 0 : i32
      %dma_wait3A_335 = tpu.memref_slice %arg11[%dma_wait3A_333, %dma_wait3A_334] : memref<3072x16xf32, #tpu.memory_space<vmem>> -> memref<128x16xf32, #tpu.memory_space<vmem>>
      %dma_wait3A_336 = arith.constant 0 : i32
      %dma_wait3A_337 = arith.constant 0 : i32
      %dma_wait3A_338 = tpu.memref_slice %arg2[%dma_wait3A_336, %dma_wait3A_337] : memref<10000x16xf32, #tpu.memory_space<hbm>> -> memref<128x16xf32, #tpu.memory_space<hbm>>
      %dma_wait3A_339 = arith.constant 768 : i32
      %dma_wait3A_340 = arith.constant 0 : i32
      %dma_wait3A_341 = tpu.memref_slice %arg11[%dma_wait3A_339, %dma_wait3A_340] : memref<3072x16xf32, #tpu.memory_space<vmem>> -> memref<128x16xf32, #tpu.memory_space<vmem>>
      %dma_wait3A_342 = arith.constant 0 : i32
      %dma_wait3A_343 = arith.constant 0 : i32
      %dma_wait3A_344 = tpu.memref_slice %arg2[%dma_wait3A_342, %dma_wait3A_343] : memref<10000x16xf32, #tpu.memory_space<hbm>> -> memref<128x16xf32, #tpu.memory_space<hbm>>
      tpu.wait_dma2 semaphore(%arg17 : memref<!tpu.dma_semaphore, #tpu.memory_space<semaphore_mem>>) src(%dma_wait3A_344 : memref<128x16xf32, #tpu.memory_space<hbm>>) dst(%dma_wait3A_341 : memref<128x16xf32, #tpu.memory_space<vmem>>)
      %dma_wait3A_345 = arith.constant 896 : i32
      %dma_wait3A_346 = arith.constant 0 : i32
      %dma_wait3A_347 = tpu.memref_slice %arg11[%dma_wait3A_345, %dma_wait3A_346] : memref<3072x16xf32, #tpu.memory_space<vmem>> -> memref<128x16xf32, #tpu.memory_space<vmem>>
      %dma_wait3A_348 = arith.constant 0 : i32
      %dma_wait3A_349 = arith.constant 0 : i32
      %dma_wait3A_350 = tpu.memref_slice %arg2[%dma_wait3A_348, %dma_wait3A_349] : memref<10000x16xf32, #tpu.memory_space<hbm>> -> memref<128x16xf32, #tpu.memory_space<hbm>>
      %dma_wait3A_351 = arith.constant 896 : i32
      %dma_wait3A_352 = arith.constant 0 : i32
      %dma_wait3A_353 = tpu.memref_slice %arg11[%dma_wait3A_351, %dma_wait3A_352] : memref<3072x16xf32, #tpu.memory_space<vmem>> -> memref<128x16xf32, #tpu.memory_space<vmem>>
      %dma_wait3A_354 = arith.constant 0 : i32
      %dma_wait3A_355 = arith.constant 0 : i32
      %dma_wait3A_356 = tpu.memref_slice %arg2[%dma_wait3A_354, %dma_wait3A_355] : memref<10000x16xf32, #tpu.memory_space<hbm>> -> memref<128x16xf32, #tpu.memory_space<hbm>>
      tpu.wait_dma2 semaphore(%arg17 : memref<!tpu.dma_semaphore, #tpu.memory_space<semaphore_mem>>) src(%dma_wait3A_356 : memref<128x16xf32, #tpu.memory_space<hbm>>) dst(%dma_wait3A_353 : memref<128x16xf32, #tpu.memory_space<vmem>>)
    } else {
    }
    %eq3A_242 = arith.constant 312 : i32
    %eq3A_243 = arith.cmpi eq, %add3A_236, %eq3A_242 : i32
    %convert_element_type3A_244 = arith.extui %eq3A_243 : i1 to i32
    %cond3A_245 = arith.constant 0 : i32
    %cond3A_246 = arith.cmpi ne, %convert_element_type3A_244, %cond3A_245 : i32
    scf.if %cond3A_246 {
      %dma_wait3A_261 = arith.constant 0 : i32
      %dma_wait3A_262 = arith.constant 0 : i32
      %dma_wait3A_263 = tpu.memref_slice %arg11[%dma_wait3A_261, %dma_wait3A_262] : memref<3072x16xf32, #tpu.memory_space<vmem>> -> memref<128x16xf32, #tpu.memory_space<vmem>>
      %dma_wait3A_264 = arith.constant 0 : i32
      %dma_wait3A_265 = arith.constant 0 : i32
      %dma_wait3A_266 = tpu.memref_slice %arg2[%dma_wait3A_264, %dma_wait3A_265] : memref<10000x16xf32, #tpu.memory_space<hbm>> -> memref<128x16xf32, #tpu.memory_space<hbm>>
      %dma_wait3A_267 = arith.constant 0 : i32
      %dma_wait3A_268 = arith.constant 0 : i32
      %dma_wait3A_269 = tpu.memref_slice %arg11[%dma_wait3A_267, %dma_wait3A_268] : memref<3072x16xf32, #tpu.memory_space<vmem>> -> memref<128x16xf32, #tpu.memory_space<vmem>>
      %dma_wait3A_270 = arith.constant 0 : i32
      %dma_wait3A_271 = arith.constant 0 : i32
      %dma_wait3A_272 = tpu.memref_slice %arg2[%dma_wait3A_270, %dma_wait3A_271] : memref<10000x16xf32, #tpu.memory_space<hbm>> -> memref<128x16xf32, #tpu.memory_space<hbm>>
      tpu.wait_dma2 semaphore(%arg17 : memref<!tpu.dma_semaphore, #tpu.memory_space<semaphore_mem>>) src(%dma_wait3A_272 : memref<128x16xf32, #tpu.memory_space<hbm>>) dst(%dma_wait3A_269 : memref<128x16xf32, #tpu.memory_space<vmem>>)
      %dma_wait3A_273 = arith.constant 128 : i32
      %dma_wait3A_274 = arith.constant 0 : i32
      %dma_wait3A_275 = tpu.memref_slice %arg11[%dma_wait3A_273, %dma_wait3A_274] : memref<3072x16xf32, #tpu.memory_space<vmem>> -> memref<128x16xf32, #tpu.memory_space<vmem>>
      %dma_wait3A_276 = arith.constant 0 : i32
      %dma_wait3A_277 = arith.constant 0 : i32
      %dma_wait3A_278 = tpu.memref_slice %arg2[%dma_wait3A_276, %dma_wait3A_277] : memref<10000x16xf32, #tpu.memory_space<hbm>> -> memref<128x16xf32, #tpu.memory_space<hbm>>
      %dma_wait3A_279 = arith.constant 128 : i32
      %dma_wait3A_280 = arith.constant 0 : i32
      %dma_wait3A_281 = tpu.memref_slice %arg11[%dma_wait3A_279, %dma_wait3A_280] : memref<3072x16xf32, #tpu.memory_space<vmem>> -> memref<128x16xf32, #tpu.memory_space<vmem>>
      %dma_wait3A_282 = arith.constant 0 : i32
      %dma_wait3A_283 = arith.constant 0 : i32
      %dma_wait3A_284 = tpu.memref_slice %arg2[%dma_wait3A_282, %dma_wait3A_283] : memref<10000x16xf32, #tpu.memory_space<hbm>> -> memref<128x16xf32, #tpu.memory_space<hbm>>
      tpu.wait_dma2 semaphore(%arg17 : memref<!tpu.dma_semaphore, #tpu.memory_space<semaphore_mem>>) src(%dma_wait3A_284 : memref<128x16xf32, #tpu.memory_space<hbm>>) dst(%dma_wait3A_281 : memref<128x16xf32, #tpu.memory_space<vmem>>)
      %dma_wait3A_285 = arith.constant 256 : i32
      %dma_wait3A_286 = arith.constant 0 : i32
      %dma_wait3A_287 = tpu.memref_slice %arg11[%dma_wait3A_285, %dma_wait3A_286] : memref<3072x16xf32, #tpu.memory_space<vmem>> -> memref<128x16xf32, #tpu.memory_space<vmem>>
      %dma_wait3A_288 = arith.constant 0 : i32
      %dma_wait3A_289 = arith.constant 0 : i32
      %dma_wait3A_290 = tpu.memref_slice %arg2[%dma_wait3A_288, %dma_wait3A_289] : memref<10000x16xf32, #tpu.memory_space<hbm>> -> memref<128x16xf32, #tpu.memory_space<hbm>>
      %dma_wait3A_291 = arith.constant 256 : i32
      %dma_wait3A_292 = arith.constant 0 : i32
      %dma_wait3A_293 = tpu.memref_slice %arg11[%dma_wait3A_291, %dma_wait3A_292] : memref<3072x16xf32, #tpu.memory_space<vmem>> -> memref<128x16xf32, #tpu.memory_space<vmem>>
      %dma_wait3A_294 = arith.constant 0 : i32
      %dma_wait3A_295 = arith.constant 0 : i32
      %dma_wait3A_296 = tpu.memref_slice %arg2[%dma_wait3A_294, %dma_wait3A_295] : memref<10000x16xf32, #tpu.memory_space<hbm>> -> memref<128x16xf32, #tpu.memory_space<hbm>>
      tpu.wait_dma2 semaphore(%arg17 : memref<!tpu.dma_semaphore, #tpu.memory_space<semaphore_mem>>) src(%dma_wait3A_296 : memref<128x16xf32, #tpu.memory_space<hbm>>) dst(%dma_wait3A_293 : memref<128x16xf32, #tpu.memory_space<vmem>>)
      %dma_wait3A_297 = arith.constant 384 : i32
      %dma_wait3A_298 = arith.constant 0 : i32
      %dma_wait3A_299 = tpu.memref_slice %arg11[%dma_wait3A_297, %dma_wait3A_298] : memref<3072x16xf32, #tpu.memory_space<vmem>> -> memref<128x16xf32, #tpu.memory_space<vmem>>
      %dma_wait3A_300 = arith.constant 0 : i32
      %dma_wait3A_301 = arith.constant 0 : i32
      %dma_wait3A_302 = tpu.memref_slice %arg2[%dma_wait3A_300, %dma_wait3A_301] : memref<10000x16xf32, #tpu.memory_space<hbm>> -> memref<128x16xf32, #tpu.memory_space<hbm>>
      %dma_wait3A_303 = arith.constant 384 : i32
      %dma_wait3A_304 = arith.constant 0 : i32
      %dma_wait3A_305 = tpu.memref_slice %arg11[%dma_wait3A_303, %dma_wait3A_304] : memref<3072x16xf32, #tpu.memory_space<vmem>> -> memref<128x16xf32, #tpu.memory_space<vmem>>
      %dma_wait3A_306 = arith.constant 0 : i32
      %dma_wait3A_307 = arith.constant 0 : i32
      %dma_wait3A_308 = tpu.memref_slice %arg2[%dma_wait3A_306, %dma_wait3A_307] : memref<10000x16xf32, #tpu.memory_space<hbm>> -> memref<128x16xf32, #tpu.memory_space<hbm>>
      tpu.wait_dma2 semaphore(%arg17 : memref<!tpu.dma_semaphore, #tpu.memory_space<semaphore_mem>>) src(%dma_wait3A_308 : memref<128x16xf32, #tpu.memory_space<hbm>>) dst(%dma_wait3A_305 : memref<128x16xf32, #tpu.memory_space<vmem>>)
    } else {
    }
    %mul3A_247 = arith.constant 10 : i32
    %mul3A_248 = arith.muli %add3A, %mul3A_247 : i32
    %add3A_249 = arith.constant 9 : i32
    %add3A_250 = arith.addi %mul3A_248, %add3A_249 : i32
    %lt3A_251 = arith.constant 312 : i32
    %lt3A_252 = arith.cmpi slt, %add3A_250, %lt3A_251 : i32
    %convert_element_type3A_253 = arith.extui %lt3A_252 : i1 to i32
    %cond3A_254 = arith.constant 0 : i32
    %cond3A_255 = arith.cmpi ne, %convert_element_type3A_253, %cond3A_254 : i32
    scf.if %cond3A_255 {
      %scan3A_261 = arith.constant 0 : i32
      %scan3A_262 = arith.constant 0 : i32
      %scan3A_263 = arith.constant 64 : i32
      %scan3A_264 = arith.addi %scan3A_262, %scan3A_263 : i32
      %scan3A_265 = arith.constant 1 : i32
      scf.for %scan3A_269 = %scan3A_262 to %scan3A_264 step %scan3A_265  : i32 {
        %mul3A_270 = arith.constant 16 : i32
        %mul3A_271 = arith.muli %scan3A_269, %mul3A_270 : i32
        %add3A_272 = arith.constant 0 : i32
        %add3A_273 = arith.addi %add3A_272, %mul3A_271 : i32
        %add3A_274 = vector.broadcast %add3A_273 : i32 to vector<16xi32>
        %add3A_275 = arith.addi %add3A_274, %iota3A : vector<16xi32>
        %broadcast_in_dim3A = arith.constant 0.000000e+00 : f32
        %broadcast_in_dim3A_276 = vector.broadcast %broadcast_in_dim3A : f32 to vector<16xf32>
        %broadcast_in_dim3A_277 = arith.constant 0.000000e+00 : f32
        %broadcast_in_dim3A_278 = vector.broadcast %broadcast_in_dim3A_277 : f32 to vector<16xf32>
        %broadcast_in_dim3A_279 = arith.constant 0.000000e+00 : f32
        %broadcast_in_dim3A_280 = vector.broadcast %broadcast_in_dim3A_279 : f32 to vector<16xf32>
        %broadcast_in_dim3A_281 = arith.constant 0 : i32
        %broadcast_in_dim3A_282 = vector.broadcast %broadcast_in_dim3A_281 : i32 to vector<16xi32>
        %gather3A = tpu.vector_load_idx %arg11[%add3A_275, %broadcast_in_dim3A_282] : memref<3072x16xf32, #tpu.memory_space<vmem>>[vector<16xi32>, vector<16xi32>], vector<16xf32>,
        %max3A = arith.constant 0.000000e+00 : f32
        %max3A_283 = vector.broadcast %max3A : f32 to vector<16xf32>
        %max3A_284 = arith.maximumf %gather3A, %max3A_283 : vector<16xf32>
        %mul3A_285 = arith.mulf %max3A_284, %get3A_31 : vector<16xf32>
        %add3A_286 = arith.addf %get3A_27, %mul3A_285 : vector<16xf32>
        %broadcast_in_dim3A_287 = arith.constant 1 : i32
        %broadcast_in_dim3A_288 = vector.broadcast %broadcast_in_dim3A_287 : i32 to vector<16xi32>
        %gather3A_289 = tpu.vector_load_idx %arg11[%add3A_275, %broadcast_in_dim3A_288] : memref<3072x16xf32, #tpu.memory_space<vmem>>[vector<16xi32>, vector<16xi32>], vector<16xf32>,
        %max3A_290 = arith.constant 0.000000e+00 : f32
        %max3A_291 = vector.broadcast %max3A_290 : f32 to vector<16xf32>
        %max3A_292 = arith.maximumf %gather3A_289, %max3A_291 : vector<16xf32>
        %mul3A_293 = arith.mulf %max3A_292, %get3A_35 : vector<16xf32>
        %add3A_294 = arith.addf %broadcast_in_dim3A_276, %mul3A_293 : vector<16xf32>
        %broadcast_in_dim3A_295 = arith.constant 2 : i32
        %broadcast_in_dim3A_296 = vector.broadcast %broadcast_in_dim3A_295 : i32 to vector<16xi32>
        %gather3A_297 = tpu.vector_load_idx %arg11[%add3A_275, %broadcast_in_dim3A_296] : memref<3072x16xf32, #tpu.memory_space<vmem>>[vector<16xi32>, vector<16xi32>], vector<16xf32>,
        %max3A_298 = arith.constant 0.000000e+00 : f32
        %max3A_299 = vector.broadcast %max3A_298 : f32 to vector<16xf32>
        %max3A_300 = arith.maximumf %gather3A_297, %max3A_299 : vector<16xf32>
        %mul3A_301 = arith.mulf %max3A_300, %get3A_39 : vector<16xf32>
        %add3A_302 = arith.addf %broadcast_in_dim3A_278, %mul3A_301 : vector<16xf32>
        %broadcast_in_dim3A_303 = arith.constant 3 : i32
        %broadcast_in_dim3A_304 = vector.broadcast %broadcast_in_dim3A_303 : i32 to vector<16xi32>
        %gather3A_305 = tpu.vector_load_idx %arg11[%add3A_275, %broadcast_in_dim3A_304] : memref<3072x16xf32, #tpu.memory_space<vmem>>[vector<16xi32>, vector<16xi32>], vector<16xf32>,
        %max3A_306 = arith.constant 0.000000e+00 : f32
        %max3A_307 = vector.broadcast %max3A_306 : f32 to vector<16xf32>
        %max3A_308 = arith.maximumf %gather3A_305, %max3A_307 : vector<16xf32>
        %mul3A_309 = arith.mulf %max3A_308, %get3A_43 : vector<16xf32>
        %add3A_310 = arith.addf %broadcast_in_dim3A_280, %mul3A_309 : vector<16xf32>
        %broadcast_in_dim3A_311 = arith.constant 4 : i32
        %broadcast_in_dim3A_312 = vector.broadcast %broadcast_in_dim3A_311 : i32 to vector<16xi32>
        %gather3A_313 = tpu.vector_load_idx %arg11[%add3A_275, %broadcast_in_dim3A_312] : memref<3072x16xf32, #tpu.memory_space<vmem>>[vector<16xi32>, vector<16xi32>], vector<16xf32>,
        %max3A_314 = arith.constant 0.000000e+00 : f32
        %max3A_315 = vector.broadcast %max3A_314 : f32 to vector<16xf32>
        %max3A_316 = arith.maximumf %gather3A_313, %max3A_315 : vector<16xf32>
        %mul3A_317 = arith.mulf %max3A_316, %get3A_47 : vector<16xf32>
        %add3A_318 = arith.addf %add3A_286, %mul3A_317 : vector<16xf32>
        %broadcast_in_dim3A_319 = arith.constant 5 : i32
        %broadcast_in_dim3A_320 = vector.broadcast %broadcast_in_dim3A_319 : i32 to vector<16xi32>
        %gather3A_321 = tpu.vector_load_idx %arg11[%add3A_275, %broadcast_in_dim3A_320] : memref<3072x16xf32, #tpu.memory_space<vmem>>[vector<16xi32>, vector<16xi32>], vector<16xf32>,
        %max3A_322 = arith.constant 0.000000e+00 : f32
        %max3A_323 = vector.broadcast %max3A_322 : f32 to vector<16xf32>
        %max3A_324 = arith.maximumf %gather3A_321, %max3A_323 : vector<16xf32>
        %mul3A_325 = arith.mulf %max3A_324, %get3A_51 : vector<16xf32>
        %add3A_326 = arith.addf %add3A_294, %mul3A_325 : vector<16xf32>
        %broadcast_in_dim3A_327 = arith.constant 6 : i32
        %broadcast_in_dim3A_328 = vector.broadcast %broadcast_in_dim3A_327 : i32 to vector<16xi32>
        %gather3A_329 = tpu.vector_load_idx %arg11[%add3A_275, %broadcast_in_dim3A_328] : memref<3072x16xf32, #tpu.memory_space<vmem>>[vector<16xi32>, vector<16xi32>], vector<16xf32>,
        %max3A_330 = arith.constant 0.000000e+00 : f32
        %max3A_331 = vector.broadcast %max3A_330 : f32 to vector<16xf32>
        %max3A_332 = arith.maximumf %gather3A_329, %max3A_331 : vector<16xf32>
        %mul3A_333 = arith.mulf %max3A_332, %get3A_55 : vector<16xf32>
        %add3A_334 = arith.addf %add3A_302, %mul3A_333 : vector<16xf32>
        %broadcast_in_dim3A_335 = arith.constant 7 : i32
        %broadcast_in_dim3A_336 = vector.broadcast %broadcast_in_dim3A_335 : i32 to vector<16xi32>
        %gather3A_337 = tpu.vector_load_idx %arg11[%add3A_275, %broadcast_in_dim3A_336] : memref<3072x16xf32, #tpu.memory_space<vmem>>[vector<16xi32>, vector<16xi32>], vector<16xf32>,
        %max3A_338 = arith.constant 0.000000e+00 : f32
        %max3A_339 = vector.broadcast %max3A_338 : f32 to vector<16xf32>
        %max3A_340 = arith.maximumf %gather3A_337, %max3A_339 : vector<16xf32>
        %mul3A_341 = arith.mulf %max3A_340, %get3A_59 : vector<16xf32>
        %add3A_342 = arith.addf %add3A_310, %mul3A_341 : vector<16xf32>
        %broadcast_in_dim3A_343 = arith.constant 8 : i32
        %broadcast_in_dim3A_344 = vector.broadcast %broadcast_in_dim3A_343 : i32 to vector<16xi32>
        %gather3A_345 = tpu.vector_load_idx %arg11[%add3A_275, %broadcast_in_dim3A_344] : memref<3072x16xf32, #tpu.memory_space<vmem>>[vector<16xi32>, vector<16xi32>], vector<16xf32>,
        %max3A_346 = arith.constant 0.000000e+00 : f32
        %max3A_347 = vector.broadcast %max3A_346 : f32 to vector<16xf32>
        %max3A_348 = arith.maximumf %gather3A_345, %max3A_347 : vector<16xf32>
        %mul3A_349 = arith.mulf %max3A_348, %get3A_63 : vector<16xf32>
        %add3A_350 = arith.addf %add3A_318, %mul3A_349 : vector<16xf32>
        %broadcast_in_dim3A_351 = arith.constant 9 : i32
        %broadcast_in_dim3A_352 = vector.broadcast %broadcast_in_dim3A_351 : i32 to vector<16xi32>
        %gather3A_353 = tpu.vector_load_idx %arg11[%add3A_275, %broadcast_in_dim3A_352] : memref<3072x16xf32, #tpu.memory_space<vmem>>[vector<16xi32>, vector<16xi32>], vector<16xf32>,
        %max3A_354 = arith.constant 0.000000e+00 : f32
        %max3A_355 = vector.broadcast %max3A_354 : f32 to vector<16xf32>
        %max3A_356 = arith.maximumf %gather3A_353, %max3A_355 : vector<16xf32>
        %mul3A_357 = arith.mulf %max3A_356, %get3A_67 : vector<16xf32>
        %add3A_358 = arith.addf %add3A_326, %mul3A_357 : vector<16xf32>
        %broadcast_in_dim3A_359 = arith.constant 10 : i32
        %broadcast_in_dim3A_360 = vector.broadcast %broadcast_in_dim3A_359 : i32 to vector<16xi32>
        %gather3A_361 = tpu.vector_load_idx %arg11[%add3A_275, %broadcast_in_dim3A_360] : memref<3072x16xf32, #tpu.memory_space<vmem>>[vector<16xi32>, vector<16xi32>], vector<16xf32>,
        %max3A_362 = arith.constant 0.000000e+00 : f32
        %max3A_363 = vector.broadcast %max3A_362 : f32 to vector<16xf32>
        %max3A_364 = arith.maximumf %gather3A_361, %max3A_363 : vector<16xf32>
        %mul3A_365 = arith.mulf %max3A_364, %get3A_71 : vector<16xf32>
        %add3A_366 = arith.addf %add3A_334, %mul3A_365 : vector<16xf32>
        %broadcast_in_dim3A_367 = arith.constant 11 : i32
        %broadcast_in_dim3A_368 = vector.broadcast %broadcast_in_dim3A_367 : i32 to vector<16xi32>
        %gather3A_369 = tpu.vector_load_idx %arg11[%add3A_275, %broadcast_in_dim3A_368] : memref<3072x16xf32, #tpu.memory_space<vmem>>[vector<16xi32>, vector<16xi32>], vector<16xf32>,
        %max3A_370 = arith.constant 0.000000e+00 : f32
        %max3A_371 = vector.broadcast %max3A_370 : f32 to vector<16xf32>
        %max3A_372 = arith.maximumf %gather3A_369, %max3A_371 : vector<16xf32>
        %mul3A_373 = arith.mulf %max3A_372, %get3A_75 : vector<16xf32>
        %add3A_374 = arith.addf %add3A_342, %mul3A_373 : vector<16xf32>
        %broadcast_in_dim3A_375 = arith.constant 12 : i32
        %broadcast_in_dim3A_376 = vector.broadcast %broadcast_in_dim3A_375 : i32 to vector<16xi32>
        %gather3A_377 = tpu.vector_load_idx %arg11[%add3A_275, %broadcast_in_dim3A_376] : memref<3072x16xf32, #tpu.memory_space<vmem>>[vector<16xi32>, vector<16xi32>], vector<16xf32>,
        %max3A_378 = arith.constant 0.000000e+00 : f32
        %max3A_379 = vector.broadcast %max3A_378 : f32 to vector<16xf32>
        %max3A_380 = arith.maximumf %gather3A_377, %max3A_379 : vector<16xf32>
        %mul3A_381 = arith.mulf %max3A_380, %get3A_79 : vector<16xf32>
        %add3A_382 = arith.addf %add3A_350, %mul3A_381 : vector<16xf32>
        %broadcast_in_dim3A_383 = arith.constant 13 : i32
        %broadcast_in_dim3A_384 = vector.broadcast %broadcast_in_dim3A_383 : i32 to vector<16xi32>
        %gather3A_385 = tpu.vector_load_idx %arg11[%add3A_275, %broadcast_in_dim3A_384] : memref<3072x16xf32, #tpu.memory_space<vmem>>[vector<16xi32>, vector<16xi32>], vector<16xf32>,
        %max3A_386 = arith.constant 0.000000e+00 : f32
        %max3A_387 = vector.broadcast %max3A_386 : f32 to vector<16xf32>
        %max3A_388 = arith.maximumf %gather3A_385, %max3A_387 : vector<16xf32>
        %mul3A_389 = arith.mulf %max3A_388, %get3A_83 : vector<16xf32>
        %add3A_390 = arith.addf %add3A_358, %mul3A_389 : vector<16xf32>
        %broadcast_in_dim3A_391 = arith.constant 14 : i32
        %broadcast_in_dim3A_392 = vector.broadcast %broadcast_in_dim3A_391 : i32 to vector<16xi32>
        %gather3A_393 = tpu.vector_load_idx %arg11[%add3A_275, %broadcast_in_dim3A_392] : memref<3072x16xf32, #tpu.memory_space<vmem>>[vector<16xi32>, vector<16xi32>], vector<16xf32>,
        %max3A_394 = arith.constant 0.000000e+00 : f32
        %max3A_395 = vector.broadcast %max3A_394 : f32 to vector<16xf32>
        %max3A_396 = arith.maximumf %gather3A_393, %max3A_395 : vector<16xf32>
        %mul3A_397 = arith.mulf %max3A_396, %get3A_87 : vector<16xf32>
        %add3A_398 = arith.addf %add3A_366, %mul3A_397 : vector<16xf32>
        %broadcast_in_dim3A_399 = arith.constant 15 : i32
        %broadcast_in_dim3A_400 = vector.broadcast %broadcast_in_dim3A_399 : i32 to vector<16xi32>
        %gather3A_401 = tpu.vector_load_idx %arg11[%add3A_275, %broadcast_in_dim3A_400] : memref<3072x16xf32, #tpu.memory_space<vmem>>[vector<16xi32>, vector<16xi32>], vector<16xf32>,
        %max3A_402 = arith.constant 0.000000e+00 : f32
        %max3A_403 = vector.broadcast %max3A_402 : f32 to vector<16xf32>
        %max3A_404 = arith.maximumf %gather3A_401, %max3A_403 : vector<16xf32>
        %mul3A_405 = arith.mulf %max3A_404, %get3A_91 : vector<16xf32>
        %add3A_406 = arith.addf %add3A_374, %mul3A_405 : vector<16xf32>
        %add3A_407 = arith.addf %add3A_382, %add3A_390 : vector<16xf32>
        %add3A_408 = arith.addf %add3A_398, %add3A_406 : vector<16xf32>
        %add3A_409 = arith.addf %add3A_407, %add3A_408 : vector<16xf32>
        %mul3A_410 = arith.constant 16 : i32
        %mul3A_411 = arith.muli %scan3A_269, %mul3A_410 : i32
        %swap3A = arith.index_cast %mul3A_411 : i32 to index
        %swap3A_412 = tpu.vector_load %arg12[%swap3A] {strides = array<i32>} : memref<1024xf32, #tpu.memory_space<vmem>>, vector<16xf32>,
        tpu.vector_store %arg12[%swap3A], %add3A_409 {strides = array<i32>} : memref<1024xf32, #tpu.memory_space<vmem>>, vector<16xf32>,
      }
      %scan3A_266 = arith.constant 64 : i32
      %mul3A_267 = arith.constant 1024 : i32
      %mul3A_268 = arith.muli %add3A_250, %mul3A_267 : i32
      "tpu.region"() ({
        %run_scoped3A = tpu.sem_alloc : memref<!tpu.dma_semaphore, #tpu.memory_space<semaphore_mem>>
        %dma_start3A_269 = tpu.memref_slice %arg8[%mul3A_268] : memref<320000xf32, #tpu.memory_space<hbm>> -> memref<1024xf32, #tpu.memory_space<hbm>>
        %dma_start3A_270 = tpu.memref_slice %arg8[%mul3A_268] : memref<320000xf32, #tpu.memory_space<hbm>> -> memref<1024xf32, #tpu.memory_space<hbm>>
        tpu.enqueue_dma source(%arg12 : memref<1024xf32, #tpu.memory_space<vmem>>) target(%dma_start3A_270 : memref<1024xf32, #tpu.memory_space<hbm>>) target_semaphore(%run_scoped3A : memref<!tpu.dma_semaphore, #tpu.memory_space<semaphore_mem>>)
        %dma_wait3A_271 = tpu.memref_slice %arg8[%mul3A_268] : memref<320000xf32, #tpu.memory_space<hbm>> -> memref<1024xf32, #tpu.memory_space<hbm>>
        %dma_wait3A_272 = tpu.memref_slice %arg8[%mul3A_268] : memref<320000xf32, #tpu.memory_space<hbm>> -> memref<1024xf32, #tpu.memory_space<hbm>>
        tpu.wait_dma2 semaphore(%run_scoped3A : memref<!tpu.dma_semaphore, #tpu.memory_space<semaphore_mem>>) src(%arg12 : memref<1024xf32, #tpu.memory_space<vmem>>) dst(%dma_wait3A_272 : memref<1024xf32, #tpu.memory_space<hbm>>)
        tpu.yield
      }) : () -> ()
    } else {
    }
    %eq3A_256 = arith.constant 312 : i32
    %eq3A_257 = arith.cmpi eq, %add3A_250, %eq3A_256 : i32
    %convert_element_type3A_258 = arith.extui %eq3A_257 : i1 to i32
    %cond3A_259 = arith.constant 0 : i32
    %cond3A_260 = arith.cmpi ne, %convert_element_type3A_258, %cond3A_259 : i32
    scf.if %cond3A_260 {
      %scan3A_261 = arith.constant 0 : i32
      %scan3A_262 = arith.constant 0 : i32
      %scan3A_263 = arith.constant 32 : i32
      %scan3A_264 = arith.addi %scan3A_262, %scan3A_263 : i32
      %scan3A_265 = arith.constant 1 : i32
      scf.for %scan3A_269 = %scan3A_262 to %scan3A_264 step %scan3A_265  : i32 {
        %mul3A_270 = arith.constant 16 : i32
        %mul3A_271 = arith.muli %scan3A_269, %mul3A_270 : i32
        %add3A_272 = arith.constant 0 : i32
        %add3A_273 = arith.addi %add3A_272, %mul3A_271 : i32
        %add3A_274 = vector.broadcast %add3A_273 : i32 to vector<16xi32>
        %add3A_275 = arith.addi %add3A_274, %iota3A : vector<16xi32>
        %broadcast_in_dim3A = arith.constant 0.000000e+00 : f32
        %broadcast_in_dim3A_276 = vector.broadcast %broadcast_in_dim3A : f32 to vector<16xf32>
        %broadcast_in_dim3A_277 = arith.constant 0.000000e+00 : f32
        %broadcast_in_dim3A_278 = vector.broadcast %broadcast_in_dim3A_277 : f32 to vector<16xf32>
        %broadcast_in_dim3A_279 = arith.constant 0.000000e+00 : f32
        %broadcast_in_dim3A_280 = vector.broadcast %broadcast_in_dim3A_279 : f32 to vector<16xf32>
        %broadcast_in_dim3A_281 = arith.constant 0 : i32
        %broadcast_in_dim3A_282 = vector.broadcast %broadcast_in_dim3A_281 : i32 to vector<16xi32>
        %gather3A = tpu.vector_load_idx %arg11[%add3A_275, %broadcast_in_dim3A_282] : memref<3072x16xf32, #tpu.memory_space<vmem>>[vector<16xi32>, vector<16xi32>], vector<16xf32>,
        %max3A = arith.constant 0.000000e+00 : f32
        %max3A_283 = vector.broadcast %max3A : f32 to vector<16xf32>
        %max3A_284 = arith.maximumf %gather3A, %max3A_283 : vector<16xf32>
        %mul3A_285 = arith.mulf %max3A_284, %get3A_31 : vector<16xf32>
        %add3A_286 = arith.addf %get3A_27, %mul3A_285 : vector<16xf32>
        %broadcast_in_dim3A_287 = arith.constant 1 : i32
        %broadcast_in_dim3A_288 = vector.broadcast %broadcast_in_dim3A_287 : i32 to vector<16xi32>
        %gather3A_289 = tpu.vector_load_idx %arg11[%add3A_275, %broadcast_in_dim3A_288] : memref<3072x16xf32, #tpu.memory_space<vmem>>[vector<16xi32>, vector<16xi32>], vector<16xf32>,
        %max3A_290 = arith.constant 0.000000e+00 : f32
        %max3A_291 = vector.broadcast %max3A_290 : f32 to vector<16xf32>
        %max3A_292 = arith.maximumf %gather3A_289, %max3A_291 : vector<16xf32>
        %mul3A_293 = arith.mulf %max3A_292, %get3A_35 : vector<16xf32>
        %add3A_294 = arith.addf %broadcast_in_dim3A_276, %mul3A_293 : vector<16xf32>
        %broadcast_in_dim3A_295 = arith.constant 2 : i32
        %broadcast_in_dim3A_296 = vector.broadcast %broadcast_in_dim3A_295 : i32 to vector<16xi32>
        %gather3A_297 = tpu.vector_load_idx %arg11[%add3A_275, %broadcast_in_dim3A_296] : memref<3072x16xf32, #tpu.memory_space<vmem>>[vector<16xi32>, vector<16xi32>], vector<16xf32>,
        %max3A_298 = arith.constant 0.000000e+00 : f32
        %max3A_299 = vector.broadcast %max3A_298 : f32 to vector<16xf32>
        %max3A_300 = arith.maximumf %gather3A_297, %max3A_299 : vector<16xf32>
        %mul3A_301 = arith.mulf %max3A_300, %get3A_39 : vector<16xf32>
        %add3A_302 = arith.addf %broadcast_in_dim3A_278, %mul3A_301 : vector<16xf32>
        %broadcast_in_dim3A_303 = arith.constant 3 : i32
        %broadcast_in_dim3A_304 = vector.broadcast %broadcast_in_dim3A_303 : i32 to vector<16xi32>
        %gather3A_305 = tpu.vector_load_idx %arg11[%add3A_275, %broadcast_in_dim3A_304] : memref<3072x16xf32, #tpu.memory_space<vmem>>[vector<16xi32>, vector<16xi32>], vector<16xf32>,
        %max3A_306 = arith.constant 0.000000e+00 : f32
        %max3A_307 = vector.broadcast %max3A_306 : f32 to vector<16xf32>
        %max3A_308 = arith.maximumf %gather3A_305, %max3A_307 : vector<16xf32>
        %mul3A_309 = arith.mulf %max3A_308, %get3A_43 : vector<16xf32>
        %add3A_310 = arith.addf %broadcast_in_dim3A_280, %mul3A_309 : vector<16xf32>
        %broadcast_in_dim3A_311 = arith.constant 4 : i32
        %broadcast_in_dim3A_312 = vector.broadcast %broadcast_in_dim3A_311 : i32 to vector<16xi32>
        %gather3A_313 = tpu.vector_load_idx %arg11[%add3A_275, %broadcast_in_dim3A_312] : memref<3072x16xf32, #tpu.memory_space<vmem>>[vector<16xi32>, vector<16xi32>], vector<16xf32>,
        %max3A_314 = arith.constant 0.000000e+00 : f32
        %max3A_315 = vector.broadcast %max3A_314 : f32 to vector<16xf32>
        %max3A_316 = arith.maximumf %gather3A_313, %max3A_315 : vector<16xf32>
        %mul3A_317 = arith.mulf %max3A_316, %get3A_47 : vector<16xf32>
        %add3A_318 = arith.addf %add3A_286, %mul3A_317 : vector<16xf32>
        %broadcast_in_dim3A_319 = arith.constant 5 : i32
        %broadcast_in_dim3A_320 = vector.broadcast %broadcast_in_dim3A_319 : i32 to vector<16xi32>
        %gather3A_321 = tpu.vector_load_idx %arg11[%add3A_275, %broadcast_in_dim3A_320] : memref<3072x16xf32, #tpu.memory_space<vmem>>[vector<16xi32>, vector<16xi32>], vector<16xf32>,
        %max3A_322 = arith.constant 0.000000e+00 : f32
        %max3A_323 = vector.broadcast %max3A_322 : f32 to vector<16xf32>
        %max3A_324 = arith.maximumf %gather3A_321, %max3A_323 : vector<16xf32>
        %mul3A_325 = arith.mulf %max3A_324, %get3A_51 : vector<16xf32>
        %add3A_326 = arith.addf %add3A_294, %mul3A_325 : vector<16xf32>
        %broadcast_in_dim3A_327 = arith.constant 6 : i32
        %broadcast_in_dim3A_328 = vector.broadcast %broadcast_in_dim3A_327 : i32 to vector<16xi32>
        %gather3A_329 = tpu.vector_load_idx %arg11[%add3A_275, %broadcast_in_dim3A_328] : memref<3072x16xf32, #tpu.memory_space<vmem>>[vector<16xi32>, vector<16xi32>], vector<16xf32>,
        %max3A_330 = arith.constant 0.000000e+00 : f32
        %max3A_331 = vector.broadcast %max3A_330 : f32 to vector<16xf32>
        %max3A_332 = arith.maximumf %gather3A_329, %max3A_331 : vector<16xf32>
        %mul3A_333 = arith.mulf %max3A_332, %get3A_55 : vector<16xf32>
        %add3A_334 = arith.addf %add3A_302, %mul3A_333 : vector<16xf32>
        %broadcast_in_dim3A_335 = arith.constant 7 : i32
        %broadcast_in_dim3A_336 = vector.broadcast %broadcast_in_dim3A_335 : i32 to vector<16xi32>
        %gather3A_337 = tpu.vector_load_idx %arg11[%add3A_275, %broadcast_in_dim3A_336] : memref<3072x16xf32, #tpu.memory_space<vmem>>[vector<16xi32>, vector<16xi32>], vector<16xf32>,
        %max3A_338 = arith.constant 0.000000e+00 : f32
        %max3A_339 = vector.broadcast %max3A_338 : f32 to vector<16xf32>
        %max3A_340 = arith.maximumf %gather3A_337, %max3A_339 : vector<16xf32>
        %mul3A_341 = arith.mulf %max3A_340, %get3A_59 : vector<16xf32>
        %add3A_342 = arith.addf %add3A_310, %mul3A_341 : vector<16xf32>
        %broadcast_in_dim3A_343 = arith.constant 8 : i32
        %broadcast_in_dim3A_344 = vector.broadcast %broadcast_in_dim3A_343 : i32 to vector<16xi32>
        %gather3A_345 = tpu.vector_load_idx %arg11[%add3A_275, %broadcast_in_dim3A_344] : memref<3072x16xf32, #tpu.memory_space<vmem>>[vector<16xi32>, vector<16xi32>], vector<16xf32>,
        %max3A_346 = arith.constant 0.000000e+00 : f32
        %max3A_347 = vector.broadcast %max3A_346 : f32 to vector<16xf32>
        %max3A_348 = arith.maximumf %gather3A_345, %max3A_347 : vector<16xf32>
        %mul3A_349 = arith.mulf %max3A_348, %get3A_63 : vector<16xf32>
        %add3A_350 = arith.addf %add3A_318, %mul3A_349 : vector<16xf32>
        %broadcast_in_dim3A_351 = arith.constant 9 : i32
        %broadcast_in_dim3A_352 = vector.broadcast %broadcast_in_dim3A_351 : i32 to vector<16xi32>
        %gather3A_353 = tpu.vector_load_idx %arg11[%add3A_275, %broadcast_in_dim3A_352] : memref<3072x16xf32, #tpu.memory_space<vmem>>[vector<16xi32>, vector<16xi32>], vector<16xf32>,
        %max3A_354 = arith.constant 0.000000e+00 : f32
        %max3A_355 = vector.broadcast %max3A_354 : f32 to vector<16xf32>
        %max3A_356 = arith.maximumf %gather3A_353, %max3A_355 : vector<16xf32>
        %mul3A_357 = arith.mulf %max3A_356, %get3A_67 : vector<16xf32>
        %add3A_358 = arith.addf %add3A_326, %mul3A_357 : vector<16xf32>
        %broadcast_in_dim3A_359 = arith.constant 10 : i32
        %broadcast_in_dim3A_360 = vector.broadcast %broadcast_in_dim3A_359 : i32 to vector<16xi32>
        %gather3A_361 = tpu.vector_load_idx %arg11[%add3A_275, %broadcast_in_dim3A_360] : memref<3072x16xf32, #tpu.memory_space<vmem>>[vector<16xi32>, vector<16xi32>], vector<16xf32>,
        %max3A_362 = arith.constant 0.000000e+00 : f32
        %max3A_363 = vector.broadcast %max3A_362 : f32 to vector<16xf32>
        %max3A_364 = arith.maximumf %gather3A_361, %max3A_363 : vector<16xf32>
        %mul3A_365 = arith.mulf %max3A_364, %get3A_71 : vector<16xf32>
        %add3A_366 = arith.addf %add3A_334, %mul3A_365 : vector<16xf32>
        %broadcast_in_dim3A_367 = arith.constant 11 : i32
        %broadcast_in_dim3A_368 = vector.broadcast %broadcast_in_dim3A_367 : i32 to vector<16xi32>
        %gather3A_369 = tpu.vector_load_idx %arg11[%add3A_275, %broadcast_in_dim3A_368] : memref<3072x16xf32, #tpu.memory_space<vmem>>[vector<16xi32>, vector<16xi32>], vector<16xf32>,
        %max3A_370 = arith.constant 0.000000e+00 : f32
        %max3A_371 = vector.broadcast %max3A_370 : f32 to vector<16xf32>
        %max3A_372 = arith.maximumf %gather3A_369, %max3A_371 : vector<16xf32>
        %mul3A_373 = arith.mulf %max3A_372, %get3A_75 : vector<16xf32>
        %add3A_374 = arith.addf %add3A_342, %mul3A_373 : vector<16xf32>
        %broadcast_in_dim3A_375 = arith.constant 12 : i32
        %broadcast_in_dim3A_376 = vector.broadcast %broadcast_in_dim3A_375 : i32 to vector<16xi32>
        %gather3A_377 = tpu.vector_load_idx %arg11[%add3A_275, %broadcast_in_dim3A_376] : memref<3072x16xf32, #tpu.memory_space<vmem>>[vector<16xi32>, vector<16xi32>], vector<16xf32>,
        %max3A_378 = arith.constant 0.000000e+00 : f32
        %max3A_379 = vector.broadcast %max3A_378 : f32 to vector<16xf32>
        %max3A_380 = arith.maximumf %gather3A_377, %max3A_379 : vector<16xf32>
        %mul3A_381 = arith.mulf %max3A_380, %get3A_79 : vector<16xf32>
        %add3A_382 = arith.addf %add3A_350, %mul3A_381 : vector<16xf32>
        %broadcast_in_dim3A_383 = arith.constant 13 : i32
        %broadcast_in_dim3A_384 = vector.broadcast %broadcast_in_dim3A_383 : i32 to vector<16xi32>
        %gather3A_385 = tpu.vector_load_idx %arg11[%add3A_275, %broadcast_in_dim3A_384] : memref<3072x16xf32, #tpu.memory_space<vmem>>[vector<16xi32>, vector<16xi32>], vector<16xf32>,
        %max3A_386 = arith.constant 0.000000e+00 : f32
        %max3A_387 = vector.broadcast %max3A_386 : f32 to vector<16xf32>
        %max3A_388 = arith.maximumf %gather3A_385, %max3A_387 : vector<16xf32>
        %mul3A_389 = arith.mulf %max3A_388, %get3A_83 : vector<16xf32>
        %add3A_390 = arith.addf %add3A_358, %mul3A_389 : vector<16xf32>
        %broadcast_in_dim3A_391 = arith.constant 14 : i32
        %broadcast_in_dim3A_392 = vector.broadcast %broadcast_in_dim3A_391 : i32 to vector<16xi32>
        %gather3A_393 = tpu.vector_load_idx %arg11[%add3A_275, %broadcast_in_dim3A_392] : memref<3072x16xf32, #tpu.memory_space<vmem>>[vector<16xi32>, vector<16xi32>], vector<16xf32>,
        %max3A_394 = arith.constant 0.000000e+00 : f32
        %max3A_395 = vector.broadcast %max3A_394 : f32 to vector<16xf32>
        %max3A_396 = arith.maximumf %gather3A_393, %max3A_395 : vector<16xf32>
        %mul3A_397 = arith.mulf %max3A_396, %get3A_87 : vector<16xf32>
        %add3A_398 = arith.addf %add3A_366, %mul3A_397 : vector<16xf32>
        %broadcast_in_dim3A_399 = arith.constant 15 : i32
        %broadcast_in_dim3A_400 = vector.broadcast %broadcast_in_dim3A_399 : i32 to vector<16xi32>
        %gather3A_401 = tpu.vector_load_idx %arg11[%add3A_275, %broadcast_in_dim3A_400] : memref<3072x16xf32, #tpu.memory_space<vmem>>[vector<16xi32>, vector<16xi32>], vector<16xf32>,
        %max3A_402 = arith.constant 0.000000e+00 : f32
        %max3A_403 = vector.broadcast %max3A_402 : f32 to vector<16xf32>
        %max3A_404 = arith.maximumf %gather3A_401, %max3A_403 : vector<16xf32>
        %mul3A_405 = arith.mulf %max3A_404, %get3A_91 : vector<16xf32>
        %add3A_406 = arith.addf %add3A_374, %mul3A_405 : vector<16xf32>
        %add3A_407 = arith.addf %add3A_382, %add3A_390 : vector<16xf32>
        %add3A_408 = arith.addf %add3A_398, %add3A_406 : vector<16xf32>
        %add3A_409 = arith.addf %add3A_407, %add3A_408 : vector<16xf32>
        %mul3A_410 = arith.constant 16 : i32
        %mul3A_411 = arith.muli %scan3A_269, %mul3A_410 : i32
        %swap3A = arith.index_cast %mul3A_411 : i32 to index
        %swap3A_412 = tpu.vector_load %arg12[%swap3A] {strides = array<i32>} : memref<1024xf32, #tpu.memory_space<vmem>>, vector<16xf32>,
        tpu.vector_store %arg12[%swap3A], %add3A_409 {strides = array<i32>} : memref<1024xf32, #tpu.memory_space<vmem>>, vector<16xf32>,
      }
      %scan3A_266 = arith.constant 32 : i32
      %mul3A_267 = arith.constant 1024 : i32
      %mul3A_268 = arith.muli %add3A_250, %mul3A_267 : i32
      "tpu.region"() ({
        %run_scoped3A = tpu.sem_alloc : memref<!tpu.dma_semaphore, #tpu.memory_space<semaphore_mem>>
        %dma_start3A_269 = arith.constant 0 : i32
        %dma_start3A_270 = tpu.memref_slice %arg12[%dma_start3A_269] : memref<1024xf32, #tpu.memory_space<vmem>> -> memref<512xf32, #tpu.memory_space<vmem>>
        %dma_start3A_271 = tpu.memref_slice %arg8[%mul3A_268] : memref<320000xf32, #tpu.memory_space<hbm>> -> memref<512xf32, #tpu.memory_space<hbm>>
        %dma_start3A_272 = tpu.memref_slice %arg8[%mul3A_268] : memref<320000xf32, #tpu.memory_space<hbm>> -> memref<512xf32, #tpu.memory_space<hbm>>
        %dma_start3A_273 = arith.constant 0 : i32
        %dma_start3A_274 = tpu.memref_slice %arg12[%dma_start3A_273] : memref<1024xf32, #tpu.memory_space<vmem>> -> memref<512xf32, #tpu.memory_space<vmem>>
        tpu.enqueue_dma source(%dma_start3A_274 : memref<512xf32, #tpu.memory_space<vmem>>) target(%dma_start3A_272 : memref<512xf32, #tpu.memory_space<hbm>>) target_semaphore(%run_scoped3A : memref<!tpu.dma_semaphore, #tpu.memory_space<semaphore_mem>>)
        %dma_wait3A_275 = arith.constant 0 : i32
        %dma_wait3A_276 = tpu.memref_slice %arg12[%dma_wait3A_275] : memref<1024xf32, #tpu.memory_space<vmem>> -> memref<512xf32, #tpu.memory_space<vmem>>
        %dma_wait3A_277 = tpu.memref_slice %arg8[%mul3A_268] : memref<320000xf32, #tpu.memory_space<hbm>> -> memref<512xf32, #tpu.memory_space<hbm>>
        %dma_wait3A_278 = tpu.memref_slice %arg8[%mul3A_268] : memref<320000xf32, #tpu.memory_space<hbm>> -> memref<512xf32, #tpu.memory_space<hbm>>
        %dma_wait3A_279 = arith.constant 0 : i32
        %dma_wait3A_280 = tpu.memref_slice %arg12[%dma_wait3A_279] : memref<1024xf32, #tpu.memory_space<vmem>> -> memref<512xf32, #tpu.memory_space<vmem>>
        tpu.wait_dma2 semaphore(%run_scoped3A : memref<!tpu.dma_semaphore, #tpu.memory_space<semaphore_mem>>) src(%dma_wait3A_280 : memref<512xf32, #tpu.memory_space<vmem>>) dst(%dma_wait3A_278 : memref<512xf32, #tpu.memory_space<hbm>>)
        tpu.yield
      }) : () -> ()
    } else {
    }
    return
  }
}

module attributes {stable_mosaic.version = 14 : i64} {
  func.func @_tc_project(%arg0: memref<10000x128xf32, #tpu.memory_space<vmem>>, %arg1: memref<128x32xf32, #tpu.memory_space<vmem>>, %arg2: memref<1x16xf32, #tpu.memory_space<vmem>>, %arg3: memref<10000x16xf32, #tpu.memory_space<vmem>>, %arg4: memref<10000x16xf32, #tpu.memory_space<vmem>>) attributes {dimension_semantics = [], scalar_prefetch = 0 : i64, scratch_operands = 0 : i64, tpu.core_type = #tpu.core_type<tc>} {
    %get3A = arith.constant 0 : index
    %get3A_0 = arith.constant 0 : index
    %get3A_1 = vector.load %arg0[%get3A, %get3A_0] : memref<10000x128xf32, #tpu.memory_space<vmem>>, vector<10000x128xf32>
    %get3A_2 = arith.constant 0 : index
    %get3A_3 = arith.constant 0 : index
    %get3A_4 = vector.load %arg1[%get3A_2, %get3A_3] : memref<128x32xf32, #tpu.memory_space<vmem>>, vector<128x32xf32>
    %dot_general3A = arith.constant dense<0.000000e+00> : vector<10000x32xf32>
    %dot_general3A_5 = tpu.matmul %get3A_1, %get3A_4, %dot_general3A {dimension_numbers = #tpu.dot_dimension_numbers<[1], [0], [0], [1], [0, 0, 1, 1], [], []>, transpose_lhs_hint = false} : vector<10000x128xf32>, vector<128x32xf32>, vector<10000x32xf32> -> vector<10000x32xf32>
    %slice3A = vector.extract_strided_slice %dot_general3A_5 {offsets = [0, 0], sizes = [10000, 16], strides = [1, 1]} : vector<10000x32xf32> to vector<10000x16xf32>
    %get3A_6 = arith.constant 0 : index
    %get3A_7 = arith.constant 0 : index
    %get3A_8 = vector.load %arg2[%get3A_6, %get3A_7] : memref<1x16xf32, #tpu.memory_space<vmem>>, vector<1x16xf32>
    %add3A = vector.broadcast %get3A_8 : vector<1x16xf32> to vector<10000x16xf32>
    %add3A_9 = arith.addf %slice3A, %add3A : vector<10000x16xf32>
    %swap3A = arith.constant 0 : index
    %swap3A_10 = arith.constant 0 : index
    %swap3A_11 = vector.load %arg3[%swap3A, %swap3A_10] : memref<10000x16xf32, #tpu.memory_space<vmem>>, vector<10000x16xf32>
    tpu.vector_store %arg3[%swap3A, %swap3A_10], %add3A_9 {strides = array<i32>} : memref<10000x16xf32, #tpu.memory_space<vmem>>, vector<10000x16xf32>,
    %slice3A_12 = vector.extract_strided_slice %dot_general3A_5 {offsets = [0, 16], sizes = [10000, 16], strides = [1, 1]} : vector<10000x32xf32> to vector<10000x16xf32>
    %swap3A_13 = arith.constant 0 : index
    %swap3A_14 = arith.constant 0 : index
    %swap3A_15 = vector.load %arg4[%swap3A_13, %swap3A_14] : memref<10000x16xf32, #tpu.memory_space<vmem>>, vector<10000x16xf32>
    tpu.vector_store %arg4[%swap3A_13, %swap3A_14], %slice3A_12 {strides = array<i32>} : memref<10000x16xf32, #tpu.memory_space<vmem>>, vector<10000x16xf32>,
    return
  }
}

</mosaic_0001>

<sc_bundles>
// kernel: kernel.4.cloned.1.call-start
scs
__scs_entry_jumppad:
0x0: {  	(pc) =	sbr.rel $0x88, $3  }
0x1: {  	(tag) =	ssettag $0x0;
	lr =	simm.s32 $0x1  }
0x2: {  	[smem:$0x3F9B] =	sst lr;
	_ =	strace $0xD0000000  }
0x3: {  	_ = 	snop  }
0x4: {  	_ = 	snop  }
0x5: {  	_ = 	snop  }
0x6: {  	_ = 	snop  }
0x7: {  	_ = 	snop  }
__scs_overlays_trampoline_lowered:
0x8: {  	[smem:$0x3FAA] =	sst s0  }
0x9: {  	[smem:$0x3FAB] =	sst s1  }
0xa: {  	[smem:$0x3FAC] =	sst s2  }
0xb: {  	[smem:$0x3FAD] =	sst s3  }
0xc: {  	[smem:$0x3FAE] =	sst s4  }
0xd: {  	[smem:$0x3FAF] =	sst s5  }
0xe: {  	[smem:$0x3FB0] =	sst s6  }
0xf: {  	[smem:$0x3FB1] =	sst s7  }
0x10: {  	[smem:$0x3FB2] =	sst s8  }
0x11: {  	[smem:$0x3FB3] =	sst s9;
	s0 =	simm.s32 @!p0 $0x0  }
0x12: {  	s1 =	sld [smem:$0x3F99];
	s0 =	simm.s32 @p0 $0x1  }
0x13: {  	[smem:$0x3FB4] =	sst s0;
	s0 =	simm.s32 @!p1 $0x0  }
0x14: {  	s2 =	sld [smem:$0x3F98];
	s0 =	simm.s32 @p1 $0x1  }
0x15: {  	[smem:$0x3FB5] =	sst s0;
	s0 =	simm.s32 @!p2 $0x0  }
0x16: {  	s3 =	sld [smem:$0x3FDB];
	s0 =	simm.s32 @p2 $0x1  }
0x17: {  	s4 =	simm.s32 $0x1BF5;
	[smem:$0x3FB7] =	sst s0  }
0x18: {  	s0 =	sld [smem:$0x3F9A];
	_ =	swait.ge [sflag:s4], $0x0  }
0x19: {  	s7 =	sld [smem:$0x3F9B]  }
0x1a: {  	s8 =	sadd.s32 $0xFFFFE003, lr  }
0x1b: {  	s9 =	sadd.s32 $0xFFFFFEF7, lr;
	s5 =	simm.s32 $0xFFFFFFFF;
	p2 =	slt.u32 s8, $0xFFFFF086  }
0x1c: {  	p1 =	slt.u32 s9, $0xF7A;
	s5 =	simm.s32 @!p2 $0x0  }
0x1d: {  	s5 =	simm.s32 @p1 $0x1;
	p0 =	seq.s32 s7, s2  }
0x1e: {  	s7 =	smul.u32 @!p0 $0xF7A, s2;
	p2 =	seq.s32 @!p0 s5, $0x0  }
0x1f: {  	s9 =	smul.u32 $0xF7A, s1;
	s8 =	simm.s32 @!p0 $0x1BF5;
	p2 =	por !p2, p0  }
0x20: {  	[sflag:s8] =	ssyncset.s32 @!p0 $0xFFFFF086;
	s6 =	sadd.s32 @!p0 s3, s7;
	s7 =	simm.s32 @!p0 $0x108  }
0x21: {  	s3 =	sadd.s32 s3, s9;
	s6 =	sadd.s32 @!p0 $0x88, s6;
	s7 =	simm.s32 @p2 $0x1082  }
0x22: {  	[simem:s7], [sflag:s8] =	dma.local @!p0 [hbm:s6], $0xF7A  }
0x23: {  	s9 =	sor.u32 $0xD0000000, s2;
	s6 =	simm.s32 $0x108;
	_ =	swait.ge @!p0 [sflag:s8], $0x0  }
0x24: {  	s3 =	sadd.s32 $0x88, s3;
	s6 =	simm.s32 @!p1 $0x1082;
	[sflag:s4] =	ssyncset.s32 $0xFFFFF086  }
0x25: {  	[simem:s6], [sflag:s4] =	dma.local [hbm:s3], $0xF7A  }
0x26: {  	[smem:$0x3F9B] =	sst s1;
	(tag) =	ssettag s2;
	_ =	strace s9  }
0x27: {  	s1 =	sld [smem:$0x3FAB]  }
0x28: {  	s2 =	sld [smem:$0x3FAC]  }
0x29: {  	s4 =	sld [smem:$0x3FAE]  }
0x2a: {  	p0 =	seq.s32 s5, $0x0;
	s5 =	sld [smem:$0x3FAF]  }
0x2b: {  	s6 =	sld [smem:$0x3FB0]  }
0x2c: {  	s7 =	sld [smem:$0x3FB1]  }
0x2d: {  	s3 =	simm.s32 $0x108;
	s8 =	sld [smem:$0x3FB2]  }
0x2e: {  	s3 =	simm.s32 @!p0 $0x1082;
	s9 =	sld [smem:$0x3FB3]  }
0x2f: {  	lr =	sadd.s32 s0, s3;
	s0 =	sld [smem:$0x3FAA]  }
0x30: {  	s3 =	sld [smem:$0x3FAD]  }
0x31: {  	[smem:$0x3FB6] =	sst s10  }
0x32: {  	s10 =	sld [smem:$0x3FB4];
	_ =	sdelay $0x3  }
0x33: {  	p0 =	seq.s32 s10, $0x1;
	s10 =	sld [smem:$0x3FB6];
	_ =	sdelay $0x3  }
0x34: {  	[smem:$0x3FB6] =	sst s10  }
0x35: {  	s10 =	sld [smem:$0x3FB5];
	_ =	sdelay $0x3  }
0x36: {  	p1 =	seq.s32 s10, $0x1;
	s10 =	sld [smem:$0x3FB6];
	_ =	sdelay $0x3  }
0x37: {  	[smem:$0x3FB6] =	sst s10  }
0x38: {  	s10 =	sld [smem:$0x3FB7]  }
0x39: {  	_ = 	snop;
	(pc) =	sbr.ind lr, $3  }
0x3a: {  	_ = 	snop  }
0x3b: {  	_ = 	snop  }
0x3c: {  	p2 =	seq.s32 s10, $0x1;
	s10 =	sld [smem:$0x3FB6]  }
0x3d: {  	_ =	shalt  }
0x3e: {  	_ =	shalt  }
0x3f: {  	_ =	shalt  }
0x40: {  	_ =	shalt  }
0x41: {  	_ =	shalt  }
0x42: {  	_ =	shalt  }
0x43: {  	_ =	shalt  }
0x44: {  	_ =	shalt  }
0x45: {  	_ =	shalt  }
0x46: {  	_ =	shalt  }
0x47: {  	_ =	shalt  }
0x48: {  	_ =	shalt  }
0x49: {  	_ =	shalt  }
0x4a: {  	_ =	shalt  }
0x4b: {  	_ =	shalt  }
0x4c: {  	_ =	shalt  }
0x4d: {  	_ =	shalt  }
0x4e: {  	_ =	shalt  }
0x4f: {  	_ =	shalt  }
0x50: {  	_ =	shalt  }
0x51: {  	_ =	shalt  }
0x52: {  	_ =	shalt  }
0x53: {  	_ =	shalt  }
0x54: {  	_ =	shalt  }
0x55: {  	_ =	shalt  }
0x56: {  	_ =	shalt  }
0x57: {  	_ =	shalt  }
0x58: {  	_ =	shalt  }
0x59: {  	_ =	shalt  }
0x5a: {  	_ =	shalt  }
0x5b: {  	_ =	shalt  }
0x5c: {  	_ =	shalt  }
0x5d: {  	_ =	shalt  }
0x5e: {  	_ =	shalt  }
0x5f: {  	_ =	shalt  }
0x60: {  	_ =	shalt  }
0x61: {  	_ =	shalt  }
0x62: {  	_ =	shalt  }
0x63: {  	_ =	shalt  }
0x64: {  	_ =	shalt  }
0x65: {  	_ =	shalt  }
0x66: {  	_ =	shalt  }
0x67: {  	_ =	shalt  }
0x68: {  	_ =	shalt  }
0x69: {  	_ =	shalt  }
0x6a: {  	_ =	shalt  }
0x6b: {  	_ =	shalt  }
0x6c: {  	_ =	shalt  }
0x6d: {  	_ =	shalt  }
0x6e: {  	_ =	shalt  }
0x6f: {  	_ =	shalt  }
0x70: {  	_ =	shalt  }
0x71: {  	_ =	shalt  }
0x72: {  	_ =	shalt  }
0x73: {  	_ =	shalt  }
0x74: {  	_ =	shalt  }
0x75: {  	_ =	shalt  }
0x76: {  	_ =	shalt  }
0x77: {  	_ =	shalt  }
0x78: {  	_ =	shalt  }
0x79: {  	_ =	shalt  }
0x7a: {  	_ =	shalt  }
0x7b: {  	_ =	shalt  }
0x7c: {  	_ =	shalt  }
0x7d: {  	_ =	shalt  }
0x7e: {  	_ =	shalt  }
0x7f: {  	_ =	shalt  }
0x80: {  	_ =	shalt  }
0x81: {  	_ =	shalt  }
0x82: {  	_ =	shalt  }
0x83: {  	_ =	shalt  }
0x84: {  	_ =	shalt  }
0x85: {  	_ =	shalt  }
0x86: {  	_ =	shalt  }
0x87: {  	_ =	shalt  }
.Lfunc_end0:
.L_simem_size_0:
called_computation_lowered:
.L_overlay_start_0:
0x88: {  	s2 =	sld [smem:$0x3FD9]  }
0x89: {  	s3 =	sld [smem:$0x3FFE];
	_ =	sdelay $0x1  }
0x8a: {  	s1 =	srdreg.scid  }
0x8b: {  	s0 =	sand.u32 $0x1, s1  }
0x8c: {  	s17 =	sshll.u32 s0, $0xA;
	s2 =	sadd.s32 s3, s2  }
0x8d: {  	s2 =	sadd.s32 s2, s17  }
0x8e: {  	[smem:$0x3FC2] =	sst s2  }
0x8f: {  	_ = 	snop  }
0x90: {  	s2 =	sld [smem:$0x3FD0];
	(tm) =	ssettm $0x1  }
0x91: {  	s18 =	sld [smem:$0x3FFB];
	_ =	sdelay $0x3  }
0x92: {  	_ =	strace s18  }
0x93: {  	s3 =	sld [smem:$0x3FFC];
	_ =	sdelay $0x3  }
0x94: {  	_ =	strace s3  }
0x95: {  	s3 =	sld [smem:$0x3FFD];
	_ =	sdelay $0x3  }
0x96: {  	_ =	strace s3  }
0x97: {  	_ =	strace $0x8FFFFFFF  }
0x98: {  	s19 =	sld [smem:$0x3FDB];
	_ =	sdelay $0x1  }
0x99: {  	s4 =	simm.s32 $_scs_section_size  }
0x9a: {  	s5 =	simm.s32 $_size__tile_overlayer_lowered;
	s6 =	simm.s32 $_tile_overlayer_lowered  }
0x9b: {  	s22 =	simm.s32 $0x1BFF;
	s21 =	sshll.u32 s6, $0x1;
	s3 =	sadd.s32 s4, s19  }
0x9c: {  	s7 =	simm.s32 $0x0;
	s20 =	sshll.u32 s5, $0x1;
	s5 =	sadd.s32 s21, s3  }
0x9d: {  	[timem:s7], [sflag:s22] =	dma.local [hbm:s5], s20  }
0x9e: {  	_ =	swait.ge [sflag:s22], s20  }
0x9f: {  	s4 =	ssub.s32 $0x0, s20;
	[sflag:s22] =	ssyncset.done $0x0  }
0xa0: {  	[sflag:s22] =	ssyncadd.s32 s4;
	_ =	sdelay $0x1  }
0xa1: {  	s23 =	simm.s32 $0x1B8B  }
0xa2: {  	_ =	swait.ge [sflag:s23], $0x1  }
0xa3: {  	[sflag:s23] =	ssyncset.done $0x0  }
0xa4: {  	s25 =	simm.s32 $0x1B8E;
	s24 =	sld [smem:$0x3FFE];
	[sflag:s23] =	ssyncadd.s32 $0xFFFFFFFF  }
0xa5: {  	s26 =	simm.s32 $execute0_lowered;
	[smem:$0x3FD2] =	sst s25  }
0xa6: {  	s5 =	sshll.u32 s26, $0x1;
	_ =	strace $0x80000046;
	[dreg:$0x1] =	wrdreg $0xFFFFFFFF  }
0xa7: {  	s28 =	simm.s32 $_size_execute0_lowered;
	s3 =	sadd.s32 s3, s5;
	[dreg:$0x0] =	wrdreg $0x0  }
0xa8: {  	s5 =	sshll.u32 s28, $0x1;
	[dreg:$0x2] =	wrdreg s3  }
0xa9: {  	[dreg:$0x3] =	wrdreg s5  }
0xaa: {  	[dreg:$0x4] =	wrdreg $0xC0  }
0xab: {  	_ =	task [dreg:s7], $0x5FFFF  }
0xac: {  	[dreg:$0x1] =	wrdreg $0xFFFFFFFF  }
0xad: {  	[dreg:$0x0] =	wrdreg $0x60  }
0xae: {  	[dreg:$0x2] =	wrdreg s24  }
0xaf: {  	[dreg:$0x3] =	wrdreg s2  }
0xb0: {  	[dreg:$0x4] =	wrdreg $0xDD100  }
0xb1: {  	[dreg:$0x5] =	wrdreg $0x104200  }
0xb2: {  	[dreg:$0x6] =	wrdreg $0x9  }
0xb3: {  	_ =	task.clear_ibuf [dreg:s7], $0x7FFFF;
	_ =	strace $0x90000046  }
0xb4: {  	s29 =	simm.s32 $0x9;
	_ =	strace $0x80000048  }
0xb5: {  	_ =	swait.ge [sflag:s29], $0x1  }
0xb6: {  	[sflag:s29] =	ssyncadd.s32 $0xFFFFFFFF  }
0xb7: {  	_ =	strace $0x90000048  }
0xb8: {  	_ =	sfence  }
0xb9: {  	s30 =	sld [smem:$0x0];
	_ =	sdelay $0x2  }
0xba: {  	s31 =	sshll.u32 s1, $0xD;
	s1 =	sshrl.u32 s1, $0x2  }
0xbb: {  	s3 =	sand.u32 $0x4000, s31;
	s1 =	sadd.s32 s1, s30  }
0xbc: {  	s0 =	sor.u32 s3, s0;
	s1 =	sshll.u32 s1, $0x11  }
0xbd: {  	s0 =	sor.u32 s1, s0  }
0xbe: {  	s0 =	sadd.s32 $0x8F2B, s0  }
0xbf: {  	[sflag:s0] =	ssyncadd.remote.s32 $0x1  }
0xc0: {  	_ =	sfence.sel $0xFFFF  }
0xc1: {  	[dreg:$0x0] =	wrdreg $0xFFFFFFFF;
	(pc) =	sbr.abs _section_cstart, $3  }
0xc2: {  	[dreg:$0x1] =	wrdreg $0xFFFFFFFF  }
0xc3: {  	_ =	task.clear_ibuf [dreg:s7], $0x2FFFF;
	_ =	strace $0x9FFFFFFF  }
0xc4: {  	(tm) =	ssettm $0x7FFFFFFF  }
0xc5: {  	_ =	shalt  }
tec
execute0_lowered:
.L_overlay_start_1:
0x0: {  	(tag) =	ssettag $0x1  }
0x1: {  	s0 =	rddreg [dreg:$0x0]  }
0x2: {  	s2 =	rddreg [dreg:$0x1]  }
0x3: {  	s3 =	rddreg [dreg:$0x2]  }
0x4: {  	s4 =	rddreg [dreg:$0x3];
	s13 =	stileid.u32;
	s5 =	simm.s32 $0x0  }
0x5: {  	s7 =	srdreg.scid;
	s29 =	simm.s32 $0x1;
	s30 =	simm.s32 $0x2  }
0x6: {  	s1 =	smul.u32 $0x2710, s13;
	[smem:$0x7FF] =	sst s5;
	s9 =	sand.u32 $0x1, s7  }
0x7: {  	s7 =	sadd.s32 $0xA800, s0;
	s10 =	sadd.s32 $0x1E400, s0;
	s11 =	sadd.s32 $0x1E600, s0  }
0x8: {  	s12 =	sshll.u32 s13, $0x1;
	s20 =	sshll.u32 s13, $0x6;
	s18 =	sadd.s32 $0x1E200, s0  }
0x9: {  	_ =	strace $0x80000047;
	[dreg:$0x5] =	wrdreg s10;
	s15 =	ssub.s32 $0x2, s9  }
0xa: {  	[dreg:$0x6] =	wrdreg s11;
	s9 =	sor.u32 s9, s12;
	s11 =	sor.u32 $0x1C01, s20  }
0xb: {  	s20 =	sadd.s32 $0x9C00, s2;
	s6 =	sshrl.u32 s1, $0x3;
	s16 =	sshrl.u32 s15, $0x1  }
0xc: {  	s17 =	sadd.s32 s1, s3;
	s14 =	smul.u32 $0x500, s9;
	s1 =	sadd.s32 s1, s4  }
0xd: {  	s13 =	smul.u32 $0xA, s9;
	p0 =	seq.s32 s9, $0x1F;
	s8 =	sadd.s32 s6, s0  }
0xe: {  	s6 =	sadd.s32 $0x14600, s0;
	s10 =	ssub.s32 s15, s16;
	s28 =	sshrl.u32 s17, $0x3  }
0xf: {  	s31 =	sshrl.u32 s1, $0x3;
	s1 =	simm.s32 $0x1800;
	[dreg:$0x10] =	wrdreg s28  }
0x10: {  	s16 =	simm.s32 $0x0;
	s19 =	sadd.s32 $0x5800, s8;
	[dreg:$0x11] =	wrdreg s31  }
0x11: {  	s8 =	sadd.s32 $0x800, s8;
	s21 =	sadd.s32 s6, s14;
	[dreg:$0x7] =	wrdreg s19  }
0x12: {  	s22 =	sor.u32 $0x80, s14;
	s15 =	sadd.s32 s7, s14;
	[dreg:$0x8] =	wrdreg s8  }
0x13: {  	s24 =	sadd.s32 $0x8, s13;
	s25 =	sadd.s32 s14, s2;
	[dreg:$0x9] =	wrdreg s21  }
0x14: {  	s26 =	smax.u32 s10, $0x1;
	s14 =	simm.s32 $0xD800;
	[dreg:$0xa] =	wrdreg s15  }
.Ltmp0:
0x15: {  	s23 =	sadd.s32 s6, s22;
	[dreg:$0xe] =	wrdreg s26;
	(pc) =	sbr.rel .LBB2_1-.Ltmp0, $4  }
0x16: {  	s8 =	sadd.s32 s7, s22;
	s19 =	sadd.s32 $0x14400, s0;
	[dreg:$0xb] =	wrdreg s23  }
0x17: {  	s0 =	sshll.u32 s24, $0x7;
	[dreg:$0xc] =	wrdreg s8;
	s8 =	sadd.s32 $0x480, s25  }
0x18: {  	v0 =	vlaneseq.u32;
	p1 =	sne.s32 s24, $0x138;
	s0 =	sadd.s32 s2, s0;
	[dreg:$0xd] =	wrdreg s8  }
0x19: {  	v0 =	vmul.u32 $0x10, v0;
	s15 =	simm.s32 $0x3;
	[dreg:$0xf] =	wrdreg s0;
	s0 =	simm.s32 $0x80  }
.LBB2_21:
0x1a: {  	s16 =	sadd.s32 $0x1, s16;
	s12 =	rddreg [dreg:$0xe]  }
0x1b: {  	p2 =	sne.s32 s16, s12  }
.Ltmp1:
0x1c: {  	_ = 	snop;
	(pc) =	sbr.rel @!p2 .LBB2_22-.Ltmp1, $1  }
0x1d: {  	_ =	sdelay $0x3  }
.LBB2_1:
0x1e: {  	s12 =	rddreg [dreg:$0x7]  }
0x1f: {  	s17 =	rddreg [dreg:$0x10]  }
0x20: {  	[spmem:s17], [sflag:s11] =	dma.local [hbm:s12], $0x4E2  }
0x21: {  	s12 =	rddreg [dreg:$0x8]  }
0x22: {  	s17 =	rddreg [dreg:$0x11]  }
0x23: {  	[spmem:s17], [sflag:s11] =	dma.local [hbm:s12], $0x4E2  }
0x24: {  	s10 =	simm.s32 $0xDC00;
	s12 =	rddreg [dreg:$0x5]  }
0x25: {  	[tilespmem:s10], [sflag:$0x1] =	stream.linear.gather [hbm4b:s12+s5], $0x100, $0x38;
	[tilespmem:$0x12B30] =	vst v63  }
0x26: {  	s21 =	simm.s32 $0xDD00;
	s17 =	rddreg [dreg:$0x6]  }
0x27: {  	[tilespmem:s21], [sflag:$0x1] =	stream.linear.gather [hbm4b:s17+s5], $0x10, $0x38;
	[tilespmem:$0x12B30] =	vst v63  }
0x28: {  	_ =	swait.ge [sflag:s29], $0x4E2  }
0x29: {  	[sflag:s29] =	ssyncset.done $0x0  }
0x2a: {  	[sflag:s29] =	ssyncadd.s32 $0xFFFFFB1E  }
0x2b: {  	_ =	swait.ge [sflag:s29], $0x4E2  }
0x2c: {  	[sflag:s29] =	ssyncset.done $0x0  }
0x2d: {  	[sflag:s29] =	ssyncadd.s32 $0xFFFFFB1E  }
0x2e: {  	_ =	swait.ge [sflag:s29], $0x100  }
0x2f: {  	[sflag:s29] =	ssyncset.done $0x0  }
0x30: {  	[sflag:s29] =	ssyncadd.s32 $0xFFFFFF00  }
0x31: {  	_ =	swait.ge [sflag:s29], $0x10  }
0x32: {  	[sflag:s29] =	ssyncset.done $0x0  }
0x33: {  	[sflag:s29] =	ssyncadd.s32 $0xFFFFFFF0  }
0x34: {  	[bflag:$0x0] =	sbarrier.arrive $0xFFFF  }
0x35: {  	v1 =	vld [tilespmem:$0xDD00]  }
0x36: {  	v2 =	vld [tilespmem:$0xDC00]  }
0x37: {  	v4 =	vld [tilespmem:$0xDC10]  }
0x38: {  	v5 =	vld [tilespmem:$0xDC20]  }
0x39: {  	v6 =	vld [tilespmem:$0xDC30]  }
0x3a: {  	v9 =	vld [tilespmem:$0xDC40]  }
0x3b: {  	v7 =	vld [tilespmem:$0xDC50]  }
0x3c: {  	v12 =	vld [tilespmem:$0xDC60]  }
0x3d: {  	v13 =	vld [tilespmem:$0xDC70]  }
0x3e: {  	v14 =	vld [tilespmem:$0xDC80]  }
0x3f: {  	v10 =	vld [tilespmem:$0xDC90]  }
0x40: {  	v15 =	vld [tilespmem:$0xDCA0]  }
0x41: {  	v11 =	vld [tilespmem:$0xDCB0]  }
0x42: {  	v8 =	vld [tilespmem:$0xDCC0]  }
0x43: {  	v3 =	vld [tilespmem:$0xDCD0]  }
0x44: {  	v16 =	vld [tilespmem:$0xDCE0];
	s22 =	rddreg [dreg:$0x9]  }
0x45: {  	v17 =	vld [tilespmem:$0xDCF0];
	[tilespmem:s5], [sflag:$0x2] =	stream.linear.gather [hbm4b:s22+s5], $0x400, $0x38  }
0x46: {  	_ =	swait.ge [sflag:s30], $0x400  }
0x47: {  	[sflag:s30] =	ssyncset.done $0x0  }
0x48: {  	s17 =	simm.s32 $0xC00;
	s23 =	rddreg [dreg:$0xa];
	[sflag:s30] =	ssyncadd.s32 $0xFFFFFC00  }
0x49: {  	[tilespmem:s17], [sflag:$0x2] =	stream.linear.gather [hbm4b:s23+s5], $0x400, $0x38;
	[tilespmem:$0x12B30] =	vst v63  }
0x4a: {  	_ =	swait.ge [sflag:s30], $0x400  }
0x4b: {  	[sflag:s30] =	ssyncset.done $0x0  }
0x4c: {  	[sflag:s30] =	ssyncadd.s32 $0xFFFFFC00  }
0x4d: {  	[tilespmem:s1], [sflag:$0x1] =	stream.indirect.gather [spmem:s3], $0x10, s5, s0, $0xb8;
	[tilespmem:$0x12B30] =	vst v63  }
0x4e: {  	s21 =	simm.s32 $0x2000  }
0x4f: {  	[tilespmem:s21], [sflag:$0x1] =	stream.indirect.gather [spmem:s3], $0x10, s0, s0, $0xb8;
	[tilespmem:$0x12B30] =	vst v63  }
0x50: {  	s8 =	simm.s32 $0x100;
	s22 =	simm.s32 $0x2800  }
0x51: {  	[tilespmem:s22], [sflag:$0x1] =	stream.indirect.gather [spmem:s3], $0x10, s8, s0, $0xb8;
	[tilespmem:$0x12B30] =	vst v63  }
0x52: {  	s24 =	simm.s32 $0x180;
	s23 =	simm.s32 $0x3000  }
0x53: {  	[tilespmem:s23], [sflag:$0x1] =	stream.indirect.gather [spmem:s3], $0x10, s24, s0, $0xb8;
	[tilespmem:$0x12B30] =	vst v63  }
0x54: {  	s25 =	simm.s32 $0x200;
	s24 =	simm.s32 $0x3800  }
0x55: {  	[tilespmem:s24], [sflag:$0x1] =	stream.indirect.gather [spmem:s3], $0x10, s25, s0, $0xb8;
	[tilespmem:$0x12B30] =	vst v63  }
0x56: {  	s26 =	simm.s32 $0x280;
	s25 =	simm.s32 $0x4000  }
0x57: {  	[tilespmem:s25], [sflag:$0x1] =	stream.indirect.gather [spmem:s3], $0x10, s26, s0, $0xb8;
	[tilespmem:$0x12B30] =	vst v63  }
0x58: {  	s28 =	simm.s32 $0x300;
	s26 =	simm.s32 $0x4800  }
0x59: {  	[tilespmem:s26], [sflag:$0x1] =	stream.indirect.gather [spmem:s3], $0x10, s28, s0, $0xb8;
	[tilespmem:$0x12B30] =	vst v63  }
0x5a: {  	s31 =	simm.s32 $0x380;
	s28 =	simm.s32 $0x5000  }
0x5b: {  	[tilespmem:s28], [sflag:$0x1] =	stream.indirect.gather [spmem:s3], $0x10, s31, s0, $0xb8;
	[tilespmem:$0x12B30] =	vst v63  }
0x5c: {  	s9 =	rddreg [dreg:$0xb];
	s8 =	simm.s32 $0x400  }
0x5d: {  	[tilespmem:s8], [sflag:$0x2] =	stream.linear.gather [hbm4b:s9+s5], $0x400, $0x38;
	[tilespmem:$0x12B30] =	vst v63  }
0x5e: {  	_ =	swait.ge [sflag:s30], $0x400  }
0x5f: {  	[sflag:s30] =	ssyncset.done $0x0  }
0x60: {  	s9 =	simm.s32 $0x1000;
	s10 =	rddreg [dreg:$0xc];
	[sflag:s30] =	ssyncadd.s32 $0xFFFFFC00  }
0x61: {  	[tilespmem:s9], [sflag:$0x2] =	stream.linear.gather [hbm4b:s10+s5], $0x400, $0x38;
	[tilespmem:$0x12B30] =	vst v63  }
0x62: {  	_ =	swait.ge [sflag:s30], $0x400  }
0x63: {  	[sflag:s30] =	ssyncset.done $0x0  }
0x64: {  	s31 =	simm.s32 $0x5800;
	[sflag:s30] =	ssyncadd.s32 $0xFFFFFC00  }
0x65: {  	[tilespmem:s31], [sflag:$0x1] =	stream.indirect.gather [spmem:s3], $0x10, s8, s0, $0xb8;
	[tilespmem:$0x12B30] =	vst v63  }
0x66: {  	s9 =	simm.s32 $0x480;
	s10 =	simm.s32 $0x6000  }
0x67: {  	[tilespmem:s10], [sflag:$0x1] =	stream.indirect.gather [spmem:s3], $0x10, s9, s0, $0xb8;
	[tilespmem:$0x12B30] =	vst v63  }
0x68: {  	s12 =	simm.s32 $0x500;
	s31 =	simm.s32 $0x6800  }
0x69: {  	[tilespmem:s31], [sflag:$0x1] =	stream.indirect.gather [spmem:s3], $0x10, s12, s0, $0xb8;
	[tilespmem:$0x12B30] =	vst v63  }
0x6a: {  	s9 =	simm.s32 $0x580;
	s10 =	simm.s32 $0x7000  }
0x6b: {  	[tilespmem:s10], [sflag:$0x1] =	stream.indirect.gather [spmem:s3], $0x10, s9, s0, $0xb8;
	[tilespmem:$0x12B30] =	vst v63  }
0x6c: {  	s12 =	simm.s32 $0x600;
	s31 =	simm.s32 $0x7800  }
0x6d: {  	[tilespmem:s31], [sflag:$0x1] =	stream.indirect.gather [spmem:s3], $0x10, s12, s0, $0xb8;
	[tilespmem:$0x12B30] =	vst v63  }
0x6e: {  	s9 =	simm.s32 $0x680;
	s10 =	simm.s32 $0x8000  }
0x6f: {  	[tilespmem:s10], [sflag:$0x1] =	stream.indirect.gather [spmem:s3], $0x10, s9, s0, $0xb8;
	[tilespmem:$0x12B30] =	vst v63  }
0x70: {  	s12 =	simm.s32 $0x700;
	s31 =	simm.s32 $0x8800  }
0x71: {  	[tilespmem:s31], [sflag:$0x1] =	stream.indirect.gather [spmem:s3], $0x10, s12, s0, $0xb8;
	[tilespmem:$0x12B30] =	vst v63  }
0x72: {  	s10 =	simm.s32 $0x780;
	s12 =	simm.s32 $0x9000  }
0x73: {  	[tilespmem:s12], [sflag:$0x1] =	stream.indirect.gather [spmem:s3], $0x10, s10, s0, $0xb8;
	[tilespmem:$0x12B30] =	vst v63  }
0x74: {  	_ =	swait.ge [sflag:s29], $0x800  }
0x75: {  	[sflag:s29] =	ssyncset.done $0x0  }
0x76: {  	[sflag:s29] =	ssyncadd.s32 $0xFFFFF800  }
0x77: {  	_ =	swait.ge [sflag:s29], $0x800  }
0x78: {  	[sflag:s29] =	ssyncset.done $0x0  }
0x79: {  	[sflag:s29] =	ssyncadd.s32 $0xFFFFF800  }
0x7a: {  	_ =	swait.ge [sflag:s29], $0x800  }
0x7b: {  	[sflag:s29] =	ssyncset.done $0x0  }
0x7c: {  	[sflag:s29] =	ssyncadd.s32 $0xFFFFF800  }
0x7d: {  	_ =	swait.ge [sflag:s29], $0x800  }
0x7e: {  	[sflag:s29] =	ssyncset.done $0x0  }
0x7f: {  	[sflag:s29] =	ssyncadd.s32 $0xFFFFF800  }
0x80: {  	_ =	swait.ge [sflag:s29], $0x800  }
0x81: {  	[sflag:s29] =	ssyncset.done $0x0  }
0x82: {  	[sflag:s29] =	ssyncadd.s32 $0xFFFFF800  }
0x83: {  	_ =	swait.ge [sflag:s29], $0x800  }
0x84: {  	[sflag:s29] =	ssyncset.done $0x0  }
0x85: {  	[sflag:s29] =	ssyncadd.s32 $0xFFFFF800  }
0x86: {  	_ =	swait.ge [sflag:s29], $0x800  }
0x87: {  	[sflag:s29] =	ssyncset.done $0x0  }
0x88: {  	[sflag:s29] =	ssyncadd.s32 $0xFFFFF800  }
0x89: {  	_ =	swait.ge [sflag:s29], $0x800  }
0x8a: {  	[sflag:s29] =	ssyncset.done $0x0  }
0x8b: {  	[sflag:s29] =	ssyncadd.s32 $0xFFFFF800  }
0x8c: {  	[tilespmem:s1], [sflag:$0x1] =	stream.indirect.gather.add.f32 [spmem:s4], $0x10, s17, s0, $0xb8;
	[tilespmem:$0x12B30] =	vst v63  }
0x8d: {  	s10 =	simm.s32 $0xC80  }
0x8e: {  	[tilespmem:s21], [sflag:$0x1] =	stream.indirect.gather.add.f32 [spmem:s4], $0x10, s10, s0, $0xb8;
	[tilespmem:$0x12B30] =	vst v63  }
0x8f: {  	s21 =	simm.s32 $0xD00  }
0x90: {  	[tilespmem:s22], [sflag:$0x1] =	stream.indirect.gather.add.f32 [spmem:s4], $0x10, s21, s0, $0xb8;
	[tilespmem:$0x12B30] =	vst v63  }
0x91: {  	s22 =	simm.s32 $0xD80  }
0x92: {  	[tilespmem:s23], [sflag:$0x1] =	stream.indirect.gather.add.f32 [spmem:s4], $0x10, s22, s0, $0xb8;
	[tilespmem:$0x12B30] =	vst v63  }
0x93: {  	s23 =	simm.s32 $0xE00  }
0x94: {  	[tilespmem:s24], [sflag:$0x1] =	stream.indirect.gather.add.f32 [spmem:s4], $0x10, s23, s0, $0xb8;
	[tilespmem:$0x12B30] =	vst v63  }
0x95: {  	s24 =	simm.s32 $0xE80  }
0x96: {  	[tilespmem:s25], [sflag:$0x1] =	stream.indirect.gather.add.f32 [spmem:s4], $0x10, s24, s0, $0xb8;
	[tilespmem:$0x12B30] =	vst v63  }
.Ltmp2:
0x97: {  	s8 =	simm.s32 $0xC00;
	(pc) =	sbr.rel .LBB2_2-.Ltmp2, $4  }
0x98: {  	s9 =	simm.s32 $0x2000;
	s31 =	simm.s32 $0xF80;
	s25 =	simm.s32 $0xF00  }
0x99: {  	[tilespmem:s26], [sflag:$0x1] =	stream.indirect.gather.add.f32 [spmem:s4], $0x10, s25, s0, $0xb8;
	[tilespmem:$0x12B30] =	vst v63  }
0x9a: {  	s12 =	simm.s32 $0x0;
	s17 =	simm.s32 $0x0;
	s10 =	simm.s32 $0x2800  }
0x9b: {  	[tilespmem:s28], [sflag:$0x1] =	stream.indirect.gather.add.f32 [spmem:s4], $0x10, s31, s0, $0xb8;
	[tilespmem:$0x12B30] =	vst v63  }
.LBB2_6:
0x9c: {  	_ =	sdelay $0x3  }
0x9d: {  	v28 =	vor.u32 $0x1, v18;
	v25 =	vld.idx.msk [tilespmem:v25+s1+$0x0], $0xffff  }
0x9e: {  	v29 =	vor.u32 $0x2, v18;
	v26 =	vld.idx.msk [tilespmem:v26+s1+$0x0], $0xffff  }
0x9f: {  	v30 =	vor.u32 $0x3, v18;
	v24 =	vld.idx.msk [tilespmem:v24+s1+$0x0], $0xffff  }
0xa0: {  	v27 =	vld.idx.msk [tilespmem:v27+s1+$0x0], $0xffff  }
0xa1: {  	v31 =	vld.idx.msk [tilespmem:v18+s1+$0x0], $0xffff;
	v32 =	vor.u32 $0x7, v18;
	v23 =	vmax.f32 v23, $0.0e+00;
	v33 =	vor.u32 $0xF, v18  }
0xa2: {  	v18 =	vor.u32 $0xB, v18;
	v20 =	vmax.f32 v20, $0.0e+00;
	v22 =	vmax.f32 v22, $0.0e+00;
	v28 =	vld.idx.msk [tilespmem:v28+s1+$0x0], $0xffff  }
0xa3: {  	v19 =	vmax.f32 v19, $0.0e+00;
	v23 =	vmul.f32 v23, v8;
	v20 =	vmul.f32 v20, v3;
	v29 =	vld.idx.msk [tilespmem:v29+s1+$0x0], $0xffff  }
0xa4: {  	v21 =	vmax.f32 v21, $0.0e+00;
	v22 =	vmul.f32 v22, v14;
	v19 =	vmul.f32 v19, v16;
	v30 =	vld.idx.msk [tilespmem:v30+s1+$0x0], $0xffff  }
0xa5: {  	v21 =	vmul.f32 v21, v10;
	v26 =	vmax.f32 v26, $0.0e+00;
	v25 =	vmax.f32 v25, $0.0e+00  }
0xa6: {  	v32 =	vld.idx.msk [tilespmem:v32+s1+$0x0], $0xffff;
	v24 =	vmax.f32 v24, $0.0e+00;
	v31 =	vmax.f32 v31, $0.0e+00;
	v26 =	vmul.f32 v26, v9  }
0xa7: {  	v27 =	vmax.f32 v27, $0.0e+00;
	v25 =	vmul.f32 v25, v15;
	v24 =	vmul.f32 v24, v7  }
0xa8: {  	v18 =	vld.idx.msk [tilespmem:v18+s1+$0x0], $0xffff;
	v31 =	vmul.f32 v31, v2;
	v27 =	vmul.f32 v27, v12;
	v28 =	vmax.f32 v28, $0.0e+00  }
0xa9: {  	v29 =	vmax.f32 v29, $0.0e+00;
	v30 =	vmax.f32 v30, $0.0e+00;
	v28 =	vmul.f32 v28, v4  }
0xaa: {  	v33 =	vld.idx.msk [tilespmem:v33+s1+$0x0], $0xffff;
	v29 =	vmul.f32 v29, v5;
	v30 =	vmul.f32 v30, v6  }
0xab: {  	v31 =	vadd.f32 v31, v1;
	v32 =	vmax.f32 v32, $0.0e+00;
	v28 =	vadd.f32 $0.0e+00, v28  }
0xac: {  	v32 =	vmul.f32 v32, v13;
	v29 =	vadd.f32 $0.0e+00, v29;
	v30 =	vadd.f32 $0.0e+00, v30  }
0xad: {  	v26 =	vadd.f32 v26, v31;
	v18 =	vmax.f32 v18, $0.0e+00;
	v24 =	vadd.f32 v24, v28  }
0xae: {  	v18 =	vmul.f32 v18, v11;
	v27 =	vadd.f32 v27, v29;
	v62 =	vadd.f32 v32, v30  }
0xaf: {  	v63 =	vmax.f32 v33, $0.0e+00;
	v22 =	vadd.f32 v22, v26;
	v21 =	vadd.f32 v21, v24  }
0xb0: {  	v25 =	vadd.f32 v25, v27;
	v18 =	vadd.f32 v18, v62;
	v24 =	vmul.f32 v63, v17  }
0xb1: {  	v22 =	vadd.f32 v23, v22;
	v20 =	vadd.f32 v20, v21  }
0xb2: {  	v19 =	vadd.f32 v19, v25;
	v18 =	vadd.f32 v24, v18;
	_ =	sdelay $0x1  }
0xb3: {  	v20 =	vadd.f32 v20, v22;
	v18 =	vadd.f32 v18, v19;
	_ =	sdelay $0x1  }
0xb4: {  	v18 =	vadd.f32 v18, v20  }
0xb5: {  	s21 =	sshra.s32 s24, $0x2  }
0xb6: {  	[tilespmem:s21+$0xD800] =	vst v18  }
0xb7: {  	[hbm4b:s20+s5] =	stream.linear.scatter [tilespmem:s14], [sflag:$0x2], $0x200, $0x38;
	[tilespmem:$0x12B30] =	vst v63  }
0xb8: {  	_ =	swait.ge [sflag:s30], $0x200  }
0xb9: {  	[sflag:s30] =	ssyncset.done $0x0  }
0xba: {  	[sflag:s30] =	ssyncadd.s32 $0xFFFFFE00  }
.LBB2_10:
0xbb: {  	p2 =	sne.s32 s12, $0x8  }
.Ltmp3:
0xbc: {  	_ = 	snop;
	(pc) =	sbr.rel @!p2 .LBB2_11-.Ltmp3, $2  }
0xbd: {  	_ =	sdelay $0x2  }
0xbe: {  	s17 =	sadd.s32 $0x400, s17  }
.LBB2_2:
0xbf: {  	s24 =	smul.u32 $0xAB, s12;
	_ =	sdelay $0x1  }
0xc0: {  	s22 =	smov.u32 s12;
	s12 =	sadd.s32 $0x156, s24  }
0xc1: {  	s12 =	sshrl.u32 s12, $0x9  }
0xc2: {  	s12 =	sand.u32 $0x7F, s12  }
0xc3: {  	s25 =	sadd.s32 $0x2, s22;
	s12 =	smul.u32 $0x3, s12  }
0xc4: {  	s31 =	sadd.s32 s13, s25  }
0xc5: {  	p2 =	slt.u32 s31, $0x138;
	s12 =	ssub.s32 s25, s12  }
0xc6: {  	s25 =	sshll.u32 @p2 s31, $0x7;
	s12 =	sand.u32 $0xFF, s12  }
0xc7: {  	s21 =	simm.s32 @p2 $0x0;
	s28 =	sadd.s32 @p2 s6, s25;
	s26 =	sshll.u32 @p2 s12, $0xA  }
0xc8: {  	[tilespmem:s26], [sflag:$0x3] =	stream.linear.gather @p2 [hbm4b:s28+s21], $0x400, $0x38;
	[tilespmem:$0x12B30] =	vst v63  }
0xc9: {  	s28 =	simm.s32 @p2 $0x3  }
0xca: {  	_ =	swait.ge @p2 [sflag:s28], $0x400  }
0xcb: {  	[sflag:s28] =	ssyncset.done @p2 $0x0  }
0xcc: {  	s25 =	sadd.s32 @p2 s7, s25;
	s23 =	sadd.s32 @p2 $0xC00, s26;
	[sflag:s28] =	ssyncadd.s32 @p2 $0xFFFFFC00  }
0xcd: {  	[tilespmem:s23], [sflag:$0x3] =	stream.linear.gather @p2 [hbm4b:s25+s21], $0x400, $0x38;
	[tilespmem:$0x12B30] =	vst v63  }
0xce: {  	_ =	swait.ge @p2 [sflag:s28], $0x400  }
0xcf: {  	s21 =	sshll.u32 @p2 s12, $0xE;
	[sflag:s28] =	ssyncset.done @p2 $0x0  }
0xd0: {  	s25 =	simm.s32 @p2 $0x80;
	s23 =	sor.u32 @p2 $0x1800, s21;
	[sflag:s28] =	ssyncadd.s32 @p2 $0xFFFFFC00  }
0xd1: {  	[tilespmem:s23], [sflag:$0x1] =	stream.indirect.gather @p2 [spmem:s3], $0x10, s26, s25, $0xb8;
	[tilespmem:$0x12B30] =	vst v63  }
0xd2: {  	s28 =	sor.u32 @p2 $0x80, s26;
	s23 =	sor.u32 @p2 $0x2000, s21  }
0xd3: {  	[tilespmem:s23], [sflag:$0x1] =	stream.indirect.gather @p2 [spmem:s3], $0x10, s28, s25, $0xb8;
	[tilespmem:$0x12B30] =	vst v63  }
0xd4: {  	s23 =	sor.u32 @p2 $0x2800, s21;
	s28 =	sor.u32 @p2 $0x100, s26  }
0xd5: {  	[tilespmem:s23], [sflag:$0x1] =	stream.indirect.gather @p2 [spmem:s3], $0x10, s28, s25, $0xb8;
	[tilespmem:$0x12B30] =	vst v63  }
0xd6: {  	s23 =	sor.u32 @p2 $0x3000, s21;
	s28 =	sor.u32 @p2 $0x180, s26  }
0xd7: {  	[tilespmem:s23], [sflag:$0x1] =	stream.indirect.gather @p2 [spmem:s3], $0x10, s28, s25, $0xb8;
	[tilespmem:$0x12B30] =	vst v63  }
0xd8: {  	s23 =	sor.u32 @p2 $0x3800, s21;
	s28 =	sor.u32 @p2 $0x200, s26  }
0xd9: {  	[tilespmem:s23], [sflag:$0x1] =	stream.indirect.gather @p2 [spmem:s3], $0x10, s28, s25, $0xb8;
	[tilespmem:$0x12B30] =	vst v63  }
0xda: {  	s23 =	sadd.s32 @p2 $0x4000, s21;
	s28 =	sor.u32 @p2 $0x280, s26  }
0xdb: {  	[tilespmem:s23], [sflag:$0x1] =	stream.indirect.gather @p2 [spmem:s3], $0x10, s28, s25, $0xb8;
	[tilespmem:$0x12B30] =	vst v63  }
0xdc: {  	s23 =	sadd.s32 @p2 $0x4800, s21;
	s28 =	sor.u32 @p2 $0x300, s26  }
0xdd: {  	[tilespmem:s23], [sflag:$0x1] =	stream.indirect.gather @p2 [spmem:s3], $0x10, s28, s25, $0xb8;
	[tilespmem:$0x12B30] =	vst v63  }
0xde: {  	p3 =	seq.s32 @!p2 s31, $0x138;
	s21 =	sadd.s32 @p2 $0x5000, s21;
	s23 =	sor.u32 @p2 $0x380, s26  }
0xdf: {  	[tilespmem:s21], [sflag:$0x1] =	stream.indirect.gather @p2 [spmem:s3], $0x10, s23, s25, $0xb8;
	[tilespmem:$0x12B30] =	vst v63  }
0xe0: {  	p2 =	por !p3, p2  }
0xe1: {  	s21 =	sshll.u32 @!p2 s12, $0xA;
	s23 =	simm.s32 @!p2 $0x0;
	s25 =	simm.s32 @!p2 $0x3  }
0xe2: {  	[tilespmem:s21], [sflag:$0x3] =	stream.linear.gather @!p2 [hbm4b:s18+s23], $0x200, $0x38;
	[tilespmem:$0x12B30] =	vst v63  }
0xe3: {  	_ =	swait.ge @!p2 [sflag:s25], $0x200  }
0xe4: {  	[sflag:s25] =	ssyncset.done @!p2 $0x0  }
0xe5: {  	s26 =	sadd.s32 @!p2 $0xC00, s21;
	[sflag:s25] =	ssyncadd.s32 @!p2 $0xFFFFFE00  }
0xe6: {  	[tilespmem:s26], [sflag:$0x3] =	stream.linear.gather @!p2 [hbm4b:s19+s23], $0x200, $0x38;
	[tilespmem:$0x12B30] =	vst v63  }
0xe7: {  	_ =	swait.ge @!p2 [sflag:s25], $0x200  }
0xe8: {  	s23 =	sshll.u32 @!p2 s12, $0xE;
	[sflag:s25] =	ssyncset.done @!p2 $0x0  }
0xe9: {  	s12 =	sor.u32 @!p2 $0x1800, s23;
	[sflag:s25] =	ssyncadd.s32 @!p2 $0xFFFFFE00;
	s25 =	simm.s32 @!p2 $0x80  }
0xea: {  	[tilespmem:s12], [sflag:$0x1] =	stream.indirect.gather @!p2 [spmem:s3], $0x10, s21, s25, $0xb8;
	[tilespmem:$0x12B30] =	vst v63  }
0xeb: {  	s26 =	sor.u32 @!p2 $0x80, s21;
	s12 =	sor.u32 @!p2 $0x2000, s23  }
0xec: {  	[tilespmem:s12], [sflag:$0x1] =	stream.indirect.gather @!p2 [spmem:s3], $0x10, s26, s25, $0xb8;
	[tilespmem:$0x12B30] =	vst v63  }
0xed: {  	s12 =	sor.u32 @!p2 $0x2800, s23;
	s26 =	sor.u32 @!p2 $0x100, s21  }
0xee: {  	[tilespmem:s12], [sflag:$0x1] =	stream.indirect.gather @!p2 [spmem:s3], $0x10, s26, s25, $0xb8;
	[tilespmem:$0x12B30] =	vst v63  }
0xef: {  	s23 =	sor.u32 @!p2 $0x3000, s23;
	s21 =	sor.u32 @!p2 $0x180, s21;
	s12 =	sadd.s32 $0x1, s22  }
0xf0: {  	[tilespmem:s23], [sflag:$0x1] =	stream.indirect.gather @!p2 [spmem:s3], $0x10, s21, s25, $0xb8;
	[tilespmem:$0x12B30] =	vst v63  }
0xf1: {  	s21 =	sadd.s32 s13, s12  }
0xf2: {  	p2 =	slt.u32 s21, $0x138  }
0xf3: {  	s23 =	simm.s32 @p2 $0x1  }
0xf4: {  	_ =	swait.ge @p2 [sflag:s23], $0x800  }
0xf5: {  	[sflag:s23] =	ssyncset.done @p2 $0x0  }
0xf6: {  	[sflag:s23] =	ssyncadd.s32 @p2 $0xFFFFF800  }
0xf7: {  	_ =	swait.ge @p2 [sflag:s23], $0x800  }
0xf8: {  	[sflag:s23] =	ssyncset.done @p2 $0x0  }
0xf9: {  	[sflag:s23] =	ssyncadd.s32 @p2 $0xFFFFF800  }
0xfa: {  	_ =	swait.ge @p2 [sflag:s23], $0x800  }
0xfb: {  	[sflag:s23] =	ssyncset.done @p2 $0x0  }
0xfc: {  	[sflag:s23] =	ssyncadd.s32 @p2 $0xFFFFF800  }
0xfd: {  	_ =	swait.ge @p2 [sflag:s23], $0x800  }
0xfe: {  	[sflag:s23] =	ssyncset.done @p2 $0x0  }
0xff: {  	[sflag:s23] =	ssyncadd.s32 @p2 $0xFFFFF800  }
0x100: {  	_ =	swait.ge @p2 [sflag:s23], $0x800  }
0x101: {  	[sflag:s23] =	ssyncset.done @p2 $0x0  }
0x102: {  	[sflag:s23] =	ssyncadd.s32 @p2 $0xFFFFF800  }
0x103: {  	_ =	swait.ge @p2 [sflag:s23], $0x800  }
0x104: {  	s24 =	sadd.s32 $0xAB, s24;
	[sflag:s23] =	ssyncset.done @p2 $0x0  }
0x105: {  	s24 =	sshrl.u32 s24, $0x9;
	[sflag:s23] =	ssyncadd.s32 @p2 $0xFFFFF800  }
0x106: {  	s24 =	sand.u32 $0x7F, s24;
	_ =	swait.ge @p2 [sflag:s23], $0x800  }
0x107: {  	s24 =	smul.u32 $0x3, s24;
	[sflag:s23] =	ssyncset.done @p2 $0x0  }
0x108: {  	[sflag:s23] =	ssyncadd.s32 @p2 $0xFFFFF800  }
0x109: {  	s24 =	ssub.s32 s12, s24;
	_ =	swait.ge @p2 [sflag:s23], $0x800  }
0x10a: {  	s24 =	sand.u32 $0xFF, s24;
	[sflag:s23] =	ssyncset.done @p2 $0x0  }
0x10b: {  	s25 =	sshll.u32 @p2 s24, $0xA;
	[sflag:s23] =	ssyncadd.s32 @p2 $0xFFFFF800;
	s23 =	sshll.u32 @p2 s24, $0xE  }
0x10c: {  	s31 =	simm.s32 @p2 $0x80;
	s28 =	sadd.s32 @p2 $0xC00, s25;
	s26 =	sor.u32 @p2 $0x1800, s23  }
0x10d: {  	[tilespmem:s26], [sflag:$0x1] =	stream.indirect.gather.add.f32 @p2 [spmem:s4], $0x10, s28, s31, $0xb8;
	[tilespmem:$0x12B30] =	vst v63  }
0x10e: {  	s26 =	sor.u32 @p2 $0x2000, s23;
	s28 =	sadd.s32 @p2 $0xC80, s25  }
0x10f: {  	[tilespmem:s26], [sflag:$0x1] =	stream.indirect.gather.add.f32 @p2 [spmem:s4], $0x10, s28, s31, $0xb8;
	[tilespmem:$0x12B30] =	vst v63  }
0x110: {  	s26 =	sor.u32 @p2 $0x2800, s23;
	s28 =	sadd.s32 @p2 $0xD00, s25  }
0x111: {  	[tilespmem:s26], [sflag:$0x1] =	stream.indirect.gather.add.f32 @p2 [spmem:s4], $0x10, s28, s31, $0xb8;
	[tilespmem:$0x12B30] =	vst v63  }
0x112: {  	s26 =	sor.u32 @p2 $0x3000, s23;
	s28 =	sadd.s32 @p2 $0xD80, s25  }
0x113: {  	[tilespmem:s26], [sflag:$0x1] =	stream.indirect.gather.add.f32 @p2 [spmem:s4], $0x10, s28, s31, $0xb8;
	[tilespmem:$0x12B30] =	vst v63  }
0x114: {  	s26 =	sor.u32 @p2 $0x3800, s23;
	s28 =	sadd.s32 @p2 $0xE00, s25  }
0x115: {  	[tilespmem:s26], [sflag:$0x1] =	stream.indirect.gather.add.f32 @p2 [spmem:s4], $0x10, s28, s31, $0xb8;
	[tilespmem:$0x12B30] =	vst v63  }
0x116: {  	s26 =	sadd.s32 @p2 $0x4000, s23;
	s28 =	sadd.s32 @p2 $0xE80, s25  }
0x117: {  	[tilespmem:s26], [sflag:$0x1] =	stream.indirect.gather.add.f32 @p2 [spmem:s4], $0x10, s28, s31, $0xb8;
	[tilespmem:$0x12B30] =	vst v63  }
0x118: {  	s26 =	sadd.s32 @p2 $0x4800, s23;
	s28 =	sadd.s32 @p2 $0xF00, s25  }
0x119: {  	[tilespmem:s26], [sflag:$0x1] =	stream.indirect.gather.add.f32 @p2 [spmem:s4], $0x10, s28, s31, $0xb8;
	[tilespmem:$0x12B30] =	vst v63  }
0x11a: {  	p3 =	seq.s32 @!p2 s21, $0x138;
	s23 =	sadd.s32 @p2 $0x5000, s23;
	s25 =	sadd.s32 @p2 $0xF80, s25  }
0x11b: {  	[tilespmem:s23], [sflag:$0x1] =	stream.indirect.gather.add.f32 @p2 [spmem:s4], $0x10, s25, s31, $0xb8;
	[tilespmem:$0x12B30] =	vst v63  }
0x11c: {  	p2 =	por !p3, p2  }
0x11d: {  	s21 =	simm.s32 @!p2 $0x1  }
0x11e: {  	_ =	swait.ge @!p2 [sflag:s21], $0x800  }
0x11f: {  	[sflag:s21] =	ssyncset.done @!p2 $0x0  }
0x120: {  	[sflag:s21] =	ssyncadd.s32 @!p2 $0xFFFFF800  }
0x121: {  	_ =	swait.ge @!p2 [sflag:s21], $0x800  }
0x122: {  	[sflag:s21] =	ssyncset.done @!p2 $0x0  }
0x123: {  	[sflag:s21] =	ssyncadd.s32 @!p2 $0xFFFFF800  }
0x124: {  	_ =	swait.ge @!p2 [sflag:s21], $0x800  }
0x125: {  	[sflag:s21] =	ssyncset.done @!p2 $0x0  }
0x126: {  	[sflag:s21] =	ssyncadd.s32 @!p2 $0xFFFFF800  }
0x127: {  	_ =	swait.ge @!p2 [sflag:s21], $0x800  }
0x128: {  	s31 =	smulhi.u32 $0xAAAAAAAB, s22;
	[sflag:s21] =	ssyncset.done @!p2 $0x0  }
0x129: {  	s23 =	sshll.u32 @!p2 s24, $0xA;
	[sflag:s21] =	ssyncadd.s32 @!p2 $0xFFFFF800;
	s21 =	sshll.u32 @!p2 s24, $0xE  }
0x12a: {  	s26 =	simm.s32 @!p2 $0x80;
	s25 =	sadd.s32 @!p2 $0xC00, s23;
	s24 =	sor.u32 @!p2 $0x1800, s21  }
0x12b: {  	[tilespmem:s24], [sflag:$0x1] =	stream.indirect.gather.add.f32 @!p2 [spmem:s4], $0x10, s25, s26, $0xb8;
	[tilespmem:$0x12B30] =	vst v63  }
0x12c: {  	s28 =	sadd.s32 @!p2 $0xD00, s23;
	s24 =	sor.u32 @!p2 $0x2000, s21;
	s25 =	sadd.s32 @!p2 $0xC80, s23  }
0x12d: {  	[tilespmem:s24], [sflag:$0x1] =	stream.indirect.gather.add.f32 @!p2 [spmem:s4], $0x10, s25, s26, $0xb8;
	[tilespmem:$0x12B30] =	vst v63  }
0x12e: {  	s23 =	sadd.s32 @!p2 $0xD80, s23;
	s25 =	sor.u32 @!p2 $0x2800, s21;
	s24 =	sshrl.u32 s31, $0x1  }
0x12f: {  	[tilespmem:s25], [sflag:$0x1] =	stream.indirect.gather.add.f32 @!p2 [spmem:s4], $0x10, s28, s26, $0xb8;
	[tilespmem:$0x12B30] =	vst v63  }
0x130: {  	s21 =	sor.u32 @!p2 $0x3000, s21;
	s31 =	smul.u32 $0xC00, s24;
	s24 =	sadd.s32 s13, s22  }
0x131: {  	[tilespmem:s21], [sflag:$0x1] =	stream.indirect.gather.add.f32 @!p2 [spmem:s4], $0x10, s23, s26, $0xb8;
	[tilespmem:$0x12B30] =	vst v63  }
0x132: {  	p2 =	slt.u32 s24, $0x138  }
.Ltmp4:
0x133: {  	_ = 	snop;
	(pc) =	sbr.rel @!p2 .LBB2_3-.Ltmp4, $2  }
0x134: {  	_ =	sdelay $0x2  }
0x135: {  	s22 =	ssub.s32 s17, s31  }
0x136: {  	_ =	swait.ge [sflag:s29], $0x800  }
0x137: {  	[sflag:s29] =	ssyncset.done $0x0  }
0x138: {  	[sflag:s29] =	ssyncadd.s32 $0xFFFFF800  }
0x139: {  	_ =	swait.ge [sflag:s29], $0x800  }
0x13a: {  	[sflag:s29] =	ssyncset.done $0x0  }
0x13b: {  	[sflag:s29] =	ssyncadd.s32 $0xFFFFF800  }
0x13c: {  	_ =	swait.ge [sflag:s29], $0x800  }
0x13d: {  	[sflag:s29] =	ssyncset.done $0x0  }
0x13e: {  	[sflag:s29] =	ssyncadd.s32 $0xFFFFF800  }
0x13f: {  	_ =	swait.ge [sflag:s29], $0x800  }
0x140: {  	[sflag:s29] =	ssyncset.done $0x0  }
0x141: {  	[sflag:s29] =	ssyncadd.s32 $0xFFFFF800  }
0x142: {  	_ =	swait.ge [sflag:s29], $0x800  }
0x143: {  	[sflag:s29] =	ssyncset.done $0x0  }
0x144: {  	[sflag:s29] =	ssyncadd.s32 $0xFFFFF800  }
0x145: {  	_ =	swait.ge [sflag:s29], $0x800  }
0x146: {  	v18 =	vmov s22;
	[sflag:s29] =	ssyncset.done $0x0  }
0x147: {  	v18 =	vshll.u32 v18, $0x4;
	[sflag:s29] =	ssyncadd.s32 $0xFFFFF800  }
0x148: {  	v18 =	vor.u32 v0, v18;
	_ =	swait.ge [sflag:s29], $0x800  }
0x149: {  	v19 =	vor.u32 $0xC, v18;
	[sflag:s29] =	ssyncset.done $0x0  }
0x14a: {  	v20 =	vor.u32 $0xD, v18;
	[sflag:s29] =	ssyncadd.s32 $0xFFFFF800  }
0x14b: {  	v21 =	vor.u32 $0xE, v18;
	_ =	swait.ge [sflag:s29], $0x800  }
0x14c: {  	v22 =	vor.u32 $0x8, v18;
	[sflag:s29] =	ssyncset.done $0x0  }
0x14d: {  	v28 =	vor.u32 $0x9, v18;
	[sflag:s29] =	ssyncadd.s32 $0xFFFFF800  }
0x14e: {  	v24 =	vor.u32 $0xA, v18;
	v23 =	vld.idx.msk [tilespmem:v19+s1+$0x0], $0xffff  }
0x14f: {  	v26 =	vor.u32 $0x4, v18;
	v20 =	vld.idx.msk [tilespmem:v20+s1+$0x0], $0xffff  }
0x150: {  	v25 =	vor.u32 $0x5, v18;
	v19 =	vld.idx.msk [tilespmem:v21+s1+$0x0], $0xffff  }
0x151: {  	v27 =	vor.u32 $0x6, v18;
	v22 =	vld.idx.msk [tilespmem:v22+s1+$0x0], $0xffff  }
0x152: {  	s25 =	simm.s32 $0x0;
	s31 =	simm.s32 $0x40;
	v21 =	vld.idx.msk [tilespmem:v28+s1+$0x0], $0xffff  }
.LBB2_8:
0x153: {  	p2 =	sne.s32 s31, $0xFC0;
	v28 =	vor.u32 $0x1, v18;
	v24 =	vld.idx.msk [tilespmem:v24+s1+$0x0], $0xffff  }
0x154: {  	v29 =	vor.u32 $0x2, v18;
	v26 =	vld.idx.msk [tilespmem:v26+s1+$0x0], $0xffff  }
0x155: {  	v30 =	vor.u32 $0x3, v18;
	v25 =	vld.idx.msk [tilespmem:v25+s1+$0x0], $0xffff  }
0x156: {  	v27 =	vld.idx.msk [tilespmem:v27+s1+$0x0], $0xffff  }
0x157: {  	v32 =	vor.u32 $0x7, v18;
	v31 =	vld.idx.msk [tilespmem:v18+s1+$0x0], $0xffff  }
0x158: {  	v23 =	vmax.f32 v23, $0.0e+00;
	v33 =	vor.u32 $0xF, v18;
	v28 =	vld.idx.msk [tilespmem:v28+s1+$0x0], $0xffff  }
0x159: {  	v23 =	vmul.f32 v23, v8;
	v20 =	vmax.f32 v20, $0.0e+00;
	v18 =	vor.u32 $0xB, v18;
	v29 =	vld.idx.msk [tilespmem:v29+s1+$0x0], $0xffff  }
0x15a: {  	v20 =	vmul.f32 v20, v3;
	v19 =	vmax.f32 v19, $0.0e+00;
	v22 =	vmax.f32 v22, $0.0e+00;
	v30 =	vld.idx.msk [tilespmem:v30+s1+$0x0], $0xffff  }
0x15b: {  	v19 =	vmul.f32 v19, v16;
	v22 =	vmul.f32 v22, v14;
	v21 =	vmax.f32 v21, $0.0e+00  }
0x15c: {  	v21 =	vmul.f32 v21, v10;
	v24 =	vmax.f32 v24, $0.0e+00;
	v26 =	vmax.f32 v26, $0.0e+00;
	v32 =	vld.idx.msk [tilespmem:v32+s1+$0x0], $0xffff  }
0x15d: {  	v24 =	vmul.f32 v24, v15;
	v26 =	vmul.f32 v26, v9;
	v25 =	vmax.f32 v25, $0.0e+00  }
0x15e: {  	v25 =	vmul.f32 v25, v7;
	v27 =	vmax.f32 v27, $0.0e+00;
	v31 =	vmax.f32 v31, $0.0e+00;
	v18 =	vld.idx.msk [tilespmem:v18+s1+$0x0], $0xffff  }
0x15f: {  	v27 =	vmul.f32 v27, v12;
	v31 =	vmul.f32 v31, v2;
	v28 =	vmax.f32 v28, $0.0e+00  }
0x160: {  	v28 =	vmul.f32 v28, v4;
	v29 =	vmax.f32 v29, $0.0e+00;
	v30 =	vmax.f32 v30, $0.0e+00;
	v33 =	vld.idx.msk [tilespmem:v33+s1+$0x0], $0xffff  }
0x161: {  	v29 =	vmul.f32 v29, v5;
	v30 =	vmul.f32 v30, v6  }
0x162: {  	v31 =	vadd.f32 v31, v1;
	v28 =	vadd.f32 $0.0e+00, v28;
	v32 =	vmax.f32 v32, $0.0e+00  }
0x163: {  	v29 =	vadd.f32 $0.0e+00, v29;
	v30 =	vadd.f32 $0.0e+00, v30;
	v32 =	vmul.f32 v32, v13  }
0x164: {  	v26 =	vadd.f32 v26, v31;
	v25 =	vadd.f32 v25, v28;
	v18 =	vmax.f32 v18, $0.0e+00  }
0x165: {  	v27 =	vadd.f32 v27, v29;
	v28 =	vadd.f32 v32, v30;
	v18 =	vmul.f32 v18, v11  }
0x166: {  	v22 =	vadd.f32 v22, v26;
	v21 =	vadd.f32 v21, v25;
	v25 =	vmax.f32 v33, $0.0e+00  }
0x167: {  	s22 =	sadd.s32 $0x10, s22;
	v24 =	vadd.f32 v24, v27;
	v18 =	vadd.f32 v18, v28;
	v25 =	vmul.f32 v25, v17  }
0x168: {  	v26 =	vmov s22;
	v22 =	vadd.f32 v23, v22;
	v20 =	vadd.f32 v20, v21  }
0x169: {  	v21 =	vshll.u32 v26, $0x4;
	v19 =	vadd.f32 v19, v24;
	v23 =	vadd.f32 v25, v18  }
0x16a: {  	v18 =	vor.u32 v0, v21  }
0x16b: {  	v20 =	vadd.f32 v20, v22;
	v21 =	vor.u32 $0xC, v18;
	v19 =	vadd.f32 v23, v19  }
0x16c: {  	v22 =	vor.u32 $0xD, v18  }
0x16d: {  	v27 =	vor.u32 $0xE, v18;
	v19 =	vadd.f32 v19, v20  }
0x16e: {  	s21 =	sshra.s32 s25, $0x2;
	s25 =	smov.u32 s31;
	v28 =	vor.u32 $0x8, v18  }
0x16f: {  	v29 =	vor.u32 $0x9, v18;
	[tilespmem:s21+$0xD800] =	vst v19  }
.Ltmp5:
0x170: {  	v24 =	vor.u32 $0xA, v18;
	v23 =	vld.idx.msk [tilespmem:v21+s1+$0x0], $0xffff;
	(pc) =	sbr.rel @p2 .LBB2_8-.Ltmp5, $4  }
0x171: {  	v26 =	vor.u32 $0x4, v18;
	v20 =	vld.idx.msk [tilespmem:v22+s1+$0x0], $0xffff  }
0x172: {  	v25 =	vor.u32 $0x5, v18;
	v19 =	vld.idx.msk [tilespmem:v27+s1+$0x0], $0xffff  }
0x173: {  	v27 =	vor.u32 $0x6, v18;
	v22 =	vld.idx.msk [tilespmem:v28+s1+$0x0], $0xffff  }
0x174: {  	s31 =	sadd.s32 $0x40, s31;
	v21 =	vld.idx.msk [tilespmem:v29+s1+$0x0], $0xffff  }
0x175: {  	_ =	sdelay $0x3  }
0x176: {  	v28 =	vor.u32 $0x1, v18;
	v24 =	vld.idx.msk [tilespmem:v24+s1+$0x0], $0xffff  }
0x177: {  	v29 =	vor.u32 $0x2, v18;
	v26 =	vld.idx.msk [tilespmem:v26+s1+$0x0], $0xffff  }
0x178: {  	v30 =	vor.u32 $0x3, v18;
	v25 =	vld.idx.msk [tilespmem:v25+s1+$0x0], $0xffff  }
0x179: {  	v27 =	vld.idx.msk [tilespmem:v27+s1+$0x0], $0xffff  }
0x17a: {  	v31 =	vld.idx.msk [tilespmem:v18+s1+$0x0], $0xffff;
	v32 =	vor.u32 $0x7, v18;
	v23 =	vmax.f32 v23, $0.0e+00;
	v33 =	vor.u32 $0xF, v18  }
0x17b: {  	v18 =	vor.u32 $0xB, v18;
	v23 =	vmul.f32 v23, v8;
	v20 =	vmax.f32 v20, $0.0e+00;
	v28 =	vld.idx.msk [tilespmem:v28+s1+$0x0], $0xffff  }
0x17c: {  	v20 =	vmul.f32 v20, v3;
	v19 =	vmax.f32 v19, $0.0e+00;
	v22 =	vmax.f32 v22, $0.0e+00;
	v29 =	vld.idx.msk [tilespmem:v29+s1+$0x0], $0xffff  }
0x17d: {  	v19 =	vmul.f32 v19, v16;
	v22 =	vmul.f32 v22, v14;
	v21 =	vmax.f32 v21, $0.0e+00;
	v30 =	vld.idx.msk [tilespmem:v30+s1+$0x0], $0xffff  }
0x17e: {  	v26 =	vmax.f32 v26, $0.0e+00;
	v21 =	vmul.f32 v21, v10;
	v24 =	vmax.f32 v24, $0.0e+00  }
0x17f: {  	v32 =	vld.idx.msk [tilespmem:v32+s1+$0x0], $0xffff;
	v25 =	vmax.f32 v25, $0.0e+00;
	v31 =	vmax.f32 v31, $0.0e+00;
	v26 =	vmul.f32 v26, v9  }
0x180: {  	v27 =	vmax.f32 v27, $0.0e+00;
	v24 =	vmul.f32 v24, v15;
	v25 =	vmul.f32 v25, v7  }
0x181: {  	v18 =	vld.idx.msk [tilespmem:v18+s1+$0x0], $0xffff;
	v31 =	vmul.f32 v31, v2;
	v27 =	vmul.f32 v27, v12;
	v28 =	vmax.f32 v28, $0.0e+00  }
0x182: {  	v29 =	vmax.f32 v29, $0.0e+00;
	v30 =	vmax.f32 v30, $0.0e+00;
	v28 =	vmul.f32 v28, v4  }
0x183: {  	v33 =	vld.idx.msk [tilespmem:v33+s1+$0x0], $0xffff;
	v29 =	vmul.f32 v29, v5;
	v30 =	vmul.f32 v30, v6  }
0x184: {  	v31 =	vadd.f32 v31, v1;
	v32 =	vmax.f32 v32, $0.0e+00;
	v28 =	vadd.f32 $0.0e+00, v28  }
0x185: {  	v32 =	vmul.f32 v32, v13;
	v29 =	vadd.f32 $0.0e+00, v29;
	v30 =	vadd.f32 $0.0e+00, v30  }
0x186: {  	v26 =	vadd.f32 v26, v31;
	v18 =	vmax.f32 v18, $0.0e+00;
	v25 =	vadd.f32 v25, v28  }
0x187: {  	v18 =	vmul.f32 v18, v11;
	v27 =	vadd.f32 v27, v29;
	v62 =	vadd.f32 v32, v30  }
0x188: {  	v63 =	vmax.f32 v33, $0.0e+00;
	v22 =	vadd.f32 v22, v26;
	v21 =	vadd.f32 v21, v25  }
0x189: {  	v24 =	vadd.f32 v24, v27;
	v18 =	vadd.f32 v18, v62;
	v25 =	vmul.f32 v63, v17  }
0x18a: {  	v22 =	vadd.f32 v23, v22;
	v20 =	vadd.f32 v20, v21  }
0x18b: {  	v19 =	vadd.f32 v19, v24;
	v18 =	vadd.f32 v25, v18;
	_ =	sdelay $0x1  }
0x18c: {  	v20 =	vadd.f32 v20, v22;
	v18 =	vadd.f32 v18, v19;
	_ =	sdelay $0x1  }
0x18d: {  	v18 =	vadd.f32 v18, v20  }
0x18e: {  	s21 =	sshra.s32 s25, $0x2;
	s22 =	sshll.u32 s24, $0x7  }
.Ltmp6:
0x18f: {  	s31 =	sadd.s32 s2, s22;
	[tilespmem:s21+$0xD800] =	vst v18;
	(pc) =	sbr.rel .LBB2_10-.Ltmp6, $4  }
0x190: {  	[hbm4b:s31+s5] =	stream.linear.scatter [tilespmem:s14], [sflag:$0x3], $0x400, $0x38;
	[tilespmem:$0x12B30] =	vst v63  }
0x191: {  	_ =	swait.ge [sflag:s15], $0x400  }
0x192: {  	[sflag:s15] =	ssyncset.done $0x0  }
0x193: {  	[sflag:s15] =	ssyncadd.s32 $0xFFFFFC00  }
.LBB2_3:
0x194: {  	p2 =	sne.s32 s24, $0x138  }
.Ltmp7:
0x195: {  	_ = 	snop;
	(pc) =	sbr.rel @p2 .LBB2_10-.Ltmp7, $1  }
0x196: {  	_ =	sdelay $0x3  }
0x197: {  	_ =	swait.ge [sflag:s29], $0x800  }
0x198: {  	[sflag:s29] =	ssyncset.done $0x0  }
0x199: {  	[sflag:s29] =	ssyncadd.s32 $0xFFFFF800  }
0x19a: {  	_ =	swait.ge [sflag:s29], $0x800  }
0x19b: {  	v18 =	vmov s22;
	[sflag:s29] =	ssyncset.done $0x0  }
0x19c: {  	v18 =	vshll.u32 v18, $0x4;
	[sflag:s29] =	ssyncadd.s32 $0xFFFFF800  }
0x19d: {  	v18 =	vor.u32 v0, v18;
	_ =	swait.ge [sflag:s29], $0x800  }
0x19e: {  	v19 =	vor.u32 $0xC, v18;
	[sflag:s29] =	ssyncset.done $0x0  }
0x19f: {  	v20 =	vor.u32 $0xD, v18;
	[sflag:s29] =	ssyncadd.s32 $0xFFFFF800  }
0x1a0: {  	v21 =	vor.u32 $0xE, v18;
	_ =	swait.ge [sflag:s29], $0x800  }
0x1a1: {  	v22 =	vor.u32 $0x8, v18;
	[sflag:s29] =	ssyncset.done $0x0  }
0x1a2: {  	v28 =	vor.u32 $0x9, v18;
	[sflag:s29] =	ssyncadd.s32 $0xFFFFF800  }
0x1a3: {  	v25 =	vor.u32 $0xA, v18;
	v23 =	vld.idx.msk [tilespmem:v19+s1+$0x0], $0xffff  }
0x1a4: {  	v26 =	vor.u32 $0x4, v18;
	v20 =	vld.idx.msk [tilespmem:v20+s1+$0x0], $0xffff  }
0x1a5: {  	v24 =	vor.u32 $0x5, v18;
	v19 =	vld.idx.msk [tilespmem:v21+s1+$0x0], $0xffff  }
0x1a6: {  	v27 =	vor.u32 $0x6, v18;
	v22 =	vld.idx.msk [tilespmem:v22+s1+$0x0], $0xffff  }
0x1a7: {  	s24 =	simm.s32 $0x0;
	s25 =	simm.s32 $0x40;
	v21 =	vld.idx.msk [tilespmem:v28+s1+$0x0], $0xffff  }
.LBB2_5:
0x1a8: {  	p2 =	sne.s32 s25, $0x7C0;
	v28 =	vor.u32 $0x1, v18;
	v25 =	vld.idx.msk [tilespmem:v25+s1+$0x0], $0xffff  }
0x1a9: {  	v29 =	vor.u32 $0x2, v18;
	v26 =	vld.idx.msk [tilespmem:v26+s1+$0x0], $0xffff  }
0x1aa: {  	v30 =	vor.u32 $0x3, v18;
	v24 =	vld.idx.msk [tilespmem:v24+s1+$0x0], $0xffff  }
0x1ab: {  	v27 =	vld.idx.msk [tilespmem:v27+s1+$0x0], $0xffff  }
0x1ac: {  	v32 =	vor.u32 $0x7, v18;
	v31 =	vld.idx.msk [tilespmem:v18+s1+$0x0], $0xffff  }
0x1ad: {  	v23 =	vmax.f32 v23, $0.0e+00;
	v33 =	vor.u32 $0xF, v18;
	v28 =	vld.idx.msk [tilespmem:v28+s1+$0x0], $0xffff  }
0x1ae: {  	v20 =	vmax.f32 v20, $0.0e+00;
	v23 =	vmul.f32 v23, v8;
	v18 =	vor.u32 $0xB, v18;
	v29 =	vld.idx.msk [tilespmem:v29+s1+$0x0], $0xffff  }
0x1af: {  	v22 =	vmax.f32 v22, $0.0e+00;
	v19 =	vmax.f32 v19, $0.0e+00;
	v20 =	vmul.f32 v20, v3;
	v30 =	vld.idx.msk [tilespmem:v30+s1+$0x0], $0xffff  }
0x1b0: {  	v21 =	vmax.f32 v21, $0.0e+00;
	v22 =	vmul.f32 v22, v14;
	v19 =	vmul.f32 v19, v16  }
0x1b1: {  	v21 =	vmul.f32 v21, v10;
	v25 =	vmax.f32 v25, $0.0e+00;
	v26 =	vmax.f32 v26, $0.0e+00;
	v32 =	vld.idx.msk [tilespmem:v32+s1+$0x0], $0xffff  }
0x1b2: {  	v25 =	vmul.f32 v25, v15;
	v26 =	vmul.f32 v26, v9;
	v24 =	vmax.f32 v24, $0.0e+00  }
0x1b3: {  	v24 =	vmul.f32 v24, v7;
	v27 =	vmax.f32 v27, $0.0e+00;
	v31 =	vmax.f32 v31, $0.0e+00;
	v18 =	vld.idx.msk [tilespmem:v18+s1+$0x0], $0xffff  }
0x1b4: {  	v27 =	vmul.f32 v27, v12;
	v31 =	vmul.f32 v31, v2;
	v28 =	vmax.f32 v28, $0.0e+00  }
0x1b5: {  	v28 =	vmul.f32 v28, v4;
	v29 =	vmax.f32 v29, $0.0e+00;
	v30 =	vmax.f32 v30, $0.0e+00;
	v33 =	vld.idx.msk [tilespmem:v33+s1+$0x0], $0xffff  }
0x1b6: {  	v29 =	vmul.f32 v29, v5;
	v30 =	vmul.f32 v30, v6  }
0x1b7: {  	v31 =	vadd.f32 v31, v1;
	v28 =	vadd.f32 $0.0e+00, v28;
	v32 =	vmax.f32 v32, $0.0e+00  }
0x1b8: {  	v29 =	vadd.f32 $0.0e+00, v29;
	v30 =	vadd.f32 $0.0e+00, v30;
	v32 =	vmul.f32 v32, v13  }
0x1b9: {  	v26 =	vadd.f32 v26, v31;
	v24 =	vadd.f32 v24, v28;
	v18 =	vmax.f32 v18, $0.0e+00  }
0x1ba: {  	v27 =	vadd.f32 v27, v29;
	v28 =	vadd.f32 v32, v30;
	v18 =	vmul.f32 v18, v11  }
0x1bb: {  	v22 =	vadd.f32 v22, v26;
	v21 =	vadd.f32 v21, v24;
	v24 =	vmax.f32 v33, $0.0e+00  }
0x1bc: {  	s22 =	sadd.s32 $0x10, s22;
	v25 =	vadd.f32 v25, v27;
	v18 =	vadd.f32 v18, v28;
	v24 =	vmul.f32 v24, v17  }
0x1bd: {  	v26 =	vmov s22;
	v22 =	vadd.f32 v23, v22;
	v20 =	vadd.f32 v20, v21  }
0x1be: {  	v21 =	vshll.u32 v26, $0x4;
	v19 =	vadd.f32 v19, v25;
	v23 =	vadd.f32 v24, v18  }
0x1bf: {  	v18 =	vor.u32 v0, v21  }
0x1c0: {  	v20 =	vadd.f32 v20, v22;
	v21 =	vor.u32 $0xC, v18;
	v19 =	vadd.f32 v23, v19  }
0x1c1: {  	v22 =	vor.u32 $0xD, v18  }
0x1c2: {  	v27 =	vor.u32 $0xE, v18;
	v19 =	vadd.f32 v19, v20  }
0x1c3: {  	s21 =	sshra.s32 s24, $0x2;
	s24 =	smov.u32 s25;
	v28 =	vor.u32 $0x8, v18  }
0x1c4: {  	v29 =	vor.u32 $0x9, v18;
	[tilespmem:s21+$0xD800] =	vst v19  }
.Ltmp8:
0x1c5: {  	v25 =	vor.u32 $0xA, v18;
	v23 =	vld.idx.msk [tilespmem:v21+s1+$0x0], $0xffff;
	(pc) =	sbr.rel @p2 .LBB2_5-.Ltmp8, $4  }
0x1c6: {  	v26 =	vor.u32 $0x4, v18;
	v20 =	vld.idx.msk [tilespmem:v22+s1+$0x0], $0xffff  }
0x1c7: {  	v24 =	vor.u32 $0x5, v18;
	v19 =	vld.idx.msk [tilespmem:v27+s1+$0x0], $0xffff  }
0x1c8: {  	v27 =	vor.u32 $0x6, v18;
	v22 =	vld.idx.msk [tilespmem:v28+s1+$0x0], $0xffff  }
0x1c9: {  	s25 =	sadd.s32 $0x40, s25;
	v21 =	vld.idx.msk [tilespmem:v29+s1+$0x0], $0xffff  }
.Ltmp9:
0x1ca: {  	_ = 	snop;
	(pc) =	sbr.rel .LBB2_6-.Ltmp9, $1  }
0x1cb: {  	_ =	sdelay $0x3  }
.LBB2_11:
.Ltmp10:
0x1cc: {  	(pc) =	sbr.rel @p0 .LBB2_21-.Ltmp10, $1  }
0x1cd: {  	_ =	sdelay $0x3  }
0x1ce: {  	_ =	swait.ge [sflag:s29], $0x800  }
0x1cf: {  	[sflag:s29] =	ssyncset.done $0x0  }
0x1d0: {  	[sflag:s29] =	ssyncadd.s32 $0xFFFFF800  }
0x1d1: {  	_ =	swait.ge [sflag:s29], $0x800  }
0x1d2: {  	[sflag:s29] =	ssyncset.done $0x0  }
0x1d3: {  	[sflag:s29] =	ssyncadd.s32 $0xFFFFF800  }
0x1d4: {  	_ =	swait.ge [sflag:s29], $0x800  }
0x1d5: {  	[sflag:s29] =	ssyncset.done $0x0  }
0x1d6: {  	[sflag:s29] =	ssyncadd.s32 $0xFFFFF800  }
0x1d7: {  	_ =	swait.ge [sflag:s29], $0x800  }
0x1d8: {  	[sflag:s29] =	ssyncset.done $0x0  }
0x1d9: {  	[sflag:s29] =	ssyncadd.s32 $0xFFFFF800  }
0x1da: {  	_ =	swait.ge [sflag:s29], $0x800  }
0x1db: {  	[sflag:s29] =	ssyncset.done $0x0  }
0x1dc: {  	[sflag:s29] =	ssyncadd.s32 $0xFFFFF800  }
0x1dd: {  	_ =	swait.ge [sflag:s29], $0x800  }
0x1de: {  	[sflag:s29] =	ssyncset.done $0x0  }
0x1df: {  	[sflag:s29] =	ssyncadd.s32 $0xFFFFF800  }
0x1e0: {  	_ =	swait.ge [sflag:s29], $0x800  }
0x1e1: {  	[sflag:s29] =	ssyncset.done $0x0  }
0x1e2: {  	[sflag:s29] =	ssyncadd.s32 $0xFFFFF800  }
0x1e3: {  	_ =	swait.ge [sflag:s29], $0x800  }
0x1e4: {  	[sflag:s29] =	ssyncset.done $0x0  }
0x1e5: {  	[sflag:s29] =	ssyncadd.s32 $0xFFFFF800  }
0x1e6: {  	[tilespmem:s1], [sflag:$0x1] =	stream.indirect.gather.add.f32 [spmem:s4], $0x10, s8, s0, $0xb8;
	[tilespmem:$0x12B30] =	vst v63  }
0x1e7: {  	s31 =	simm.s32 $0xC80  }
0x1e8: {  	[tilespmem:s9], [sflag:$0x1] =	stream.indirect.gather.add.f32 [spmem:s4], $0x10, s31, s0, $0xb8;
	[tilespmem:$0x12B30] =	vst v63  }
0x1e9: {  	s9 =	simm.s32 $0xD00  }
0x1ea: {  	[tilespmem:s10], [sflag:$0x1] =	stream.indirect.gather.add.f32 [spmem:s4], $0x10, s9, s0, $0xb8;
	[tilespmem:$0x12B30] =	vst v63  }
0x1eb: {  	s12 =	simm.s32 $0x3000;
	s17 =	simm.s32 $0xD80  }
0x1ec: {  	[tilespmem:s12], [sflag:$0x1] =	stream.indirect.gather.add.f32 [spmem:s4], $0x10, s17, s0, $0xb8;
	[tilespmem:$0x12B30] =	vst v63  }
0x1ed: {  	s21 =	simm.s32 $0x3800;
	s22 =	simm.s32 $0xE00  }
0x1ee: {  	[tilespmem:s21], [sflag:$0x1] =	stream.indirect.gather.add.f32 [spmem:s4], $0x10, s22, s0, $0xb8;
	[tilespmem:$0x12B30] =	vst v63  }
0x1ef: {  	s23 =	simm.s32 $0x4000;
	s24 =	simm.s32 $0xE80  }
0x1f0: {  	[tilespmem:s23], [sflag:$0x1] =	stream.indirect.gather.add.f32 [spmem:s4], $0x10, s24, s0, $0xb8;
	[tilespmem:$0x12B30] =	vst v63  }
0x1f1: {  	s25 =	simm.s32 $0x4800;
	s26 =	simm.s32 $0xF00  }
0x1f2: {  	[tilespmem:s25], [sflag:$0x1] =	stream.indirect.gather.add.f32 [spmem:s4], $0x10, s26, s0, $0xb8;
	[tilespmem:$0x12B30] =	vst v63  }
0x1f3: {  	s28 =	simm.s32 $0x5000;
	s31 =	simm.s32 $0xF80  }
0x1f4: {  	[tilespmem:s28], [sflag:$0x1] =	stream.indirect.gather.add.f32 [spmem:s4], $0x10, s31, s0, $0xb8;
	[tilespmem:$0x12B30] =	vst v63  }
0x1f5: {  	_ =	swait.ge [sflag:s29], $0x800  }
0x1f6: {  	[sflag:s29] =	ssyncset.done $0x0  }
0x1f7: {  	[sflag:s29] =	ssyncadd.s32 $0xFFFFF800  }
0x1f8: {  	_ =	swait.ge [sflag:s29], $0x800  }
0x1f9: {  	[sflag:s29] =	ssyncset.done $0x0  }
0x1fa: {  	[sflag:s29] =	ssyncadd.s32 $0xFFFFF800  }
0x1fb: {  	_ =	swait.ge [sflag:s29], $0x800  }
0x1fc: {  	[sflag:s29] =	ssyncset.done $0x0  }
0x1fd: {  	[sflag:s29] =	ssyncadd.s32 $0xFFFFF800  }
0x1fe: {  	_ =	swait.ge [sflag:s29], $0x800  }
0x1ff: {  	[sflag:s29] =	ssyncset.done $0x0  }
0x200: {  	[sflag:s29] =	ssyncadd.s32 $0xFFFFF800  }
0x201: {  	_ =	swait.ge [sflag:s29], $0x800  }
0x202: {  	[sflag:s29] =	ssyncset.done $0x0  }
0x203: {  	[sflag:s29] =	ssyncadd.s32 $0xFFFFF800  }
0x204: {  	_ =	swait.ge [sflag:s29], $0x800  }
0x205: {  	[sflag:s29] =	ssyncset.done $0x0  }
0x206: {  	[sflag:s29] =	ssyncadd.s32 $0xFFFFF800  }
0x207: {  	_ =	swait.ge [sflag:s29], $0x800  }
0x208: {  	[sflag:s29] =	ssyncset.done $0x0  }
0x209: {  	[sflag:s29] =	ssyncadd.s32 $0xFFFFF800  }
0x20a: {  	_ =	swait.ge [sflag:s29], $0x800  }
0x20b: {  	[sflag:s29] =	ssyncset.done $0x0  }
0x20c: {  	s12 =	simm.s32 @!p1 $0x1;
	[sflag:s29] =	ssyncadd.s32 $0xFFFFF800  }
0x20d: {  	_ =	swait.ge @!p1 [sflag:s12], $0x800  }
0x20e: {  	[sflag:s12] =	ssyncset.done @!p1 $0x0  }
0x20f: {  	[sflag:s12] =	ssyncadd.s32 @!p1 $0xFFFFF800  }
0x210: {  	s17 =	simm.s32 $0x800;
	_ =	swait.ge @!p1 [sflag:s12], $0x800  }
0x211: {  	v18 =	vmov s17;
	[sflag:s12] =	ssyncset.done @!p1 $0x0  }
0x212: {  	v18 =	vshll.u32 v18, $0x4;
	[sflag:s12] =	ssyncadd.s32 @!p1 $0xFFFFF800  }
0x213: {  	v18 =	vor.u32 v0, v18;
	_ =	swait.ge @!p1 [sflag:s12], $0x800  }
0x214: {  	v19 =	vor.u32 $0x7, v18;
	[sflag:s12] =	ssyncset.done @!p1 $0x0  }
0x215: {  	[sflag:s12] =	ssyncadd.s32 @!p1 $0xFFFFF800  }
0x216: {  	v20 =	vor.u32 $0xA, v18;
	_ =	swait.ge @!p1 [sflag:s12], $0x800  }
0x217: {  	v21 =	vor.u32 $0x3, v18;
	[sflag:s12] =	ssyncset.done @!p1 $0x0  }
0x218: {  	v22 =	vor.u32 $0x6, v18;
	[sflag:s12] =	ssyncadd.s32 @!p1 $0xFFFFF800  }
0x219: {  	v23 =	vor.u32 $0x1, v18;
	v19 =	vld.idx.msk [tilespmem:v19+s1+$0x0], $0xffff  }
0x21a: {  	v24 =	vor.u32 $0x2, v18;
	v25 =	vld.idx.msk [tilespmem:v18+s1+$0x0], $0xffff  }
0x21b: {  	v28 =	vor.u32 $0xF, v18;
	v20 =	vld.idx.msk [tilespmem:v20+s1+$0x0], $0xffff  }
0x21c: {  	v26 =	vor.u32 $0x4, v18;
	v21 =	vld.idx.msk [tilespmem:v21+s1+$0x0], $0xffff  }
0x21d: {  	v22 =	vld.idx.msk [tilespmem:v22+s1+$0x0], $0xffff  }
0x21e: {  	v27 =	vor.u32 $0x8, v18;
	v23 =	vld.idx.msk [tilespmem:v23+s1+$0x0], $0xffff  }
0x21f: {  	v24 =	vld.idx.msk [tilespmem:v24+s1+$0x0], $0xffff  }
0x220: {  	v29 =	vor.u32 $0x9, v18;
	v30 =	vor.u32 $0xE, v18;
	v28 =	vld.idx.msk [tilespmem:v28+s1+$0x0], $0xffff  }
0x221: {  	v31 =	vor.u32 $0x5, v18;
	v32 =	vor.u32 $0xB, v18;
	v33 =	vor.u32 $0xC, v18;
	v26 =	vld.idx.msk [tilespmem:v26+s1+$0x0], $0xffff  }
0x222: {  	v34 =	vor.u32 $0xD, v18;
	v25 =	vmax.f32 v25, $0.0e+00;
	v21 =	vmax.f32 v21, $0.0e+00  }
0x223: {  	v27 =	vld.idx.msk [tilespmem:v27+s1+$0x0], $0xffff;
	v22 =	vmax.f32 v22, $0.0e+00;
	v18 =	vmax.f32 v19, $0.0e+00;
	v23 =	vmax.f32 v23, $0.0e+00  }
0x224: {  	v24 =	vmax.f32 v24, $0.0e+00;
	v20 =	vmax.f32 v20, $0.0e+00;
	v21 =	vmul.f32 v21, v6  }
0x225: {  	v30 =	vld.idx.msk [tilespmem:v30+s1+$0x0], $0xffff;
	v28 =	vmax.f32 v28, $0.0e+00;
	v19 =	vmul.f32 v25, v2;
	v23 =	vmul.f32 v23, v4  }
0x226: {  	v31 =	vld.idx.msk [tilespmem:v31+s1+$0x0], $0xffff;
	v24 =	vmul.f32 v24, v5;
	v25 =	vmax.f32 v26, $0.0e+00;
	v26 =	vmul.f32 v22, v12  }
0x227: {  	v35 =	vld.idx.msk [tilespmem:v29+s1+$0x0], $0xffff;
	v29 =	vadd.f32 v19, v1;
	v19 =	vadd.f32 $0.0e+00, v23;
	v23 =	vmul.f32 v25, v9  }
0x228: {  	v22 =	vmax.f32 v27, $0.0e+00;
	v27 =	vmul.f32 v20, v15;
	v24 =	vadd.f32 $0.0e+00, v24  }
0x229: {  	v25 =	vadd.f32 $0.0e+00, v21;
	v21 =	vmul.f32 v22, v14;
	v22 =	vld.idx.msk [tilespmem:v32+s1+$0x0], $0xffff;
	v20 =	vadd.f32 v23, v29  }
0x22a: {  	v18 =	vmul.f32 v18, v13;
	v63 =	vadd.f32 v26, v24;
	v24 =	vmax.f32 v30, $0.0e+00  }
0x22b: {  	v23 =	vld.idx.msk [tilespmem:v33+s1+$0x0], $0xffff;
	v29 =	vmax.f32 v31, $0.0e+00;
	v26 =	vmul.f32 v24, v16;
	v20 =	vadd.f32 v21, v20  }
0x22c: {  	s17 =	simm.s32 $0xD800;
	s22 =	simm.s32 $0x810;
	s12 =	simm.s32 $0xD800;
	v24 =	vld.idx.msk [tilespmem:v34+s1+$0x0], $0xffff;
	v21 =	vmul.f32 v28, v17;
	v28 =	vmax.f32 v35, $0.0e+00;
	v27 =	vadd.f32 v27, v63  }
.LBB2_13:
0x22d: {  	p2 =	sne.s32 s22, $0xBF0  }
0x22e: {  	v29 =	vmul.f32 v29, v7;
	v18 =	vadd.f32 v18, v25;
	v22 =	vmax.f32 v22, $0.0e+00;
	s17 =	sadd.s32 $0x10, s17;
	s21 =	smov.u32 s22;
	s22 =	sadd.s32 $0x10, s22  }
0x22f: {  	v25 =	vmul.f32 v28, v10;
	v22 =	vmul.f32 v22, v11;
	v26 =	vadd.f32 v26, v27  }
0x230: {  	v23 =	vmax.f32 v23, $0.0e+00;
	v19 =	vadd.f32 v29, v19  }
0x231: {  	v18 =	vadd.f32 v22, v18;
	v22 =	vmul.f32 v23, v8;
	v23 =	vmax.f32 v24, $0.0e+00  }
0x232: {  	v24 =	vmov s21;
	v19 =	vadd.f32 v25, v19;
	v23 =	vmul.f32 v23, v3  }
0x233: {  	v24 =	vshll.u32 v24, $0x4;
	v20 =	vadd.f32 v22, v20;
	v18 =	vadd.f32 v21, v18  }
0x234: {  	v21 =	vor.u32 v0, v24;
	v19 =	vadd.f32 v23, v19  }
0x235: {  	v22 =	vor.u32 $0x1, v21;
	v23 =	vor.u32 $0x2, v21;
	v18 =	vadd.f32 v18, v26  }
0x236: {  	v24 =	vor.u32 $0x4, v21;
	v25 =	vor.u32 $0x7, v21;
	v19 =	vadd.f32 v19, v20  }
0x237: {  	v27 =	vor.u32 $0x8, v21;
	v26 =	vor.u32 $0x6, v21;
	v20 =	vor.u32 $0x3, v21  }
0x238: {  	v28 =	vor.u32 $0x9, v21;
	v29 =	vor.u32 $0xA, v21;
	v18 =	vadd.f32 v18, v19;
	_ =	sdelay $0x1  }
0x239: {  	[tilespmem:s12+$0x0] =	vst v18;
	s12 =	smov.u32 s17  }
0x23a: {  	v18 =	vld.idx.msk [tilespmem:v25+s1+$0x0], $0xffff  }
0x23b: {  	v19 =	vld.idx.msk [tilespmem:v21+s1+$0x0], $0xffff  }
0x23c: {  	v25 =	vld.idx.msk [tilespmem:v29+s1+$0x0], $0xffff  }
0x23d: {  	v20 =	vld.idx.msk [tilespmem:v20+s1+$0x0], $0xffff  }
0x23e: {  	v26 =	vld.idx.msk [tilespmem:v26+s1+$0x0], $0xffff  }
0x23f: {  	v29 =	vor.u32 $0xF, v21;
	v22 =	vld.idx.msk [tilespmem:v22+s1+$0x0], $0xffff  }
0x240: {  	v30 =	vor.u32 $0xE, v21;
	v23 =	vld.idx.msk [tilespmem:v23+s1+$0x0], $0xffff  }
0x241: {  	v31 =	vor.u32 $0x5, v21;
	v19 =	vmax.f32 v19, $0.0e+00;
	v24 =	vld.idx.msk [tilespmem:v24+s1+$0x0], $0xffff  }
0x242: {  	v32 =	vor.u32 $0xB, v21;
	v28 =	vld.idx.msk [tilespmem:v28+s1+$0x0], $0xffff  }
0x243: {  	v33 =	vor.u32 $0xC, v21;
	v21 =	vor.u32 $0xD, v21;
	v20 =	vmax.f32 v20, $0.0e+00;
	v27 =	vld.idx.msk [tilespmem:v27+s1+$0x0], $0xffff  }
0x244: {  	v18 =	vmax.f32 v18, $0.0e+00;
	v20 =	vmul.f32 v20, v6;
	v26 =	vmax.f32 v26, $0.0e+00;
	v29 =	vld.idx.msk [tilespmem:v29+s1+$0x0], $0xffff  }
0x245: {  	v18 =	vmul.f32 v18, v13;
	v19 =	vmul.f32 v19, v2;
	v22 =	vmax.f32 v22, $0.0e+00;
	v30 =	vld.idx.msk [tilespmem:v30+s1+$0x0], $0xffff  }
0x246: {  	v34 =	vmul.f32 v22, v4;
	v22 =	vmax.f32 v23, $0.0e+00;
	v23 =	vmax.f32 v25, $0.0e+00;
	v31 =	vld.idx.msk [tilespmem:v31+s1+$0x0], $0xffff  }
0x247: {  	v35 =	vadd.f32 v19, v1;
	v25 =	vmul.f32 v22, v5;
	v24 =	vmax.f32 v24, $0.0e+00;
	v22 =	vld.idx.msk [tilespmem:v32+s1+$0x0], $0xffff  }
0x248: {  	v26 =	vmul.f32 v26, v12;
	v19 =	vadd.f32 $0.0e+00, v34;
	v24 =	vmul.f32 v24, v9  }
.Ltmp11:
0x249: {  	v34 =	vmul.f32 v23, v15;
	v32 =	vadd.f32 $0.0e+00, v25;
	v27 =	vmax.f32 v27, $0.0e+00;
	(pc) =	sbr.rel @p2 .LBB2_13-.Ltmp11, $4  }
0x24a: {  	v25 =	vadd.f32 $0.0e+00, v20;
	v20 =	vadd.f32 v24, v35;
	v27 =	vmul.f32 v27, v14;
	v23 =	vld.idx.msk [tilespmem:v33+s1+$0x0], $0xffff  }
0x24b: {  	v29 =	vmax.f32 v29, $0.0e+00;
	v32 =	vadd.f32 v26, v32;
	v24 =	vld.idx.msk [tilespmem:v21+s1+$0x0], $0xffff;
	v21 =	vmax.f32 v30, $0.0e+00  }
0x24c: {  	v20 =	vadd.f32 v27, v20;
	v26 =	vmul.f32 v21, v16;
	v21 =	vmul.f32 v29, v17  }
0x24d: {  	v28 =	vmax.f32 v28, $0.0e+00;
	v29 =	vmax.f32 v31, $0.0e+00;
	v27 =	vadd.f32 v34, v32  }
0x24e: {  	v29 =	vmul.f32 v29, v7  }
0x24f: {  	v18 =	vadd.f32 v18, v25;
	v22 =	vmax.f32 v22, $0.0e+00;
	v61 =	vmul.f32 v28, v10  }
0x250: {  	v22 =	vmul.f32 v22, v11;
	v23 =	vmax.f32 v23, $0.0e+00;
	v19 =	vadd.f32 v29, v19  }
0x251: {  	v23 =	vmul.f32 v23, v8;
	v24 =	vmax.f32 v24, $0.0e+00  }
0x252: {  	v18 =	vadd.f32 v22, v18;
	v62 =	vmul.f32 v24, v3;
	v19 =	vadd.f32 v61, v19  }
0x253: {  	v63 =	vadd.f32 v26, v27;
	v20 =	vadd.f32 v23, v20  }
0x254: {  	v18 =	vadd.f32 v21, v18;
	v19 =	vadd.f32 v62, v19;
	_ =	sdelay $0x1  }
0x255: {  	v18 =	vadd.f32 v18, v63;
	v19 =	vadd.f32 v19, v20;
	_ =	sdelay $0x1  }
0x256: {  	v18 =	vadd.f32 v18, v19;
	_ =	sdelay $0x1  }
.Ltmp12:
0x257: {  	s17 =	rddreg [dreg:$0xf];
	[tilespmem:s12+$0x0] =	vst v18;
	s12 =	simm.s32 $0xD800;
	(pc) =	sbr.rel @p1 .LBB2_18-.Ltmp12, $4  }
0x258: {  	[hbm4b:s17+s5] =	stream.linear.scatter [tilespmem:s12], [sflag:$0x2], $0x400, $0x38;
	[tilespmem:$0x12B30] =	vst v63  }
0x259: {  	_ =	swait.ge [sflag:s30], $0x400  }
0x25a: {  	[sflag:s30] =	ssyncset.done $0x0  }
0x25b: {  	s17 =	simm.s32 $0x800;
	[sflag:s30] =	ssyncadd.s32 $0xFFFFFC00  }
0x25c: {  	v18 =	vmov s17  }
0x25d: {  	v18 =	vshll.u32 v18, $0x4  }
0x25e: {  	v18 =	vor.u32 v0, v18  }
0x25f: {  	v19 =	vor.u32 $0x7, v18  }
0x260: {  	v20 =	vor.u32 $0xA, v18  }
0x261: {  	v21 =	vor.u32 $0x3, v18  }
0x262: {  	v22 =	vor.u32 $0x6, v18  }
0x263: {  	v23 =	vor.u32 $0x1, v18;
	v25 =	vld.idx.msk [tilespmem:v18+s1+$0x0], $0xffff  }
0x264: {  	v24 =	vor.u32 $0x2, v18;
	v19 =	vld.idx.msk [tilespmem:v19+s1+$0x0], $0xffff  }
0x265: {  	v26 =	vor.u32 $0x4, v18;
	v20 =	vld.idx.msk [tilespmem:v20+s1+$0x0], $0xffff  }
0x266: {  	v28 =	vor.u32 $0xF, v18;
	v21 =	vld.idx.msk [tilespmem:v21+s1+$0x0], $0xffff  }
0x267: {  	v22 =	vld.idx.msk [tilespmem:v22+s1+$0x0], $0xffff  }
0x268: {  	v27 =	vor.u32 $0x8, v18;
	v23 =	vld.idx.msk [tilespmem:v23+s1+$0x0], $0xffff  }
0x269: {  	v24 =	vld.idx.msk [tilespmem:v24+s1+$0x0], $0xffff  }
0x26a: {  	v29 =	vor.u32 $0x9, v18;
	v30 =	vor.u32 $0xE, v18;
	v26 =	vld.idx.msk [tilespmem:v26+s1+$0x0], $0xffff  }
0x26b: {  	v31 =	vor.u32 $0x5, v18;
	v32 =	vor.u32 $0xB, v18;
	v33 =	vor.u32 $0xC, v18;
	v28 =	vld.idx.msk [tilespmem:v28+s1+$0x0], $0xffff  }
0x26c: {  	v34 =	vor.u32 $0xD, v18;
	v25 =	vmax.f32 v25, $0.0e+00;
	v21 =	vmax.f32 v21, $0.0e+00  }
0x26d: {  	v27 =	vld.idx.msk [tilespmem:v27+s1+$0x0], $0xffff;
	v22 =	vmax.f32 v22, $0.0e+00;
	v18 =	vmax.f32 v19, $0.0e+00;
	v19 =	vmul.f32 v25, v2  }
0x26e: {  	v23 =	vmax.f32 v23, $0.0e+00;
	v24 =	vmax.f32 v24, $0.0e+00;
	v20 =	vmax.f32 v20, $0.0e+00  }
0x26f: {  	v30 =	vld.idx.msk [tilespmem:v30+s1+$0x0], $0xffff;
	v25 =	vmax.f32 v26, $0.0e+00;
	v21 =	vmul.f32 v21, v6;
	v23 =	vmul.f32 v23, v4  }
0x270: {  	v31 =	vld.idx.msk [tilespmem:v31+s1+$0x0], $0xffff;
	v28 =	vmax.f32 v28, $0.0e+00;
	v24 =	vmul.f32 v24, v5;
	v26 =	vmul.f32 v22, v12  }
0x271: {  	v35 =	vld.idx.msk [tilespmem:v29+s1+$0x0], $0xffff;
	v29 =	vadd.f32 v19, v1;
	v19 =	vadd.f32 $0.0e+00, v23;
	v23 =	vmul.f32 v25, v9  }
0x272: {  	v22 =	vmax.f32 v27, $0.0e+00;
	v27 =	vmul.f32 v20, v15;
	v24 =	vadd.f32 $0.0e+00, v24  }
0x273: {  	v25 =	vadd.f32 $0.0e+00, v21;
	v21 =	vmul.f32 v22, v14;
	v22 =	vld.idx.msk [tilespmem:v32+s1+$0x0], $0xffff;
	v20 =	vadd.f32 v23, v29  }
0x274: {  	v18 =	vmul.f32 v18, v13;
	v63 =	vadd.f32 v26, v24;
	v24 =	vmax.f32 v30, $0.0e+00  }
0x275: {  	v23 =	vld.idx.msk [tilespmem:v33+s1+$0x0], $0xffff;
	v29 =	vmax.f32 v31, $0.0e+00;
	v26 =	vmul.f32 v24, v16;
	v20 =	vadd.f32 v21, v20  }
0x276: {  	s22 =	simm.s32 $0x810;
	s17 =	simm.s32 $0xD800;
	v24 =	vld.idx.msk [tilespmem:v34+s1+$0x0], $0xffff;
	v21 =	vmul.f32 v28, v17;
	v28 =	vmax.f32 v35, $0.0e+00;
	v27 =	vadd.f32 v27, v63  }
.LBB2_16:
0x277: {  	p2 =	sne.s32 s22, $0x9F0  }
0x278: {  	v29 =	vmul.f32 v29, v7;
	v18 =	vadd.f32 v18, v25;
	v22 =	vmax.f32 v22, $0.0e+00;
	s12 =	sadd.s32 $0x10, s12;
	s21 =	smov.u32 s22;
	s22 =	sadd.s32 $0x10, s22  }
0x279: {  	v25 =	vmul.f32 v28, v10;
	v22 =	vmul.f32 v22, v11;
	v26 =	vadd.f32 v26, v27  }
0x27a: {  	v23 =	vmax.f32 v23, $0.0e+00;
	v19 =	vadd.f32 v29, v19  }
0x27b: {  	v18 =	vadd.f32 v22, v18;
	v22 =	vmul.f32 v23, v8;
	v23 =	vmax.f32 v24, $0.0e+00  }
0x27c: {  	v24 =	vmov s21;
	v19 =	vadd.f32 v25, v19;
	v23 =	vmul.f32 v23, v3  }
0x27d: {  	v24 =	vshll.u32 v24, $0x4;
	v20 =	vadd.f32 v22, v20;
	v18 =	vadd.f32 v21, v18  }
0x27e: {  	v21 =	vor.u32 v0, v24;
	v19 =	vadd.f32 v23, v19  }
0x27f: {  	v22 =	vor.u32 $0x1, v21;
	v23 =	vor.u32 $0x2, v21;
	v18 =	vadd.f32 v18, v26  }
0x280: {  	v24 =	vor.u32 $0x4, v21;
	v25 =	vor.u32 $0x7, v21;
	v19 =	vadd.f32 v19, v20  }
0x281: {  	v27 =	vor.u32 $0x8, v21;
	v26 =	vor.u32 $0x6, v21;
	v20 =	vor.u32 $0x3, v21  }
0x282: {  	v28 =	vor.u32 $0x9, v21;
	v29 =	vor.u32 $0xA, v21;
	v18 =	vadd.f32 v18, v19;
	_ =	sdelay $0x1  }
0x283: {  	[tilespmem:s17+$0x0] =	vst v18;
	s17 =	smov.u32 s12  }
0x284: {  	v18 =	vld.idx.msk [tilespmem:v25+s1+$0x0], $0xffff  }
0x285: {  	v19 =	vld.idx.msk [tilespmem:v21+s1+$0x0], $0xffff  }
0x286: {  	v25 =	vld.idx.msk [tilespmem:v29+s1+$0x0], $0xffff  }
0x287: {  	v20 =	vld.idx.msk [tilespmem:v20+s1+$0x0], $0xffff  }
0x288: {  	v26 =	vld.idx.msk [tilespmem:v26+s1+$0x0], $0xffff  }
0x289: {  	v29 =	vor.u32 $0xF, v21;
	v22 =	vld.idx.msk [tilespmem:v22+s1+$0x0], $0xffff  }
0x28a: {  	v30 =	vor.u32 $0xE, v21;
	v23 =	vld.idx.msk [tilespmem:v23+s1+$0x0], $0xffff  }
0x28b: {  	v31 =	vor.u32 $0x5, v21;
	v19 =	vmax.f32 v19, $0.0e+00;
	v24 =	vld.idx.msk [tilespmem:v24+s1+$0x0], $0xffff  }
0x28c: {  	v32 =	vor.u32 $0xB, v21;
	v28 =	vld.idx.msk [tilespmem:v28+s1+$0x0], $0xffff  }
0x28d: {  	v33 =	vor.u32 $0xC, v21;
	v21 =	vor.u32 $0xD, v21;
	v20 =	vmax.f32 v20, $0.0e+00;
	v27 =	vld.idx.msk [tilespmem:v27+s1+$0x0], $0xffff  }
0x28e: {  	v18 =	vmax.f32 v18, $0.0e+00;
	v20 =	vmul.f32 v20, v6;
	v26 =	vmax.f32 v26, $0.0e+00;
	v29 =	vld.idx.msk [tilespmem:v29+s1+$0x0], $0xffff  }
0x28f: {  	v18 =	vmul.f32 v18, v13;
	v19 =	vmul.f32 v19, v2;
	v22 =	vmax.f32 v22, $0.0e+00;
	v30 =	vld.idx.msk [tilespmem:v30+s1+$0x0], $0xffff  }
0x290: {  	v34 =	vmul.f32 v22, v4;
	v22 =	vmax.f32 v23, $0.0e+00;
	v23 =	vmax.f32 v25, $0.0e+00;
	v31 =	vld.idx.msk [tilespmem:v31+s1+$0x0], $0xffff  }
0x291: {  	v35 =	vadd.f32 v19, v1;
	v25 =	vmul.f32 v22, v5;
	v24 =	vmax.f32 v24, $0.0e+00;
	v22 =	vld.idx.msk [tilespmem:v32+s1+$0x0], $0xffff  }
0x292: {  	v26 =	vmul.f32 v26, v12;
	v19 =	vadd.f32 $0.0e+00, v34;
	v24 =	vmul.f32 v24, v9  }
.Ltmp13:
0x293: {  	v34 =	vmul.f32 v23, v15;
	v32 =	vadd.f32 $0.0e+00, v25;
	v27 =	vmax.f32 v27, $0.0e+00;
	(pc) =	sbr.rel @p2 .LBB2_16-.Ltmp13, $4  }
0x294: {  	v25 =	vadd.f32 $0.0e+00, v20;
	v20 =	vadd.f32 v24, v35;
	v27 =	vmul.f32 v27, v14;
	v23 =	vld.idx.msk [tilespmem:v33+s1+$0x0], $0xffff  }
0x295: {  	v29 =	vmax.f32 v29, $0.0e+00;
	v32 =	vadd.f32 v26, v32;
	v24 =	vld.idx.msk [tilespmem:v21+s1+$0x0], $0xffff;
	v21 =	vmax.f32 v30, $0.0e+00  }
0x296: {  	v20 =	vadd.f32 v27, v20;
	v26 =	vmul.f32 v21, v16;
	v21 =	vmul.f32 v29, v17  }
0x297: {  	v28 =	vmax.f32 v28, $0.0e+00;
	v29 =	vmax.f32 v31, $0.0e+00;
	v27 =	vadd.f32 v34, v32  }
0x298: {  	v29 =	vmul.f32 v29, v7  }
0x299: {  	v18 =	vadd.f32 v18, v25;
	v22 =	vmax.f32 v22, $0.0e+00;
	v61 =	vmul.f32 v28, v10  }
0x29a: {  	v22 =	vmul.f32 v22, v11;
	v23 =	vmax.f32 v23, $0.0e+00;
	v19 =	vadd.f32 v29, v19  }
0x29b: {  	v23 =	vmul.f32 v23, v8;
	v24 =	vmax.f32 v24, $0.0e+00  }
0x29c: {  	v18 =	vadd.f32 v22, v18;
	v62 =	vmul.f32 v24, v3;
	v19 =	vadd.f32 v61, v19  }
0x29d: {  	v63 =	vadd.f32 v26, v27;
	v20 =	vadd.f32 v23, v20  }
0x29e: {  	v18 =	vadd.f32 v21, v18;
	v19 =	vadd.f32 v62, v19;
	_ =	sdelay $0x1  }
0x29f: {  	v18 =	vadd.f32 v18, v63;
	v19 =	vadd.f32 v19, v20;
	_ =	sdelay $0x1  }
0x2a0: {  	v18 =	vadd.f32 v18, v19;
	_ =	sdelay $0x1  }
0x2a1: {  	[tilespmem:s17+$0x0] =	vst v18  }
0x2a2: {  	[hbm4b:s20+s5] =	stream.linear.scatter [tilespmem:s14], [sflag:$0x2], $0x200, $0x38;
	[tilespmem:$0x12B30] =	vst v63  }
0x2a3: {  	_ =	swait.ge [sflag:s30], $0x200  }
0x2a4: {  	[sflag:s30] =	ssyncset.done $0x0  }
0x2a5: {  	[sflag:s30] =	ssyncadd.s32 $0xFFFFFE00  }
.LBB2_18:
0x2a6: {  	_ =	swait.ge [sflag:s29], $0x800  }
0x2a7: {  	[sflag:s29] =	ssyncset.done $0x0  }
0x2a8: {  	[sflag:s29] =	ssyncadd.s32 $0xFFFFF800  }
0x2a9: {  	_ =	swait.ge [sflag:s29], $0x800  }
0x2aa: {  	[sflag:s29] =	ssyncset.done $0x0  }
0x2ab: {  	[sflag:s29] =	ssyncadd.s32 $0xFFFFF800  }
0x2ac: {  	_ =	swait.ge [sflag:s29], $0x800  }
0x2ad: {  	[sflag:s29] =	ssyncset.done $0x0  }
0x2ae: {  	[sflag:s29] =	ssyncadd.s32 $0xFFFFF800  }
0x2af: {  	_ =	swait.ge [sflag:s29], $0x800  }
0x2b0: {  	[sflag:s29] =	ssyncset.done $0x0  }
0x2b1: {  	[sflag:s29] =	ssyncadd.s32 $0xFFFFF800  }
0x2b2: {  	_ =	swait.ge [sflag:s29], $0x800  }
0x2b3: {  	[sflag:s29] =	ssyncset.done $0x0  }
0x2b4: {  	[sflag:s29] =	ssyncadd.s32 $0xFFFFF800  }
0x2b5: {  	s12 =	simm.s32 $0x0;
	_ =	swait.ge [sflag:s29], $0x800  }
0x2b6: {  	v18 =	vmov s12;
	[sflag:s29] =	ssyncset.done $0x0  }
0x2b7: {  	v18 =	vshll.u32 v18, $0x4;
	[sflag:s29] =	ssyncadd.s32 $0xFFFFF800  }
0x2b8: {  	v18 =	vor.u32 v0, v18;
	_ =	swait.ge [sflag:s29], $0x800  }
0x2b9: {  	v19 =	vor.u32 $0x7, v18;
	[sflag:s29] =	ssyncset.done $0x0  }
0x2ba: {  	[sflag:s29] =	ssyncadd.s32 $0xFFFFF800  }
0x2bb: {  	v20 =	vor.u32 $0xA, v18;
	_ =	swait.ge [sflag:s29], $0x800  }
0x2bc: {  	v21 =	vor.u32 $0x3, v18;
	[sflag:s29] =	ssyncset.done $0x0  }
0x2bd: {  	v22 =	vor.u32 $0x6, v18;
	[sflag:s29] =	ssyncadd.s32 $0xFFFFF800  }
0x2be: {  	v23 =	vor.u32 $0x1, v18;
	v19 =	vld.idx.msk [tilespmem:v19+s1+$0x0], $0xffff  }
0x2bf: {  	v24 =	vor.u32 $0x2, v18;
	v25 =	vld.idx.msk [tilespmem:v18+s1+$0x0], $0xffff  }
0x2c0: {  	v28 =	vor.u32 $0xF, v18;
	v20 =	vld.idx.msk [tilespmem:v20+s1+$0x0], $0xffff  }
0x2c1: {  	v26 =	vor.u32 $0x4, v18;
	v21 =	vld.idx.msk [tilespmem:v21+s1+$0x0], $0xffff  }
0x2c2: {  	v22 =	vld.idx.msk [tilespmem:v22+s1+$0x0], $0xffff  }
0x2c3: {  	v27 =	vor.u32 $0x8, v18;
	v23 =	vld.idx.msk [tilespmem:v23+s1+$0x0], $0xffff  }
0x2c4: {  	v24 =	vld.idx.msk [tilespmem:v24+s1+$0x0], $0xffff  }
0x2c5: {  	v29 =	vor.u32 $0x9, v18;
	v30 =	vor.u32 $0xE, v18;
	v28 =	vld.idx.msk [tilespmem:v28+s1+$0x0], $0xffff  }
0x2c6: {  	v31 =	vor.u32 $0x5, v18;
	v32 =	vor.u32 $0xB, v18;
	v33 =	vor.u32 $0xC, v18;
	v26 =	vld.idx.msk [tilespmem:v26+s1+$0x0], $0xffff  }
0x2c7: {  	v34 =	vor.u32 $0xD, v18;
	v25 =	vmax.f32 v25, $0.0e+00;
	v21 =	vmax.f32 v21, $0.0e+00  }
0x2c8: {  	v27 =	vld.idx.msk [tilespmem:v27+s1+$0x0], $0xffff;
	v22 =	vmax.f32 v22, $0.0e+00;
	v18 =	vmax.f32 v19, $0.0e+00;
	v23 =	vmax.f32 v23, $0.0e+00  }
0x2c9: {  	v24 =	vmax.f32 v24, $0.0e+00;
	v20 =	vmax.f32 v20, $0.0e+00;
	v21 =	vmul.f32 v21, v6  }
0x2ca: {  	v30 =	vld.idx.msk [tilespmem:v30+s1+$0x0], $0xffff;
	v28 =	vmax.f32 v28, $0.0e+00;
	v19 =	vmul.f32 v25, v2;
	v23 =	vmul.f32 v23, v4  }
0x2cb: {  	v31 =	vld.idx.msk [tilespmem:v31+s1+$0x0], $0xffff;
	v24 =	vmul.f32 v24, v5;
	v25 =	vmax.f32 v26, $0.0e+00;
	v26 =	vmul.f32 v22, v12  }
0x2cc: {  	v35 =	vld.idx.msk [tilespmem:v29+s1+$0x0], $0xffff;
	v29 =	vadd.f32 v19, v1;
	v19 =	vadd.f32 $0.0e+00, v23;
	v23 =	vmul.f32 v25, v9  }
0x2cd: {  	v22 =	vmax.f32 v27, $0.0e+00;
	v27 =	vmul.f32 v20, v15;
	v24 =	vadd.f32 $0.0e+00, v24  }
0x2ce: {  	v25 =	vadd.f32 $0.0e+00, v21;
	v21 =	vmul.f32 v22, v14;
	v22 =	vld.idx.msk [tilespmem:v32+s1+$0x0], $0xffff;
	v20 =	vadd.f32 v23, v29  }
0x2cf: {  	v18 =	vmul.f32 v18, v13;
	v63 =	vadd.f32 v26, v24;
	v24 =	vmax.f32 v30, $0.0e+00  }
0x2d0: {  	v23 =	vld.idx.msk [tilespmem:v33+s1+$0x0], $0xffff;
	v29 =	vmax.f32 v31, $0.0e+00;
	v26 =	vmul.f32 v24, v16;
	v20 =	vadd.f32 v21, v20  }
0x2d1: {  	s17 =	simm.s32 $0xD800;
	s22 =	simm.s32 $0x10;
	s12 =	simm.s32 $0xD800;
	v24 =	vld.idx.msk [tilespmem:v34+s1+$0x0], $0xffff;
	v21 =	vmul.f32 v28, v17;
	v28 =	vmax.f32 v35, $0.0e+00;
	v27 =	vadd.f32 v27, v63  }
.LBB2_19:
0x2d2: {  	p2 =	sne.s32 s22, $0x3F0  }
0x2d3: {  	v29 =	vmul.f32 v29, v7;
	v18 =	vadd.f32 v18, v25;
	v22 =	vmax.f32 v22, $0.0e+00;
	s17 =	sadd.s32 $0x10, s17;
	s21 =	smov.u32 s22;
	s22 =	sadd.s32 $0x10, s22  }
0x2d4: {  	v25 =	vmul.f32 v28, v10;
	v22 =	vmul.f32 v22, v11;
	v26 =	vadd.f32 v26, v27  }
0x2d5: {  	v23 =	vmax.f32 v23, $0.0e+00;
	v19 =	vadd.f32 v29, v19  }
0x2d6: {  	v18 =	vadd.f32 v22, v18;
	v22 =	vmul.f32 v23, v8;
	v23 =	vmax.f32 v24, $0.0e+00  }
0x2d7: {  	v24 =	vmov s21;
	v19 =	vadd.f32 v25, v19;
	v23 =	vmul.f32 v23, v3  }
0x2d8: {  	v24 =	vshll.u32 v24, $0x4;
	v20 =	vadd.f32 v22, v20;
	v18 =	vadd.f32 v21, v18  }
0x2d9: {  	v21 =	vor.u32 v0, v24;
	v19 =	vadd.f32 v23, v19  }
0x2da: {  	v22 =	vor.u32 $0x1, v21;
	v23 =	vor.u32 $0x2, v21;
	v18 =	vadd.f32 v18, v26  }
0x2db: {  	v24 =	vor.u32 $0x4, v21;
	v25 =	vor.u32 $0x7, v21;
	v19 =	vadd.f32 v19, v20  }
0x2dc: {  	v27 =	vor.u32 $0x8, v21;
	v26 =	vor.u32 $0x6, v21;
	v20 =	vor.u32 $0x3, v21  }
0x2dd: {  	v28 =	vor.u32 $0x9, v21;
	v29 =	vor.u32 $0xA, v21;
	v18 =	vadd.f32 v18, v19;
	_ =	sdelay $0x1  }
0x2de: {  	[tilespmem:s12+$0x0] =	vst v18;
	s12 =	smov.u32 s17  }
0x2df: {  	v18 =	vld.idx.msk [tilespmem:v25+s1+$0x0], $0xffff  }
0x2e0: {  	v19 =	vld.idx.msk [tilespmem:v21+s1+$0x0], $0xffff  }
0x2e1: {  	v25 =	vld.idx.msk [tilespmem:v29+s1+$0x0], $0xffff  }
0x2e2: {  	v20 =	vld.idx.msk [tilespmem:v20+s1+$0x0], $0xffff  }
0x2e3: {  	v26 =	vld.idx.msk [tilespmem:v26+s1+$0x0], $0xffff  }
0x2e4: {  	v29 =	vor.u32 $0xF, v21;
	v22 =	vld.idx.msk [tilespmem:v22+s1+$0x0], $0xffff  }
0x2e5: {  	v30 =	vor.u32 $0xE, v21;
	v23 =	vld.idx.msk [tilespmem:v23+s1+$0x0], $0xffff  }
0x2e6: {  	v31 =	vor.u32 $0x5, v21;
	v19 =	vmax.f32 v19, $0.0e+00;
	v24 =	vld.idx.msk [tilespmem:v24+s1+$0x0], $0xffff  }
0x2e7: {  	v32 =	vor.u32 $0xB, v21;
	v28 =	vld.idx.msk [tilespmem:v28+s1+$0x0], $0xffff  }
0x2e8: {  	v33 =	vor.u32 $0xC, v21;
	v21 =	vor.u32 $0xD, v21;
	v20 =	vmax.f32 v20, $0.0e+00;
	v27 =	vld.idx.msk [tilespmem:v27+s1+$0x0], $0xffff  }
0x2e9: {  	v18 =	vmax.f32 v18, $0.0e+00;
	v20 =	vmul.f32 v20, v6;
	v26 =	vmax.f32 v26, $0.0e+00;
	v29 =	vld.idx.msk [tilespmem:v29+s1+$0x0], $0xffff  }
0x2ea: {  	v18 =	vmul.f32 v18, v13;
	v19 =	vmul.f32 v19, v2;
	v22 =	vmax.f32 v22, $0.0e+00;
	v30 =	vld.idx.msk [tilespmem:v30+s1+$0x0], $0xffff  }
0x2eb: {  	v34 =	vmul.f32 v22, v4;
	v22 =	vmax.f32 v23, $0.0e+00;
	v23 =	vmax.f32 v25, $0.0e+00;
	v31 =	vld.idx.msk [tilespmem:v31+s1+$0x0], $0xffff  }
0x2ec: {  	v35 =	vadd.f32 v19, v1;
	v25 =	vmul.f32 v22, v5;
	v24 =	vmax.f32 v24, $0.0e+00;
	v22 =	vld.idx.msk [tilespmem:v32+s1+$0x0], $0xffff  }
0x2ed: {  	v26 =	vmul.f32 v26, v12;
	v19 =	vadd.f32 $0.0e+00, v34;
	v24 =	vmul.f32 v24, v9  }
.Ltmp14:
0x2ee: {  	v34 =	vmul.f32 v23, v15;
	v32 =	vadd.f32 $0.0e+00, v25;
	v27 =	vmax.f32 v27, $0.0e+00;
	(pc) =	sbr.rel @p2 .LBB2_19-.Ltmp14, $4  }
0x2ef: {  	v25 =	vadd.f32 $0.0e+00, v20;
	v20 =	vadd.f32 v24, v35;
	v27 =	vmul.f32 v27, v14;
	v23 =	vld.idx.msk [tilespmem:v33+s1+$0x0], $0xffff  }
0x2f0: {  	v29 =	vmax.f32 v29, $0.0e+00;
	v32 =	vadd.f32 v26, v32;
	v24 =	vld.idx.msk [tilespmem:v21+s1+$0x0], $0xffff;
	v21 =	vmax.f32 v30, $0.0e+00  }
0x2f1: {  	v20 =	vadd.f32 v27, v20;
	v26 =	vmul.f32 v21, v16;
	v21 =	vmul.f32 v29, v17  }
0x2f2: {  	v28 =	vmax.f32 v28, $0.0e+00;
	v29 =	vmax.f32 v31, $0.0e+00;
	v27 =	vadd.f32 v34, v32  }
0x2f3: {  	v1 =	vmul.f32 v29, v7  }
0x2f4: {  	v2 =	vadd.f32 v18, v25;
	v4 =	vmax.f32 v22, $0.0e+00;
	v5 =	vmul.f32 v28, v10  }
0x2f5: {  	v4 =	vmul.f32 v4, v11;
	v6 =	vmax.f32 v23, $0.0e+00;
	v1 =	vadd.f32 v1, v19  }
0x2f6: {  	v6 =	vmul.f32 v6, v8;
	v61 =	vmax.f32 v24, $0.0e+00  }
0x2f7: {  	v2 =	vadd.f32 v4, v2;
	v3 =	vmul.f32 v61, v3;
	v1 =	vadd.f32 v5, v1  }
0x2f8: {  	v62 =	vadd.f32 v26, v27;
	v63 =	vadd.f32 v6, v20  }
0x2f9: {  	v2 =	vadd.f32 v21, v2;
	v1 =	vadd.f32 v3, v1;
	_ =	sdelay $0x1  }
0x2fa: {  	v2 =	vadd.f32 v2, v62;
	v1 =	vadd.f32 v1, v63;
	_ =	sdelay $0x1  }
0x2fb: {  	v1 =	vadd.f32 v2, v1;
	_ =	sdelay $0x1  }
.Ltmp15:
0x2fc: {  	s31 =	rddreg [dreg:$0xd];
	[tilespmem:s12+$0x0] =	vst v1;
	(pc) =	sbr.rel .LBB2_21-.Ltmp15, $4  }
0x2fd: {  	[hbm4b:s31+s5] =	stream.linear.scatter [tilespmem:s14], [sflag:$0x2], $0x400, $0x38;
	[tilespmem:$0x12B30] =	vst v63  }
0x2fe: {  	_ =	swait.ge [sflag:s30], $0x400  }
0x2ff: {  	[sflag:s30] =	ssyncset.done $0x0  }
0x300: {  	[sflag:s30] =	ssyncadd.s32 $0xFFFFFC00  }
.LBB2_22:
0x301: {  	_ =	sfence.sel $0x180000  }
0x302: {  	[bflag:$0x0] =	sbarrier.arrive $0xFFFF  }
0x303: {  	_ =	strace $0x90000047  }
0x304: {  	s0 =	stileid.u32;
	[bflag:$0x2] =	sbarrier.arrive $0xFFFF  }
0x305: {  	p0 =	sne.s32 s0, $0x0;
	s0 =	rddreg [dreg:$0x4]  }
0x306: {  	s0 =	sadd.s32 @!p0 $0x100000, s0  }
0x307: {  	[sflag:s0] =	ssyncadd.tile.s32 @!p0 $0x1;
	_ =	shalt  }
.Lfunc_end2:
_tile_overlayer_lowered:
.L_overlay_start_2:
0x308: {  	(tag) =	ssettag $0x2  }
0x309: {  	s0 =	rddreg [dreg:$0x0];
	s2 =	stileid.u32  }
0x30a: {  	s1 =	rddreg [dreg:$0x1];
	p0 =	sne.s32 s2, $0x0  }
0x30b: {  	s3 =	rddreg [dreg:$0x2];
	[bflag:$0x3] =	sbarrier.arrive $0xFFFF;
	s2 =	simm.s32 @!p0 $0x1C02  }
0x30c: {  	[timem:s3], [sflag:s2] =	dma.local @!p0 [hbm:s0], s1  }
0x30d: {  	s0 =	simm.s32 @!p0 $0x2  }
0x30e: {  	_ =	swait.ge @!p0 [sflag:s0], s1  }
0x30f: {  	s1 =	ssub.s32 @!p0 $0x0, s1;
	[sflag:s0] =	ssyncset.done @!p0 $0x0  }
0x310: {  	[sflag:s0] =	ssyncadd.s32 @!p0 s1  }
0x311: {  	[bflag:$0x3] =	sbarrier.arrive $0xFFFF  }
0x312: {  	_ =	shalt  }

</sc_bundles>
